<compile_context>
chip_gen: v7x
topology: tpu7x:2x2x1
jax: 0.10.2.dev20260603
libtpu: 0.0.44.dev20260713+nightly
codegen_flags: <defaults>
</compile_context>

<pallas_src>
import functools

import jax
import jax.numpy as jnp
from jax import lax
from jax.experimental import pallas as pl
from jax.experimental.pallas import tpu as pltpu
from jax.experimental.pallas import tpu_sc as plsc

H = 96
W = 96
D = 32
HPAD = 128
WP = 108
DROW = 64
NVOX = H * W * D
NSUB = 16
ROWSTAGE = W * D
NGROUP = ROWSTAGE // 256
SLABW = 8 * WP * DROW
OUTN = HPAD * WP * DROW


def _sum16(v):
  s = v[0]
  for k in range(1, 16):
    s = s + v[k]
  return s


def _sum9(v):
  s = v[0]
  for k in range(1, 9):
    s = s + v[k]
  return s


def _sc_body(locs_h, xos_h, yos_h, zos_h, ints_h, par_h, out_h,
             vol, lbuf, xbuf, ybuf, zbuf, ibuf, pbuf):
  c = lax.axis_index("c")
  s = lax.axis_index("s")
  ii = lax.iota(jnp.int32, 16)
  fi = ii.astype(jnp.float32)
  z16f = jnp.zeros((16,), jnp.float32)
  mask9 = jnp.where(ii < 9, 1.0, 0.0)
  gf = (fi - 4.0) * mask9

  pltpu.sync_copy(par_h, pbuf)
  pvec = pbuf[...]
  pinv_s = pvec[0]
  amp_s = pvec[1]

  def _zv(j, _):
    vol[pl.ds(j * 16, 16)] = z16f
    return 0
  lax.fori_loop(0, SLABW // 16, _zv, 0)

  hp0 = 8 * s

  def _hrow(j, _):
    h = hp0 - 10 + j

    @pl.when(jnp.logical_and(h >= 0, h < H))
    def _():
      off = h * ROWSTAGE
      pltpu.sync_copy(locs_h.at[c, pl.ds(off, ROWSTAGE)], lbuf)
      pltpu.sync_copy(xos_h.at[c, pl.ds(off, ROWSTAGE)], xbuf)
      pltpu.sync_copy(yos_h.at[c, pl.ds(off, ROWSTAGE)], ybuf)
      pltpu.sync_copy(zos_h.at[c, pl.ds(off, ROWSTAGE)], zbuf)
      pltpu.sync_copy(ints_h.at[c, pl.ds(off, ROWSTAGE)], ibuf)

      def _group(g, _):
        gbase = g * 256
        acc = lbuf[pl.ds(gbase, 16)]
        for t in range(1, 16):
          acc = acc + lbuf[pl.ds(gbase + t * 16, 16)]
        gsum = _sum16(acc)

        @pl.when(gsum > 0.0)
        def _():
          def _chunk(i2, _):
            cbase = gbase + i2 * 16
            lv = lbuf[pl.ds(cbase, 16)]
            csum = _sum16(lv)

            @pl.when(csum > 0.0)
            def _():
              xv = xbuf[pl.ds(cbase, 16)]
              yv = ybuf[pl.ds(cbase, 16)]
              zv = zbuf[pl.ds(cbase, 16)]
              iv = ibuf[pl.ds(cbase, 16)]

              def _lane(e, _):
                sel = jnp.where(ii == e, 1.0, 0.0)
                le = _sum16(lv * sel)

                @pl.when(le > 0.0)
                def _():
                  xe = _sum16(xv * sel)
                  ye = _sum16(yv * sel)
                  ze = _sum16(zv * sel)
                  inte = _sum16(iv * sel)
                  r = cbase + e
                  d_e = lax.rem(r, D)
                  wcol = lax.div(r, D)

                  ax = jnp.exp(-(gf - xe) * (gf - xe) * pinv_s) * mask9
                  ay = jnp.exp(-(gf - ye) * (gf - ye) * pinv_s) * mask9
                  az = jnp.exp(-(gf - ze) * (gf - ze) * pinv_s) * mask9
                  denv = z16f + (_sum9(ax) * _sum9(ay) * _sum9(az))
                  numv = z16f + inte * amp_s
                  azw = az * (numv / denv)

                  s_off = d_e + 2
                  segs = []
                  for k in range(3):
                    idxk = ii + (16 * k - s_off)
                    vmask = jnp.where(idxk >= 0, 1.0, 0.0) * jnp.where(
                        idxk <= 8, 1.0, 0.0)
                    idxc = jnp.minimum(jnp.maximum(idxk, 0), 15)
                    segs.append(
                        azw.at[idxc].get(mode="promise_in_bounds") * vmask)

                  for ox in range(9):
                    hp = h + 2 + ox
                    hpl = hp - hp0

                    @pl.when(jnp.logical_and(hpl >= 0, hpl < 8))
                    def _(ox=ox, hpl=hpl):
                      axc = ax[ox]
                      rowbase = (hpl * WP + wcol + 2) * DROW
                      for oy in range(9):
                        coef = axc * ay[oy]
                        ob = rowbase + oy * DROW
                        for k in range(3):
                          o = ob + 16 * k
                          vol[pl.ds(o, 16)] = (
                              vol[pl.ds(o, 16)] + segs[k] * coef)
                return 0
              lax.fori_loop(0, 16, _lane, 0)
            return 0
          lax.fori_loop(0, 16, _chunk, 0)
        return 0
      lax.fori_loop(0, NGROUP, _group, 0)
    return 0
  lax.fori_loop(0, 16, _hrow, 0)

  pltpu.sync_copy(vol, out_h.at[c, pl.ds(s * SLABW, SLABW)])


def _sc_call(locs2, x2, y2, z2, i2, par):
  mesh = plsc.VectorSubcoreMesh(core_axis_name="c", subcore_axis_name="s")
  f = functools.partial(
      pl.kernel,
      out_type=jax.ShapeDtypeStruct((2, OUTN), jnp.float32),
      mesh=mesh,
      scratch_types=[
          pltpu.VMEM((SLABW,), jnp.float32),
          pltpu.VMEM((ROWSTAGE,), jnp.float32),
          pltpu.VMEM((ROWSTAGE,), jnp.float32),
          pltpu.VMEM((ROWSTAGE,), jnp.float32),
          pltpu.VMEM((ROWSTAGE,), jnp.float32),
          pltpu.VMEM((ROWSTAGE,), jnp.float32),
          pltpu.VMEM((16,), jnp.float32),
      ],
  )(_sc_body)
  return f(locs2, x2, y2, z2, i2, par)


def kernel(locs_3d, x_os_3d, y_os_3d, z_os_3d, ints_3d, sigma, scale):
  locs2 = locs_3d.reshape(2, NVOX)
  x2 = x_os_3d.reshape(2, NVOX)
  y2 = y_os_3d.reshape(2, NVOX)
  z2 = z_os_3d.reshape(2, NVOX)
  i2 = ints_3d.reshape(2, NVOX)
  inv2s2 = 1.0 / (2.0 * sigma.astype(jnp.float32) ** 2)
  amp = 1000.0 * scale.astype(jnp.float32)
  par = jnp.zeros((16,), jnp.float32).at[0].set(inv2s2).at[1].set(amp)
  vol = _sc_call(locs2, x2, y2, z2, i2, par)
  vol = vol.reshape(2, HPAD, WP, DROW)[:, 6:102, 6:102, 6:38]
  return vol.reshape(2, 1, H, W, D)

# --- scband reference (transcript-rebuilt; emitter-appended) ---
"""Pipeline reference for scband-microscope-26156350832847 (READ-ONLY COPY).

The authoritative reference and input builder live on the scoring server;
editing this copy changes nothing except your own understanding.
"""

import jax, jax.numpy as jnp
import numpy as np

PSF_HALF = 4
PAD = 6

def _gaussian_psf(x_os, y_os, z_os, sigma):
    # x_os, y_os, z_os: (N, 1, 1, 1) -> psf (N, 9, 9, 9)
    g = jnp.arange(-PSF_HALF, PSF_HALF + 1, dtype=jnp.float32)
    gx = g[None, :, None, None]
    gy = g[None, None, :, None]
    gz = g[None, None, None, :]
    d2 = (gx - x_os) ** 2 + (gy - y_os) ** 2 + (gz - z_os) ** 2
    return jnp.exp(-d2 / (2.0 * sigma ** 2))

def setup_inputs(seed: int = 0):
    key = jax.random.key(seed)
    k1, k2, k3, k4, k5 = jax.random.split(key, 5)
    shape = (2, 1, 96, 96, 32)
    # sparse binary emitter locations (~0.5% density -> ~5900 emitters)
    locs_3d = (jax.random.uniform(k1, shape) < 0.005).astype(jnp.float32)
    x_os_3d = jax.random.normal(k2, shape, dtype=jnp.float32) * 0.5
    y_os_3d = jax.random.normal(k3, shape, dtype=jnp.float32) * 0.5
    z_os_3d = jax.random.normal(k4, shape, dtype=jnp.float32) * 0.5
    ints_3d = jax.random.uniform(k5, shape, dtype=jnp.float32) + 0.5
    sigma = jnp.asarray(1.5, dtype=jnp.float32)   # learned PSF width (parametric PSF param)
    scale = jnp.asarray(10.0, dtype=jnp.float32)  # learned scale (nn.Parameter)
    return {"locs_3d": locs_3d, "x_os_3d": x_os_3d, "y_os_3d": y_os_3d,
            "z_os_3d": z_os_3d, "ints_3d": ints_3d, "sigma": sigma, "scale": scale}

def reference(locs_3d, x_os_3d, y_os_3d, z_os_3d, ints_3d, sigma, scale):
    # extractvalues: gather offsets/intensities at emitter locations
    N = locs_3d.size
    coord = jnp.nonzero(locs_3d, size=N, fill_value=0)
    count = jnp.count_nonzero(locs_3d)
    valid = (jnp.arange(N) < count).astype(x_os_3d.dtype)
    x_os_val = x_os_3d[coord]
    y_os_val = y_os_3d[coord]
    z_os_val = z_os_3d[coord]
    i_val = ints_3d[coord]
    # place_psf: pad, find padded coords, scatter-add psf windows
    pd = jnp.pad(locs_3d, ((0, 0), (0, 0), (PAD, PAD), (PAD, PAD), (PAD, PAD)))
    b, c, h, w, d = jnp.nonzero(pd, size=N, fill_value=0)
    off = jnp.arange(-PSF_HALF, PSF_HALF + 1)
    M = 1024
    Np = ((N + M - 1) // M) * M

    def _pad1(a):
        return jnp.pad(a, (0, Np - N))

    chunks = tuple(a.reshape(Np // M, M) for a in
                   (_pad1(x_os_val), _pad1(y_os_val), _pad1(z_os_val),
                    _pad1(i_val), _pad1(valid),
                    _pad1(b), _pad1(c), _pad1(h), _pad1(w), _pad1(d)))

    def _body(out, ch):
        xo, yo, zo, iv, va, bb, cc, hh, ww, dd = ch
        # parametric PSF (Gaussian), normalize, scale by intensity
        psf = _gaussian_psf(xo.reshape(-1, 1, 1, 1), yo.reshape(-1, 1, 1, 1),
                            zo.reshape(-1, 1, 1, 1), sigma)
        psf = psf / jnp.sum(psf, axis=(1, 2, 3), keepdims=True)
        psf = psf * iv.reshape(-1, 1, 1, 1) * va.reshape(-1, 1, 1, 1)
        Hh = hh[:, None, None, None] + off[None, :, None, None]
        Ww = ww[:, None, None, None] + off[None, None, :, None]
        Dd = dd[:, None, None, None] + off[None, None, None, :]
        out = out.at[bb[:, None, None, None], cc[:, None, None, None],
                     Hh, Ww, Dd].add(psf)
        return out, None

    out0 = jnp.zeros(pd.shape, dtype=x_os_3d.dtype)
    out, _ = jax.lax.scan(_body, out0, chunks)
    xsim = out[:, :, PAD:-PAD, PAD:-PAD, PAD:-PAD]
    xsim = 1000.0 * scale * xsim
    return jnp.maximum(xsim, 0.0)

if __name__ == "__main__":
    import jax
    _d = setup_inputs()
    print(jax.jit(kernel)(*tuple(_d.values())))

</pallas_src>

<mosaic_0001>
#map = affine_map<(d0, d1) -> (0, 0)>
#map1 = affine_map<(d0, d1) -> (0)>
module attributes {stable_mosaic.version = 14 : i64} {
  func.func @_sc_body(%arg0: i32, %arg1: i32, %arg2: memref<2x294912xf32, #tpu.memory_space<hbm>>, %arg3: memref<2x294912xf32, #tpu.memory_space<hbm>>, %arg4: memref<2x294912xf32, #tpu.memory_space<hbm>>, %arg5: memref<2x294912xf32, #tpu.memory_space<hbm>>, %arg6: memref<2x294912xf32, #tpu.memory_space<hbm>>, %arg7: memref<16xf32, #tpu.memory_space<hbm>>, %arg8: memref<2x884736xf32, #tpu.memory_space<hbm>>, %arg9: memref<55296xf32, #tpu.memory_space<vmem>>, %arg10: memref<3072xf32, #tpu.memory_space<vmem>>, %arg11: memref<3072xf32, #tpu.memory_space<vmem>>, %arg12: memref<3072xf32, #tpu.memory_space<vmem>>, %arg13: memref<3072xf32, #tpu.memory_space<vmem>>, %arg14: memref<3072xf32, #tpu.memory_space<vmem>>, %arg15: memref<16xf32, #tpu.memory_space<vmem>>) attributes {dimension_semantics = [#tpu.dimension_semantics<core_parallel>, #tpu.dimension_semantics<subcore_parallel>], iteration_bounds = array<i64: 2, 16>, scalar_prefetch = 0 : i64, scratch_operands = 7 : i64, tpu.core_type = #tpu.core_type<sc_vector_subcore>, window_params = [{transform_indices = #map}, {transform_indices = #map}, {transform_indices = #map}, {transform_indices = #map}, {transform_indices = #map}, {transform_indices = #map1}, {transform_indices = #map}]} {
    %iota3A = tpu.iota {dimensions = array<i32: 0>} : vector<16xi32>
    %convert_element_type3A = arith.sitofp %iota3A : vector<16xi32> to vector<16xf32>
    %broadcast_in_dim3A = arith.constant 0.000000e+00 : f32
    %broadcast_in_dim3A_0 = vector.broadcast %broadcast_in_dim3A : f32 to vector<16xf32>
    %lt3A = arith.constant 9 : i32
    %lt3A_1 = vector.broadcast %lt3A : i32 to vector<16xi32>
    %lt3A_2 = arith.cmpi slt, %iota3A, %lt3A_1 : vector<16xi32>
    %jit3A = arith.constant 1.000000e+00 : f32
    %jit3A_3 = arith.constant 0.000000e+00 : f32
    %broadcast_in_dim3A_4 = vector.broadcast %jit3A : f32 to vector<16xf32>
    %broadcast_in_dim3A_5 = vector.broadcast %jit3A_3 : f32 to vector<16xf32>
    %select_n3A = arith.select %lt3A_2, %broadcast_in_dim3A_4, %broadcast_in_dim3A_5 : vector<16xi1>, vector<16xf32>
    %sub3A = arith.constant 4.000000e+00 : f32
    %sub3A_6 = vector.broadcast %sub3A : f32 to vector<16xf32>
    %sub3A_7 = arith.subf %convert_element_type3A, %sub3A_6 : vector<16xf32>
    %mul3A = arith.mulf %sub3A_7, %select_n3A : vector<16xf32>
    "tpu.region"() ({
      %run_scoped3A = tpu.sem_alloc : memref<!tpu.dma_semaphore, #tpu.memory_space<semaphore_mem>>
      tpu.enqueue_dma source(%arg7 : memref<16xf32, #tpu.memory_space<hbm>>) target(%arg15 : memref<16xf32, #tpu.memory_space<vmem>>) target_semaphore(%run_scoped3A : memref<!tpu.dma_semaphore, #tpu.memory_space<semaphore_mem>>)
      tpu.wait_dma2 semaphore(%run_scoped3A : memref<!tpu.dma_semaphore, #tpu.memory_space<semaphore_mem>>) src(%arg7 : memref<16xf32, #tpu.memory_space<hbm>>) dst(%arg15 : memref<16xf32, #tpu.memory_space<vmem>>)
      tpu.yield
    }) : () -> ()
    %get3A = arith.constant 0 : index
    %get3A_8 = tpu.vector_load %arg15[%get3A] {strides = array<i32>} : memref<16xf32, #tpu.memory_space<vmem>>, vector<16xf32>,
    %get3A_9 = vector.shape_cast %get3A_8 : vector<16xf32> to vector<16xf32>
    %slice3A = vector.extract_strided_slice %get3A_9 {offsets = [0], sizes = [1], strides = [1]} : vector<16xf32> to vector<1xf32>
    %squeeze3A = vector.extract %slice3A[0] : f32 from vector<1xf32>
    %slice3A_10 = vector.extract_strided_slice %get3A_9 {offsets = [1], sizes = [1], strides = [1]} : vector<16xf32> to vector<1xf32>
    %squeeze3A_11 = vector.extract %slice3A_10[0] : f32 from vector<1xf32>
    %scan3A = arith.constant 0 : i32
    %scan3A_12 = arith.constant 0 : i32
    %scan3A_13 = arith.constant 3456 : i32
    %scan3A_14 = arith.addi %scan3A_12, %scan3A_13 : i32
    %scan3A_15 = arith.constant 1 : i32
    %scan3A_16 = scf.for %scan3A_29 = %scan3A_12 to %scan3A_14 step %scan3A_15 iter_args(%scan3A_30 = %scan3A) -> (i32)  : i32 {
      %mul3A_31 = arith.constant 16 : i32
      %mul3A_32 = arith.muli %scan3A_29, %mul3A_31 : i32
      %swap3A = arith.index_cast %mul3A_32 : i32 to index
      %swap3A_33 = tpu.vector_load %arg9[%swap3A] {strides = array<i32>} : memref<55296xf32, #tpu.memory_space<vmem>>, vector<16xf32>,
      %swap3A_34 = vector.shape_cast %swap3A_33 : vector<16xf32> to vector<16xf32>
      %swap3A_35 = vector.shape_cast %broadcast_in_dim3A_0 : vector<16xf32> to vector<16xf32>
      tpu.vector_store %arg9[%swap3A], %swap3A_35 {strides = array<i32>} : memref<55296xf32, #tpu.memory_space<vmem>>, vector<16xf32>,
      %scan3A_36 = arith.constant 0 : i32
      scf.yield %scan3A_36 : i32
    }
    %scan3A_17 = arith.constant 3456 : i32
    %mul3A_18 = arith.constant 8 : i32
    %mul3A_19 = arith.muli %mul3A_18, %arg1 : i32
    %scan3A_20 = arith.constant 0 : i32
    %scan3A_21 = arith.constant 0 : i32
    %scan3A_22 = arith.constant 16 : i32
    %scan3A_23 = arith.addi %scan3A_21, %scan3A_22 : i32
    %scan3A_24 = arith.constant 1 : i32
    %scan3A_25 = scf.for %scan3A_29 = %scan3A_21 to %scan3A_23 step %scan3A_24 iter_args(%scan3A_30 = %scan3A_20) -> (i32)  : i32 {
      %sub3A_31 = arith.constant 10 : i32
      %sub3A_32 = arith.subi %mul3A_19, %sub3A_31 : i32
      %add3A = arith.addi %sub3A_32, %scan3A_29 : i32
      %ge3A = arith.constant 0 : i32
      %ge3A_33 = arith.cmpi sge, %add3A, %ge3A : i32
      %lt3A_34 = arith.constant 96 : i32
      %lt3A_35 = arith.cmpi slt, %add3A, %lt3A_34 : i32
      %and3A = arith.andi %ge3A_33, %lt3A_35 : i1
      %convert_element_type3A_36 = arith.extui %and3A : i1 to i32
      %cond3A = arith.constant 0 : i32
      %cond3A_37 = arith.cmpi ne, %convert_element_type3A_36, %cond3A : i32
      scf.if %cond3A_37 {
        %mul3A_39 = arith.constant 3072 : i32
        %mul3A_40 = arith.muli %add3A, %mul3A_39 : i32
        "tpu.region"() ({
          %run_scoped3A = tpu.sem_alloc : memref<!tpu.dma_semaphore, #tpu.memory_space<semaphore_mem>>
          %dma_start3A = tpu.memref_slice %arg2[%arg0, %mul3A_40] : memref<2x294912xf32, #tpu.memory_space<hbm>> -> memref<1x3072xf32, #tpu.memory_space<hbm>>
          %dma_start3A_48 = tpu.memref_squeeze %dma_start3A : memref<1x3072xf32, #tpu.memory_space<hbm>> -> memref<3072xf32, #tpu.memory_space<hbm>>
          %dma_start3A_49 = tpu.memref_slice %arg2[%arg0, %mul3A_40] : memref<2x294912xf32, #tpu.memory_space<hbm>> -> memref<1x3072xf32, #tpu.memory_space<hbm>>
          %dma_start3A_50 = tpu.memref_squeeze %dma_start3A_49 : memref<1x3072xf32, #tpu.memory_space<hbm>> -> memref<3072xf32, #tpu.memory_space<hbm>>
          tpu.enqueue_dma source(%dma_start3A_50 : memref<3072xf32, #tpu.memory_space<hbm>>) target(%arg10 : memref<3072xf32, #tpu.memory_space<vmem>>) target_semaphore(%run_scoped3A : memref<!tpu.dma_semaphore, #tpu.memory_space<semaphore_mem>>)
          %dma_wait3A = tpu.memref_slice %arg2[%arg0, %mul3A_40] : memref<2x294912xf32, #tpu.memory_space<hbm>> -> memref<1x3072xf32, #tpu.memory_space<hbm>>
          %dma_wait3A_51 = tpu.memref_squeeze %dma_wait3A : memref<1x3072xf32, #tpu.memory_space<hbm>> -> memref<3072xf32, #tpu.memory_space<hbm>>
          %dma_wait3A_52 = tpu.memref_slice %arg2[%arg0, %mul3A_40] : memref<2x294912xf32, #tpu.memory_space<hbm>> -> memref<1x3072xf32, #tpu.memory_space<hbm>>
          %dma_wait3A_53 = tpu.memref_squeeze %dma_wait3A_52 : memref<1x3072xf32, #tpu.memory_space<hbm>> -> memref<3072xf32, #tpu.memory_space<hbm>>
          tpu.wait_dma2 semaphore(%run_scoped3A : memref<!tpu.dma_semaphore, #tpu.memory_space<semaphore_mem>>) src(%dma_wait3A_53 : memref<3072xf32, #tpu.memory_space<hbm>>) dst(%arg10 : memref<3072xf32, #tpu.memory_space<vmem>>)
          tpu.yield
        }) : () -> ()
        "tpu.region"() ({
          %run_scoped3A = tpu.sem_alloc : memref<!tpu.dma_semaphore, #tpu.memory_space<semaphore_mem>>
          %dma_start3A = tpu.memref_slice %arg3[%arg0, %mul3A_40] : memref<2x294912xf32, #tpu.memory_space<hbm>> -> memref<1x3072xf32, #tpu.memory_space<hbm>>
          %dma_start3A_48 = tpu.memref_squeeze %dma_start3A : memref<1x3072xf32, #tpu.memory_space<hbm>> -> memref<3072xf32, #tpu.memory_space<hbm>>
          %dma_start3A_49 = tpu.memref_slice %arg3[%arg0, %mul3A_40] : memref<2x294912xf32, #tpu.memory_space<hbm>> -> memref<1x3072xf32, #tpu.memory_space<hbm>>
          %dma_start3A_50 = tpu.memref_squeeze %dma_start3A_49 : memref<1x3072xf32, #tpu.memory_space<hbm>> -> memref<3072xf32, #tpu.memory_space<hbm>>
          tpu.enqueue_dma source(%dma_start3A_50 : memref<3072xf32, #tpu.memory_space<hbm>>) target(%arg11 : memref<3072xf32, #tpu.memory_space<vmem>>) target_semaphore(%run_scoped3A : memref<!tpu.dma_semaphore, #tpu.memory_space<semaphore_mem>>)
          %dma_wait3A = tpu.memref_slice %arg3[%arg0, %mul3A_40] : memref<2x294912xf32, #tpu.memory_space<hbm>> -> memref<1x3072xf32, #tpu.memory_space<hbm>>
          %dma_wait3A_51 = tpu.memref_squeeze %dma_wait3A : memref<1x3072xf32, #tpu.memory_space<hbm>> -> memref<3072xf32, #tpu.memory_space<hbm>>
          %dma_wait3A_52 = tpu.memref_slice %arg3[%arg0, %mul3A_40] : memref<2x294912xf32, #tpu.memory_space<hbm>> -> memref<1x3072xf32, #tpu.memory_space<hbm>>
          %dma_wait3A_53 = tpu.memref_squeeze %dma_wait3A_52 : memref<1x3072xf32, #tpu.memory_space<hbm>> -> memref<3072xf32, #tpu.memory_space<hbm>>
          tpu.wait_dma2 semaphore(%run_scoped3A : memref<!tpu.dma_semaphore, #tpu.memory_space<semaphore_mem>>) src(%dma_wait3A_53 : memref<3072xf32, #tpu.memory_space<hbm>>) dst(%arg11 : memref<3072xf32, #tpu.memory_space<vmem>>)
          tpu.yield
        }) : () -> ()
        "tpu.region"() ({
          %run_scoped3A = tpu.sem_alloc : memref<!tpu.dma_semaphore, #tpu.memory_space<semaphore_mem>>
          %dma_start3A = tpu.memref_slice %arg4[%arg0, %mul3A_40] : memref<2x294912xf32, #tpu.memory_space<hbm>> -> memref<1x3072xf32, #tpu.memory_space<hbm>>
          %dma_start3A_48 = tpu.memref_squeeze %dma_start3A : memref<1x3072xf32, #tpu.memory_space<hbm>> -> memref<3072xf32, #tpu.memory_space<hbm>>
          %dma_start3A_49 = tpu.memref_slice %arg4[%arg0, %mul3A_40] : memref<2x294912xf32, #tpu.memory_space<hbm>> -> memref<1x3072xf32, #tpu.memory_space<hbm>>
          %dma_start3A_50 = tpu.memref_squeeze %dma_start3A_49 : memref<1x3072xf32, #tpu.memory_space<hbm>> -> memref<3072xf32, #tpu.memory_space<hbm>>
          tpu.enqueue_dma source(%dma_start3A_50 : memref<3072xf32, #tpu.memory_space<hbm>>) target(%arg12 : memref<3072xf32, #tpu.memory_space<vmem>>) target_semaphore(%run_scoped3A : memref<!tpu.dma_semaphore, #tpu.memory_space<semaphore_mem>>)
          %dma_wait3A = tpu.memref_slice %arg4[%arg0, %mul3A_40] : memref<2x294912xf32, #tpu.memory_space<hbm>> -> memref<1x3072xf32, #tpu.memory_space<hbm>>
          %dma_wait3A_51 = tpu.memref_squeeze %dma_wait3A : memref<1x3072xf32, #tpu.memory_space<hbm>> -> memref<3072xf32, #tpu.memory_space<hbm>>
          %dma_wait3A_52 = tpu.memref_slice %arg4[%arg0, %mul3A_40] : memref<2x294912xf32, #tpu.memory_space<hbm>> -> memref<1x3072xf32, #tpu.memory_space<hbm>>
          %dma_wait3A_53 = tpu.memref_squeeze %dma_wait3A_52 : memref<1x3072xf32, #tpu.memory_space<hbm>> -> memref<3072xf32, #tpu.memory_space<hbm>>
          tpu.wait_dma2 semaphore(%run_scoped3A : memref<!tpu.dma_semaphore, #tpu.memory_space<semaphore_mem>>) src(%dma_wait3A_53 : memref<3072xf32, #tpu.memory_space<hbm>>) dst(%arg12 : memref<3072xf32, #tpu.memory_space<vmem>>)
          tpu.yield
        }) : () -> ()
        "tpu.region"() ({
          %run_scoped3A = tpu.sem_alloc : memref<!tpu.dma_semaphore, #tpu.memory_space<semaphore_mem>>
          %dma_start3A = tpu.memref_slice %arg5[%arg0, %mul3A_40] : memref<2x294912xf32, #tpu.memory_space<hbm>> -> memref<1x3072xf32, #tpu.memory_space<hbm>>
          %dma_start3A_48 = tpu.memref_squeeze %dma_start3A : memref<1x3072xf32, #tpu.memory_space<hbm>> -> memref<3072xf32, #tpu.memory_space<hbm>>
          %dma_start3A_49 = tpu.memref_slice %arg5[%arg0, %mul3A_40] : memref<2x294912xf32, #tpu.memory_space<hbm>> -> memref<1x3072xf32, #tpu.memory_space<hbm>>
          %dma_start3A_50 = tpu.memref_squeeze %dma_start3A_49 : memref<1x3072xf32, #tpu.memory_space<hbm>> -> memref<3072xf32, #tpu.memory_space<hbm>>
          tpu.enqueue_dma source(%dma_start3A_50 : memref<3072xf32, #tpu.memory_space<hbm>>) target(%arg13 : memref<3072xf32, #tpu.memory_space<vmem>>) target_semaphore(%run_scoped3A : memref<!tpu.dma_semaphore, #tpu.memory_space<semaphore_mem>>)
          %dma_wait3A = tpu.memref_slice %arg5[%arg0, %mul3A_40] : memref<2x294912xf32, #tpu.memory_space<hbm>> -> memref<1x3072xf32, #tpu.memory_space<hbm>>
          %dma_wait3A_51 = tpu.memref_squeeze %dma_wait3A : memref<1x3072xf32, #tpu.memory_space<hbm>> -> memref<3072xf32, #tpu.memory_space<hbm>>
          %dma_wait3A_52 = tpu.memref_slice %arg5[%arg0, %mul3A_40] : memref<2x294912xf32, #tpu.memory_space<hbm>> -> memref<1x3072xf32, #tpu.memory_space<hbm>>
          %dma_wait3A_53 = tpu.memref_squeeze %dma_wait3A_52 : memref<1x3072xf32, #tpu.memory_space<hbm>> -> memref<3072xf32, #tpu.memory_space<hbm>>
          tpu.wait_dma2 semaphore(%run_scoped3A : memref<!tpu.dma_semaphore, #tpu.memory_space<semaphore_mem>>) src(%dma_wait3A_53 : memref<3072xf32, #tpu.memory_space<hbm>>) dst(%arg13 : memref<3072xf32, #tpu.memory_space<vmem>>)
          tpu.yield
        }) : () -> ()
        "tpu.region"() ({
          %run_scoped3A = tpu.sem_alloc : memref<!tpu.dma_semaphore, #tpu.memory_space<semaphore_mem>>
          %dma_start3A = tpu.memref_slice %arg6[%arg0, %mul3A_40] : memref<2x294912xf32, #tpu.memory_space<hbm>> -> memref<1x3072xf32, #tpu.memory_space<hbm>>
          %dma_start3A_48 = tpu.memref_squeeze %dma_start3A : memref<1x3072xf32, #tpu.memory_space<hbm>> -> memref<3072xf32, #tpu.memory_space<hbm>>
          %dma_start3A_49 = tpu.memref_slice %arg6[%arg0, %mul3A_40] : memref<2x294912xf32, #tpu.memory_space<hbm>> -> memref<1x3072xf32, #tpu.memory_space<hbm>>
          %dma_start3A_50 = tpu.memref_squeeze %dma_start3A_49 : memref<1x3072xf32, #tpu.memory_space<hbm>> -> memref<3072xf32, #tpu.memory_space<hbm>>
          tpu.enqueue_dma source(%dma_start3A_50 : memref<3072xf32, #tpu.memory_space<hbm>>) target(%arg14 : memref<3072xf32, #tpu.memory_space<vmem>>) target_semaphore(%run_scoped3A : memref<!tpu.dma_semaphore, #tpu.memory_space<semaphore_mem>>)
          %dma_wait3A = tpu.memref_slice %arg6[%arg0, %mul3A_40] : memref<2x294912xf32, #tpu.memory_space<hbm>> -> memref<1x3072xf32, #tpu.memory_space<hbm>>
          %dma_wait3A_51 = tpu.memref_squeeze %dma_wait3A : memref<1x3072xf32, #tpu.memory_space<hbm>> -> memref<3072xf32, #tpu.memory_space<hbm>>
          %dma_wait3A_52 = tpu.memref_slice %arg6[%arg0, %mul3A_40] : memref<2x294912xf32, #tpu.memory_space<hbm>> -> memref<1x3072xf32, #tpu.memory_space<hbm>>
          %dma_wait3A_53 = tpu.memref_squeeze %dma_wait3A_52 : memref<1x3072xf32, #tpu.memory_space<hbm>> -> memref<3072xf32, #tpu.memory_space<hbm>>
          tpu.wait_dma2 semaphore(%run_scoped3A : memref<!tpu.dma_semaphore, #tpu.memory_space<semaphore_mem>>) src(%dma_wait3A_53 : memref<3072xf32, #tpu.memory_space<hbm>>) dst(%arg14 : memref<3072xf32, #tpu.memory_space<vmem>>)
          tpu.yield
        }) : () -> ()
        %scan3A_41 = arith.constant 0 : i32
        %scan3A_42 = arith.constant 0 : i32
        %scan3A_43 = arith.constant 12 : i32
        %scan3A_44 = arith.addi %scan3A_42, %scan3A_43 : i32
        %scan3A_45 = arith.constant 1 : i32
        %scan3A_46 = scf.for %scan3A_48 = %scan3A_42 to %scan3A_44 step %scan3A_45 iter_args(%scan3A_49 = %scan3A_41) -> (i32)  : i32 {
          %mul3A_50 = arith.constant 256 : i32
          %mul3A_51 = arith.muli %scan3A_48, %mul3A_50 : i32
          %get3A_52 = arith.index_cast %mul3A_51 : i32 to index
          %get3A_53 = tpu.vector_load %arg10[%get3A_52] {strides = array<i32>} : memref<3072xf32, #tpu.memory_space<vmem>>, vector<16xf32>,
          %get3A_54 = vector.shape_cast %get3A_53 : vector<16xf32> to vector<16xf32>
          %add3A_55 = arith.constant 16 : i32
          %add3A_56 = arith.addi %mul3A_51, %add3A_55 : i32
          %get3A_57 = arith.index_cast %add3A_56 : i32 to index
          %get3A_58 = tpu.vector_load %arg10[%get3A_57] {strides = array<i32>} : memref<3072xf32, #tpu.memory_space<vmem>>, vector<16xf32>,
          %get3A_59 = vector.shape_cast %get3A_58 : vector<16xf32> to vector<16xf32>
          %add3A_60 = arith.addf %get3A_54, %get3A_59 : vector<16xf32>
          %add3A_61 = arith.constant 32 : i32
          %add3A_62 = arith.addi %mul3A_51, %add3A_61 : i32
          %get3A_63 = arith.index_cast %add3A_62 : i32 to index
          %get3A_64 = tpu.vector_load %arg10[%get3A_63] {strides = array<i32>} : memref<3072xf32, #tpu.memory_space<vmem>>, vector<16xf32>,
          %get3A_65 = vector.shape_cast %get3A_64 : vector<16xf32> to vector<16xf32>
          %add3A_66 = arith.addf %add3A_60, %get3A_65 : vector<16xf32>
          %add3A_67 = arith.constant 48 : i32
          %add3A_68 = arith.addi %mul3A_51, %add3A_67 : i32
          %get3A_69 = arith.index_cast %add3A_68 : i32 to index
          %get3A_70 = tpu.vector_load %arg10[%get3A_69] {strides = array<i32>} : memref<3072xf32, #tpu.memory_space<vmem>>, vector<16xf32>,
          %get3A_71 = vector.shape_cast %get3A_70 : vector<16xf32> to vector<16xf32>
          %add3A_72 = arith.addf %add3A_66, %get3A_71 : vector<16xf32>
          %add3A_73 = arith.constant 64 : i32
          %add3A_74 = arith.addi %mul3A_51, %add3A_73 : i32
          %get3A_75 = arith.index_cast %add3A_74 : i32 to index
          %get3A_76 = tpu.vector_load %arg10[%get3A_75] {strides = array<i32>} : memref<3072xf32, #tpu.memory_space<vmem>>, vector<16xf32>,
          %get3A_77 = vector.shape_cast %get3A_76 : vector<16xf32> to vector<16xf32>
          %add3A_78 = arith.addf %add3A_72, %get3A_77 : vector<16xf32>
          %add3A_79 = arith.constant 80 : i32
          %add3A_80 = arith.addi %mul3A_51, %add3A_79 : i32
          %get3A_81 = arith.index_cast %add3A_80 : i32 to index
          %get3A_82 = tpu.vector_load %arg10[%get3A_81] {strides = array<i32>} : memref<3072xf32, #tpu.memory_space<vmem>>, vector<16xf32>,
          %get3A_83 = vector.shape_cast %get3A_82 : vector<16xf32> to vector<16xf32>
          %add3A_84 = arith.addf %add3A_78, %get3A_83 : vector<16xf32>
          %add3A_85 = arith.constant 96 : i32
          %add3A_86 = arith.addi %mul3A_51, %add3A_85 : i32
          %get3A_87 = arith.index_cast %add3A_86 : i32 to index
          %get3A_88 = tpu.vector_load %arg10[%get3A_87] {strides = array<i32>} : memref<3072xf32, #tpu.memory_space<vmem>>, vector<16xf32>,
          %get3A_89 = vector.shape_cast %get3A_88 : vector<16xf32> to vector<16xf32>
          %add3A_90 = arith.addf %add3A_84, %get3A_89 : vector<16xf32>
          %add3A_91 = arith.constant 112 : i32
          %add3A_92 = arith.addi %mul3A_51, %add3A_91 : i32
          %get3A_93 = arith.index_cast %add3A_92 : i32 to index
          %get3A_94 = tpu.vector_load %arg10[%get3A_93] {strides = array<i32>} : memref<3072xf32, #tpu.memory_space<vmem>>, vector<16xf32>,
          %get3A_95 = vector.shape_cast %get3A_94 : vector<16xf32> to vector<16xf32>
          %add3A_96 = arith.addf %add3A_90, %get3A_95 : vector<16xf32>
          %add3A_97 = arith.constant 128 : i32
          %add3A_98 = arith.addi %mul3A_51, %add3A_97 : i32
          %get3A_99 = arith.index_cast %add3A_98 : i32 to index
          %get3A_100 = tpu.vector_load %arg10[%get3A_99] {strides = array<i32>} : memref<3072xf32, #tpu.memory_space<vmem>>, vector<16xf32>,
          %get3A_101 = vector.shape_cast %get3A_100 : vector<16xf32> to vector<16xf32>
          %add3A_102 = arith.addf %add3A_96, %get3A_101 : vector<16xf32>
          %add3A_103 = arith.constant 144 : i32
          %add3A_104 = arith.addi %mul3A_51, %add3A_103 : i32
          %get3A_105 = arith.index_cast %add3A_104 : i32 to index
          %get3A_106 = tpu.vector_load %arg10[%get3A_105] {strides = array<i32>} : memref<3072xf32, #tpu.memory_space<vmem>>, vector<16xf32>,
          %get3A_107 = vector.shape_cast %get3A_106 : vector<16xf32> to vector<16xf32>
          %add3A_108 = arith.addf %add3A_102, %get3A_107 : vector<16xf32>
          %add3A_109 = arith.constant 160 : i32
          %add3A_110 = arith.addi %mul3A_51, %add3A_109 : i32
          %get3A_111 = arith.index_cast %add3A_110 : i32 to index
          %get3A_112 = tpu.vector_load %arg10[%get3A_111] {strides = array<i32>} : memref<3072xf32, #tpu.memory_space<vmem>>, vector<16xf32>,
          %get3A_113 = vector.shape_cast %get3A_112 : vector<16xf32> to vector<16xf32>
          %add3A_114 = arith.addf %add3A_108, %get3A_113 : vector<16xf32>
          %add3A_115 = arith.constant 176 : i32
          %add3A_116 = arith.addi %mul3A_51, %add3A_115 : i32
          %get3A_117 = arith.index_cast %add3A_116 : i32 to index
          %get3A_118 = tpu.vector_load %arg10[%get3A_117] {strides = array<i32>} : memref<3072xf32, #tpu.memory_space<vmem>>, vector<16xf32>,
          %get3A_119 = vector.shape_cast %get3A_118 : vector<16xf32> to vector<16xf32>
          %add3A_120 = arith.addf %add3A_114, %get3A_119 : vector<16xf32>
          %add3A_121 = arith.constant 192 : i32
          %add3A_122 = arith.addi %mul3A_51, %add3A_121 : i32
          %get3A_123 = arith.index_cast %add3A_122 : i32 to index
          %get3A_124 = tpu.vector_load %arg10[%get3A_123] {strides = array<i32>} : memref<3072xf32, #tpu.memory_space<vmem>>, vector<16xf32>,
          %get3A_125 = vector.shape_cast %get3A_124 : vector<16xf32> to vector<16xf32>
          %add3A_126 = arith.addf %add3A_120, %get3A_125 : vector<16xf32>
          %add3A_127 = arith.constant 208 : i32
          %add3A_128 = arith.addi %mul3A_51, %add3A_127 : i32
          %get3A_129 = arith.index_cast %add3A_128 : i32 to index
          %get3A_130 = tpu.vector_load %arg10[%get3A_129] {strides = array<i32>} : memref<3072xf32, #tpu.memory_space<vmem>>, vector<16xf32>,
          %get3A_131 = vector.shape_cast %get3A_130 : vector<16xf32> to vector<16xf32>
          %add3A_132 = arith.addf %add3A_126, %get3A_131 : vector<16xf32>
          %add3A_133 = arith.constant 224 : i32
          %add3A_134 = arith.addi %mul3A_51, %add3A_133 : i32
          %get3A_135 = arith.index_cast %add3A_134 : i32 to index
          %get3A_136 = tpu.vector_load %arg10[%get3A_135] {strides = array<i32>} : memref<3072xf32, #tpu.memory_space<vmem>>, vector<16xf32>,
          %get3A_137 = vector.shape_cast %get3A_136 : vector<16xf32> to vector<16xf32>
          %add3A_138 = arith.addf %add3A_132, %get3A_137 : vector<16xf32>
          %add3A_139 = arith.constant 240 : i32
          %add3A_140 = arith.addi %mul3A_51, %add3A_139 : i32
          %get3A_141 = arith.index_cast %add3A_140 : i32 to index
          %get3A_142 = tpu.vector_load %arg10[%get3A_141] {strides = array<i32>} : memref<3072xf32, #tpu.memory_space<vmem>>, vector<16xf32>,
          %get3A_143 = vector.shape_cast %get3A_142 : vector<16xf32> to vector<16xf32>
          %add3A_144 = arith.addf %add3A_138, %get3A_143 : vector<16xf32>
          %slice3A_145 = vector.extract_strided_slice %add3A_144 {offsets = [0], sizes = [1], strides = [1]} : vector<16xf32> to vector<1xf32>
          %squeeze3A_146 = vector.extract %slice3A_145[0] : f32 from vector<1xf32>
          %slice3A_147 = vector.extract_strided_slice %add3A_144 {offsets = [1], sizes = [1], strides = [1]} : vector<16xf32> to vector<1xf32>
          %squeeze3A_148 = vector.extract %slice3A_147[0] : f32 from vector<1xf32>
          %add3A_149 = arith.addf %squeeze3A_146, %squeeze3A_148 : f32
          %slice3A_150 = vector.extract_strided_slice %add3A_144 {offsets = [2], sizes = [1], strides = [1]} : vector<16xf32> to vector<1xf32>
          %squeeze3A_151 = vector.extract %slice3A_150[0] : f32 from vector<1xf32>
          %add3A_152 = arith.addf %add3A_149, %squeeze3A_151 : f32
          %slice3A_153 = vector.extract_strided_slice %add3A_144 {offsets = [3], sizes = [1], strides = [1]} : vector<16xf32> to vector<1xf32>
          %squeeze3A_154 = vector.extract %slice3A_153[0] : f32 from vector<1xf32>
          %add3A_155 = arith.addf %add3A_152, %squeeze3A_154 : f32
          %slice3A_156 = vector.extract_strided_slice %add3A_144 {offsets = [4], sizes = [1], strides = [1]} : vector<16xf32> to vector<1xf32>
          %squeeze3A_157 = vector.extract %slice3A_156[0] : f32 from vector<1xf32>
          %add3A_158 = arith.addf %add3A_155, %squeeze3A_157 : f32
          %slice3A_159 = vector.extract_strided_slice %add3A_144 {offsets = [5], sizes = [1], strides = [1]} : vector<16xf32> to vector<1xf32>
          %squeeze3A_160 = vector.extract %slice3A_159[0] : f32 from vector<1xf32>
          %add3A_161 = arith.addf %add3A_158, %squeeze3A_160 : f32
          %slice3A_162 = vector.extract_strided_slice %add3A_144 {offsets = [6], sizes = [1], strides = [1]} : vector<16xf32> to vector<1xf32>
          %squeeze3A_163 = vector.extract %slice3A_162[0] : f32 from vector<1xf32>
          %add3A_164 = arith.addf %add3A_161, %squeeze3A_163 : f32
          %slice3A_165 = vector.extract_strided_slice %add3A_144 {offsets = [7], sizes = [1], strides = [1]} : vector<16xf32> to vector<1xf32>
          %squeeze3A_166 = vector.extract %slice3A_165[0] : f32 from vector<1xf32>
          %add3A_167 = arith.addf %add3A_164, %squeeze3A_166 : f32
          %slice3A_168 = vector.extract_strided_slice %add3A_144 {offsets = [8], sizes = [1], strides = [1]} : vector<16xf32> to vector<1xf32>
          %squeeze3A_169 = vector.extract %slice3A_168[0] : f32 from vector<1xf32>
          %add3A_170 = arith.addf %add3A_167, %squeeze3A_169 : f32
          %slice3A_171 = vector.extract_strided_slice %add3A_144 {offsets = [9], sizes = [1], strides = [1]} : vector<16xf32> to vector<1xf32>
          %squeeze3A_172 = vector.extract %slice3A_171[0] : f32 from vector<1xf32>
          %add3A_173 = arith.addf %add3A_170, %squeeze3A_172 : f32
          %slice3A_174 = vector.extract_strided_slice %add3A_144 {offsets = [10], sizes = [1], strides = [1]} : vector<16xf32> to vector<1xf32>
          %squeeze3A_175 = vector.extract %slice3A_174[0] : f32 from vector<1xf32>
          %add3A_176 = arith.addf %add3A_173, %squeeze3A_175 : f32
          %slice3A_177 = vector.extract_strided_slice %add3A_144 {offsets = [11], sizes = [1], strides = [1]} : vector<16xf32> to vector<1xf32>
          %squeeze3A_178 = vector.extract %slice3A_177[0] : f32 from vector<1xf32>
          %add3A_179 = arith.addf %add3A_176, %squeeze3A_178 : f32
          %slice3A_180 = vector.extract_strided_slice %add3A_144 {offsets = [12], sizes = [1], strides = [1]} : vector<16xf32> to vector<1xf32>
          %squeeze3A_181 = vector.extract %slice3A_180[0] : f32 from vector<1xf32>
          %add3A_182 = arith.addf %add3A_179, %squeeze3A_181 : f32
          %slice3A_183 = vector.extract_strided_slice %add3A_144 {offsets = [13], sizes = [1], strides = [1]} : vector<16xf32> to vector<1xf32>
          %squeeze3A_184 = vector.extract %slice3A_183[0] : f32 from vector<1xf32>
          %add3A_185 = arith.addf %add3A_182, %squeeze3A_184 : f32
          %slice3A_186 = vector.extract_strided_slice %add3A_144 {offsets = [14], sizes = [1], strides = [1]} : vector<16xf32> to vector<1xf32>
          %squeeze3A_187 = vector.extract %slice3A_186[0] : f32 from vector<1xf32>
          %add3A_188 = arith.addf %add3A_185, %squeeze3A_187 : f32
          %slice3A_189 = vector.extract_strided_slice %add3A_144 {offsets = [15], sizes = [1], strides = [1]} : vector<16xf32> to vector<1xf32>
          %squeeze3A_190 = vector.extract %slice3A_189[0] : f32 from vector<1xf32>
          %add3A_191 = arith.addf %add3A_188, %squeeze3A_190 : f32
          %gt3A = arith.constant 0.000000e+00 : f32
          %gt3A_192 = arith.cmpf ogt, %add3A_191, %gt3A : f32
          %convert_element_type3A_193 = arith.extui %gt3A_192 : i1 to i32
          %cond3A_194 = arith.constant 0 : i32
          %cond3A_195 = arith.cmpi ne, %convert_element_type3A_193, %cond3A_194 : i32
          scf.if %cond3A_195 {
            %scan3A_197 = arith.constant 0 : i32
            %scan3A_198 = arith.constant 0 : i32
            %scan3A_199 = arith.constant 16 : i32
            %scan3A_200 = arith.addi %scan3A_198, %scan3A_199 : i32
            %scan3A_201 = arith.constant 1 : i32
            %scan3A_202 = scf.for %scan3A_204 = %scan3A_198 to %scan3A_200 step %scan3A_201 iter_args(%scan3A_205 = %scan3A_197) -> (i32)  : i32 {
              %mul3A_206 = arith.constant 16 : i32
              %mul3A_207 = arith.muli %scan3A_204, %mul3A_206 : i32
              %add3A_208 = arith.addi %mul3A_51, %mul3A_207 : i32
              %get3A_209 = arith.index_cast %add3A_208 : i32 to index
              %get3A_210 = tpu.vector_load %arg10[%get3A_209] {strides = array<i32>} : memref<3072xf32, #tpu.memory_space<vmem>>, vector<16xf32>,
              %get3A_211 = vector.shape_cast %get3A_210 : vector<16xf32> to vector<16xf32>
              %slice3A_212 = vector.extract_strided_slice %get3A_211 {offsets = [0], sizes = [1], strides = [1]} : vector<16xf32> to vector<1xf32>
              %squeeze3A_213 = vector.extract %slice3A_212[0] : f32 from vector<1xf32>
              %slice3A_214 = vector.extract_strided_slice %get3A_211 {offsets = [1], sizes = [1], strides = [1]} : vector<16xf32> to vector<1xf32>
              %squeeze3A_215 = vector.extract %slice3A_214[0] : f32 from vector<1xf32>
              %add3A_216 = arith.addf %squeeze3A_213, %squeeze3A_215 : f32
              %slice3A_217 = vector.extract_strided_slice %get3A_211 {offsets = [2], sizes = [1], strides = [1]} : vector<16xf32> to vector<1xf32>
              %squeeze3A_218 = vector.extract %slice3A_217[0] : f32 from vector<1xf32>
              %add3A_219 = arith.addf %add3A_216, %squeeze3A_218 : f32
              %slice3A_220 = vector.extract_strided_slice %get3A_211 {offsets = [3], sizes = [1], strides = [1]} : vector<16xf32> to vector<1xf32>
              %squeeze3A_221 = vector.extract %slice3A_220[0] : f32 from vector<1xf32>
              %add3A_222 = arith.addf %add3A_219, %squeeze3A_221 : f32
              %slice3A_223 = vector.extract_strided_slice %get3A_211 {offsets = [4], sizes = [1], strides = [1]} : vector<16xf32> to vector<1xf32>
              %squeeze3A_224 = vector.extract %slice3A_223[0] : f32 from vector<1xf32>
              %add3A_225 = arith.addf %add3A_222, %squeeze3A_224 : f32
              %slice3A_226 = vector.extract_strided_slice %get3A_211 {offsets = [5], sizes = [1], strides = [1]} : vector<16xf32> to vector<1xf32>
              %squeeze3A_227 = vector.extract %slice3A_226[0] : f32 from vector<1xf32>
              %add3A_228 = arith.addf %add3A_225, %squeeze3A_227 : f32
              %slice3A_229 = vector.extract_strided_slice %get3A_211 {offsets = [6], sizes = [1], strides = [1]} : vector<16xf32> to vector<1xf32>
              %squeeze3A_230 = vector.extract %slice3A_229[0] : f32 from vector<1xf32>
              %add3A_231 = arith.addf %add3A_228, %squeeze3A_230 : f32
              %slice3A_232 = vector.extract_strided_slice %get3A_211 {offsets = [7], sizes = [1], strides = [1]} : vector<16xf32> to vector<1xf32>
              %squeeze3A_233 = vector.extract %slice3A_232[0] : f32 from vector<1xf32>
              %add3A_234 = arith.addf %add3A_231, %squeeze3A_233 : f32
              %slice3A_235 = vector.extract_strided_slice %get3A_211 {offsets = [8], sizes = [1], strides = [1]} : vector<16xf32> to vector<1xf32>
              %squeeze3A_236 = vector.extract %slice3A_235[0] : f32 from vector<1xf32>
              %add3A_237 = arith.addf %add3A_234, %squeeze3A_236 : f32
              %slice3A_238 = vector.extract_strided_slice %get3A_211 {offsets = [9], sizes = [1], strides = [1]} : vector<16xf32> to vector<1xf32>
              %squeeze3A_239 = vector.extract %slice3A_238[0] : f32 from vector<1xf32>
              %add3A_240 = arith.addf %add3A_237, %squeeze3A_239 : f32
              %slice3A_241 = vector.extract_strided_slice %get3A_211 {offsets = [10], sizes = [1], strides = [1]} : vector<16xf32> to vector<1xf32>
              %squeeze3A_242 = vector.extract %slice3A_241[0] : f32 from vector<1xf32>
              %add3A_243 = arith.addf %add3A_240, %squeeze3A_242 : f32
              %slice3A_244 = vector.extract_strided_slice %get3A_211 {offsets = [11], sizes = [1], strides = [1]} : vector<16xf32> to vector<1xf32>
              %squeeze3A_245 = vector.extract %slice3A_244[0] : f32 from vector<1xf32>
              %add3A_246 = arith.addf %add3A_243, %squeeze3A_245 : f32
              %slice3A_247 = vector.extract_strided_slice %get3A_211 {offsets = [12], sizes = [1], strides = [1]} : vector<16xf32> to vector<1xf32>
              %squeeze3A_248 = vector.extract %slice3A_247[0] : f32 from vector<1xf32>
              %add3A_249 = arith.addf %add3A_246, %squeeze3A_248 : f32
              %slice3A_250 = vector.extract_strided_slice %get3A_211 {offsets = [13], sizes = [1], strides = [1]} : vector<16xf32> to vector<1xf32>
              %squeeze3A_251 = vector.extract %slice3A_250[0] : f32 from vector<1xf32>
              %add3A_252 = arith.addf %add3A_249, %squeeze3A_251 : f32
              %slice3A_253 = vector.extract_strided_slice %get3A_211 {offsets = [14], sizes = [1], strides = [1]} : vector<16xf32> to vector<1xf32>
              %squeeze3A_254 = vector.extract %slice3A_253[0] : f32 from vector<1xf32>
              %add3A_255 = arith.addf %add3A_252, %squeeze3A_254 : f32
              %slice3A_256 = vector.extract_strided_slice %get3A_211 {offsets = [15], sizes = [1], strides = [1]} : vector<16xf32> to vector<1xf32>
              %squeeze3A_257 = vector.extract %slice3A_256[0] : f32 from vector<1xf32>
              %add3A_258 = arith.addf %add3A_255, %squeeze3A_257 : f32
              %gt3A_259 = arith.constant 0.000000e+00 : f32
              %gt3A_260 = arith.cmpf ogt, %add3A_258, %gt3A_259 : f32
              %convert_element_type3A_261 = arith.extui %gt3A_260 : i1 to i32
              %cond3A_262 = arith.constant 0 : i32
              %cond3A_263 = arith.cmpi ne, %convert_element_type3A_261, %cond3A_262 : i32
              scf.if %cond3A_263 {
                %get3A_265 = arith.index_cast %add3A_208 : i32 to index
                %get3A_266 = tpu.vector_load %arg11[%get3A_265] {strides = array<i32>} : memref<3072xf32, #tpu.memory_space<vmem>>, vector<16xf32>,
                %get3A_267 = vector.shape_cast %get3A_266 : vector<16xf32> to vector<16xf32>
                %get3A_268 = arith.index_cast %add3A_208 : i32 to index
                %get3A_269 = tpu.vector_load %arg12[%get3A_268] {strides = array<i32>} : memref<3072xf32, #tpu.memory_space<vmem>>, vector<16xf32>,
                %get3A_270 = vector.shape_cast %get3A_269 : vector<16xf32> to vector<16xf32>
                %get3A_271 = arith.index_cast %add3A_208 : i32 to index
                %get3A_272 = tpu.vector_load %arg13[%get3A_271] {strides = array<i32>} : memref<3072xf32, #tpu.memory_space<vmem>>, vector<16xf32>,
                %get3A_273 = vector.shape_cast %get3A_272 : vector<16xf32> to vector<16xf32>
                %get3A_274 = arith.index_cast %add3A_208 : i32 to index
                %get3A_275 = tpu.vector_load %arg14[%get3A_274] {strides = array<i32>} : memref<3072xf32, #tpu.memory_space<vmem>>, vector<16xf32>,
                %get3A_276 = vector.shape_cast %get3A_275 : vector<16xf32> to vector<16xf32>
                %scan3A_277 = arith.constant 0 : i32
                %scan3A_278 = arith.constant 0 : i32
                %scan3A_279 = arith.constant 16 : i32
                %scan3A_280 = arith.addi %scan3A_278, %scan3A_279 : i32
                %scan3A_281 = arith.constant 1 : i32
                %scan3A_282 = scf.for %scan3A_284 = %scan3A_278 to %scan3A_280 step %scan3A_281 iter_args(%scan3A_285 = %scan3A_277) -> (i32)  : i32 {
                  %eq3A = vector.broadcast %scan3A_284 : i32 to vector<16xi32>
                  %eq3A_286 = arith.cmpi eq, %iota3A, %eq3A : vector<16xi32>
                  %jit3A_287 = arith.constant 1.000000e+00 : f32
                  %jit3A_288 = arith.constant 0.000000e+00 : f32
                  %broadcast_in_dim3A_289 = vector.broadcast %jit3A_287 : f32 to vector<16xf32>
                  %broadcast_in_dim3A_290 = vector.broadcast %jit3A_288 : f32 to vector<16xf32>
                  %select_n3A_291 = arith.select %eq3A_286, %broadcast_in_dim3A_289, %broadcast_in_dim3A_290 : vector<16xi1>, vector<16xf32>
                  %mul3A_292 = arith.mulf %get3A_211, %select_n3A_291 : vector<16xf32>
                  %slice3A_293 = vector.extract_strided_slice %mul3A_292 {offsets = [0], sizes = [1], strides = [1]} : vector<16xf32> to vector<1xf32>
                  %squeeze3A_294 = vector.extract %slice3A_293[0] : f32 from vector<1xf32>
                  %slice3A_295 = vector.extract_strided_slice %mul3A_292 {offsets = [1], sizes = [1], strides = [1]} : vector<16xf32> to vector<1xf32>
                  %squeeze3A_296 = vector.extract %slice3A_295[0] : f32 from vector<1xf32>
                  %add3A_297 = arith.addf %squeeze3A_294, %squeeze3A_296 : f32
                  %slice3A_298 = vector.extract_strided_slice %mul3A_292 {offsets = [2], sizes = [1], strides = [1]} : vector<16xf32> to vector<1xf32>
                  %squeeze3A_299 = vector.extract %slice3A_298[0] : f32 from vector<1xf32>
                  %add3A_300 = arith.addf %add3A_297, %squeeze3A_299 : f32
                  %slice3A_301 = vector.extract_strided_slice %mul3A_292 {offsets = [3], sizes = [1], strides = [1]} : vector<16xf32> to vector<1xf32>
                  %squeeze3A_302 = vector.extract %slice3A_301[0] : f32 from vector<1xf32>
                  %add3A_303 = arith.addf %add3A_300, %squeeze3A_302 : f32
                  %slice3A_304 = vector.extract_strided_slice %mul3A_292 {offsets = [4], sizes = [1], strides = [1]} : vector<16xf32> to vector<1xf32>
                  %squeeze3A_305 = vector.extract %slice3A_304[0] : f32 from vector<1xf32>
                  %add3A_306 = arith.addf %add3A_303, %squeeze3A_305 : f32
                  %slice3A_307 = vector.extract_strided_slice %mul3A_292 {offsets = [5], sizes = [1], strides = [1]} : vector<16xf32> to vector<1xf32>
                  %squeeze3A_308 = vector.extract %slice3A_307[0] : f32 from vector<1xf32>
                  %add3A_309 = arith.addf %add3A_306, %squeeze3A_308 : f32
                  %slice3A_310 = vector.extract_strided_slice %mul3A_292 {offsets = [6], sizes = [1], strides = [1]} : vector<16xf32> to vector<1xf32>
                  %squeeze3A_311 = vector.extract %slice3A_310[0] : f32 from vector<1xf32>
                  %add3A_312 = arith.addf %add3A_309, %squeeze3A_311 : f32
                  %slice3A_313 = vector.extract_strided_slice %mul3A_292 {offsets = [7], sizes = [1], strides = [1]} : vector<16xf32> to vector<1xf32>
                  %squeeze3A_314 = vector.extract %slice3A_313[0] : f32 from vector<1xf32>
                  %add3A_315 = arith.addf %add3A_312, %squeeze3A_314 : f32
                  %slice3A_316 = vector.extract_strided_slice %mul3A_292 {offsets = [8], sizes = [1], strides = [1]} : vector<16xf32> to vector<1xf32>
                  %squeeze3A_317 = vector.extract %slice3A_316[0] : f32 from vector<1xf32>
                  %add3A_318 = arith.addf %add3A_315, %squeeze3A_317 : f32
                  %slice3A_319 = vector.extract_strided_slice %mul3A_292 {offsets = [9], sizes = [1], strides = [1]} : vector<16xf32> to vector<1xf32>
                  %squeeze3A_320 = vector.extract %slice3A_319[0] : f32 from vector<1xf32>
                  %add3A_321 = arith.addf %add3A_318, %squeeze3A_320 : f32
                  %slice3A_322 = vector.extract_strided_slice %mul3A_292 {offsets = [10], sizes = [1], strides = [1]} : vector<16xf32> to vector<1xf32>
                  %squeeze3A_323 = vector.extract %slice3A_322[0] : f32 from vector<1xf32>
                  %add3A_324 = arith.addf %add3A_321, %squeeze3A_323 : f32
                  %slice3A_325 = vector.extract_strided_slice %mul3A_292 {offsets = [11], sizes = [1], strides = [1]} : vector<16xf32> to vector<1xf32>
                  %squeeze3A_326 = vector.extract %slice3A_325[0] : f32 from vector<1xf32>
                  %add3A_327 = arith.addf %add3A_324, %squeeze3A_326 : f32
                  %slice3A_328 = vector.extract_strided_slice %mul3A_292 {offsets = [12], sizes = [1], strides = [1]} : vector<16xf32> to vector<1xf32>
                  %squeeze3A_329 = vector.extract %slice3A_328[0] : f32 from vector<1xf32>
                  %add3A_330 = arith.addf %add3A_327, %squeeze3A_329 : f32
                  %slice3A_331 = vector.extract_strided_slice %mul3A_292 {offsets = [13], sizes = [1], strides = [1]} : vector<16xf32> to vector<1xf32>
                  %squeeze3A_332 = vector.extract %slice3A_331[0] : f32 from vector<1xf32>
                  %add3A_333 = arith.addf %add3A_330, %squeeze3A_332 : f32
                  %slice3A_334 = vector.extract_strided_slice %mul3A_292 {offsets = [14], sizes = [1], strides = [1]} : vector<16xf32> to vector<1xf32>
                  %squeeze3A_335 = vector.extract %slice3A_334[0] : f32 from vector<1xf32>
                  %add3A_336 = arith.addf %add3A_333, %squeeze3A_335 : f32
                  %slice3A_337 = vector.extract_strided_slice %mul3A_292 {offsets = [15], sizes = [1], strides = [1]} : vector<16xf32> to vector<1xf32>
                  %squeeze3A_338 = vector.extract %slice3A_337[0] : f32 from vector<1xf32>
                  %add3A_339 = arith.addf %add3A_336, %squeeze3A_338 : f32
                  %gt3A_340 = arith.constant 0.000000e+00 : f32
                  %gt3A_341 = arith.cmpf ogt, %add3A_339, %gt3A_340 : f32
                  %convert_element_type3A_342 = arith.extui %gt3A_341 : i1 to i32
                  %cond3A_343 = arith.constant 0 : i32
                  %cond3A_344 = arith.cmpi ne, %convert_element_type3A_342, %cond3A_343 : i32
                  scf.if %cond3A_344 {
                    %mul3A_346 = arith.mulf %get3A_267, %select_n3A_291 : vector<16xf32>
                    %slice3A_347 = vector.extract_strided_slice %mul3A_346 {offsets = [0], sizes = [1], strides = [1]} : vector<16xf32> to vector<1xf32>
                    %squeeze3A_348 = vector.extract %slice3A_347[0] : f32 from vector<1xf32>
                    %slice3A_349 = vector.extract_strided_slice %mul3A_346 {offsets = [1], sizes = [1], strides = [1]} : vector<16xf32> to vector<1xf32>
                    %squeeze3A_350 = vector.extract %slice3A_349[0] : f32 from vector<1xf32>
                    %add3A_351 = arith.addf %squeeze3A_348, %squeeze3A_350 : f32
                    %slice3A_352 = vector.extract_strided_slice %mul3A_346 {offsets = [2], sizes = [1], strides = [1]} : vector<16xf32> to vector<1xf32>
                    %squeeze3A_353 = vector.extract %slice3A_352[0] : f32 from vector<1xf32>
                    %add3A_354 = arith.addf %add3A_351, %squeeze3A_353 : f32
                    %slice3A_355 = vector.extract_strided_slice %mul3A_346 {offsets = [3], sizes = [1], strides = [1]} : vector<16xf32> to vector<1xf32>
                    %squeeze3A_356 = vector.extract %slice3A_355[0] : f32 from vector<1xf32>
                    %add3A_357 = arith.addf %add3A_354, %squeeze3A_356 : f32
                    %slice3A_358 = vector.extract_strided_slice %mul3A_346 {offsets = [4], sizes = [1], strides = [1]} : vector<16xf32> to vector<1xf32>
                    %squeeze3A_359 = vector.extract %slice3A_358[0] : f32 from vector<1xf32>
                    %add3A_360 = arith.addf %add3A_357, %squeeze3A_359 : f32
                    %slice3A_361 = vector.extract_strided_slice %mul3A_346 {offsets = [5], sizes = [1], strides = [1]} : vector<16xf32> to vector<1xf32>
                    %squeeze3A_362 = vector.extract %slice3A_361[0] : f32 from vector<1xf32>
                    %add3A_363 = arith.addf %add3A_360, %squeeze3A_362 : f32
                    %slice3A_364 = vector.extract_strided_slice %mul3A_346 {offsets = [6], sizes = [1], strides = [1]} : vector<16xf32> to vector<1xf32>
                    %squeeze3A_365 = vector.extract %slice3A_364[0] : f32 from vector<1xf32>
                    %add3A_366 = arith.addf %add3A_363, %squeeze3A_365 : f32
                    %slice3A_367 = vector.extract_strided_slice %mul3A_346 {offsets = [7], sizes = [1], strides = [1]} : vector<16xf32> to vector<1xf32>
                    %squeeze3A_368 = vector.extract %slice3A_367[0] : f32 from vector<1xf32>
                    %add3A_369 = arith.addf %add3A_366, %squeeze3A_368 : f32
                    %slice3A_370 = vector.extract_strided_slice %mul3A_346 {offsets = [8], sizes = [1], strides = [1]} : vector<16xf32> to vector<1xf32>
                    %squeeze3A_371 = vector.extract %slice3A_370[0] : f32 from vector<1xf32>
                    %add3A_372 = arith.addf %add3A_369, %squeeze3A_371 : f32
                    %slice3A_373 = vector.extract_strided_slice %mul3A_346 {offsets = [9], sizes = [1], strides = [1]} : vector<16xf32> to vector<1xf32>
                    %squeeze3A_374 = vector.extract %slice3A_373[0] : f32 from vector<1xf32>
                    %add3A_375 = arith.addf %add3A_372, %squeeze3A_374 : f32
                    %slice3A_376 = vector.extract_strided_slice %mul3A_346 {offsets = [10], sizes = [1], strides = [1]} : vector<16xf32> to vector<1xf32>
                    %squeeze3A_377 = vector.extract %slice3A_376[0] : f32 from vector<1xf32>
                    %add3A_378 = arith.addf %add3A_375, %squeeze3A_377 : f32
                    %slice3A_379 = vector.extract_strided_slice %mul3A_346 {offsets = [11], sizes = [1], strides = [1]} : vector<16xf32> to vector<1xf32>
                    %squeeze3A_380 = vector.extract %slice3A_379[0] : f32 from vector<1xf32>
                    %add3A_381 = arith.addf %add3A_378, %squeeze3A_380 : f32
                    %slice3A_382 = vector.extract_strided_slice %mul3A_346 {offsets = [12], sizes = [1], strides = [1]} : vector<16xf32> to vector<1xf32>
                    %squeeze3A_383 = vector.extract %slice3A_382[0] : f32 from vector<1xf32>
                    %add3A_384 = arith.addf %add3A_381, %squeeze3A_383 : f32
                    %slice3A_385 = vector.extract_strided_slice %mul3A_346 {offsets = [13], sizes = [1], strides = [1]} : vector<16xf32> to vector<1xf32>
                    %squeeze3A_386 = vector.extract %slice3A_385[0] : f32 from vector<1xf32>
                    %add3A_387 = arith.addf %add3A_384, %squeeze3A_386 : f32
                    %slice3A_388 = vector.extract_strided_slice %mul3A_346 {offsets = [14], sizes = [1], strides = [1]} : vector<16xf32> to vector<1xf32>
                    %squeeze3A_389 = vector.extract %slice3A_388[0] : f32 from vector<1xf32>
                    %add3A_390 = arith.addf %add3A_387, %squeeze3A_389 : f32
                    %slice3A_391 = vector.extract_strided_slice %mul3A_346 {offsets = [15], sizes = [1], strides = [1]} : vector<16xf32> to vector<1xf32>
                    %squeeze3A_392 = vector.extract %slice3A_391[0] : f32 from vector<1xf32>
                    %add3A_393 = arith.addf %add3A_390, %squeeze3A_392 : f32
                    %mul3A_394 = arith.mulf %get3A_270, %select_n3A_291 : vector<16xf32>
                    %slice3A_395 = vector.extract_strided_slice %mul3A_394 {offsets = [0], sizes = [1], strides = [1]} : vector<16xf32> to vector<1xf32>
                    %squeeze3A_396 = vector.extract %slice3A_395[0] : f32 from vector<1xf32>
                    %slice3A_397 = vector.extract_strided_slice %mul3A_394 {offsets = [1], sizes = [1], strides = [1]} : vector<16xf32> to vector<1xf32>
                    %squeeze3A_398 = vector.extract %slice3A_397[0] : f32 from vector<1xf32>
                    %add3A_399 = arith.addf %squeeze3A_396, %squeeze3A_398 : f32
                    %slice3A_400 = vector.extract_strided_slice %mul3A_394 {offsets = [2], sizes = [1], strides = [1]} : vector<16xf32> to vector<1xf32>
                    %squeeze3A_401 = vector.extract %slice3A_400[0] : f32 from vector<1xf32>
                    %add3A_402 = arith.addf %add3A_399, %squeeze3A_401 : f32
                    %slice3A_403 = vector.extract_strided_slice %mul3A_394 {offsets = [3], sizes = [1], strides = [1]} : vector<16xf32> to vector<1xf32>
                    %squeeze3A_404 = vector.extract %slice3A_403[0] : f32 from vector<1xf32>
                    %add3A_405 = arith.addf %add3A_402, %squeeze3A_404 : f32
                    %slice3A_406 = vector.extract_strided_slice %mul3A_394 {offsets = [4], sizes = [1], strides = [1]} : vector<16xf32> to vector<1xf32>
                    %squeeze3A_407 = vector.extract %slice3A_406[0] : f32 from vector<1xf32>
                    %add3A_408 = arith.addf %add3A_405, %squeeze3A_407 : f32
                    %slice3A_409 = vector.extract_strided_slice %mul3A_394 {offsets = [5], sizes = [1], strides = [1]} : vector<16xf32> to vector<1xf32>
                    %squeeze3A_410 = vector.extract %slice3A_409[0] : f32 from vector<1xf32>
                    %add3A_411 = arith.addf %add3A_408, %squeeze3A_410 : f32
                    %slice3A_412 = vector.extract_strided_slice %mul3A_394 {offsets = [6], sizes = [1], strides = [1]} : vector<16xf32> to vector<1xf32>
                    %squeeze3A_413 = vector.extract %slice3A_412[0] : f32 from vector<1xf32>
                    %add3A_414 = arith.addf %add3A_411, %squeeze3A_413 : f32
                    %slice3A_415 = vector.extract_strided_slice %mul3A_394 {offsets = [7], sizes = [1], strides = [1]} : vector<16xf32> to vector<1xf32>
                    %squeeze3A_416 = vector.extract %slice3A_415[0] : f32 from vector<1xf32>
                    %add3A_417 = arith.addf %add3A_414, %squeeze3A_416 : f32
                    %slice3A_418 = vector.extract_strided_slice %mul3A_394 {offsets = [8], sizes = [1], strides = [1]} : vector<16xf32> to vector<1xf32>
                    %squeeze3A_419 = vector.extract %slice3A_418[0] : f32 from vector<1xf32>
                    %add3A_420 = arith.addf %add3A_417, %squeeze3A_419 : f32
                    %slice3A_421 = vector.extract_strided_slice %mul3A_394 {offsets = [9], sizes = [1], strides = [1]} : vector<16xf32> to vector<1xf32>
                    %squeeze3A_422 = vector.extract %slice3A_421[0] : f32 from vector<1xf32>
                    %add3A_423 = arith.addf %add3A_420, %squeeze3A_422 : f32
                    %slice3A_424 = vector.extract_strided_slice %mul3A_394 {offsets = [10], sizes = [1], strides = [1]} : vector<16xf32> to vector<1xf32>
                    %squeeze3A_425 = vector.extract %slice3A_424[0] : f32 from vector<1xf32>
                    %add3A_426 = arith.addf %add3A_423, %squeeze3A_425 : f32
                    %slice3A_427 = vector.extract_strided_slice %mul3A_394 {offsets = [11], sizes = [1], strides = [1]} : vector<16xf32> to vector<1xf32>
                    %squeeze3A_428 = vector.extract %slice3A_427[0] : f32 from vector<1xf32>
                    %add3A_429 = arith.addf %add3A_426, %squeeze3A_428 : f32
                    %slice3A_430 = vector.extract_strided_slice %mul3A_394 {offsets = [12], sizes = [1], strides = [1]} : vector<16xf32> to vector<1xf32>
                    %squeeze3A_431 = vector.extract %slice3A_430[0] : f32 from vector<1xf32>
                    %add3A_432 = arith.addf %add3A_429, %squeeze3A_431 : f32
                    %slice3A_433 = vector.extract_strided_slice %mul3A_394 {offsets = [13], sizes = [1], strides = [1]} : vector<16xf32> to vector<1xf32>
                    %squeeze3A_434 = vector.extract %slice3A_433[0] : f32 from vector<1xf32>
                    %add3A_435 = arith.addf %add3A_432, %squeeze3A_434 : f32
                    %slice3A_436 = vector.extract_strided_slice %mul3A_394 {offsets = [14], sizes = [1], strides = [1]} : vector<16xf32> to vector<1xf32>
                    %squeeze3A_437 = vector.extract %slice3A_436[0] : f32 from vector<1xf32>
                    %add3A_438 = arith.addf %add3A_435, %squeeze3A_437 : f32
                    %slice3A_439 = vector.extract_strided_slice %mul3A_394 {offsets = [15], sizes = [1], strides = [1]} : vector<16xf32> to vector<1xf32>
                    %squeeze3A_440 = vector.extract %slice3A_439[0] : f32 from vector<1xf32>
                    %add3A_441 = arith.addf %add3A_438, %squeeze3A_440 : f32
                    %mul3A_442 = arith.mulf %get3A_273, %select_n3A_291 : vector<16xf32>
                    %slice3A_443 = vector.extract_strided_slice %mul3A_442 {offsets = [0], sizes = [1], strides = [1]} : vector<16xf32> to vector<1xf32>
                    %squeeze3A_444 = vector.extract %slice3A_443[0] : f32 from vector<1xf32>
                    %slice3A_445 = vector.extract_strided_slice %mul3A_442 {offsets = [1], sizes = [1], strides = [1]} : vector<16xf32> to vector<1xf32>
                    %squeeze3A_446 = vector.extract %slice3A_445[0] : f32 from vector<1xf32>
                    %add3A_447 = arith.addf %squeeze3A_444, %squeeze3A_446 : f32
                    %slice3A_448 = vector.extract_strided_slice %mul3A_442 {offsets = [2], sizes = [1], strides = [1]} : vector<16xf32> to vector<1xf32>
                    %squeeze3A_449 = vector.extract %slice3A_448[0] : f32 from vector<1xf32>
                    %add3A_450 = arith.addf %add3A_447, %squeeze3A_449 : f32
                    %slice3A_451 = vector.extract_strided_slice %mul3A_442 {offsets = [3], sizes = [1], strides = [1]} : vector<16xf32> to vector<1xf32>
                    %squeeze3A_452 = vector.extract %slice3A_451[0] : f32 from vector<1xf32>
                    %add3A_453 = arith.addf %add3A_450, %squeeze3A_452 : f32
                    %slice3A_454 = vector.extract_strided_slice %mul3A_442 {offsets = [4], sizes = [1], strides = [1]} : vector<16xf32> to vector<1xf32>
                    %squeeze3A_455 = vector.extract %slice3A_454[0] : f32 from vector<1xf32>
                    %add3A_456 = arith.addf %add3A_453, %squeeze3A_455 : f32
                    %slice3A_457 = vector.extract_strided_slice %mul3A_442 {offsets = [5], sizes = [1], strides = [1]} : vector<16xf32> to vector<1xf32>
                    %squeeze3A_458 = vector.extract %slice3A_457[0] : f32 from vector<1xf32>
                    %add3A_459 = arith.addf %add3A_456, %squeeze3A_458 : f32
                    %slice3A_460 = vector.extract_strided_slice %mul3A_442 {offsets = [6], sizes = [1], strides = [1]} : vector<16xf32> to vector<1xf32>
                    %squeeze3A_461 = vector.extract %slice3A_460[0] : f32 from vector<1xf32>
                    %add3A_462 = arith.addf %add3A_459, %squeeze3A_461 : f32
                    %slice3A_463 = vector.extract_strided_slice %mul3A_442 {offsets = [7], sizes = [1], strides = [1]} : vector<16xf32> to vector<1xf32>
                    %squeeze3A_464 = vector.extract %slice3A_463[0] : f32 from vector<1xf32>
                    %add3A_465 = arith.addf %add3A_462, %squeeze3A_464 : f32
                    %slice3A_466 = vector.extract_strided_slice %mul3A_442 {offsets = [8], sizes = [1], strides = [1]} : vector<16xf32> to vector<1xf32>
                    %squeeze3A_467 = vector.extract %slice3A_466[0] : f32 from vector<1xf32>
                    %add3A_468 = arith.addf %add3A_465, %squeeze3A_467 : f32
                    %slice3A_469 = vector.extract_strided_slice %mul3A_442 {offsets = [9], sizes = [1], strides = [1]} : vector<16xf32> to vector<1xf32>
                    %squeeze3A_470 = vector.extract %slice3A_469[0] : f32 from vector<1xf32>
                    %add3A_471 = arith.addf %add3A_468, %squeeze3A_470 : f32
                    %slice3A_472 = vector.extract_strided_slice %mul3A_442 {offsets = [10], sizes = [1], strides = [1]} : vector<16xf32> to vector<1xf32>
                    %squeeze3A_473 = vector.extract %slice3A_472[0] : f32 from vector<1xf32>
                    %add3A_474 = arith.addf %add3A_471, %squeeze3A_473 : f32
                    %slice3A_475 = vector.extract_strided_slice %mul3A_442 {offsets = [11], sizes = [1], strides = [1]} : vector<16xf32> to vector<1xf32>
                    %squeeze3A_476 = vector.extract %slice3A_475[0] : f32 from vector<1xf32>
                    %add3A_477 = arith.addf %add3A_474, %squeeze3A_476 : f32
                    %slice3A_478 = vector.extract_strided_slice %mul3A_442 {offsets = [12], sizes = [1], strides = [1]} : vector<16xf32> to vector<1xf32>
                    %squeeze3A_479 = vector.extract %slice3A_478[0] : f32 from vector<1xf32>
                    %add3A_480 = arith.addf %add3A_477, %squeeze3A_479 : f32
                    %slice3A_481 = vector.extract_strided_slice %mul3A_442 {offsets = [13], sizes = [1], strides = [1]} : vector<16xf32> to vector<1xf32>
                    %squeeze3A_482 = vector.extract %slice3A_481[0] : f32 from vector<1xf32>
                    %add3A_483 = arith.addf %add3A_480, %squeeze3A_482 : f32
                    %slice3A_484 = vector.extract_strided_slice %mul3A_442 {offsets = [14], sizes = [1], strides = [1]} : vector<16xf32> to vector<1xf32>
                    %squeeze3A_485 = vector.extract %slice3A_484[0] : f32 from vector<1xf32>
                    %add3A_486 = arith.addf %add3A_483, %squeeze3A_485 : f32
                    %slice3A_487 = vector.extract_strided_slice %mul3A_442 {offsets = [15], sizes = [1], strides = [1]} : vector<16xf32> to vector<1xf32>
                    %squeeze3A_488 = vector.extract %slice3A_487[0] : f32 from vector<1xf32>
                    %add3A_489 = arith.addf %add3A_486, %squeeze3A_488 : f32
                    %mul3A_490 = arith.mulf %get3A_276, %select_n3A_291 : vector<16xf32>
                    %slice3A_491 = vector.extract_strided_slice %mul3A_490 {offsets = [0], sizes = [1], strides = [1]} : vector<16xf32> to vector<1xf32>
                    %squeeze3A_492 = vector.extract %slice3A_491[0] : f32 from vector<1xf32>
                    %slice3A_493 = vector.extract_strided_slice %mul3A_490 {offsets = [1], sizes = [1], strides = [1]} : vector<16xf32> to vector<1xf32>
                    %squeeze3A_494 = vector.extract %slice3A_493[0] : f32 from vector<1xf32>
                    %add3A_495 = arith.addf %squeeze3A_492, %squeeze3A_494 : f32
                    %slice3A_496 = vector.extract_strided_slice %mul3A_490 {offsets = [2], sizes = [1], strides = [1]} : vector<16xf32> to vector<1xf32>
                    %squeeze3A_497 = vector.extract %slice3A_496[0] : f32 from vector<1xf32>
                    %add3A_498 = arith.addf %add3A_495, %squeeze3A_497 : f32
                    %slice3A_499 = vector.extract_strided_slice %mul3A_490 {offsets = [3], sizes = [1], strides = [1]} : vector<16xf32> to vector<1xf32>
                    %squeeze3A_500 = vector.extract %slice3A_499[0] : f32 from vector<1xf32>
                    %add3A_501 = arith.addf %add3A_498, %squeeze3A_500 : f32
                    %slice3A_502 = vector.extract_strided_slice %mul3A_490 {offsets = [4], sizes = [1], strides = [1]} : vector<16xf32> to vector<1xf32>
                    %squeeze3A_503 = vector.extract %slice3A_502[0] : f32 from vector<1xf32>
                    %add3A_504 = arith.addf %add3A_501, %squeeze3A_503 : f32
                    %slice3A_505 = vector.extract_strided_slice %mul3A_490 {offsets = [5], sizes = [1], strides = [1]} : vector<16xf32> to vector<1xf32>
                    %squeeze3A_506 = vector.extract %slice3A_505[0] : f32 from vector<1xf32>
                    %add3A_507 = arith.addf %add3A_504, %squeeze3A_506 : f32
                    %slice3A_508 = vector.extract_strided_slice %mul3A_490 {offsets = [6], sizes = [1], strides = [1]} : vector<16xf32> to vector<1xf32>
                    %squeeze3A_509 = vector.extract %slice3A_508[0] : f32 from vector<1xf32>
                    %add3A_510 = arith.addf %add3A_507, %squeeze3A_509 : f32
                    %slice3A_511 = vector.extract_strided_slice %mul3A_490 {offsets = [7], sizes = [1], strides = [1]} : vector<16xf32> to vector<1xf32>
                    %squeeze3A_512 = vector.extract %slice3A_511[0] : f32 from vector<1xf32>
                    %add3A_513 = arith.addf %add3A_510, %squeeze3A_512 : f32
                    %slice3A_514 = vector.extract_strided_slice %mul3A_490 {offsets = [8], sizes = [1], strides = [1]} : vector<16xf32> to vector<1xf32>
                    %squeeze3A_515 = vector.extract %slice3A_514[0] : f32 from vector<1xf32>
                    %add3A_516 = arith.addf %add3A_513, %squeeze3A_515 : f32
                    %slice3A_517 = vector.extract_strided_slice %mul3A_490 {offsets = [9], sizes = [1], strides = [1]} : vector<16xf32> to vector<1xf32>
                    %squeeze3A_518 = vector.extract %slice3A_517[0] : f32 from vector<1xf32>
                    %add3A_519 = arith.addf %add3A_516, %squeeze3A_518 : f32
                    %slice3A_520 = vector.extract_strided_slice %mul3A_490 {offsets = [10], sizes = [1], strides = [1]} : vector<16xf32> to vector<1xf32>
                    %squeeze3A_521 = vector.extract %slice3A_520[0] : f32 from vector<1xf32>
                    %add3A_522 = arith.addf %add3A_519, %squeeze3A_521 : f32
                    %slice3A_523 = vector.extract_strided_slice %mul3A_490 {offsets = [11], sizes = [1], strides = [1]} : vector<16xf32> to vector<1xf32>
                    %squeeze3A_524 = vector.extract %slice3A_523[0] : f32 from vector<1xf32>
                    %add3A_525 = arith.addf %add3A_522, %squeeze3A_524 : f32
                    %slice3A_526 = vector.extract_strided_slice %mul3A_490 {offsets = [12], sizes = [1], strides = [1]} : vector<16xf32> to vector<1xf32>
                    %squeeze3A_527 = vector.extract %slice3A_526[0] : f32 from vector<1xf32>
                    %add3A_528 = arith.addf %add3A_525, %squeeze3A_527 : f32
                    %slice3A_529 = vector.extract_strided_slice %mul3A_490 {offsets = [13], sizes = [1], strides = [1]} : vector<16xf32> to vector<1xf32>
                    %squeeze3A_530 = vector.extract %slice3A_529[0] : f32 from vector<1xf32>
                    %add3A_531 = arith.addf %add3A_528, %squeeze3A_530 : f32
                    %slice3A_532 = vector.extract_strided_slice %mul3A_490 {offsets = [14], sizes = [1], strides = [1]} : vector<16xf32> to vector<1xf32>
                    %squeeze3A_533 = vector.extract %slice3A_532[0] : f32 from vector<1xf32>
                    %add3A_534 = arith.addf %add3A_531, %squeeze3A_533 : f32
                    %slice3A_535 = vector.extract_strided_slice %mul3A_490 {offsets = [15], sizes = [1], strides = [1]} : vector<16xf32> to vector<1xf32>
                    %squeeze3A_536 = vector.extract %slice3A_535[0] : f32 from vector<1xf32>
                    %add3A_537 = arith.addf %add3A_534, %squeeze3A_536 : f32
                    %add3A_538 = arith.addi %add3A_208, %scan3A_284 : i32
                    %rem3A = arith.constant 32 : i32
                    %rem3A_539 = arith.remsi %add3A_538, %rem3A : i32
                    %div3A = arith.constant 32 : i32
                    %div3A_540 = arith.divsi %add3A_538, %div3A : i32
                    %sub3A_541 = vector.broadcast %add3A_393 : f32 to vector<16xf32>
                    %sub3A_542 = arith.subf %mul3A, %sub3A_541 : vector<16xf32>
                    %neg3A = arith.constant 0.000000e+00 : f32
                    %neg3A_543 = vector.broadcast %neg3A : f32 to vector<16xf32>
                    %neg3A_544 = arith.subf %neg3A_543, %sub3A_542 : vector<16xf32>
                    %sub3A_545 = vector.broadcast %add3A_393 : f32 to vector<16xf32>
                    %sub3A_546 = arith.subf %mul3A, %sub3A_545 : vector<16xf32>
                    %mul3A_547 = arith.mulf %neg3A_544, %sub3A_546 : vector<16xf32>
                    %mul3A_548 = vector.broadcast %squeeze3A : f32 to vector<16xf32>
                    %mul3A_549 = arith.mulf %mul3A_547, %mul3A_548 : vector<16xf32>
                    %exp3A = math.exp %mul3A_549 : vector<16xf32>
                    %mul3A_550 = arith.mulf %exp3A, %select_n3A : vector<16xf32>
                    %sub3A_551 = vector.broadcast %add3A_441 : f32 to vector<16xf32>
                    %sub3A_552 = arith.subf %mul3A, %sub3A_551 : vector<16xf32>
                    %neg3A_553 = arith.constant 0.000000e+00 : f32
                    %neg3A_554 = vector.broadcast %neg3A_553 : f32 to vector<16xf32>
                    %neg3A_555 = arith.subf %neg3A_554, %sub3A_552 : vector<16xf32>
                    %sub3A_556 = vector.broadcast %add3A_441 : f32 to vector<16xf32>
                    %sub3A_557 = arith.subf %mul3A, %sub3A_556 : vector<16xf32>
                    %mul3A_558 = arith.mulf %neg3A_555, %sub3A_557 : vector<16xf32>
                    %mul3A_559 = vector.broadcast %squeeze3A : f32 to vector<16xf32>
                    %mul3A_560 = arith.mulf %mul3A_558, %mul3A_559 : vector<16xf32>
                    %exp3A_561 = math.exp %mul3A_560 : vector<16xf32>
                    %mul3A_562 = arith.mulf %exp3A_561, %select_n3A : vector<16xf32>
                    %sub3A_563 = vector.broadcast %add3A_489 : f32 to vector<16xf32>
                    %sub3A_564 = arith.subf %mul3A, %sub3A_563 : vector<16xf32>
                    %neg3A_565 = arith.constant 0.000000e+00 : f32
                    %neg3A_566 = vector.broadcast %neg3A_565 : f32 to vector<16xf32>
                    %neg3A_567 = arith.subf %neg3A_566, %sub3A_564 : vector<16xf32>
                    %sub3A_568 = vector.broadcast %add3A_489 : f32 to vector<16xf32>
                    %sub3A_569 = arith.subf %mul3A, %sub3A_568 : vector<16xf32>
                    %mul3A_570 = arith.mulf %neg3A_567, %sub3A_569 : vector<16xf32>
                    %mul3A_571 = vector.broadcast %squeeze3A : f32 to vector<16xf32>
                    %mul3A_572 = arith.mulf %mul3A_570, %mul3A_571 : vector<16xf32>
                    %exp3A_573 = math.exp %mul3A_572 : vector<16xf32>
                    %mul3A_574 = arith.mulf %exp3A_573, %select_n3A : vector<16xf32>
                    %slice3A_575 = vector.extract_strided_slice %mul3A_550 {offsets = [0], sizes = [1], strides = [1]} : vector<16xf32> to vector<1xf32>
                    %squeeze3A_576 = vector.extract %slice3A_575[0] : f32 from vector<1xf32>
                    %slice3A_577 = vector.extract_strided_slice %mul3A_550 {offsets = [1], sizes = [1], strides = [1]} : vector<16xf32> to vector<1xf32>
                    %squeeze3A_578 = vector.extract %slice3A_577[0] : f32 from vector<1xf32>
                    %add3A_579 = arith.addf %squeeze3A_576, %squeeze3A_578 : f32
                    %slice3A_580 = vector.extract_strided_slice %mul3A_550 {offsets = [2], sizes = [1], strides = [1]} : vector<16xf32> to vector<1xf32>
                    %squeeze3A_581 = vector.extract %slice3A_580[0] : f32 from vector<1xf32>
                    %add3A_582 = arith.addf %add3A_579, %squeeze3A_581 : f32
                    %slice3A_583 = vector.extract_strided_slice %mul3A_550 {offsets = [3], sizes = [1], strides = [1]} : vector<16xf32> to vector<1xf32>
                    %squeeze3A_584 = vector.extract %slice3A_583[0] : f32 from vector<1xf32>
                    %add3A_585 = arith.addf %add3A_582, %squeeze3A_584 : f32
                    %slice3A_586 = vector.extract_strided_slice %mul3A_550 {offsets = [4], sizes = [1], strides = [1]} : vector<16xf32> to vector<1xf32>
                    %squeeze3A_587 = vector.extract %slice3A_586[0] : f32 from vector<1xf32>
                    %add3A_588 = arith.addf %add3A_585, %squeeze3A_587 : f32
                    %slice3A_589 = vector.extract_strided_slice %mul3A_550 {offsets = [5], sizes = [1], strides = [1]} : vector<16xf32> to vector<1xf32>
                    %squeeze3A_590 = vector.extract %slice3A_589[0] : f32 from vector<1xf32>
                    %add3A_591 = arith.addf %add3A_588, %squeeze3A_590 : f32
                    %slice3A_592 = vector.extract_strided_slice %mul3A_550 {offsets = [6], sizes = [1], strides = [1]} : vector<16xf32> to vector<1xf32>
                    %squeeze3A_593 = vector.extract %slice3A_592[0] : f32 from vector<1xf32>
                    %add3A_594 = arith.addf %add3A_591, %squeeze3A_593 : f32
                    %slice3A_595 = vector.extract_strided_slice %mul3A_550 {offsets = [7], sizes = [1], strides = [1]} : vector<16xf32> to vector<1xf32>
                    %squeeze3A_596 = vector.extract %slice3A_595[0] : f32 from vector<1xf32>
                    %add3A_597 = arith.addf %add3A_594, %squeeze3A_596 : f32
                    %slice3A_598 = vector.extract_strided_slice %mul3A_550 {offsets = [8], sizes = [1], strides = [1]} : vector<16xf32> to vector<1xf32>
                    %squeeze3A_599 = vector.extract %slice3A_598[0] : f32 from vector<1xf32>
                    %add3A_600 = arith.addf %add3A_597, %squeeze3A_599 : f32
                    %slice3A_601 = vector.extract_strided_slice %mul3A_562 {offsets = [0], sizes = [1], strides = [1]} : vector<16xf32> to vector<1xf32>
                    %squeeze3A_602 = vector.extract %slice3A_601[0] : f32 from vector<1xf32>
                    %slice3A_603 = vector.extract_strided_slice %mul3A_562 {offsets = [1], sizes = [1], strides = [1]} : vector<16xf32> to vector<1xf32>
                    %squeeze3A_604 = vector.extract %slice3A_603[0] : f32 from vector<1xf32>
                    %add3A_605 = arith.addf %squeeze3A_602, %squeeze3A_604 : f32
                    %slice3A_606 = vector.extract_strided_slice %mul3A_562 {offsets = [2], sizes = [1], strides = [1]} : vector<16xf32> to vector<1xf32>
                    %squeeze3A_607 = vector.extract %slice3A_606[0] : f32 from vector<1xf32>
                    %add3A_608 = arith.addf %add3A_605, %squeeze3A_607 : f32
                    %slice3A_609 = vector.extract_strided_slice %mul3A_562 {offsets = [3], sizes = [1], strides = [1]} : vector<16xf32> to vector<1xf32>
                    %squeeze3A_610 = vector.extract %slice3A_609[0] : f32 from vector<1xf32>
                    %add3A_611 = arith.addf %add3A_608, %squeeze3A_610 : f32
                    %slice3A_612 = vector.extract_strided_slice %mul3A_562 {offsets = [4], sizes = [1], strides = [1]} : vector<16xf32> to vector<1xf32>
                    %squeeze3A_613 = vector.extract %slice3A_612[0] : f32 from vector<1xf32>
                    %add3A_614 = arith.addf %add3A_611, %squeeze3A_613 : f32
                    %slice3A_615 = vector.extract_strided_slice %mul3A_562 {offsets = [5], sizes = [1], strides = [1]} : vector<16xf32> to vector<1xf32>
                    %squeeze3A_616 = vector.extract %slice3A_615[0] : f32 from vector<1xf32>
                    %add3A_617 = arith.addf %add3A_614, %squeeze3A_616 : f32
                    %slice3A_618 = vector.extract_strided_slice %mul3A_562 {offsets = [6], sizes = [1], strides = [1]} : vector<16xf32> to vector<1xf32>
                    %squeeze3A_619 = vector.extract %slice3A_618[0] : f32 from vector<1xf32>
                    %add3A_620 = arith.addf %add3A_617, %squeeze3A_619 : f32
                    %slice3A_621 = vector.extract_strided_slice %mul3A_562 {offsets = [7], sizes = [1], strides = [1]} : vector<16xf32> to vector<1xf32>
                    %squeeze3A_622 = vector.extract %slice3A_621[0] : f32 from vector<1xf32>
                    %add3A_623 = arith.addf %add3A_620, %squeeze3A_622 : f32
                    %slice3A_624 = vector.extract_strided_slice %mul3A_562 {offsets = [8], sizes = [1], strides = [1]} : vector<16xf32> to vector<1xf32>
                    %squeeze3A_625 = vector.extract %slice3A_624[0] : f32 from vector<1xf32>
                    %add3A_626 = arith.addf %add3A_623, %squeeze3A_625 : f32
                    %mul3A_627 = arith.mulf %add3A_600, %add3A_626 : f32
                    %slice3A_628 = vector.extract_strided_slice %mul3A_574 {offsets = [0], sizes = [1], strides = [1]} : vector<16xf32> to vector<1xf32>
                    %squeeze3A_629 = vector.extract %slice3A_628[0] : f32 from vector<1xf32>
                    %slice3A_630 = vector.extract_strided_slice %mul3A_574 {offsets = [1], sizes = [1], strides = [1]} : vector<16xf32> to vector<1xf32>
                    %squeeze3A_631 = vector.extract %slice3A_630[0] : f32 from vector<1xf32>
                    %add3A_632 = arith.addf %squeeze3A_629, %squeeze3A_631 : f32
                    %slice3A_633 = vector.extract_strided_slice %mul3A_574 {offsets = [2], sizes = [1], strides = [1]} : vector<16xf32> to vector<1xf32>
                    %squeeze3A_634 = vector.extract %slice3A_633[0] : f32 from vector<1xf32>
                    %add3A_635 = arith.addf %add3A_632, %squeeze3A_634 : f32
                    %slice3A_636 = vector.extract_strided_slice %mul3A_574 {offsets = [3], sizes = [1], strides = [1]} : vector<16xf32> to vector<1xf32>
                    %squeeze3A_637 = vector.extract %slice3A_636[0] : f32 from vector<1xf32>
                    %add3A_638 = arith.addf %add3A_635, %squeeze3A_637 : f32
                    %slice3A_639 = vector.extract_strided_slice %mul3A_574 {offsets = [4], sizes = [1], strides = [1]} : vector<16xf32> to vector<1xf32>
                    %squeeze3A_640 = vector.extract %slice3A_639[0] : f32 from vector<1xf32>
                    %add3A_641 = arith.addf %add3A_638, %squeeze3A_640 : f32
                    %slice3A_642 = vector.extract_strided_slice %mul3A_574 {offsets = [5], sizes = [1], strides = [1]} : vector<16xf32> to vector<1xf32>
                    %squeeze3A_643 = vector.extract %slice3A_642[0] : f32 from vector<1xf32>
                    %add3A_644 = arith.addf %add3A_641, %squeeze3A_643 : f32
                    %slice3A_645 = vector.extract_strided_slice %mul3A_574 {offsets = [6], sizes = [1], strides = [1]} : vector<16xf32> to vector<1xf32>
                    %squeeze3A_646 = vector.extract %slice3A_645[0] : f32 from vector<1xf32>
                    %add3A_647 = arith.addf %add3A_644, %squeeze3A_646 : f32
                    %slice3A_648 = vector.extract_strided_slice %mul3A_574 {offsets = [7], sizes = [1], strides = [1]} : vector<16xf32> to vector<1xf32>
                    %squeeze3A_649 = vector.extract %slice3A_648[0] : f32 from vector<1xf32>
                    %add3A_650 = arith.addf %add3A_647, %squeeze3A_649 : f32
                    %slice3A_651 = vector.extract_strided_slice %mul3A_574 {offsets = [8], sizes = [1], strides = [1]} : vector<16xf32> to vector<1xf32>
                    %squeeze3A_652 = vector.extract %slice3A_651[0] : f32 from vector<1xf32>
                    %add3A_653 = arith.addf %add3A_650, %squeeze3A_652 : f32
                    %mul3A_654 = arith.mulf %mul3A_627, %add3A_653 : f32
                    %add3A_655 = vector.broadcast %mul3A_654 : f32 to vector<16xf32>
                    %add3A_656 = arith.addf %broadcast_in_dim3A_0, %add3A_655 : vector<16xf32>
                    %mul3A_657 = arith.mulf %add3A_537, %squeeze3A_11 : f32
                    %add3A_658 = vector.broadcast %mul3A_657 : f32 to vector<16xf32>
                    %add3A_659 = arith.addf %broadcast_in_dim3A_0, %add3A_658 : vector<16xf32>
                    %div3A_660 = arith.divf %add3A_659, %add3A_656 : vector<16xf32>
                    %mul3A_661 = arith.mulf %mul3A_574, %div3A_660 : vector<16xf32>
                    %add3A_662 = arith.constant 2 : i32
                    %add3A_663 = arith.addi %rem3A_539, %add3A_662 : i32
                    %sub3A_664 = arith.constant 0 : i32
                    %sub3A_665 = arith.subi %sub3A_664, %add3A_663 : i32
                    %add3A_666 = vector.broadcast %sub3A_665 : i32 to vector<16xi32>
                    %add3A_667 = arith.addi %iota3A, %add3A_666 : vector<16xi32>
                    %ge3A_668 = arith.constant 0 : i32
                    %ge3A_669 = vector.broadcast %ge3A_668 : i32 to vector<16xi32>
                    %ge3A_670 = arith.cmpi sge, %add3A_667, %ge3A_669 : vector<16xi32>
                    %jit3A_671 = arith.constant 1.000000e+00 : f32
                    %jit3A_672 = arith.constant 0.000000e+00 : f32
                    %broadcast_in_dim3A_673 = vector.broadcast %jit3A_671 : f32 to vector<16xf32>
                    %broadcast_in_dim3A_674 = vector.broadcast %jit3A_672 : f32 to vector<16xf32>
                    %select_n3A_675 = arith.select %ge3A_670, %broadcast_in_dim3A_673, %broadcast_in_dim3A_674 : vector<16xi1>, vector<16xf32>
                    %le3A = arith.constant 8 : i32
                    %le3A_676 = vector.broadcast %le3A : i32 to vector<16xi32>
                    %le3A_677 = arith.cmpi sle, %add3A_667, %le3A_676 : vector<16xi32>
                    %jit3A_678 = arith.constant 1.000000e+00 : f32
                    %jit3A_679 = arith.constant 0.000000e+00 : f32
                    %broadcast_in_dim3A_680 = vector.broadcast %jit3A_678 : f32 to vector<16xf32>
                    %broadcast_in_dim3A_681 = vector.broadcast %jit3A_679 : f32 to vector<16xf32>
                    %select_n3A_682 = arith.select %le3A_677, %broadcast_in_dim3A_680, %broadcast_in_dim3A_681 : vector<16xi1>, vector<16xf32>
                    %mul3A_683 = arith.mulf %select_n3A_675, %select_n3A_682 : vector<16xf32>
                    %max3A = arith.constant 0 : i32
                    %max3A_684 = vector.broadcast %max3A : i32 to vector<16xi32>
                    %max3A_685 = arith.maxsi %add3A_667, %max3A_684 : vector<16xi32>
                    %min3A = arith.constant 15 : i32
                    %min3A_686 = vector.broadcast %min3A : i32 to vector<16xi32>
                    %min3A_687 = arith.minsi %max3A_685, %min3A_686 : vector<16xi32>
                    %lt3A_688 = arith.constant 0 : i32
                    %lt3A_689 = vector.broadcast %lt3A_688 : i32 to vector<16xi32>
                    %lt3A_690 = arith.cmpi slt, %min3A_687, %lt3A_689 : vector<16xi32>
                    %add3A_691 = arith.constant 16 : i32
                    %add3A_692 = vector.broadcast %add3A_691 : i32 to vector<16xi32>
                    %add3A_693 = arith.addi %min3A_687, %add3A_692 : vector<16xi32>
                    %select_n3A_694 = arith.select %lt3A_690, %add3A_693, %min3A_687 : vector<16xi1>, vector<16xi32>
                    %broadcast_in_dim3A_695 = vector.shape_cast %select_n3A_694 : vector<16xi32> to vector<16x1xi32>
                    %gather3A = vector.shape_cast %broadcast_in_dim3A_695 : vector<16x1xi32> to vector<16xi32>
                    %gather3A_696 = tpu.dynamic_gather %mul3A_661[%gather3A] in [0] : vector<16xf32>, vector<16xi32> -> vector<16xf32>
                    %mul3A_697 = arith.mulf %gather3A_696, %mul3A_683 : vector<16xf32>
                    %sub3A_698 = arith.constant 16 : i32
                    %sub3A_699 = arith.subi %sub3A_698, %add3A_663 : i32
                    %add3A_700 = vector.broadcast %sub3A_699 : i32 to vector<16xi32>
                    %add3A_701 = arith.addi %iota3A, %add3A_700 : vector<16xi32>
                    %ge3A_702 = arith.constant 0 : i32
                    %ge3A_703 = vector.broadcast %ge3A_702 : i32 to vector<16xi32>
                    %ge3A_704 = arith.cmpi sge, %add3A_701, %ge3A_703 : vector<16xi32>
                    %jit3A_705 = arith.constant 1.000000e+00 : f32
                    %jit3A_706 = arith.constant 0.000000e+00 : f32
                    %broadcast_in_dim3A_707 = vector.broadcast %jit3A_705 : f32 to vector<16xf32>
                    %broadcast_in_dim3A_708 = vector.broadcast %jit3A_706 : f32 to vector<16xf32>
                    %select_n3A_709 = arith.select %ge3A_704, %broadcast_in_dim3A_707, %broadcast_in_dim3A_708 : vector<16xi1>, vector<16xf32>
                    %le3A_710 = arith.constant 8 : i32
                    %le3A_711 = vector.broadcast %le3A_710 : i32 to vector<16xi32>
                    %le3A_712 = arith.cmpi sle, %add3A_701, %le3A_711 : vector<16xi32>
                    %jit3A_713 = arith.constant 1.000000e+00 : f32
                    %jit3A_714 = arith.constant 0.000000e+00 : f32
                    %broadcast_in_dim3A_715 = vector.broadcast %jit3A_713 : f32 to vector<16xf32>
                    %broadcast_in_dim3A_716 = vector.broadcast %jit3A_714 : f32 to vector<16xf32>
                    %select_n3A_717 = arith.select %le3A_712, %broadcast_in_dim3A_715, %broadcast_in_dim3A_716 : vector<16xi1>, vector<16xf32>
                    %mul3A_718 = arith.mulf %select_n3A_709, %select_n3A_717 : vector<16xf32>
                    %max3A_719 = arith.constant 0 : i32
                    %max3A_720 = vector.broadcast %max3A_719 : i32 to vector<16xi32>
                    %max3A_721 = arith.maxsi %add3A_701, %max3A_720 : vector<16xi32>
                    %min3A_722 = arith.constant 15 : i32
                    %min3A_723 = vector.broadcast %min3A_722 : i32 to vector<16xi32>
                    %min3A_724 = arith.minsi %max3A_721, %min3A_723 : vector<16xi32>
                    %lt3A_725 = arith.constant 0 : i32
                    %lt3A_726 = vector.broadcast %lt3A_725 : i32 to vector<16xi32>
                    %lt3A_727 = arith.cmpi slt, %min3A_724, %lt3A_726 : vector<16xi32>
                    %add3A_728 = arith.constant 16 : i32
                    %add3A_729 = vector.broadcast %add3A_728 : i32 to vector<16xi32>
                    %add3A_730 = arith.addi %min3A_724, %add3A_729 : vector<16xi32>
                    %select_n3A_731 = arith.select %lt3A_727, %add3A_730, %min3A_724 : vector<16xi1>, vector<16xi32>
                    %broadcast_in_dim3A_732 = vector.shape_cast %select_n3A_731 : vector<16xi32> to vector<16x1xi32>
                    %gather3A_733 = vector.shape_cast %broadcast_in_dim3A_732 : vector<16x1xi32> to vector<16xi32>
                    %gather3A_734 = tpu.dynamic_gather %mul3A_661[%gather3A_733] in [0] : vector<16xf32>, vector<16xi32> -> vector<16xf32>
                    %mul3A_735 = arith.mulf %gather3A_734, %mul3A_718 : vector<16xf32>
                    %sub3A_736 = arith.constant 32 : i32
                    %sub3A_737 = arith.subi %sub3A_736, %add3A_663 : i32
                    %add3A_738 = vector.broadcast %sub3A_737 : i32 to vector<16xi32>
                    %add3A_739 = arith.addi %iota3A, %add3A_738 : vector<16xi32>
                    %ge3A_740 = arith.constant 0 : i32
                    %ge3A_741 = vector.broadcast %ge3A_740 : i32 to vector<16xi32>
                    %ge3A_742 = arith.cmpi sge, %add3A_739, %ge3A_741 : vector<16xi32>
                    %jit3A_743 = arith.constant 1.000000e+00 : f32
                    %jit3A_744 = arith.constant 0.000000e+00 : f32
                    %broadcast_in_dim3A_745 = vector.broadcast %jit3A_743 : f32 to vector<16xf32>
                    %broadcast_in_dim3A_746 = vector.broadcast %jit3A_744 : f32 to vector<16xf32>
                    %select_n3A_747 = arith.select %ge3A_742, %broadcast_in_dim3A_745, %broadcast_in_dim3A_746 : vector<16xi1>, vector<16xf32>
                    %le3A_748 = arith.constant 8 : i32
                    %le3A_749 = vector.broadcast %le3A_748 : i32 to vector<16xi32>
                    %le3A_750 = arith.cmpi sle, %add3A_739, %le3A_749 : vector<16xi32>
                    %jit3A_751 = arith.constant 1.000000e+00 : f32
                    %jit3A_752 = arith.constant 0.000000e+00 : f32
                    %broadcast_in_dim3A_753 = vector.broadcast %jit3A_751 : f32 to vector<16xf32>
                    %broadcast_in_dim3A_754 = vector.broadcast %jit3A_752 : f32 to vector<16xf32>
                    %select_n3A_755 = arith.select %le3A_750, %broadcast_in_dim3A_753, %broadcast_in_dim3A_754 : vector<16xi1>, vector<16xf32>
                    %mul3A_756 = arith.mulf %select_n3A_747, %select_n3A_755 : vector<16xf32>
                    %max3A_757 = arith.constant 0 : i32
                    %max3A_758 = vector.broadcast %max3A_757 : i32 to vector<16xi32>
                    %max3A_759 = arith.maxsi %add3A_739, %max3A_758 : vector<16xi32>
                    %min3A_760 = arith.constant 15 : i32
                    %min3A_761 = vector.broadcast %min3A_760 : i32 to vector<16xi32>
                    %min3A_762 = arith.minsi %max3A_759, %min3A_761 : vector<16xi32>
                    %lt3A_763 = arith.constant 0 : i32
                    %lt3A_764 = vector.broadcast %lt3A_763 : i32 to vector<16xi32>
                    %lt3A_765 = arith.cmpi slt, %min3A_762, %lt3A_764 : vector<16xi32>
                    %add3A_766 = arith.constant 16 : i32
                    %add3A_767 = vector.broadcast %add3A_766 : i32 to vector<16xi32>
                    %add3A_768 = arith.addi %min3A_762, %add3A_767 : vector<16xi32>
                    %select_n3A_769 = arith.select %lt3A_765, %add3A_768, %min3A_762 : vector<16xi1>, vector<16xi32>
                    %broadcast_in_dim3A_770 = vector.shape_cast %select_n3A_769 : vector<16xi32> to vector<16x1xi32>
                    %gather3A_771 = vector.shape_cast %broadcast_in_dim3A_770 : vector<16x1xi32> to vector<16xi32>
                    %gather3A_772 = tpu.dynamic_gather %mul3A_661[%gather3A_771] in [0] : vector<16xf32>, vector<16xi32> -> vector<16xf32>
                    %mul3A_773 = arith.mulf %gather3A_772, %mul3A_756 : vector<16xf32>
                    %add3A_774 = arith.constant 2 : i32
                    %add3A_775 = arith.addi %add3A, %add3A_774 : i32
                    %add3A_776 = arith.constant 0 : i32
                    %add3A_777 = arith.addi %add3A_775, %add3A_776 : i32
                    %sub3A_778 = arith.subi %add3A_777, %mul3A_19 : i32
                    %ge3A_779 = arith.constant 0 : i32
                    %ge3A_780 = arith.cmpi sge, %sub3A_778, %ge3A_779 : i32
                    %lt3A_781 = arith.constant 8 : i32
                    %lt3A_782 = arith.cmpi slt, %sub3A_778, %lt3A_781 : i32
                    %and3A_783 = arith.andi %ge3A_780, %lt3A_782 : i1
                    %convert_element_type3A_784 = arith.extui %and3A_783 : i1 to i32
                    %cond3A_785 = arith.constant 0 : i32
                    %cond3A_786 = arith.cmpi ne, %convert_element_type3A_784, %cond3A_785 : i32
                    scf.if %cond3A_786 {
                      %slice3A_891 = vector.extract_strided_slice %mul3A_550 {offsets = [0], sizes = [1], strides = [1]} : vector<16xf32> to vector<1xf32>
                      %squeeze3A_892 = vector.extract %slice3A_891[0] : f32 from vector<1xf32>
                      %mul3A_893 = arith.constant 108 : i32
                      %mul3A_894 = arith.muli %sub3A_778, %mul3A_893 : i32
                      %add3A_895 = arith.addi %mul3A_894, %div3A_540 : i32
                      %add3A_896 = arith.constant 2 : i32
                      %add3A_897 = arith.addi %add3A_895, %add3A_896 : i32
                      %mul3A_898 = arith.constant 64 : i32
                      %mul3A_899 = arith.muli %add3A_897, %mul3A_898 : i32
                      %slice3A_900 = vector.extract_strided_slice %mul3A_562 {offsets = [0], sizes = [1], strides = [1]} : vector<16xf32> to vector<1xf32>
                      %squeeze3A_901 = vector.extract %slice3A_900[0] : f32 from vector<1xf32>
                      %mul3A_902 = arith.mulf %squeeze3A_892, %squeeze3A_901 : f32
                      %add3A_903 = arith.constant 0 : i32
                      %add3A_904 = arith.addi %mul3A_899, %add3A_903 : i32
                      %add3A_905 = arith.constant 0 : i32
                      %add3A_906 = arith.addi %add3A_904, %add3A_905 : i32
                      %get3A_907 = arith.index_cast %add3A_906 : i32 to index
                      %get3A_908 = tpu.vector_load %arg9[%get3A_907] {strides = array<i32>} : memref<55296xf32, #tpu.memory_space<vmem>>, vector<16xf32>,
                      %get3A_909 = vector.shape_cast %get3A_908 : vector<16xf32> to vector<16xf32>
                      %mul3A_910 = vector.broadcast %mul3A_902 : f32 to vector<16xf32>
                      %mul3A_911 = arith.mulf %mul3A_697, %mul3A_910 : vector<16xf32>
                      %add3A_912 = arith.addf %get3A_909, %mul3A_911 : vector<16xf32>
                      %swap3A = arith.index_cast %add3A_906 : i32 to index
                      %swap3A_913 = tpu.vector_load %arg9[%swap3A] {strides = array<i32>} : memref<55296xf32, #tpu.memory_space<vmem>>, vector<16xf32>,
                      %swap3A_914 = vector.shape_cast %swap3A_913 : vector<16xf32> to vector<16xf32>
                      %swap3A_915 = vector.shape_cast %add3A_912 : vector<16xf32> to vector<16xf32>
                      tpu.vector_store %arg9[%swap3A], %swap3A_915 {strides = array<i32>} : memref<55296xf32, #tpu.memory_space<vmem>>, vector<16xf32>,
                      %add3A_916 = arith.constant 16 : i32
                      %add3A_917 = arith.addi %add3A_904, %add3A_916 : i32
                      %get3A_918 = arith.index_cast %add3A_917 : i32 to index
                      %get3A_919 = tpu.vector_load %arg9[%get3A_918] {strides = array<i32>} : memref<55296xf32, #tpu.memory_space<vmem>>, vector<16xf32>,
                      %get3A_920 = vector.shape_cast %get3A_919 : vector<16xf32> to vector<16xf32>
                      %mul3A_921 = vector.broadcast %mul3A_902 : f32 to vector<16xf32>
                      %mul3A_922 = arith.mulf %mul3A_735, %mul3A_921 : vector<16xf32>
                      %add3A_923 = arith.addf %get3A_920, %mul3A_922 : vector<16xf32>
                      %swap3A_924 = arith.index_cast %add3A_917 : i32 to index
                      %swap3A_925 = tpu.vector_load %arg9[%swap3A_924] {strides = array<i32>} : memref<55296xf32, #tpu.memory_space<vmem>>, vector<16xf32>,
                      %swap3A_926 = vector.shape_cast %swap3A_925 : vector<16xf32> to vector<16xf32>
                      %swap3A_927 = vector.shape_cast %add3A_923 : vector<16xf32> to vector<16xf32>
                      tpu.vector_store %arg9[%swap3A_924], %swap3A_927 {strides = array<i32>} : memref<55296xf32, #tpu.memory_space<vmem>>, vector<16xf32>,
                      %add3A_928 = arith.constant 32 : i32
                      %add3A_929 = arith.addi %add3A_904, %add3A_928 : i32
                      %get3A_930 = arith.index_cast %add3A_929 : i32 to index
                      %get3A_931 = tpu.vector_load %arg9[%get3A_930] {strides = array<i32>} : memref<55296xf32, #tpu.memory_space<vmem>>, vector<16xf32>,
                      %get3A_932 = vector.shape_cast %get3A_931 : vector<16xf32> to vector<16xf32>
                      %mul3A_933 = vector.broadcast %mul3A_902 : f32 to vector<16xf32>
                      %mul3A_934 = arith.mulf %mul3A_773, %mul3A_933 : vector<16xf32>
                      %add3A_935 = arith.addf %get3A_932, %mul3A_934 : vector<16xf32>
                      %swap3A_936 = arith.index_cast %add3A_929 : i32 to index
                      %swap3A_937 = tpu.vector_load %arg9[%swap3A_936] {strides = array<i32>} : memref<55296xf32, #tpu.memory_space<vmem>>, vector<16xf32>,
                      %swap3A_938 = vector.shape_cast %swap3A_937 : vector<16xf32> to vector<16xf32>
                      %swap3A_939 = vector.shape_cast %add3A_935 : vector<16xf32> to vector<16xf32>
                      tpu.vector_store %arg9[%swap3A_936], %swap3A_939 {strides = array<i32>} : memref<55296xf32, #tpu.memory_space<vmem>>, vector<16xf32>,
                      %slice3A_940 = vector.extract_strided_slice %mul3A_562 {offsets = [1], sizes = [1], strides = [1]} : vector<16xf32> to vector<1xf32>
                      %squeeze3A_941 = vector.extract %slice3A_940[0] : f32 from vector<1xf32>
                      %mul3A_942 = arith.mulf %squeeze3A_892, %squeeze3A_941 : f32
                      %add3A_943 = arith.constant 64 : i32
                      %add3A_944 = arith.addi %mul3A_899, %add3A_943 : i32
                      %add3A_945 = arith.constant 0 : i32
                      %add3A_946 = arith.addi %add3A_944, %add3A_945 : i32
                      %get3A_947 = arith.index_cast %add3A_946 : i32 to index
                      %get3A_948 = tpu.vector_load %arg9[%get3A_947] {strides = array<i32>} : memref<55296xf32, #tpu.memory_space<vmem>>, vector<16xf32>,
                      %get3A_949 = vector.shape_cast %get3A_948 : vector<16xf32> to vector<16xf32>
                      %mul3A_950 = vector.broadcast %mul3A_942 : f32 to vector<16xf32>
                      %mul3A_951 = arith.mulf %mul3A_697, %mul3A_950 : vector<16xf32>
                      %add3A_952 = arith.addf %get3A_949, %mul3A_951 : vector<16xf32>
                      %swap3A_953 = arith.index_cast %add3A_946 : i32 to index
                      %swap3A_954 = tpu.vector_load %arg9[%swap3A_953] {strides = array<i32>} : memref<55296xf32, #tpu.memory_space<vmem>>, vector<16xf32>,
                      %swap3A_955 = vector.shape_cast %swap3A_954 : vector<16xf32> to vector<16xf32>
                      %swap3A_956 = vector.shape_cast %add3A_952 : vector<16xf32> to vector<16xf32>
                      tpu.vector_store %arg9[%swap3A_953], %swap3A_956 {strides = array<i32>} : memref<55296xf32, #tpu.memory_space<vmem>>, vector<16xf32>,
                      %add3A_957 = arith.constant 16 : i32
                      %add3A_958 = arith.addi %add3A_944, %add3A_957 : i32
                      %get3A_959 = arith.index_cast %add3A_958 : i32 to index
                      %get3A_960 = tpu.vector_load %arg9[%get3A_959] {strides = array<i32>} : memref<55296xf32, #tpu.memory_space<vmem>>, vector<16xf32>,
                      %get3A_961 = vector.shape_cast %get3A_960 : vector<16xf32> to vector<16xf32>
                      %mul3A_962 = vector.broadcast %mul3A_942 : f32 to vector<16xf32>
                      %mul3A_963 = arith.mulf %mul3A_735, %mul3A_962 : vector<16xf32>
                      %add3A_964 = arith.addf %get3A_961, %mul3A_963 : vector<16xf32>
                      %swap3A_965 = arith.index_cast %add3A_958 : i32 to index
                      %swap3A_966 = tpu.vector_load %arg9[%swap3A_965] {strides = array<i32>} : memref<55296xf32, #tpu.memory_space<vmem>>, vector<16xf32>,
                      %swap3A_967 = vector.shape_cast %swap3A_966 : vector<16xf32> to vector<16xf32>
                      %swap3A_968 = vector.shape_cast %add3A_964 : vector<16xf32> to vector<16xf32>
                      tpu.vector_store %arg9[%swap3A_965], %swap3A_968 {strides = array<i32>} : memref<55296xf32, #tpu.memory_space<vmem>>, vector<16xf32>,
                      %add3A_969 = arith.constant 32 : i32
                      %add3A_970 = arith.addi %add3A_944, %add3A_969 : i32
                      %get3A_971 = arith.index_cast %add3A_970 : i32 to index
                      %get3A_972 = tpu.vector_load %arg9[%get3A_971] {strides = array<i32>} : memref<55296xf32, #tpu.memory_space<vmem>>, vector<16xf32>,
                      %get3A_973 = vector.shape_cast %get3A_972 : vector<16xf32> to vector<16xf32>
                      %mul3A_974 = vector.broadcast %mul3A_942 : f32 to vector<16xf32>
                      %mul3A_975 = arith.mulf %mul3A_773, %mul3A_974 : vector<16xf32>
                      %add3A_976 = arith.addf %get3A_973, %mul3A_975 : vector<16xf32>
                      %swap3A_977 = arith.index_cast %add3A_970 : i32 to index
                      %swap3A_978 = tpu.vector_load %arg9[%swap3A_977] {strides = array<i32>} : memref<55296xf32, #tpu.memory_space<vmem>>, vector<16xf32>,
                      %swap3A_979 = vector.shape_cast %swap3A_978 : vector<16xf32> to vector<16xf32>
                      %swap3A_980 = vector.shape_cast %add3A_976 : vector<16xf32> to vector<16xf32>
                      tpu.vector_store %arg9[%swap3A_977], %swap3A_980 {strides = array<i32>} : memref<55296xf32, #tpu.memory_space<vmem>>, vector<16xf32>,
                      %slice3A_981 = vector.extract_strided_slice %mul3A_562 {offsets = [2], sizes = [1], strides = [1]} : vector<16xf32> to vector<1xf32>
                      %squeeze3A_982 = vector.extract %slice3A_981[0] : f32 from vector<1xf32>
                      %mul3A_983 = arith.mulf %squeeze3A_892, %squeeze3A_982 : f32
                      %add3A_984 = arith.constant 128 : i32
                      %add3A_985 = arith.addi %mul3A_899, %add3A_984 : i32
                      %add3A_986 = arith.constant 0 : i32
                      %add3A_987 = arith.addi %add3A_985, %add3A_986 : i32
                      %get3A_988 = arith.index_cast %add3A_987 : i32 to index
                      %get3A_989 = tpu.vector_load %arg9[%get3A_988] {strides = array<i32>} : memref<55296xf32, #tpu.memory_space<vmem>>, vector<16xf32>,
                      %get3A_990 = vector.shape_cast %get3A_989 : vector<16xf32> to vector<16xf32>
                      %mul3A_991 = vector.broadcast %mul3A_983 : f32 to vector<16xf32>
                      %mul3A_992 = arith.mulf %mul3A_697, %mul3A_991 : vector<16xf32>
                      %add3A_993 = arith.addf %get3A_990, %mul3A_992 : vector<16xf32>
                      %swap3A_994 = arith.index_cast %add3A_987 : i32 to index
                      %swap3A_995 = tpu.vector_load %arg9[%swap3A_994] {strides = array<i32>} : memref<55296xf32, #tpu.memory_space<vmem>>, vector<16xf32>,
                      %swap3A_996 = vector.shape_cast %swap3A_995 : vector<16xf32> to vector<16xf32>
                      %swap3A_997 = vector.shape_cast %add3A_993 : vector<16xf32> to vector<16xf32>
                      tpu.vector_store %arg9[%swap3A_994], %swap3A_997 {strides = array<i32>} : memref<55296xf32, #tpu.memory_space<vmem>>, vector<16xf32>,
                      %add3A_998 = arith.constant 16 : i32
                      %add3A_999 = arith.addi %add3A_985, %add3A_998 : i32
                      %get3A_1000 = arith.index_cast %add3A_999 : i32 to index
                      %get3A_1001 = tpu.vector_load %arg9[%get3A_1000] {strides = array<i32>} : memref<55296xf32, #tpu.memory_space<vmem>>, vector<16xf32>,
                      %get3A_1002 = vector.shape_cast %get3A_1001 : vector<16xf32> to vector<16xf32>
                      %mul3A_1003 = vector.broadcast %mul3A_983 : f32 to vector<16xf32>
                      %mul3A_1004 = arith.mulf %mul3A_735, %mul3A_1003 : vector<16xf32>
                      %add3A_1005 = arith.addf %get3A_1002, %mul3A_1004 : vector<16xf32>
                      %swap3A_1006 = arith.index_cast %add3A_999 : i32 to index
                      %swap3A_1007 = tpu.vector_load %arg9[%swap3A_1006] {strides = array<i32>} : memref<55296xf32, #tpu.memory_space<vmem>>, vector<16xf32>,
                      %swap3A_1008 = vector.shape_cast %swap3A_1007 : vector<16xf32> to vector<16xf32>
                      %swap3A_1009 = vector.shape_cast %add3A_1005 : vector<16xf32> to vector<16xf32>
                      tpu.vector_store %arg9[%swap3A_1006], %swap3A_1009 {strides = array<i32>} : memref<55296xf32, #tpu.memory_space<vmem>>, vector<16xf32>,
                      %add3A_1010 = arith.constant 32 : i32
                      %add3A_1011 = arith.addi %add3A_985, %add3A_1010 : i32
                      %get3A_1012 = arith.index_cast %add3A_1011 : i32 to index
                      %get3A_1013 = tpu.vector_load %arg9[%get3A_1012] {strides = array<i32>} : memref<55296xf32, #tpu.memory_space<vmem>>, vector<16xf32>,
                      %get3A_1014 = vector.shape_cast %get3A_1013 : vector<16xf32> to vector<16xf32>
                      %mul3A_1015 = vector.broadcast %mul3A_983 : f32 to vector<16xf32>
                      %mul3A_1016 = arith.mulf %mul3A_773, %mul3A_1015 : vector<16xf32>
                      %add3A_1017 = arith.addf %get3A_1014, %mul3A_1016 : vector<16xf32>
                      %swap3A_1018 = arith.index_cast %add3A_1011 : i32 to index
                      %swap3A_1019 = tpu.vector_load %arg9[%swap3A_1018] {strides = array<i32>} : memref<55296xf32, #tpu.memory_space<vmem>>, vector<16xf32>,
                      %swap3A_1020 = vector.shape_cast %swap3A_1019 : vector<16xf32> to vector<16xf32>
                      %swap3A_1021 = vector.shape_cast %add3A_1017 : vector<16xf32> to vector<16xf32>
                      tpu.vector_store %arg9[%swap3A_1018], %swap3A_1021 {strides = array<i32>} : memref<55296xf32, #tpu.memory_space<vmem>>, vector<16xf32>,
                      %slice3A_1022 = vector.extract_strided_slice %mul3A_562 {offsets = [3], sizes = [1], strides = [1]} : vector<16xf32> to vector<1xf32>
                      %squeeze3A_1023 = vector.extract %slice3A_1022[0] : f32 from vector<1xf32>
                      %mul3A_1024 = arith.mulf %squeeze3A_892, %squeeze3A_1023 : f32
                      %add3A_1025 = arith.constant 192 : i32
                      %add3A_1026 = arith.addi %mul3A_899, %add3A_1025 : i32
                      %add3A_1027 = arith.constant 0 : i32
                      %add3A_1028 = arith.addi %add3A_1026, %add3A_1027 : i32
                      %get3A_1029 = arith.index_cast %add3A_1028 : i32 to index
                      %get3A_1030 = tpu.vector_load %arg9[%get3A_1029] {strides = array<i32>} : memref<55296xf32, #tpu.memory_space<vmem>>, vector<16xf32>,
                      %get3A_1031 = vector.shape_cast %get3A_1030 : vector<16xf32> to vector<16xf32>
                      %mul3A_1032 = vector.broadcast %mul3A_1024 : f32 to vector<16xf32>
                      %mul3A_1033 = arith.mulf %mul3A_697, %mul3A_1032 : vector<16xf32>
                      %add3A_1034 = arith.addf %get3A_1031, %mul3A_1033 : vector<16xf32>
                      %swap3A_1035 = arith.index_cast %add3A_1028 : i32 to index
                      %swap3A_1036 = tpu.vector_load %arg9[%swap3A_1035] {strides = array<i32>} : memref<55296xf32, #tpu.memory_space<vmem>>, vector<16xf32>,
                      %swap3A_1037 = vector.shape_cast %swap3A_1036 : vector<16xf32> to vector<16xf32>
                      %swap3A_1038 = vector.shape_cast %add3A_1034 : vector<16xf32> to vector<16xf32>
                      tpu.vector_store %arg9[%swap3A_1035], %swap3A_1038 {strides = array<i32>} : memref<55296xf32, #tpu.memory_space<vmem>>, vector<16xf32>,
                      %add3A_1039 = arith.constant 16 : i32
                      %add3A_1040 = arith.addi %add3A_1026, %add3A_1039 : i32
                      %get3A_1041 = arith.index_cast %add3A_1040 : i32 to index
                      %get3A_1042 = tpu.vector_load %arg9[%get3A_1041] {strides = array<i32>} : memref<55296xf32, #tpu.memory_space<vmem>>, vector<16xf32>,
                      %get3A_1043 = vector.shape_cast %get3A_1042 : vector<16xf32> to vector<16xf32>
                      %mul3A_1044 = vector.broadcast %mul3A_1024 : f32 to vector<16xf32>
                      %mul3A_1045 = arith.mulf %mul3A_735, %mul3A_1044 : vector<16xf32>
                      %add3A_1046 = arith.addf %get3A_1043, %mul3A_1045 : vector<16xf32>
                      %swap3A_1047 = arith.index_cast %add3A_1040 : i32 to index
                      %swap3A_1048 = tpu.vector_load %arg9[%swap3A_1047] {strides = array<i32>} : memref<55296xf32, #tpu.memory_space<vmem>>, vector<16xf32>,
                      %swap3A_1049 = vector.shape_cast %swap3A_1048 : vector<16xf32> to vector<16xf32>
                      %swap3A_1050 = vector.shape_cast %add3A_1046 : vector<16xf32> to vector<16xf32>
                      tpu.vector_store %arg9[%swap3A_1047], %swap3A_1050 {strides = array<i32>} : memref<55296xf32, #tpu.memory_space<vmem>>, vector<16xf32>,
                      %add3A_1051 = arith.constant 32 : i32
                      %add3A_1052 = arith.addi %add3A_1026, %add3A_1051 : i32
                      %get3A_1053 = arith.index_cast %add3A_1052 : i32 to index
                      %get3A_1054 = tpu.vector_load %arg9[%get3A_1053] {strides = array<i32>} : memref<55296xf32, #tpu.memory_space<vmem>>, vector<16xf32>,
                      %get3A_1055 = vector.shape_cast %get3A_1054 : vector<16xf32> to vector<16xf32>
                      %mul3A_1056 = vector.broadcast %mul3A_1024 : f32 to vector<16xf32>
                      %mul3A_1057 = arith.mulf %mul3A_773, %mul3A_1056 : vector<16xf32>
                      %add3A_1058 = arith.addf %get3A_1055, %mul3A_1057 : vector<16xf32>
                      %swap3A_1059 = arith.index_cast %add3A_1052 : i32 to index
                      %swap3A_1060 = tpu.vector_load %arg9[%swap3A_1059] {strides = array<i32>} : memref<55296xf32, #tpu.memory_space<vmem>>, vector<16xf32>,
                      %swap3A_1061 = vector.shape_cast %swap3A_1060 : vector<16xf32> to vector<16xf32>
                      %swap3A_1062 = vector.shape_cast %add3A_1058 : vector<16xf32> to vector<16xf32>
                      tpu.vector_store %arg9[%swap3A_1059], %swap3A_1062 {strides = array<i32>} : memref<55296xf32, #tpu.memory_space<vmem>>, vector<16xf32>,
                      %slice3A_1063 = vector.extract_strided_slice %mul3A_562 {offsets = [4], sizes = [1], strides = [1]} : vector<16xf32> to vector<1xf32>
                      %squeeze3A_1064 = vector.extract %slice3A_1063[0] : f32 from vector<1xf32>
                      %mul3A_1065 = arith.mulf %squeeze3A_892, %squeeze3A_1064 : f32
                      %add3A_1066 = arith.constant 256 : i32
                      %add3A_1067 = arith.addi %mul3A_899, %add3A_1066 : i32
                      %add3A_1068 = arith.constant 0 : i32
                      %add3A_1069 = arith.addi %add3A_1067, %add3A_1068 : i32
                      %get3A_1070 = arith.index_cast %add3A_1069 : i32 to index
                      %get3A_1071 = tpu.vector_load %arg9[%get3A_1070] {strides = array<i32>} : memref<55296xf32, #tpu.memory_space<vmem>>, vector<16xf32>,
                      %get3A_1072 = vector.shape_cast %get3A_1071 : vector<16xf32> to vector<16xf32>
                      %mul3A_1073 = vector.broadcast %mul3A_1065 : f32 to vector<16xf32>
                      %mul3A_1074 = arith.mulf %mul3A_697, %mul3A_1073 : vector<16xf32>
                      %add3A_1075 = arith.addf %get3A_1072, %mul3A_1074 : vector<16xf32>
                      %swap3A_1076 = arith.index_cast %add3A_1069 : i32 to index
                      %swap3A_1077 = tpu.vector_load %arg9[%swap3A_1076] {strides = array<i32>} : memref<55296xf32, #tpu.memory_space<vmem>>, vector<16xf32>,
                      %swap3A_1078 = vector.shape_cast %swap3A_1077 : vector<16xf32> to vector<16xf32>
                      %swap3A_1079 = vector.shape_cast %add3A_1075 : vector<16xf32> to vector<16xf32>
                      tpu.vector_store %arg9[%swap3A_1076], %swap3A_1079 {strides = array<i32>} : memref<55296xf32, #tpu.memory_space<vmem>>, vector<16xf32>,
                      %add3A_1080 = arith.constant 16 : i32
                      %add3A_1081 = arith.addi %add3A_1067, %add3A_1080 : i32
                      %get3A_1082 = arith.index_cast %add3A_1081 : i32 to index
                      %get3A_1083 = tpu.vector_load %arg9[%get3A_1082] {strides = array<i32>} : memref<55296xf32, #tpu.memory_space<vmem>>, vector<16xf32>,
                      %get3A_1084 = vector.shape_cast %get3A_1083 : vector<16xf32> to vector<16xf32>
                      %mul3A_1085 = vector.broadcast %mul3A_1065 : f32 to vector<16xf32>
                      %mul3A_1086 = arith.mulf %mul3A_735, %mul3A_1085 : vector<16xf32>
                      %add3A_1087 = arith.addf %get3A_1084, %mul3A_1086 : vector<16xf32>
                      %swap3A_1088 = arith.index_cast %add3A_1081 : i32 to index
                      %swap3A_1089 = tpu.vector_load %arg9[%swap3A_1088] {strides = array<i32>} : memref<55296xf32, #tpu.memory_space<vmem>>, vector<16xf32>,
                      %swap3A_1090 = vector.shape_cast %swap3A_1089 : vector<16xf32> to vector<16xf32>
                      %swap3A_1091 = vector.shape_cast %add3A_1087 : vector<16xf32> to vector<16xf32>
                      tpu.vector_store %arg9[%swap3A_1088], %swap3A_1091 {strides = array<i32>} : memref<55296xf32, #tpu.memory_space<vmem>>, vector<16xf32>,
                      %add3A_1092 = arith.constant 32 : i32
                      %add3A_1093 = arith.addi %add3A_1067, %add3A_1092 : i32
                      %get3A_1094 = arith.index_cast %add3A_1093 : i32 to index
                      %get3A_1095 = tpu.vector_load %arg9[%get3A_1094] {strides = array<i32>} : memref<55296xf32, #tpu.memory_space<vmem>>, vector<16xf32>,
                      %get3A_1096 = vector.shape_cast %get3A_1095 : vector<16xf32> to vector<16xf32>
                      %mul3A_1097 = vector.broadcast %mul3A_1065 : f32 to vector<16xf32>
                      %mul3A_1098 = arith.mulf %mul3A_773, %mul3A_1097 : vector<16xf32>
                      %add3A_1099 = arith.addf %get3A_1096, %mul3A_1098 : vector<16xf32>
                      %swap3A_1100 = arith.index_cast %add3A_1093 : i32 to index
                      %swap3A_1101 = tpu.vector_load %arg9[%swap3A_1100] {strides = array<i32>} : memref<55296xf32, #tpu.memory_space<vmem>>, vector<16xf32>,
                      %swap3A_1102 = vector.shape_cast %swap3A_1101 : vector<16xf32> to vector<16xf32>
                      %swap3A_1103 = vector.shape_cast %add3A_1099 : vector<16xf32> to vector<16xf32>
                      tpu.vector_store %arg9[%swap3A_1100], %swap3A_1103 {strides = array<i32>} : memref<55296xf32, #tpu.memory_space<vmem>>, vector<16xf32>,
                      %slice3A_1104 = vector.extract_strided_slice %mul3A_562 {offsets = [5], sizes = [1], strides = [1]} : vector<16xf32> to vector<1xf32>
                      %squeeze3A_1105 = vector.extract %slice3A_1104[0] : f32 from vector<1xf32>
                      %mul3A_1106 = arith.mulf %squeeze3A_892, %squeeze3A_1105 : f32
                      %add3A_1107 = arith.constant 320 : i32
                      %add3A_1108 = arith.addi %mul3A_899, %add3A_1107 : i32
                      %add3A_1109 = arith.constant 0 : i32
                      %add3A_1110 = arith.addi %add3A_1108, %add3A_1109 : i32
                      %get3A_1111 = arith.index_cast %add3A_1110 : i32 to index
                      %get3A_1112 = tpu.vector_load %arg9[%get3A_1111] {strides = array<i32>} : memref<55296xf32, #tpu.memory_space<vmem>>, vector<16xf32>,
                      %get3A_1113 = vector.shape_cast %get3A_1112 : vector<16xf32> to vector<16xf32>
                      %mul3A_1114 = vector.broadcast %mul3A_1106 : f32 to vector<16xf32>
                      %mul3A_1115 = arith.mulf %mul3A_697, %mul3A_1114 : vector<16xf32>
                      %add3A_1116 = arith.addf %get3A_1113, %mul3A_1115 : vector<16xf32>
                      %swap3A_1117 = arith.index_cast %add3A_1110 : i32 to index
                      %swap3A_1118 = tpu.vector_load %arg9[%swap3A_1117] {strides = array<i32>} : memref<55296xf32, #tpu.memory_space<vmem>>, vector<16xf32>,
                      %swap3A_1119 = vector.shape_cast %swap3A_1118 : vector<16xf32> to vector<16xf32>
                      %swap3A_1120 = vector.shape_cast %add3A_1116 : vector<16xf32> to vector<16xf32>
                      tpu.vector_store %arg9[%swap3A_1117], %swap3A_1120 {strides = array<i32>} : memref<55296xf32, #tpu.memory_space<vmem>>, vector<16xf32>,
                      %add3A_1121 = arith.constant 16 : i32
                      %add3A_1122 = arith.addi %add3A_1108, %add3A_1121 : i32
                      %get3A_1123 = arith.index_cast %add3A_1122 : i32 to index
                      %get3A_1124 = tpu.vector_load %arg9[%get3A_1123] {strides = array<i32>} : memref<55296xf32, #tpu.memory_space<vmem>>, vector<16xf32>,
                      %get3A_1125 = vector.shape_cast %get3A_1124 : vector<16xf32> to vector<16xf32>
                      %mul3A_1126 = vector.broadcast %mul3A_1106 : f32 to vector<16xf32>
                      %mul3A_1127 = arith.mulf %mul3A_735, %mul3A_1126 : vector<16xf32>
                      %add3A_1128 = arith.addf %get3A_1125, %mul3A_1127 : vector<16xf32>
                      %swap3A_1129 = arith.index_cast %add3A_1122 : i32 to index
                      %swap3A_1130 = tpu.vector_load %arg9[%swap3A_1129] {strides = array<i32>} : memref<55296xf32, #tpu.memory_space<vmem>>, vector<16xf32>,
                      %swap3A_1131 = vector.shape_cast %swap3A_1130 : vector<16xf32> to vector<16xf32>
                      %swap3A_1132 = vector.shape_cast %add3A_1128 : vector<16xf32> to vector<16xf32>
                      tpu.vector_store %arg9[%swap3A_1129], %swap3A_1132 {strides = array<i32>} : memref<55296xf32, #tpu.memory_space<vmem>>, vector<16xf32>,
                      %add3A_1133 = arith.constant 32 : i32
                      %add3A_1134 = arith.addi %add3A_1108, %add3A_1133 : i32
                      %get3A_1135 = arith.index_cast %add3A_1134 : i32 to index
                      %get3A_1136 = tpu.vector_load %arg9[%get3A_1135] {strides = array<i32>} : memref<55296xf32, #tpu.memory_space<vmem>>, vector<16xf32>,
                      %get3A_1137 = vector.shape_cast %get3A_1136 : vector<16xf32> to vector<16xf32>
                      %mul3A_1138 = vector.broadcast %mul3A_1106 : f32 to vector<16xf32>
                      %mul3A_1139 = arith.mulf %mul3A_773, %mul3A_1138 : vector<16xf32>
                      %add3A_1140 = arith.addf %get3A_1137, %mul3A_1139 : vector<16xf32>
                      %swap3A_1141 = arith.index_cast %add3A_1134 : i32 to index
                      %swap3A_1142 = tpu.vector_load %arg9[%swap3A_1141] {strides = array<i32>} : memref<55296xf32, #tpu.memory_space<vmem>>, vector<16xf32>,
                      %swap3A_1143 = vector.shape_cast %swap3A_1142 : vector<16xf32> to vector<16xf32>
                      %swap3A_1144 = vector.shape_cast %add3A_1140 : vector<16xf32> to vector<16xf32>
                      tpu.vector_store %arg9[%swap3A_1141], %swap3A_1144 {strides = array<i32>} : memref<55296xf32, #tpu.memory_space<vmem>>, vector<16xf32>,
                      %slice3A_1145 = vector.extract_strided_slice %mul3A_562 {offsets = [6], sizes = [1], strides = [1]} : vector<16xf32> to vector<1xf32>
                      %squeeze3A_1146 = vector.extract %slice3A_1145[0] : f32 from vector<1xf32>
                      %mul3A_1147 = arith.mulf %squeeze3A_892, %squeeze3A_1146 : f32
                      %add3A_1148 = arith.constant 384 : i32
                      %add3A_1149 = arith.addi %mul3A_899, %add3A_1148 : i32
                      %add3A_1150 = arith.constant 0 : i32
                      %add3A_1151 = arith.addi %add3A_1149, %add3A_1150 : i32
                      %get3A_1152 = arith.index_cast %add3A_1151 : i32 to index
                      %get3A_1153 = tpu.vector_load %arg9[%get3A_1152] {strides = array<i32>} : memref<55296xf32, #tpu.memory_space<vmem>>, vector<16xf32>,
                      %get3A_1154 = vector.shape_cast %get3A_1153 : vector<16xf32> to vector<16xf32>
                      %mul3A_1155 = vector.broadcast %mul3A_1147 : f32 to vector<16xf32>
                      %mul3A_1156 = arith.mulf %mul3A_697, %mul3A_1155 : vector<16xf32>
                      %add3A_1157 = arith.addf %get3A_1154, %mul3A_1156 : vector<16xf32>
                      %swap3A_1158 = arith.index_cast %add3A_1151 : i32 to index
                      %swap3A_1159 = tpu.vector_load %arg9[%swap3A_1158] {strides = array<i32>} : memref<55296xf32, #tpu.memory_space<vmem>>, vector<16xf32>,
                      %swap3A_1160 = vector.shape_cast %swap3A_1159 : vector<16xf32> to vector<16xf32>
                      %swap3A_1161 = vector.shape_cast %add3A_1157 : vector<16xf32> to vector<16xf32>
                      tpu.vector_store %arg9[%swap3A_1158], %swap3A_1161 {strides = array<i32>} : memref<55296xf32, #tpu.memory_space<vmem>>, vector<16xf32>,
                      %add3A_1162 = arith.constant 16 : i32
                      %add3A_1163 = arith.addi %add3A_1149, %add3A_1162 : i32
                      %get3A_1164 = arith.index_cast %add3A_1163 : i32 to index
                      %get3A_1165 = tpu.vector_load %arg9[%get3A_1164] {strides = array<i32>} : memref<55296xf32, #tpu.memory_space<vmem>>, vector<16xf32>,
                      %get3A_1166 = vector.shape_cast %get3A_1165 : vector<16xf32> to vector<16xf32>
                      %mul3A_1167 = vector.broadcast %mul3A_1147 : f32 to vector<16xf32>
                      %mul3A_1168 = arith.mulf %mul3A_735, %mul3A_1167 : vector<16xf32>
                      %add3A_1169 = arith.addf %get3A_1166, %mul3A_1168 : vector<16xf32>
                      %swap3A_1170 = arith.index_cast %add3A_1163 : i32 to index
                      %swap3A_1171 = tpu.vector_load %arg9[%swap3A_1170] {strides = array<i32>} : memref<55296xf32, #tpu.memory_space<vmem>>, vector<16xf32>,
                      %swap3A_1172 = vector.shape_cast %swap3A_1171 : vector<16xf32> to vector<16xf32>
                      %swap3A_1173 = vector.shape_cast %add3A_1169 : vector<16xf32> to vector<16xf32>
                      tpu.vector_store %arg9[%swap3A_1170], %swap3A_1173 {strides = array<i32>} : memref<55296xf32, #tpu.memory_space<vmem>>, vector<16xf32>,
                      %add3A_1174 = arith.constant 32 : i32
                      %add3A_1175 = arith.addi %add3A_1149, %add3A_1174 : i32
                      %get3A_1176 = arith.index_cast %add3A_1175 : i32 to index
                      %get3A_1177 = tpu.vector_load %arg9[%get3A_1176] {strides = array<i32>} : memref<55296xf32, #tpu.memory_space<vmem>>, vector<16xf32>,
                      %get3A_1178 = vector.shape_cast %get3A_1177 : vector<16xf32> to vector<16xf32>
                      %mul3A_1179 = vector.broadcast %mul3A_1147 : f32 to vector<16xf32>
                      %mul3A_1180 = arith.mulf %mul3A_773, %mul3A_1179 : vector<16xf32>
                      %add3A_1181 = arith.addf %get3A_1178, %mul3A_1180 : vector<16xf32>
                      %swap3A_1182 = arith.index_cast %add3A_1175 : i32 to index
                      %swap3A_1183 = tpu.vector_load %arg9[%swap3A_1182] {strides = array<i32>} : memref<55296xf32, #tpu.memory_space<vmem>>, vector<16xf32>,
                      %swap3A_1184 = vector.shape_cast %swap3A_1183 : vector<16xf32> to vector<16xf32>
                      %swap3A_1185 = vector.shape_cast %add3A_1181 : vector<16xf32> to vector<16xf32>
                      tpu.vector_store %arg9[%swap3A_1182], %swap3A_1185 {strides = array<i32>} : memref<55296xf32, #tpu.memory_space<vmem>>, vector<16xf32>,
                      %slice3A_1186 = vector.extract_strided_slice %mul3A_562 {offsets = [7], sizes = [1], strides = [1]} : vector<16xf32> to vector<1xf32>
                      %squeeze3A_1187 = vector.extract %slice3A_1186[0] : f32 from vector<1xf32>
                      %mul3A_1188 = arith.mulf %squeeze3A_892, %squeeze3A_1187 : f32
                      %add3A_1189 = arith.constant 448 : i32
                      %add3A_1190 = arith.addi %mul3A_899, %add3A_1189 : i32
                      %add3A_1191 = arith.constant 0 : i32
                      %add3A_1192 = arith.addi %add3A_1190, %add3A_1191 : i32
                      %get3A_1193 = arith.index_cast %add3A_1192 : i32 to index
                      %get3A_1194 = tpu.vector_load %arg9[%get3A_1193] {strides = array<i32>} : memref<55296xf32, #tpu.memory_space<vmem>>, vector<16xf32>,
                      %get3A_1195 = vector.shape_cast %get3A_1194 : vector<16xf32> to vector<16xf32>
                      %mul3A_1196 = vector.broadcast %mul3A_1188 : f32 to vector<16xf32>
                      %mul3A_1197 = arith.mulf %mul3A_697, %mul3A_1196 : vector<16xf32>
                      %add3A_1198 = arith.addf %get3A_1195, %mul3A_1197 : vector<16xf32>
                      %swap3A_1199 = arith.index_cast %add3A_1192 : i32 to index
                      %swap3A_1200 = tpu.vector_load %arg9[%swap3A_1199] {strides = array<i32>} : memref<55296xf32, #tpu.memory_space<vmem>>, vector<16xf32>,
                      %swap3A_1201 = vector.shape_cast %swap3A_1200 : vector<16xf32> to vector<16xf32>
                      %swap3A_1202 = vector.shape_cast %add3A_1198 : vector<16xf32> to vector<16xf32>
                      tpu.vector_store %arg9[%swap3A_1199], %swap3A_1202 {strides = array<i32>} : memref<55296xf32, #tpu.memory_space<vmem>>, vector<16xf32>,
                      %add3A_1203 = arith.constant 16 : i32
                      %add3A_1204 = arith.addi %add3A_1190, %add3A_1203 : i32
                      %get3A_1205 = arith.index_cast %add3A_1204 : i32 to index
                      %get3A_1206 = tpu.vector_load %arg9[%get3A_1205] {strides = array<i32>} : memref<55296xf32, #tpu.memory_space<vmem>>, vector<16xf32>,
                      %get3A_1207 = vector.shape_cast %get3A_1206 : vector<16xf32> to vector<16xf32>
                      %mul3A_1208 = vector.broadcast %mul3A_1188 : f32 to vector<16xf32>
                      %mul3A_1209 = arith.mulf %mul3A_735, %mul3A_1208 : vector<16xf32>
                      %add3A_1210 = arith.addf %get3A_1207, %mul3A_1209 : vector<16xf32>
                      %swap3A_1211 = arith.index_cast %add3A_1204 : i32 to index
                      %swap3A_1212 = tpu.vector_load %arg9[%swap3A_1211] {strides = array<i32>} : memref<55296xf32, #tpu.memory_space<vmem>>, vector<16xf32>,
                      %swap3A_1213 = vector.shape_cast %swap3A_1212 : vector<16xf32> to vector<16xf32>
                      %swap3A_1214 = vector.shape_cast %add3A_1210 : vector<16xf32> to vector<16xf32>
                      tpu.vector_store %arg9[%swap3A_1211], %swap3A_1214 {strides = array<i32>} : memref<55296xf32, #tpu.memory_space<vmem>>, vector<16xf32>,
                      %add3A_1215 = arith.constant 32 : i32
                      %add3A_1216 = arith.addi %add3A_1190, %add3A_1215 : i32
                      %get3A_1217 = arith.index_cast %add3A_1216 : i32 to index
                      %get3A_1218 = tpu.vector_load %arg9[%get3A_1217] {strides = array<i32>} : memref<55296xf32, #tpu.memory_space<vmem>>, vector<16xf32>,
                      %get3A_1219 = vector.shape_cast %get3A_1218 : vector<16xf32> to vector<16xf32>
                      %mul3A_1220 = vector.broadcast %mul3A_1188 : f32 to vector<16xf32>
                      %mul3A_1221 = arith.mulf %mul3A_773, %mul3A_1220 : vector<16xf32>
                      %add3A_1222 = arith.addf %get3A_1219, %mul3A_1221 : vector<16xf32>
                      %swap3A_1223 = arith.index_cast %add3A_1216 : i32 to index
                      %swap3A_1224 = tpu.vector_load %arg9[%swap3A_1223] {strides = array<i32>} : memref<55296xf32, #tpu.memory_space<vmem>>, vector<16xf32>,
                      %swap3A_1225 = vector.shape_cast %swap3A_1224 : vector<16xf32> to vector<16xf32>
                      %swap3A_1226 = vector.shape_cast %add3A_1222 : vector<16xf32> to vector<16xf32>
                      tpu.vector_store %arg9[%swap3A_1223], %swap3A_1226 {strides = array<i32>} : memref<55296xf32, #tpu.memory_space<vmem>>, vector<16xf32>,
                      %slice3A_1227 = vector.extract_strided_slice %mul3A_562 {offsets = [8], sizes = [1], strides = [1]} : vector<16xf32> to vector<1xf32>
                      %squeeze3A_1228 = vector.extract %slice3A_1227[0] : f32 from vector<1xf32>
                      %mul3A_1229 = arith.mulf %squeeze3A_892, %squeeze3A_1228 : f32
                      %add3A_1230 = arith.constant 512 : i32
                      %add3A_1231 = arith.addi %mul3A_899, %add3A_1230 : i32
                      %add3A_1232 = arith.constant 0 : i32
                      %add3A_1233 = arith.addi %add3A_1231, %add3A_1232 : i32
                      %get3A_1234 = arith.index_cast %add3A_1233 : i32 to index
                      %get3A_1235 = tpu.vector_load %arg9[%get3A_1234] {strides = array<i32>} : memref<55296xf32, #tpu.memory_space<vmem>>, vector<16xf32>,
                      %get3A_1236 = vector.shape_cast %get3A_1235 : vector<16xf32> to vector<16xf32>
                      %mul3A_1237 = vector.broadcast %mul3A_1229 : f32 to vector<16xf32>
                      %mul3A_1238 = arith.mulf %mul3A_697, %mul3A_1237 : vector<16xf32>
                      %add3A_1239 = arith.addf %get3A_1236, %mul3A_1238 : vector<16xf32>
                      %swap3A_1240 = arith.index_cast %add3A_1233 : i32 to index
                      %swap3A_1241 = tpu.vector_load %arg9[%swap3A_1240] {strides = array<i32>} : memref<55296xf32, #tpu.memory_space<vmem>>, vector<16xf32>,
                      %swap3A_1242 = vector.shape_cast %swap3A_1241 : vector<16xf32> to vector<16xf32>
                      %swap3A_1243 = vector.shape_cast %add3A_1239 : vector<16xf32> to vector<16xf32>
                      tpu.vector_store %arg9[%swap3A_1240], %swap3A_1243 {strides = array<i32>} : memref<55296xf32, #tpu.memory_space<vmem>>, vector<16xf32>,
                      %add3A_1244 = arith.constant 16 : i32
                      %add3A_1245 = arith.addi %add3A_1231, %add3A_1244 : i32
                      %get3A_1246 = arith.index_cast %add3A_1245 : i32 to index
                      %get3A_1247 = tpu.vector_load %arg9[%get3A_1246] {strides = array<i32>} : memref<55296xf32, #tpu.memory_space<vmem>>, vector<16xf32>,
                      %get3A_1248 = vector.shape_cast %get3A_1247 : vector<16xf32> to vector<16xf32>
                      %mul3A_1249 = vector.broadcast %mul3A_1229 : f32 to vector<16xf32>
                      %mul3A_1250 = arith.mulf %mul3A_735, %mul3A_1249 : vector<16xf32>
                      %add3A_1251 = arith.addf %get3A_1248, %mul3A_1250 : vector<16xf32>
                      %swap3A_1252 = arith.index_cast %add3A_1245 : i32 to index
                      %swap3A_1253 = tpu.vector_load %arg9[%swap3A_1252] {strides = array<i32>} : memref<55296xf32, #tpu.memory_space<vmem>>, vector<16xf32>,
                      %swap3A_1254 = vector.shape_cast %swap3A_1253 : vector<16xf32> to vector<16xf32>
                      %swap3A_1255 = vector.shape_cast %add3A_1251 : vector<16xf32> to vector<16xf32>
                      tpu.vector_store %arg9[%swap3A_1252], %swap3A_1255 {strides = array<i32>} : memref<55296xf32, #tpu.memory_space<vmem>>, vector<16xf32>,
                      %add3A_1256 = arith.constant 32 : i32
                      %add3A_1257 = arith.addi %add3A_1231, %add3A_1256 : i32
                      %get3A_1258 = arith.index_cast %add3A_1257 : i32 to index
                      %get3A_1259 = tpu.vector_load %arg9[%get3A_1258] {strides = array<i32>} : memref<55296xf32, #tpu.memory_space<vmem>>, vector<16xf32>,
                      %get3A_1260 = vector.shape_cast %get3A_1259 : vector<16xf32> to vector<16xf32>
                      %mul3A_1261 = vector.broadcast %mul3A_1229 : f32 to vector<16xf32>
                      %mul3A_1262 = arith.mulf %mul3A_773, %mul3A_1261 : vector<16xf32>
                      %add3A_1263 = arith.addf %get3A_1260, %mul3A_1262 : vector<16xf32>
                      %swap3A_1264 = arith.index_cast %add3A_1257 : i32 to index
                      %swap3A_1265 = tpu.vector_load %arg9[%swap3A_1264] {strides = array<i32>} : memref<55296xf32, #tpu.memory_space<vmem>>, vector<16xf32>,
                      %swap3A_1266 = vector.shape_cast %swap3A_1265 : vector<16xf32> to vector<16xf32>
                      %swap3A_1267 = vector.shape_cast %add3A_1263 : vector<16xf32> to vector<16xf32>
                      tpu.vector_store %arg9[%swap3A_1264], %swap3A_1267 {strides = array<i32>} : memref<55296xf32, #tpu.memory_space<vmem>>, vector<16xf32>,
                    } else {
                    }
                    %add3A_787 = arith.constant 2 : i32
                    %add3A_788 = arith.addi %add3A, %add3A_787 : i32
                    %add3A_789 = arith.constant 1 : i32
                    %add3A_790 = arith.addi %add3A_788, %add3A_789 : i32
                    %sub3A_791 = arith.subi %add3A_790, %mul3A_19 : i32
                    %ge3A_792 = arith.constant 0 : i32
                    %ge3A_793 = arith.cmpi sge, %sub3A_791, %ge3A_792 : i32
                    %lt3A_794 = arith.constant 8 : i32
                    %lt3A_795 = arith.cmpi slt, %sub3A_791, %lt3A_794 : i32
                    %and3A_796 = arith.andi %ge3A_793, %lt3A_795 : i1
                    %convert_element_type3A_797 = arith.extui %and3A_796 : i1 to i32
                    %cond3A_798 = arith.constant 0 : i32
                    %cond3A_799 = arith.cmpi ne, %convert_element_type3A_797, %cond3A_798 : i32
                    scf.if %cond3A_799 {
                      %slice3A_891 = vector.extract_strided_slice %mul3A_550 {offsets = [1], sizes = [1], strides = [1]} : vector<16xf32> to vector<1xf32>
                      %squeeze3A_892 = vector.extract %slice3A_891[0] : f32 from vector<1xf32>
                      %mul3A_893 = arith.constant 108 : i32
                      %mul3A_894 = arith.muli %sub3A_791, %mul3A_893 : i32
                      %add3A_895 = arith.addi %mul3A_894, %div3A_540 : i32
                      %add3A_896 = arith.constant 2 : i32
                      %add3A_897 = arith.addi %add3A_895, %add3A_896 : i32
                      %mul3A_898 = arith.constant 64 : i32
                      %mul3A_899 = arith.muli %add3A_897, %mul3A_898 : i32
                      %slice3A_900 = vector.extract_strided_slice %mul3A_562 {offsets = [0], sizes = [1], strides = [1]} : vector<16xf32> to vector<1xf32>
                      %squeeze3A_901 = vector.extract %slice3A_900[0] : f32 from vector<1xf32>
                      %mul3A_902 = arith.mulf %squeeze3A_892, %squeeze3A_901 : f32
                      %add3A_903 = arith.constant 0 : i32
                      %add3A_904 = arith.addi %mul3A_899, %add3A_903 : i32
                      %add3A_905 = arith.constant 0 : i32
                      %add3A_906 = arith.addi %add3A_904, %add3A_905 : i32
                      %get3A_907 = arith.index_cast %add3A_906 : i32 to index
                      %get3A_908 = tpu.vector_load %arg9[%get3A_907] {strides = array<i32>} : memref<55296xf32, #tpu.memory_space<vmem>>, vector<16xf32>,
                      %get3A_909 = vector.shape_cast %get3A_908 : vector<16xf32> to vector<16xf32>
                      %mul3A_910 = vector.broadcast %mul3A_902 : f32 to vector<16xf32>
                      %mul3A_911 = arith.mulf %mul3A_697, %mul3A_910 : vector<16xf32>
                      %add3A_912 = arith.addf %get3A_909, %mul3A_911 : vector<16xf32>
                      %swap3A = arith.index_cast %add3A_906 : i32 to index
                      %swap3A_913 = tpu.vector_load %arg9[%swap3A] {strides = array<i32>} : memref<55296xf32, #tpu.memory_space<vmem>>, vector<16xf32>,
                      %swap3A_914 = vector.shape_cast %swap3A_913 : vector<16xf32> to vector<16xf32>
                      %swap3A_915 = vector.shape_cast %add3A_912 : vector<16xf32> to vector<16xf32>
                      tpu.vector_store %arg9[%swap3A], %swap3A_915 {strides = array<i32>} : memref<55296xf32, #tpu.memory_space<vmem>>, vector<16xf32>,
                      %add3A_916 = arith.constant 16 : i32
                      %add3A_917 = arith.addi %add3A_904, %add3A_916 : i32
                      %get3A_918 = arith.index_cast %add3A_917 : i32 to index
                      %get3A_919 = tpu.vector_load %arg9[%get3A_918] {strides = array<i32>} : memref<55296xf32, #tpu.memory_space<vmem>>, vector<16xf32>,
                      %get3A_920 = vector.shape_cast %get3A_919 : vector<16xf32> to vector<16xf32>
                      %mul3A_921 = vector.broadcast %mul3A_902 : f32 to vector<16xf32>
                      %mul3A_922 = arith.mulf %mul3A_735, %mul3A_921 : vector<16xf32>
                      %add3A_923 = arith.addf %get3A_920, %mul3A_922 : vector<16xf32>
                      %swap3A_924 = arith.index_cast %add3A_917 : i32 to index
                      %swap3A_925 = tpu.vector_load %arg9[%swap3A_924] {strides = array<i32>} : memref<55296xf32, #tpu.memory_space<vmem>>, vector<16xf32>,
                      %swap3A_926 = vector.shape_cast %swap3A_925 : vector<16xf32> to vector<16xf32>
                      %swap3A_927 = vector.shape_cast %add3A_923 : vector<16xf32> to vector<16xf32>
                      tpu.vector_store %arg9[%swap3A_924], %swap3A_927 {strides = array<i32>} : memref<55296xf32, #tpu.memory_space<vmem>>, vector<16xf32>,
                      %add3A_928 = arith.constant 32 : i32
                      %add3A_929 = arith.addi %add3A_904, %add3A_928 : i32
                      %get3A_930 = arith.index_cast %add3A_929 : i32 to index
                      %get3A_931 = tpu.vector_load %arg9[%get3A_930] {strides = array<i32>} : memref<55296xf32, #tpu.memory_space<vmem>>, vector<16xf32>,
                      %get3A_932 = vector.shape_cast %get3A_931 : vector<16xf32> to vector<16xf32>
                      %mul3A_933 = vector.broadcast %mul3A_902 : f32 to vector<16xf32>
                      %mul3A_934 = arith.mulf %mul3A_773, %mul3A_933 : vector<16xf32>
                      %add3A_935 = arith.addf %get3A_932, %mul3A_934 : vector<16xf32>
                      %swap3A_936 = arith.index_cast %add3A_929 : i32 to index
                      %swap3A_937 = tpu.vector_load %arg9[%swap3A_936] {strides = array<i32>} : memref<55296xf32, #tpu.memory_space<vmem>>, vector<16xf32>,
                      %swap3A_938 = vector.shape_cast %swap3A_937 : vector<16xf32> to vector<16xf32>
                      %swap3A_939 = vector.shape_cast %add3A_935 : vector<16xf32> to vector<16xf32>
                      tpu.vector_store %arg9[%swap3A_936], %swap3A_939 {strides = array<i32>} : memref<55296xf32, #tpu.memory_space<vmem>>, vector<16xf32>,
                      %slice3A_940 = vector.extract_strided_slice %mul3A_562 {offsets = [1], sizes = [1], strides = [1]} : vector<16xf32> to vector<1xf32>
                      %squeeze3A_941 = vector.extract %slice3A_940[0] : f32 from vector<1xf32>
                      %mul3A_942 = arith.mulf %squeeze3A_892, %squeeze3A_941 : f32
                      %add3A_943 = arith.constant 64 : i32
                      %add3A_944 = arith.addi %mul3A_899, %add3A_943 : i32
                      %add3A_945 = arith.constant 0 : i32
                      %add3A_946 = arith.addi %add3A_944, %add3A_945 : i32
                      %get3A_947 = arith.index_cast %add3A_946 : i32 to index
                      %get3A_948 = tpu.vector_load %arg9[%get3A_947] {strides = array<i32>} : memref<55296xf32, #tpu.memory_space<vmem>>, vector<16xf32>,
                      %get3A_949 = vector.shape_cast %get3A_948 : vector<16xf32> to vector<16xf32>
                      %mul3A_950 = vector.broadcast %mul3A_942 : f32 to vector<16xf32>
                      %mul3A_951 = arith.mulf %mul3A_697, %mul3A_950 : vector<16xf32>
                      %add3A_952 = arith.addf %get3A_949, %mul3A_951 : vector<16xf32>
                      %swap3A_953 = arith.index_cast %add3A_946 : i32 to index
                      %swap3A_954 = tpu.vector_load %arg9[%swap3A_953] {strides = array<i32>} : memref<55296xf32, #tpu.memory_space<vmem>>, vector<16xf32>,
                      %swap3A_955 = vector.shape_cast %swap3A_954 : vector<16xf32> to vector<16xf32>
                      %swap3A_956 = vector.shape_cast %add3A_952 : vector<16xf32> to vector<16xf32>
                      tpu.vector_store %arg9[%swap3A_953], %swap3A_956 {strides = array<i32>} : memref<55296xf32, #tpu.memory_space<vmem>>, vector<16xf32>,
                      %add3A_957 = arith.constant 16 : i32
                      %add3A_958 = arith.addi %add3A_944, %add3A_957 : i32
                      %get3A_959 = arith.index_cast %add3A_958 : i32 to index
                      %get3A_960 = tpu.vector_load %arg9[%get3A_959] {strides = array<i32>} : memref<55296xf32, #tpu.memory_space<vmem>>, vector<16xf32>,
                      %get3A_961 = vector.shape_cast %get3A_960 : vector<16xf32> to vector<16xf32>
                      %mul3A_962 = vector.broadcast %mul3A_942 : f32 to vector<16xf32>
                      %mul3A_963 = arith.mulf %mul3A_735, %mul3A_962 : vector<16xf32>
                      %add3A_964 = arith.addf %get3A_961, %mul3A_963 : vector<16xf32>
                      %swap3A_965 = arith.index_cast %add3A_958 : i32 to index
                      %swap3A_966 = tpu.vector_load %arg9[%swap3A_965] {strides = array<i32>} : memref<55296xf32, #tpu.memory_space<vmem>>, vector<16xf32>,
                      %swap3A_967 = vector.shape_cast %swap3A_966 : vector<16xf32> to vector<16xf32>
                      %swap3A_968 = vector.shape_cast %add3A_964 : vector<16xf32> to vector<16xf32>
                      tpu.vector_store %arg9[%swap3A_965], %swap3A_968 {strides = array<i32>} : memref<55296xf32, #tpu.memory_space<vmem>>, vector<16xf32>,
                      %add3A_969 = arith.constant 32 : i32
                      %add3A_970 = arith.addi %add3A_944, %add3A_969 : i32
                      %get3A_971 = arith.index_cast %add3A_970 : i32 to index
                      %get3A_972 = tpu.vector_load %arg9[%get3A_971] {strides = array<i32>} : memref<55296xf32, #tpu.memory_space<vmem>>, vector<16xf32>,
                      %get3A_973 = vector.shape_cast %get3A_972 : vector<16xf32> to vector<16xf32>
                      %mul3A_974 = vector.broadcast %mul3A_942 : f32 to vector<16xf32>
                      %mul3A_975 = arith.mulf %mul3A_773, %mul3A_974 : vector<16xf32>
                      %add3A_976 = arith.addf %get3A_973, %mul3A_975 : vector<16xf32>
                      %swap3A_977 = arith.index_cast %add3A_970 : i32 to index
                      %swap3A_978 = tpu.vector_load %arg9[%swap3A_977] {strides = array<i32>} : memref<55296xf32, #tpu.memory_space<vmem>>, vector<16xf32>,
                      %swap3A_979 = vector.shape_cast %swap3A_978 : vector<16xf32> to vector<16xf32>
                      %swap3A_980 = vector.shape_cast %add3A_976 : vector<16xf32> to vector<16xf32>
                      tpu.vector_store %arg9[%swap3A_977], %swap3A_980 {strides = array<i32>} : memref<55296xf32, #tpu.memory_space<vmem>>, vector<16xf32>,
                      %slice3A_981 = vector.extract_strided_slice %mul3A_562 {offsets = [2], sizes = [1], strides = [1]} : vector<16xf32> to vector<1xf32>
                      %squeeze3A_982 = vector.extract %slice3A_981[0] : f32 from vector<1xf32>
                      %mul3A_983 = arith.mulf %squeeze3A_892, %squeeze3A_982 : f32
                      %add3A_984 = arith.constant 128 : i32
                      %add3A_985 = arith.addi %mul3A_899, %add3A_984 : i32
                      %add3A_986 = arith.constant 0 : i32
                      %add3A_987 = arith.addi %add3A_985, %add3A_986 : i32
                      %get3A_988 = arith.index_cast %add3A_987 : i32 to index
                      %get3A_989 = tpu.vector_load %arg9[%get3A_988] {strides = array<i32>} : memref<55296xf32, #tpu.memory_space<vmem>>, vector<16xf32>,
                      %get3A_990 = vector.shape_cast %get3A_989 : vector<16xf32> to vector<16xf32>
                      %mul3A_991 = vector.broadcast %mul3A_983 : f32 to vector<16xf32>
                      %mul3A_992 = arith.mulf %mul3A_697, %mul3A_991 : vector<16xf32>
                      %add3A_993 = arith.addf %get3A_990, %mul3A_992 : vector<16xf32>
                      %swap3A_994 = arith.index_cast %add3A_987 : i32 to index
                      %swap3A_995 = tpu.vector_load %arg9[%swap3A_994] {strides = array<i32>} : memref<55296xf32, #tpu.memory_space<vmem>>, vector<16xf32>,
                      %swap3A_996 = vector.shape_cast %swap3A_995 : vector<16xf32> to vector<16xf32>
                      %swap3A_997 = vector.shape_cast %add3A_993 : vector<16xf32> to vector<16xf32>
                      tpu.vector_store %arg9[%swap3A_994], %swap3A_997 {strides = array<i32>} : memref<55296xf32, #tpu.memory_space<vmem>>, vector<16xf32>,
                      %add3A_998 = arith.constant 16 : i32
                      %add3A_999 = arith.addi %add3A_985, %add3A_998 : i32
                      %get3A_1000 = arith.index_cast %add3A_999 : i32 to index
                      %get3A_1001 = tpu.vector_load %arg9[%get3A_1000] {strides = array<i32>} : memref<55296xf32, #tpu.memory_space<vmem>>, vector<16xf32>,
                      %get3A_1002 = vector.shape_cast %get3A_1001 : vector<16xf32> to vector<16xf32>
                      %mul3A_1003 = vector.broadcast %mul3A_983 : f32 to vector<16xf32>
                      %mul3A_1004 = arith.mulf %mul3A_735, %mul3A_1003 : vector<16xf32>
                      %add3A_1005 = arith.addf %get3A_1002, %mul3A_1004 : vector<16xf32>
                      %swap3A_1006 = arith.index_cast %add3A_999 : i32 to index
                      %swap3A_1007 = tpu.vector_load %arg9[%swap3A_1006] {strides = array<i32>} : memref<55296xf32, #tpu.memory_space<vmem>>, vector<16xf32>,
                      %swap3A_1008 = vector.shape_cast %swap3A_1007 : vector<16xf32> to vector<16xf32>
                      %swap3A_1009 = vector.shape_cast %add3A_1005 : vector<16xf32> to vector<16xf32>
                      tpu.vector_store %arg9[%swap3A_1006], %swap3A_1009 {strides = array<i32>} : memref<55296xf32, #tpu.memory_space<vmem>>, vector<16xf32>,
                      %add3A_1010 = arith.constant 32 : i32
                      %add3A_1011 = arith.addi %add3A_985, %add3A_1010 : i32
                      %get3A_1012 = arith.index_cast %add3A_1011 : i32 to index
                      %get3A_1013 = tpu.vector_load %arg9[%get3A_1012] {strides = array<i32>} : memref<55296xf32, #tpu.memory_space<vmem>>, vector<16xf32>,
                      %get3A_1014 = vector.shape_cast %get3A_1013 : vector<16xf32> to vector<16xf32>
                      %mul3A_1015 = vector.broadcast %mul3A_983 : f32 to vector<16xf32>
                      %mul3A_1016 = arith.mulf %mul3A_773, %mul3A_1015 : vector<16xf32>
                      %add3A_1017 = arith.addf %get3A_1014, %mul3A_1016 : vector<16xf32>
                      %swap3A_1018 = arith.index_cast %add3A_1011 : i32 to index
                      %swap3A_1019 = tpu.vector_load %arg9[%swap3A_1018] {strides = array<i32>} : memref<55296xf32, #tpu.memory_space<vmem>>, vector<16xf32>,
                      %swap3A_1020 = vector.shape_cast %swap3A_1019 : vector<16xf32> to vector<16xf32>
                      %swap3A_1021 = vector.shape_cast %add3A_1017 : vector<16xf32> to vector<16xf32>
                      tpu.vector_store %arg9[%swap3A_1018], %swap3A_1021 {strides = array<i32>} : memref<55296xf32, #tpu.memory_space<vmem>>, vector<16xf32>,
                      %slice3A_1022 = vector.extract_strided_slice %mul3A_562 {offsets = [3], sizes = [1], strides = [1]} : vector<16xf32> to vector<1xf32>
                      %squeeze3A_1023 = vector.extract %slice3A_1022[0] : f32 from vector<1xf32>
                      %mul3A_1024 = arith.mulf %squeeze3A_892, %squeeze3A_1023 : f32
                      %add3A_1025 = arith.constant 192 : i32
                      %add3A_1026 = arith.addi %mul3A_899, %add3A_1025 : i32
                      %add3A_1027 = arith.constant 0 : i32
                      %add3A_1028 = arith.addi %add3A_1026, %add3A_1027 : i32
                      %get3A_1029 = arith.index_cast %add3A_1028 : i32 to index
                      %get3A_1030 = tpu.vector_load %arg9[%get3A_1029] {strides = array<i32>} : memref<55296xf32, #tpu.memory_space<vmem>>, vector<16xf32>,
                      %get3A_1031 = vector.shape_cast %get3A_1030 : vector<16xf32> to vector<16xf32>
                      %mul3A_1032 = vector.broadcast %mul3A_1024 : f32 to vector<16xf32>
                      %mul3A_1033 = arith.mulf %mul3A_697, %mul3A_1032 : vector<16xf32>
                      %add3A_1034 = arith.addf %get3A_1031, %mul3A_1033 : vector<16xf32>
                      %swap3A_1035 = arith.index_cast %add3A_1028 : i32 to index
                      %swap3A_1036 = tpu.vector_load %arg9[%swap3A_1035] {strides = array<i32>} : memref<55296xf32, #tpu.memory_space<vmem>>, vector<16xf32>,
                      %swap3A_1037 = vector.shape_cast %swap3A_1036 : vector<16xf32> to vector<16xf32>
                      %swap3A_1038 = vector.shape_cast %add3A_1034 : vector<16xf32> to vector<16xf32>
                      tpu.vector_store %arg9[%swap3A_1035], %swap3A_1038 {strides = array<i32>} : memref<55296xf32, #tpu.memory_space<vmem>>, vector<16xf32>,
                      %add3A_1039 = arith.constant 16 : i32
                      %add3A_1040 = arith.addi %add3A_1026, %add3A_1039 : i32
                      %get3A_1041 = arith.index_cast %add3A_1040 : i32 to index
                      %get3A_1042 = tpu.vector_load %arg9[%get3A_1041] {strides = array<i32>} : memref<55296xf32, #tpu.memory_space<vmem>>, vector<16xf32>,
                      %get3A_1043 = vector.shape_cast %get3A_1042 : vector<16xf32> to vector<16xf32>
                      %mul3A_1044 = vector.broadcast %mul3A_1024 : f32 to vector<16xf32>
                      %mul3A_1045 = arith.mulf %mul3A_735, %mul3A_1044 : vector<16xf32>
                      %add3A_1046 = arith.addf %get3A_1043, %mul3A_1045 : vector<16xf32>
                      %swap3A_1047 = arith.index_cast %add3A_1040 : i32 to index
                      %swap3A_1048 = tpu.vector_load %arg9[%swap3A_1047] {strides = array<i32>} : memref<55296xf32, #tpu.memory_space<vmem>>, vector<16xf32>,
                      %swap3A_1049 = vector.shape_cast %swap3A_1048 : vector<16xf32> to vector<16xf32>
                      %swap3A_1050 = vector.shape_cast %add3A_1046 : vector<16xf32> to vector<16xf32>
                      tpu.vector_store %arg9[%swap3A_1047], %swap3A_1050 {strides = array<i32>} : memref<55296xf32, #tpu.memory_space<vmem>>, vector<16xf32>,
                      %add3A_1051 = arith.constant 32 : i32
                      %add3A_1052 = arith.addi %add3A_1026, %add3A_1051 : i32
                      %get3A_1053 = arith.index_cast %add3A_1052 : i32 to index
                      %get3A_1054 = tpu.vector_load %arg9[%get3A_1053] {strides = array<i32>} : memref<55296xf32, #tpu.memory_space<vmem>>, vector<16xf32>,
                      %get3A_1055 = vector.shape_cast %get3A_1054 : vector<16xf32> to vector<16xf32>
                      %mul3A_1056 = vector.broadcast %mul3A_1024 : f32 to vector<16xf32>
                      %mul3A_1057 = arith.mulf %mul3A_773, %mul3A_1056 : vector<16xf32>
                      %add3A_1058 = arith.addf %get3A_1055, %mul3A_1057 : vector<16xf32>
                      %swap3A_1059 = arith.index_cast %add3A_1052 : i32 to index
                      %swap3A_1060 = tpu.vector_load %arg9[%swap3A_1059] {strides = array<i32>} : memref<55296xf32, #tpu.memory_space<vmem>>, vector<16xf32>,
                      %swap3A_1061 = vector.shape_cast %swap3A_1060 : vector<16xf32> to vector<16xf32>
                      %swap3A_1062 = vector.shape_cast %add3A_1058 : vector<16xf32> to vector<16xf32>
                      tpu.vector_store %arg9[%swap3A_1059], %swap3A_1062 {strides = array<i32>} : memref<55296xf32, #tpu.memory_space<vmem>>, vector<16xf32>,
                      %slice3A_1063 = vector.extract_strided_slice %mul3A_562 {offsets = [4], sizes = [1], strides = [1]} : vector<16xf32> to vector<1xf32>
                      %squeeze3A_1064 = vector.extract %slice3A_1063[0] : f32 from vector<1xf32>
                      %mul3A_1065 = arith.mulf %squeeze3A_892, %squeeze3A_1064 : f32
                      %add3A_1066 = arith.constant 256 : i32
                      %add3A_1067 = arith.addi %mul3A_899, %add3A_1066 : i32
                      %add3A_1068 = arith.constant 0 : i32
                      %add3A_1069 = arith.addi %add3A_1067, %add3A_1068 : i32
                      %get3A_1070 = arith.index_cast %add3A_1069 : i32 to index
                      %get3A_1071 = tpu.vector_load %arg9[%get3A_1070] {strides = array<i32>} : memref<55296xf32, #tpu.memory_space<vmem>>, vector<16xf32>,
                      %get3A_1072 = vector.shape_cast %get3A_1071 : vector<16xf32> to vector<16xf32>
                      %mul3A_1073 = vector.broadcast %mul3A_1065 : f32 to vector<16xf32>
                      %mul3A_1074 = arith.mulf %mul3A_697, %mul3A_1073 : vector<16xf32>
                      %add3A_1075 = arith.addf %get3A_1072, %mul3A_1074 : vector<16xf32>
                      %swap3A_1076 = arith.index_cast %add3A_1069 : i32 to index
                      %swap3A_1077 = tpu.vector_load %arg9[%swap3A_1076] {strides = array<i32>} : memref<55296xf32, #tpu.memory_space<vmem>>, vector<16xf32>,
                      %swap3A_1078 = vector.shape_cast %swap3A_1077 : vector<16xf32> to vector<16xf32>
                      %swap3A_1079 = vector.shape_cast %add3A_1075 : vector<16xf32> to vector<16xf32>
                      tpu.vector_store %arg9[%swap3A_1076], %swap3A_1079 {strides = array<i32>} : memref<55296xf32, #tpu.memory_space<vmem>>, vector<16xf32>,
                      %add3A_1080 = arith.constant 16 : i32
                      %add3A_1081 = arith.addi %add3A_1067, %add3A_1080 : i32
                      %get3A_1082 = arith.index_cast %add3A_1081 : i32 to index
                      %get3A_1083 = tpu.vector_load %arg9[%get3A_1082] {strides = array<i32>} : memref<55296xf32, #tpu.memory_space<vmem>>, vector<16xf32>,
                      %get3A_1084 = vector.shape_cast %get3A_1083 : vector<16xf32> to vector<16xf32>
                      %mul3A_1085 = vector.broadcast %mul3A_1065 : f32 to vector<16xf32>
                      %mul3A_1086 = arith.mulf %mul3A_735, %mul3A_1085 : vector<16xf32>
                      %add3A_1087 = arith.addf %get3A_1084, %mul3A_1086 : vector<16xf32>
                      %swap3A_1088 = arith.index_cast %add3A_1081 : i32 to index
                      %swap3A_1089 = tpu.vector_load %arg9[%swap3A_1088] {strides = array<i32>} : memref<55296xf32, #tpu.memory_space<vmem>>, vector<16xf32>,
                      %swap3A_1090 = vector.shape_cast %swap3A_1089 : vector<16xf32> to vector<16xf32>
                      %swap3A_1091 = vector.shape_cast %add3A_1087 : vector<16xf32> to vector<16xf32>
                      tpu.vector_store %arg9[%swap3A_1088], %swap3A_1091 {strides = array<i32>} : memref<55296xf32, #tpu.memory_space<vmem>>, vector<16xf32>,
                      %add3A_1092 = arith.constant 32 : i32
                      %add3A_1093 = arith.addi %add3A_1067, %add3A_1092 : i32
                      %get3A_1094 = arith.index_cast %add3A_1093 : i32 to index
                      %get3A_1095 = tpu.vector_load %arg9[%get3A_1094] {strides = array<i32>} : memref<55296xf32, #tpu.memory_space<vmem>>, vector<16xf32>,
                      %get3A_1096 = vector.shape_cast %get3A_1095 : vector<16xf32> to vector<16xf32>
                      %mul3A_1097 = vector.broadcast %mul3A_1065 : f32 to vector<16xf32>
                      %mul3A_1098 = arith.mulf %mul3A_773, %mul3A_1097 : vector<16xf32>
                      %add3A_1099 = arith.addf %get3A_1096, %mul3A_1098 : vector<16xf32>
                      %swap3A_1100 = arith.index_cast %add3A_1093 : i32 to index
                      %swap3A_1101 = tpu.vector_load %arg9[%swap3A_1100] {strides = array<i32>} : memref<55296xf32, #tpu.memory_space<vmem>>, vector<16xf32>,
                      %swap3A_1102 = vector.shape_cast %swap3A_1101 : vector<16xf32> to vector<16xf32>
                      %swap3A_1103 = vector.shape_cast %add3A_1099 : vector<16xf32> to vector<16xf32>
                      tpu.vector_store %arg9[%swap3A_1100], %swap3A_1103 {strides = array<i32>} : memref<55296xf32, #tpu.memory_space<vmem>>, vector<16xf32>,
                      %slice3A_1104 = vector.extract_strided_slice %mul3A_562 {offsets = [5], sizes = [1], strides = [1]} : vector<16xf32> to vector<1xf32>
                      %squeeze3A_1105 = vector.extract %slice3A_1104[0] : f32 from vector<1xf32>
                      %mul3A_1106 = arith.mulf %squeeze3A_892, %squeeze3A_1105 : f32
                      %add3A_1107 = arith.constant 320 : i32
                      %add3A_1108 = arith.addi %mul3A_899, %add3A_1107 : i32
                      %add3A_1109 = arith.constant 0 : i32
                      %add3A_1110 = arith.addi %add3A_1108, %add3A_1109 : i32
                      %get3A_1111 = arith.index_cast %add3A_1110 : i32 to index
                      %get3A_1112 = tpu.vector_load %arg9[%get3A_1111] {strides = array<i32>} : memref<55296xf32, #tpu.memory_space<vmem>>, vector<16xf32>,
                      %get3A_1113 = vector.shape_cast %get3A_1112 : vector<16xf32> to vector<16xf32>
                      %mul3A_1114 = vector.broadcast %mul3A_1106 : f32 to vector<16xf32>
                      %mul3A_1115 = arith.mulf %mul3A_697, %mul3A_1114 : vector<16xf32>
                      %add3A_1116 = arith.addf %get3A_1113, %mul3A_1115 : vector<16xf32>
                      %swap3A_1117 = arith.index_cast %add3A_1110 : i32 to index
                      %swap3A_1118 = tpu.vector_load %arg9[%swap3A_1117] {strides = array<i32>} : memref<55296xf32, #tpu.memory_space<vmem>>, vector<16xf32>,
                      %swap3A_1119 = vector.shape_cast %swap3A_1118 : vector<16xf32> to vector<16xf32>
                      %swap3A_1120 = vector.shape_cast %add3A_1116 : vector<16xf32> to vector<16xf32>
                      tpu.vector_store %arg9[%swap3A_1117], %swap3A_1120 {strides = array<i32>} : memref<55296xf32, #tpu.memory_space<vmem>>, vector<16xf32>,
                      %add3A_1121 = arith.constant 16 : i32
                      %add3A_1122 = arith.addi %add3A_1108, %add3A_1121 : i32
                      %get3A_1123 = arith.index_cast %add3A_1122 : i32 to index
                      %get3A_1124 = tpu.vector_load %arg9[%get3A_1123] {strides = array<i32>} : memref<55296xf32, #tpu.memory_space<vmem>>, vector<16xf32>,
                      %get3A_1125 = vector.shape_cast %get3A_1124 : vector<16xf32> to vector<16xf32>
                      %mul3A_1126 = vector.broadcast %mul3A_1106 : f32 to vector<16xf32>
                      %mul3A_1127 = arith.mulf %mul3A_735, %mul3A_1126 : vector<16xf32>
                      %add3A_1128 = arith.addf %get3A_1125, %mul3A_1127 : vector<16xf32>
                      %swap3A_1129 = arith.index_cast %add3A_1122 : i32 to index
                      %swap3A_1130 = tpu.vector_load %arg9[%swap3A_1129] {strides = array<i32>} : memref<55296xf32, #tpu.memory_space<vmem>>, vector<16xf32>,
                      %swap3A_1131 = vector.shape_cast %swap3A_1130 : vector<16xf32> to vector<16xf32>
                      %swap3A_1132 = vector.shape_cast %add3A_1128 : vector<16xf32> to vector<16xf32>
                      tpu.vector_store %arg9[%swap3A_1129], %swap3A_1132 {strides = array<i32>} : memref<55296xf32, #tpu.memory_space<vmem>>, vector<16xf32>,
                      %add3A_1133 = arith.constant 32 : i32
                      %add3A_1134 = arith.addi %add3A_1108, %add3A_1133 : i32
                      %get3A_1135 = arith.index_cast %add3A_1134 : i32 to index
                      %get3A_1136 = tpu.vector_load %arg9[%get3A_1135] {strides = array<i32>} : memref<55296xf32, #tpu.memory_space<vmem>>, vector<16xf32>,
                      %get3A_1137 = vector.shape_cast %get3A_1136 : vector<16xf32> to vector<16xf32>
                      %mul3A_1138 = vector.broadcast %mul3A_1106 : f32 to vector<16xf32>
                      %mul3A_1139 = arith.mulf %mul3A_773, %mul3A_1138 : vector<16xf32>
                      %add3A_1140 = arith.addf %get3A_1137, %mul3A_1139 : vector<16xf32>
                      %swap3A_1141 = arith.index_cast %add3A_1134 : i32 to index
                      %swap3A_1142 = tpu.vector_load %arg9[%swap3A_1141] {strides = array<i32>} : memref<55296xf32, #tpu.memory_space<vmem>>, vector<16xf32>,
                      %swap3A_1143 = vector.shape_cast %swap3A_1142 : vector<16xf32> to vector<16xf32>
                      %swap3A_1144 = vector.shape_cast %add3A_1140 : vector<16xf32> to vector<16xf32>
                      tpu.vector_store %arg9[%swap3A_1141], %swap3A_1144 {strides = array<i32>} : memref<55296xf32, #tpu.memory_space<vmem>>, vector<16xf32>,
                      %slice3A_1145 = vector.extract_strided_slice %mul3A_562 {offsets = [6], sizes = [1], strides = [1]} : vector<16xf32> to vector<1xf32>
                      %squeeze3A_1146 = vector.extract %slice3A_1145[0] : f32 from vector<1xf32>
                      %mul3A_1147 = arith.mulf %squeeze3A_892, %squeeze3A_1146 : f32
                      %add3A_1148 = arith.constant 384 : i32
                      %add3A_1149 = arith.addi %mul3A_899, %add3A_1148 : i32
                      %add3A_1150 = arith.constant 0 : i32
                      %add3A_1151 = arith.addi %add3A_1149, %add3A_1150 : i32
                      %get3A_1152 = arith.index_cast %add3A_1151 : i32 to index
                      %get3A_1153 = tpu.vector_load %arg9[%get3A_1152] {strides = array<i32>} : memref<55296xf32, #tpu.memory_space<vmem>>, vector<16xf32>,
                      %get3A_1154 = vector.shape_cast %get3A_1153 : vector<16xf32> to vector<16xf32>
                      %mul3A_1155 = vector.broadcast %mul3A_1147 : f32 to vector<16xf32>
                      %mul3A_1156 = arith.mulf %mul3A_697, %mul3A_1155 : vector<16xf32>
                      %add3A_1157 = arith.addf %get3A_1154, %mul3A_1156 : vector<16xf32>
                      %swap3A_1158 = arith.index_cast %add3A_1151 : i32 to index
                      %swap3A_1159 = tpu.vector_load %arg9[%swap3A_1158] {strides = array<i32>} : memref<55296xf32, #tpu.memory_space<vmem>>, vector<16xf32>,
                      %swap3A_1160 = vector.shape_cast %swap3A_1159 : vector<16xf32> to vector<16xf32>
                      %swap3A_1161 = vector.shape_cast %add3A_1157 : vector<16xf32> to vector<16xf32>
                      tpu.vector_store %arg9[%swap3A_1158], %swap3A_1161 {strides = array<i32>} : memref<55296xf32, #tpu.memory_space<vmem>>, vector<16xf32>,
                      %add3A_1162 = arith.constant 16 : i32
                      %add3A_1163 = arith.addi %add3A_1149, %add3A_1162 : i32
                      %get3A_1164 = arith.index_cast %add3A_1163 : i32 to index
                      %get3A_1165 = tpu.vector_load %arg9[%get3A_1164] {strides = array<i32>} : memref<55296xf32, #tpu.memory_space<vmem>>, vector<16xf32>,
                      %get3A_1166 = vector.shape_cast %get3A_1165 : vector<16xf32> to vector<16xf32>
                      %mul3A_1167 = vector.broadcast %mul3A_1147 : f32 to vector<16xf32>
                      %mul3A_1168 = arith.mulf %mul3A_735, %mul3A_1167 : vector<16xf32>
                      %add3A_1169 = arith.addf %get3A_1166, %mul3A_1168 : vector<16xf32>
                      %swap3A_1170 = arith.index_cast %add3A_1163 : i32 to index
                      %swap3A_1171 = tpu.vector_load %arg9[%swap3A_1170] {strides = array<i32>} : memref<55296xf32, #tpu.memory_space<vmem>>, vector<16xf32>,
                      %swap3A_1172 = vector.shape_cast %swap3A_1171 : vector<16xf32> to vector<16xf32>
                      %swap3A_1173 = vector.shape_cast %add3A_1169 : vector<16xf32> to vector<16xf32>
                      tpu.vector_store %arg9[%swap3A_1170], %swap3A_1173 {strides = array<i32>} : memref<55296xf32, #tpu.memory_space<vmem>>, vector<16xf32>,
                      %add3A_1174 = arith.constant 32 : i32
                      %add3A_1175 = arith.addi %add3A_1149, %add3A_1174 : i32
                      %get3A_1176 = arith.index_cast %add3A_1175 : i32 to index
                      %get3A_1177 = tpu.vector_load %arg9[%get3A_1176] {strides = array<i32>} : memref<55296xf32, #tpu.memory_space<vmem>>, vector<16xf32>,
                      %get3A_1178 = vector.shape_cast %get3A_1177 : vector<16xf32> to vector<16xf32>
                      %mul3A_1179 = vector.broadcast %mul3A_1147 : f32 to vector<16xf32>
                      %mul3A_1180 = arith.mulf %mul3A_773, %mul3A_1179 : vector<16xf32>
                      %add3A_1181 = arith.addf %get3A_1178, %mul3A_1180 : vector<16xf32>
                      %swap3A_1182 = arith.index_cast %add3A_1175 : i32 to index
                      %swap3A_1183 = tpu.vector_load %arg9[%swap3A_1182] {strides = array<i32>} : memref<55296xf32, #tpu.memory_space<vmem>>, vector<16xf32>,
                      %swap3A_1184 = vector.shape_cast %swap3A_1183 : vector<16xf32> to vector<16xf32>
                      %swap3A_1185 = vector.shape_cast %add3A_1181 : vector<16xf32> to vector<16xf32>
                      tpu.vector_store %arg9[%swap3A_1182], %swap3A_1185 {strides = array<i32>} : memref<55296xf32, #tpu.memory_space<vmem>>, vector<16xf32>,
                      %slice3A_1186 = vector.extract_strided_slice %mul3A_562 {offsets = [7], sizes = [1], strides = [1]} : vector<16xf32> to vector<1xf32>
                      %squeeze3A_1187 = vector.extract %slice3A_1186[0] : f32 from vector<1xf32>
                      %mul3A_1188 = arith.mulf %squeeze3A_892, %squeeze3A_1187 : f32
                      %add3A_1189 = arith.constant 448 : i32
                      %add3A_1190 = arith.addi %mul3A_899, %add3A_1189 : i32
                      %add3A_1191 = arith.constant 0 : i32
                      %add3A_1192 = arith.addi %add3A_1190, %add3A_1191 : i32
                      %get3A_1193 = arith.index_cast %add3A_1192 : i32 to index
                      %get3A_1194 = tpu.vector_load %arg9[%get3A_1193] {strides = array<i32>} : memref<55296xf32, #tpu.memory_space<vmem>>, vector<16xf32>,
                      %get3A_1195 = vector.shape_cast %get3A_1194 : vector<16xf32> to vector<16xf32>
                      %mul3A_1196 = vector.broadcast %mul3A_1188 : f32 to vector<16xf32>
                      %mul3A_1197 = arith.mulf %mul3A_697, %mul3A_1196 : vector<16xf32>
                      %add3A_1198 = arith.addf %get3A_1195, %mul3A_1197 : vector<16xf32>
                      %swap3A_1199 = arith.index_cast %add3A_1192 : i32 to index
                      %swap3A_1200 = tpu.vector_load %arg9[%swap3A_1199] {strides = array<i32>} : memref<55296xf32, #tpu.memory_space<vmem>>, vector<16xf32>,
                      %swap3A_1201 = vector.shape_cast %swap3A_1200 : vector<16xf32> to vector<16xf32>
                      %swap3A_1202 = vector.shape_cast %add3A_1198 : vector<16xf32> to vector<16xf32>
                      tpu.vector_store %arg9[%swap3A_1199], %swap3A_1202 {strides = array<i32>} : memref<55296xf32, #tpu.memory_space<vmem>>, vector<16xf32>,
                      %add3A_1203 = arith.constant 16 : i32
                      %add3A_1204 = arith.addi %add3A_1190, %add3A_1203 : i32
                      %get3A_1205 = arith.index_cast %add3A_1204 : i32 to index
                      %get3A_1206 = tpu.vector_load %arg9[%get3A_1205] {strides = array<i32>} : memref<55296xf32, #tpu.memory_space<vmem>>, vector<16xf32>,
                      %get3A_1207 = vector.shape_cast %get3A_1206 : vector<16xf32> to vector<16xf32>
                      %mul3A_1208 = vector.broadcast %mul3A_1188 : f32 to vector<16xf32>
                      %mul3A_1209 = arith.mulf %mul3A_735, %mul3A_1208 : vector<16xf32>
                      %add3A_1210 = arith.addf %get3A_1207, %mul3A_1209 : vector<16xf32>
                      %swap3A_1211 = arith.index_cast %add3A_1204 : i32 to index
                      %swap3A_1212 = tpu.vector_load %arg9[%swap3A_1211] {strides = array<i32>} : memref<55296xf32, #tpu.memory_space<vmem>>, vector<16xf32>,
                      %swap3A_1213 = vector.shape_cast %swap3A_1212 : vector<16xf32> to vector<16xf32>
                      %swap3A_1214 = vector.shape_cast %add3A_1210 : vector<16xf32> to vector<16xf32>
                      tpu.vector_store %arg9[%swap3A_1211], %swap3A_1214 {strides = array<i32>} : memref<55296xf32, #tpu.memory_space<vmem>>, vector<16xf32>,
                      %add3A_1215 = arith.constant 32 : i32
                      %add3A_1216 = arith.addi %add3A_1190, %add3A_1215 : i32
                      %get3A_1217 = arith.index_cast %add3A_1216 : i32 to index
                      %get3A_1218 = tpu.vector_load %arg9[%get3A_1217] {strides = array<i32>} : memref<55296xf32, #tpu.memory_space<vmem>>, vector<16xf32>,
                      %get3A_1219 = vector.shape_cast %get3A_1218 : vector<16xf32> to vector<16xf32>
                      %mul3A_1220 = vector.broadcast %mul3A_1188 : f32 to vector<16xf32>
                      %mul3A_1221 = arith.mulf %mul3A_773, %mul3A_1220 : vector<16xf32>
                      %add3A_1222 = arith.addf %get3A_1219, %mul3A_1221 : vector<16xf32>
                      %swap3A_1223 = arith.index_cast %add3A_1216 : i32 to index
                      %swap3A_1224 = tpu.vector_load %arg9[%swap3A_1223] {strides = array<i32>} : memref<55296xf32, #tpu.memory_space<vmem>>, vector<16xf32>,
                      %swap3A_1225 = vector.shape_cast %swap3A_1224 : vector<16xf32> to vector<16xf32>
                      %swap3A_1226 = vector.shape_cast %add3A_1222 : vector<16xf32> to vector<16xf32>
                      tpu.vector_store %arg9[%swap3A_1223], %swap3A_1226 {strides = array<i32>} : memref<55296xf32, #tpu.memory_space<vmem>>, vector<16xf32>,
                      %slice3A_1227 = vector.extract_strided_slice %mul3A_562 {offsets = [8], sizes = [1], strides = [1]} : vector<16xf32> to vector<1xf32>
                      %squeeze3A_1228 = vector.extract %slice3A_1227[0] : f32 from vector<1xf32>
                      %mul3A_1229 = arith.mulf %squeeze3A_892, %squeeze3A_1228 : f32
                      %add3A_1230 = arith.constant 512 : i32
                      %add3A_1231 = arith.addi %mul3A_899, %add3A_1230 : i32
                      %add3A_1232 = arith.constant 0 : i32
                      %add3A_1233 = arith.addi %add3A_1231, %add3A_1232 : i32
                      %get3A_1234 = arith.index_cast %add3A_1233 : i32 to index
                      %get3A_1235 = tpu.vector_load %arg9[%get3A_1234] {strides = array<i32>} : memref<55296xf32, #tpu.memory_space<vmem>>, vector<16xf32>,
                      %get3A_1236 = vector.shape_cast %get3A_1235 : vector<16xf32> to vector<16xf32>
                      %mul3A_1237 = vector.broadcast %mul3A_1229 : f32 to vector<16xf32>
                      %mul3A_1238 = arith.mulf %mul3A_697, %mul3A_1237 : vector<16xf32>
                      %add3A_1239 = arith.addf %get3A_1236, %mul3A_1238 : vector<16xf32>
                      %swap3A_1240 = arith.index_cast %add3A_1233 : i32 to index
                      %swap3A_1241 = tpu.vector_load %arg9[%swap3A_1240] {strides = array<i32>} : memref<55296xf32, #tpu.memory_space<vmem>>, vector<16xf32>,
                      %swap3A_1242 = vector.shape_cast %swap3A_1241 : vector<16xf32> to vector<16xf32>
                      %swap3A_1243 = vector.shape_cast %add3A_1239 : vector<16xf32> to vector<16xf32>
                      tpu.vector_store %arg9[%swap3A_1240], %swap3A_1243 {strides = array<i32>} : memref<55296xf32, #tpu.memory_space<vmem>>, vector<16xf32>,
                      %add3A_1244 = arith.constant 16 : i32
                      %add3A_1245 = arith.addi %add3A_1231, %add3A_1244 : i32
                      %get3A_1246 = arith.index_cast %add3A_1245 : i32 to index
                      %get3A_1247 = tpu.vector_load %arg9[%get3A_1246] {strides = array<i32>} : memref<55296xf32, #tpu.memory_space<vmem>>, vector<16xf32>,
                      %get3A_1248 = vector.shape_cast %get3A_1247 : vector<16xf32> to vector<16xf32>
                      %mul3A_1249 = vector.broadcast %mul3A_1229 : f32 to vector<16xf32>
                      %mul3A_1250 = arith.mulf %mul3A_735, %mul3A_1249 : vector<16xf32>
                      %add3A_1251 = arith.addf %get3A_1248, %mul3A_1250 : vector<16xf32>
                      %swap3A_1252 = arith.index_cast %add3A_1245 : i32 to index
                      %swap3A_1253 = tpu.vector_load %arg9[%swap3A_1252] {strides = array<i32>} : memref<55296xf32, #tpu.memory_space<vmem>>, vector<16xf32>,
                      %swap3A_1254 = vector.shape_cast %swap3A_1253 : vector<16xf32> to vector<16xf32>
                      %swap3A_1255 = vector.shape_cast %add3A_1251 : vector<16xf32> to vector<16xf32>
                      tpu.vector_store %arg9[%swap3A_1252], %swap3A_1255 {strides = array<i32>} : memref<55296xf32, #tpu.memory_space<vmem>>, vector<16xf32>,
                      %add3A_1256 = arith.constant 32 : i32
                      %add3A_1257 = arith.addi %add3A_1231, %add3A_1256 : i32
                      %get3A_1258 = arith.index_cast %add3A_1257 : i32 to index
                      %get3A_1259 = tpu.vector_load %arg9[%get3A_1258] {strides = array<i32>} : memref<55296xf32, #tpu.memory_space<vmem>>, vector<16xf32>,
                      %get3A_1260 = vector.shape_cast %get3A_1259 : vector<16xf32> to vector<16xf32>
                      %mul3A_1261 = vector.broadcast %mul3A_1229 : f32 to vector<16xf32>
                      %mul3A_1262 = arith.mulf %mul3A_773, %mul3A_1261 : vector<16xf32>
                      %add3A_1263 = arith.addf %get3A_1260, %mul3A_1262 : vector<16xf32>
                      %swap3A_1264 = arith.index_cast %add3A_1257 : i32 to index
                      %swap3A_1265 = tpu.vector_load %arg9[%swap3A_1264] {strides = array<i32>} : memref<55296xf32, #tpu.memory_space<vmem>>, vector<16xf32>,
                      %swap3A_1266 = vector.shape_cast %swap3A_1265 : vector<16xf32> to vector<16xf32>
                      %swap3A_1267 = vector.shape_cast %add3A_1263 : vector<16xf32> to vector<16xf32>
                      tpu.vector_store %arg9[%swap3A_1264], %swap3A_1267 {strides = array<i32>} : memref<55296xf32, #tpu.memory_space<vmem>>, vector<16xf32>,
                    } else {
                    }
                    %add3A_800 = arith.constant 2 : i32
                    %add3A_801 = arith.addi %add3A, %add3A_800 : i32
                    %add3A_802 = arith.constant 2 : i32
                    %add3A_803 = arith.addi %add3A_801, %add3A_802 : i32
                    %sub3A_804 = arith.subi %add3A_803, %mul3A_19 : i32
                    %ge3A_805 = arith.constant 0 : i32
                    %ge3A_806 = arith.cmpi sge, %sub3A_804, %ge3A_805 : i32
                    %lt3A_807 = arith.constant 8 : i32
                    %lt3A_808 = arith.cmpi slt, %sub3A_804, %lt3A_807 : i32
                    %and3A_809 = arith.andi %ge3A_806, %lt3A_808 : i1
                    %convert_element_type3A_810 = arith.extui %and3A_809 : i1 to i32
                    %cond3A_811 = arith.constant 0 : i32
                    %cond3A_812 = arith.cmpi ne, %convert_element_type3A_810, %cond3A_811 : i32
                    scf.if %cond3A_812 {
                      %slice3A_891 = vector.extract_strided_slice %mul3A_550 {offsets = [2], sizes = [1], strides = [1]} : vector<16xf32> to vector<1xf32>
                      %squeeze3A_892 = vector.extract %slice3A_891[0] : f32 from vector<1xf32>
                      %mul3A_893 = arith.constant 108 : i32
                      %mul3A_894 = arith.muli %sub3A_804, %mul3A_893 : i32
                      %add3A_895 = arith.addi %mul3A_894, %div3A_540 : i32
                      %add3A_896 = arith.constant 2 : i32
                      %add3A_897 = arith.addi %add3A_895, %add3A_896 : i32
                      %mul3A_898 = arith.constant 64 : i32
                      %mul3A_899 = arith.muli %add3A_897, %mul3A_898 : i32
                      %slice3A_900 = vector.extract_strided_slice %mul3A_562 {offsets = [0], sizes = [1], strides = [1]} : vector<16xf32> to vector<1xf32>
                      %squeeze3A_901 = vector.extract %slice3A_900[0] : f32 from vector<1xf32>
                      %mul3A_902 = arith.mulf %squeeze3A_892, %squeeze3A_901 : f32
                      %add3A_903 = arith.constant 0 : i32
                      %add3A_904 = arith.addi %mul3A_899, %add3A_903 : i32
                      %add3A_905 = arith.constant 0 : i32
                      %add3A_906 = arith.addi %add3A_904, %add3A_905 : i32
                      %get3A_907 = arith.index_cast %add3A_906 : i32 to index
                      %get3A_908 = tpu.vector_load %arg9[%get3A_907] {strides = array<i32>} : memref<55296xf32, #tpu.memory_space<vmem>>, vector<16xf32>,
                      %get3A_909 = vector.shape_cast %get3A_908 : vector<16xf32> to vector<16xf32>
                      %mul3A_910 = vector.broadcast %mul3A_902 : f32 to vector<16xf32>
                      %mul3A_911 = arith.mulf %mul3A_697, %mul3A_910 : vector<16xf32>
                      %add3A_912 = arith.addf %get3A_909, %mul3A_911 : vector<16xf32>
                      %swap3A = arith.index_cast %add3A_906 : i32 to index
                      %swap3A_913 = tpu.vector_load %arg9[%swap3A] {strides = array<i32>} : memref<55296xf32, #tpu.memory_space<vmem>>, vector<16xf32>,
                      %swap3A_914 = vector.shape_cast %swap3A_913 : vector<16xf32> to vector<16xf32>
                      %swap3A_915 = vector.shape_cast %add3A_912 : vector<16xf32> to vector<16xf32>
                      tpu.vector_store %arg9[%swap3A], %swap3A_915 {strides = array<i32>} : memref<55296xf32, #tpu.memory_space<vmem>>, vector<16xf32>,
                      %add3A_916 = arith.constant 16 : i32
                      %add3A_917 = arith.addi %add3A_904, %add3A_916 : i32
                      %get3A_918 = arith.index_cast %add3A_917 : i32 to index
                      %get3A_919 = tpu.vector_load %arg9[%get3A_918] {strides = array<i32>} : memref<55296xf32, #tpu.memory_space<vmem>>, vector<16xf32>,
                      %get3A_920 = vector.shape_cast %get3A_919 : vector<16xf32> to vector<16xf32>
                      %mul3A_921 = vector.broadcast %mul3A_902 : f32 to vector<16xf32>
                      %mul3A_922 = arith.mulf %mul3A_735, %mul3A_921 : vector<16xf32>
                      %add3A_923 = arith.addf %get3A_920, %mul3A_922 : vector<16xf32>
                      %swap3A_924 = arith.index_cast %add3A_917 : i32 to index
                      %swap3A_925 = tpu.vector_load %arg9[%swap3A_924] {strides = array<i32>} : memref<55296xf32, #tpu.memory_space<vmem>>, vector<16xf32>,
                      %swap3A_926 = vector.shape_cast %swap3A_925 : vector<16xf32> to vector<16xf32>
                      %swap3A_927 = vector.shape_cast %add3A_923 : vector<16xf32> to vector<16xf32>
                      tpu.vector_store %arg9[%swap3A_924], %swap3A_927 {strides = array<i32>} : memref<55296xf32, #tpu.memory_space<vmem>>, vector<16xf32>,
                      %add3A_928 = arith.constant 32 : i32
                      %add3A_929 = arith.addi %add3A_904, %add3A_928 : i32
                      %get3A_930 = arith.index_cast %add3A_929 : i32 to index
                      %get3A_931 = tpu.vector_load %arg9[%get3A_930] {strides = array<i32>} : memref<55296xf32, #tpu.memory_space<vmem>>, vector<16xf32>,
                      %get3A_932 = vector.shape_cast %get3A_931 : vector<16xf32> to vector<16xf32>
                      %mul3A_933 = vector.broadcast %mul3A_902 : f32 to vector<16xf32>
                      %mul3A_934 = arith.mulf %mul3A_773, %mul3A_933 : vector<16xf32>
                      %add3A_935 = arith.addf %get3A_932, %mul3A_934 : vector<16xf32>
                      %swap3A_936 = arith.index_cast %add3A_929 : i32 to index
                      %swap3A_937 = tpu.vector_load %arg9[%swap3A_936] {strides = array<i32>} : memref<55296xf32, #tpu.memory_space<vmem>>, vector<16xf32>,
                      %swap3A_938 = vector.shape_cast %swap3A_937 : vector<16xf32> to vector<16xf32>
                      %swap3A_939 = vector.shape_cast %add3A_935 : vector<16xf32> to vector<16xf32>
                      tpu.vector_store %arg9[%swap3A_936], %swap3A_939 {strides = array<i32>} : memref<55296xf32, #tpu.memory_space<vmem>>, vector<16xf32>,
                      %slice3A_940 = vector.extract_strided_slice %mul3A_562 {offsets = [1], sizes = [1], strides = [1]} : vector<16xf32> to vector<1xf32>
                      %squeeze3A_941 = vector.extract %slice3A_940[0] : f32 from vector<1xf32>
                      %mul3A_942 = arith.mulf %squeeze3A_892, %squeeze3A_941 : f32
                      %add3A_943 = arith.constant 64 : i32
                      %add3A_944 = arith.addi %mul3A_899, %add3A_943 : i32
                      %add3A_945 = arith.constant 0 : i32
                      %add3A_946 = arith.addi %add3A_944, %add3A_945 : i32
                      %get3A_947 = arith.index_cast %add3A_946 : i32 to index
                      %get3A_948 = tpu.vector_load %arg9[%get3A_947] {strides = array<i32>} : memref<55296xf32, #tpu.memory_space<vmem>>, vector<16xf32>,
                      %get3A_949 = vector.shape_cast %get3A_948 : vector<16xf32> to vector<16xf32>
                      %mul3A_950 = vector.broadcast %mul3A_942 : f32 to vector<16xf32>
                      %mul3A_951 = arith.mulf %mul3A_697, %mul3A_950 : vector<16xf32>
                      %add3A_952 = arith.addf %get3A_949, %mul3A_951 : vector<16xf32>
                      %swap3A_953 = arith.index_cast %add3A_946 : i32 to index
                      %swap3A_954 = tpu.vector_load %arg9[%swap3A_953] {strides = array<i32>} : memref<55296xf32, #tpu.memory_space<vmem>>, vector<16xf32>,
                      %swap3A_955 = vector.shape_cast %swap3A_954 : vector<16xf32> to vector<16xf32>
                      %swap3A_956 = vector.shape_cast %add3A_952 : vector<16xf32> to vector<16xf32>
                      tpu.vector_store %arg9[%swap3A_953], %swap3A_956 {strides = array<i32>} : memref<55296xf32, #tpu.memory_space<vmem>>, vector<16xf32>,
                      %add3A_957 = arith.constant 16 : i32
                      %add3A_958 = arith.addi %add3A_944, %add3A_957 : i32
                      %get3A_959 = arith.index_cast %add3A_958 : i32 to index
                      %get3A_960 = tpu.vector_load %arg9[%get3A_959] {strides = array<i32>} : memref<55296xf32, #tpu.memory_space<vmem>>, vector<16xf32>,
                      %get3A_961 = vector.shape_cast %get3A_960 : vector<16xf32> to vector<16xf32>
                      %mul3A_962 = vector.broadcast %mul3A_942 : f32 to vector<16xf32>
                      %mul3A_963 = arith.mulf %mul3A_735, %mul3A_962 : vector<16xf32>
                      %add3A_964 = arith.addf %get3A_961, %mul3A_963 : vector<16xf32>
                      %swap3A_965 = arith.index_cast %add3A_958 : i32 to index
                      %swap3A_966 = tpu.vector_load %arg9[%swap3A_965] {strides = array<i32>} : memref<55296xf32, #tpu.memory_space<vmem>>, vector<16xf32>,
                      %swap3A_967 = vector.shape_cast %swap3A_966 : vector<16xf32> to vector<16xf32>
                      %swap3A_968 = vector.shape_cast %add3A_964 : vector<16xf32> to vector<16xf32>
                      tpu.vector_store %arg9[%swap3A_965], %swap3A_968 {strides = array<i32>} : memref<55296xf32, #tpu.memory_space<vmem>>, vector<16xf32>,
                      %add3A_969 = arith.constant 32 : i32
                      %add3A_970 = arith.addi %add3A_944, %add3A_969 : i32
                      %get3A_971 = arith.index_cast %add3A_970 : i32 to index
                      %get3A_972 = tpu.vector_load %arg9[%get3A_971] {strides = array<i32>} : memref<55296xf32, #tpu.memory_space<vmem>>, vector<16xf32>,
                      %get3A_973 = vector.shape_cast %get3A_972 : vector<16xf32> to vector<16xf32>
                      %mul3A_974 = vector.broadcast %mul3A_942 : f32 to vector<16xf32>
                      %mul3A_975 = arith.mulf %mul3A_773, %mul3A_974 : vector<16xf32>
                      %add3A_976 = arith.addf %get3A_973, %mul3A_975 : vector<16xf32>
                      %swap3A_977 = arith.index_cast %add3A_970 : i32 to index
                      %swap3A_978 = tpu.vector_load %arg9[%swap3A_977] {strides = array<i32>} : memref<55296xf32, #tpu.memory_space<vmem>>, vector<16xf32>,
                      %swap3A_979 = vector.shape_cast %swap3A_978 : vector<16xf32> to vector<16xf32>
                      %swap3A_980 = vector.shape_cast %add3A_976 : vector<16xf32> to vector<16xf32>
                      tpu.vector_store %arg9[%swap3A_977], %swap3A_980 {strides = array<i32>} : memref<55296xf32, #tpu.memory_space<vmem>>, vector<16xf32>,
                      %slice3A_981 = vector.extract_strided_slice %mul3A_562 {offsets = [2], sizes = [1], strides = [1]} : vector<16xf32> to vector<1xf32>
                      %squeeze3A_982 = vector.extract %slice3A_981[0] : f32 from vector<1xf32>
                      %mul3A_983 = arith.mulf %squeeze3A_892, %squeeze3A_982 : f32
                      %add3A_984 = arith.constant 128 : i32
                      %add3A_985 = arith.addi %mul3A_899, %add3A_984 : i32
                      %add3A_986 = arith.constant 0 : i32
                      %add3A_987 = arith.addi %add3A_985, %add3A_986 : i32
                      %get3A_988 = arith.index_cast %add3A_987 : i32 to index
                      %get3A_989 = tpu.vector_load %arg9[%get3A_988] {strides = array<i32>} : memref<55296xf32, #tpu.memory_space<vmem>>, vector<16xf32>,
                      %get3A_990 = vector.shape_cast %get3A_989 : vector<16xf32> to vector<16xf32>
                      %mul3A_991 = vector.broadcast %mul3A_983 : f32 to vector<16xf32>
                      %mul3A_992 = arith.mulf %mul3A_697, %mul3A_991 : vector<16xf32>
                      %add3A_993 = arith.addf %get3A_990, %mul3A_992 : vector<16xf32>
                      %swap3A_994 = arith.index_cast %add3A_987 : i32 to index
                      %swap3A_995 = tpu.vector_load %arg9[%swap3A_994] {strides = array<i32>} : memref<55296xf32, #tpu.memory_space<vmem>>, vector<16xf32>,
                      %swap3A_996 = vector.shape_cast %swap3A_995 : vector<16xf32> to vector<16xf32>
                      %swap3A_997 = vector.shape_cast %add3A_993 : vector<16xf32> to vector<16xf32>
                      tpu.vector_store %arg9[%swap3A_994], %swap3A_997 {strides = array<i32>} : memref<55296xf32, #tpu.memory_space<vmem>>, vector<16xf32>,
                      %add3A_998 = arith.constant 16 : i32
                      %add3A_999 = arith.addi %add3A_985, %add3A_998 : i32
                      %get3A_1000 = arith.index_cast %add3A_999 : i32 to index
                      %get3A_1001 = tpu.vector_load %arg9[%get3A_1000] {strides = array<i32>} : memref<55296xf32, #tpu.memory_space<vmem>>, vector<16xf32>,
                      %get3A_1002 = vector.shape_cast %get3A_1001 : vector<16xf32> to vector<16xf32>
                      %mul3A_1003 = vector.broadcast %mul3A_983 : f32 to vector<16xf32>
                      %mul3A_1004 = arith.mulf %mul3A_735, %mul3A_1003 : vector<16xf32>
                      %add3A_1005 = arith.addf %get3A_1002, %mul3A_1004 : vector<16xf32>
                      %swap3A_1006 = arith.index_cast %add3A_999 : i32 to index
                      %swap3A_1007 = tpu.vector_load %arg9[%swap3A_1006] {strides = array<i32>} : memref<55296xf32, #tpu.memory_space<vmem>>, vector<16xf32>,
                      %swap3A_1008 = vector.shape_cast %swap3A_1007 : vector<16xf32> to vector<16xf32>
                      %swap3A_1009 = vector.shape_cast %add3A_1005 : vector<16xf32> to vector<16xf32>
                      tpu.vector_store %arg9[%swap3A_1006], %swap3A_1009 {strides = array<i32>} : memref<55296xf32, #tpu.memory_space<vmem>>, vector<16xf32>,
                      %add3A_1010 = arith.constant 32 : i32
                      %add3A_1011 = arith.addi %add3A_985, %add3A_1010 : i32
                      %get3A_1012 = arith.index_cast %add3A_1011 : i32 to index
                      %get3A_1013 = tpu.vector_load %arg9[%get3A_1012] {strides = array<i32>} : memref<55296xf32, #tpu.memory_space<vmem>>, vector<16xf32>,
                      %get3A_1014 = vector.shape_cast %get3A_1013 : vector<16xf32> to vector<16xf32>
                      %mul3A_1015 = vector.broadcast %mul3A_983 : f32 to vector<16xf32>
                      %mul3A_1016 = arith.mulf %mul3A_773, %mul3A_1015 : vector<16xf32>
                      %add3A_1017 = arith.addf %get3A_1014, %mul3A_1016 : vector<16xf32>
                      %swap3A_1018 = arith.index_cast %add3A_1011 : i32 to index
                      %swap3A_1019 = tpu.vector_load %arg9[%swap3A_1018] {strides = array<i32>} : memref<55296xf32, #tpu.memory_space<vmem>>, vector<16xf32>,
                      %swap3A_1020 = vector.shape_cast %swap3A_1019 : vector<16xf32> to vector<16xf32>
                      %swap3A_1021 = vector.shape_cast %add3A_1017 : vector<16xf32> to vector<16xf32>
                      tpu.vector_store %arg9[%swap3A_1018], %swap3A_1021 {strides = array<i32>} : memref<55296xf32, #tpu.memory_space<vmem>>, vector<16xf32>,
                      %slice3A_1022 = vector.extract_strided_slice %mul3A_562 {offsets = [3], sizes = [1], strides = [1]} : vector<16xf32> to vector<1xf32>
                      %squeeze3A_1023 = vector.extract %slice3A_1022[0] : f32 from vector<1xf32>
                      %mul3A_1024 = arith.mulf %squeeze3A_892, %squeeze3A_1023 : f32
                      %add3A_1025 = arith.constant 192 : i32
                      %add3A_1026 = arith.addi %mul3A_899, %add3A_1025 : i32
                      %add3A_1027 = arith.constant 0 : i32
                      %add3A_1028 = arith.addi %add3A_1026, %add3A_1027 : i32
                      %get3A_1029 = arith.index_cast %add3A_1028 : i32 to index
                      %get3A_1030 = tpu.vector_load %arg9[%get3A_1029] {strides = array<i32>} : memref<55296xf32, #tpu.memory_space<vmem>>, vector<16xf32>,
                      %get3A_1031 = vector.shape_cast %get3A_1030 : vector<16xf32> to vector<16xf32>
                      %mul3A_1032 = vector.broadcast %mul3A_1024 : f32 to vector<16xf32>
                      %mul3A_1033 = arith.mulf %mul3A_697, %mul3A_1032 : vector<16xf32>
                      %add3A_1034 = arith.addf %get3A_1031, %mul3A_1033 : vector<16xf32>
                      %swap3A_1035 = arith.index_cast %add3A_1028 : i32 to index
                      %swap3A_1036 = tpu.vector_load %arg9[%swap3A_1035] {strides = array<i32>} : memref<55296xf32, #tpu.memory_space<vmem>>, vector<16xf32>,
                      %swap3A_1037 = vector.shape_cast %swap3A_1036 : vector<16xf32> to vector<16xf32>
                      %swap3A_1038 = vector.shape_cast %add3A_1034 : vector<16xf32> to vector<16xf32>
                      tpu.vector_store %arg9[%swap3A_1035], %swap3A_1038 {strides = array<i32>} : memref<55296xf32, #tpu.memory_space<vmem>>, vector<16xf32>,
                      %add3A_1039 = arith.constant 16 : i32
                      %add3A_1040 = arith.addi %add3A_1026, %add3A_1039 : i32
                      %get3A_1041 = arith.index_cast %add3A_1040 : i32 to index
                      %get3A_1042 = tpu.vector_load %arg9[%get3A_1041] {strides = array<i32>} : memref<55296xf32, #tpu.memory_space<vmem>>, vector<16xf32>,
                      %get3A_1043 = vector.shape_cast %get3A_1042 : vector<16xf32> to vector<16xf32>
                      %mul3A_1044 = vector.broadcast %mul3A_1024 : f32 to vector<16xf32>
                      %mul3A_1045 = arith.mulf %mul3A_735, %mul3A_1044 : vector<16xf32>
                      %add3A_1046 = arith.addf %get3A_1043, %mul3A_1045 : vector<16xf32>
                      %swap3A_1047 = arith.index_cast %add3A_1040 : i32 to index
                      %swap3A_1048 = tpu.vector_load %arg9[%swap3A_1047] {strides = array<i32>} : memref<55296xf32, #tpu.memory_space<vmem>>, vector<16xf32>,
                      %swap3A_1049 = vector.shape_cast %swap3A_1048 : vector<16xf32> to vector<16xf32>
                      %swap3A_1050 = vector.shape_cast %add3A_1046 : vector<16xf32> to vector<16xf32>
                      tpu.vector_store %arg9[%swap3A_1047], %swap3A_1050 {strides = array<i32>} : memref<55296xf32, #tpu.memory_space<vmem>>, vector<16xf32>,
                      %add3A_1051 = arith.constant 32 : i32
                      %add3A_1052 = arith.addi %add3A_1026, %add3A_1051 : i32
                      %get3A_1053 = arith.index_cast %add3A_1052 : i32 to index
                      %get3A_1054 = tpu.vector_load %arg9[%get3A_1053] {strides = array<i32>} : memref<55296xf32, #tpu.memory_space<vmem>>, vector<16xf32>,
                      %get3A_1055 = vector.shape_cast %get3A_1054 : vector<16xf32> to vector<16xf32>
                      %mul3A_1056 = vector.broadcast %mul3A_1024 : f32 to vector<16xf32>
                      %mul3A_1057 = arith.mulf %mul3A_773, %mul3A_1056 : vector<16xf32>
                      %add3A_1058 = arith.addf %get3A_1055, %mul3A_1057 : vector<16xf32>
                      %swap3A_1059 = arith.index_cast %add3A_1052 : i32 to index
                      %swap3A_1060 = tpu.vector_load %arg9[%swap3A_1059] {strides = array<i32>} : memref<55296xf32, #tpu.memory_space<vmem>>, vector<16xf32>,
                      %swap3A_1061 = vector.shape_cast %swap3A_1060 : vector<16xf32> to vector<16xf32>
                      %swap3A_1062 = vector.shape_cast %add3A_1058 : vector<16xf32> to vector<16xf32>
                      tpu.vector_store %arg9[%swap3A_1059], %swap3A_1062 {strides = array<i32>} : memref<55296xf32, #tpu.memory_space<vmem>>, vector<16xf32>,
                      %slice3A_1063 = vector.extract_strided_slice %mul3A_562 {offsets = [4], sizes = [1], strides = [1]} : vector<16xf32> to vector<1xf32>
                      %squeeze3A_1064 = vector.extract %slice3A_1063[0] : f32 from vector<1xf32>
                      %mul3A_1065 = arith.mulf %squeeze3A_892, %squeeze3A_1064 : f32
                      %add3A_1066 = arith.constant 256 : i32
                      %add3A_1067 = arith.addi %mul3A_899, %add3A_1066 : i32
                      %add3A_1068 = arith.constant 0 : i32
                      %add3A_1069 = arith.addi %add3A_1067, %add3A_1068 : i32
                      %get3A_1070 = arith.index_cast %add3A_1069 : i32 to index
                      %get3A_1071 = tpu.vector_load %arg9[%get3A_1070] {strides = array<i32>} : memref<55296xf32, #tpu.memory_space<vmem>>, vector<16xf32>,
                      %get3A_1072 = vector.shape_cast %get3A_1071 : vector<16xf32> to vector<16xf32>
                      %mul3A_1073 = vector.broadcast %mul3A_1065 : f32 to vector<16xf32>
                      %mul3A_1074 = arith.mulf %mul3A_697, %mul3A_1073 : vector<16xf32>
                      %add3A_1075 = arith.addf %get3A_1072, %mul3A_1074 : vector<16xf32>
                      %swap3A_1076 = arith.index_cast %add3A_1069 : i32 to index
                      %swap3A_1077 = tpu.vector_load %arg9[%swap3A_1076] {strides = array<i32>} : memref<55296xf32, #tpu.memory_space<vmem>>, vector<16xf32>,
                      %swap3A_1078 = vector.shape_cast %swap3A_1077 : vector<16xf32> to vector<16xf32>
                      %swap3A_1079 = vector.shape_cast %add3A_1075 : vector<16xf32> to vector<16xf32>
                      tpu.vector_store %arg9[%swap3A_1076], %swap3A_1079 {strides = array<i32>} : memref<55296xf32, #tpu.memory_space<vmem>>, vector<16xf32>,
                      %add3A_1080 = arith.constant 16 : i32
                      %add3A_1081 = arith.addi %add3A_1067, %add3A_1080 : i32
                      %get3A_1082 = arith.index_cast %add3A_1081 : i32 to index
                      %get3A_1083 = tpu.vector_load %arg9[%get3A_1082] {strides = array<i32>} : memref<55296xf32, #tpu.memory_space<vmem>>, vector<16xf32>,
                      %get3A_1084 = vector.shape_cast %get3A_1083 : vector<16xf32> to vector<16xf32>
                      %mul3A_1085 = vector.broadcast %mul3A_1065 : f32 to vector<16xf32>
                      %mul3A_1086 = arith.mulf %mul3A_735, %mul3A_1085 : vector<16xf32>
                      %add3A_1087 = arith.addf %get3A_1084, %mul3A_1086 : vector<16xf32>
                      %swap3A_1088 = arith.index_cast %add3A_1081 : i32 to index
                      %swap3A_1089 = tpu.vector_load %arg9[%swap3A_1088] {strides = array<i32>} : memref<55296xf32, #tpu.memory_space<vmem>>, vector<16xf32>,
                      %swap3A_1090 = vector.shape_cast %swap3A_1089 : vector<16xf32> to vector<16xf32>
                      %swap3A_1091 = vector.shape_cast %add3A_1087 : vector<16xf32> to vector<16xf32>
                      tpu.vector_store %arg9[%swap3A_1088], %swap3A_1091 {strides = array<i32>} : memref<55296xf32, #tpu.memory_space<vmem>>, vector<16xf32>,
                      %add3A_1092 = arith.constant 32 : i32
                      %add3A_1093 = arith.addi %add3A_1067, %add3A_1092 : i32
                      %get3A_1094 = arith.index_cast %add3A_1093 : i32 to index
                      %get3A_1095 = tpu.vector_load %arg9[%get3A_1094] {strides = array<i32>} : memref<55296xf32, #tpu.memory_space<vmem>>, vector<16xf32>,
                      %get3A_1096 = vector.shape_cast %get3A_1095 : vector<16xf32> to vector<16xf32>
                      %mul3A_1097 = vector.broadcast %mul3A_1065 : f32 to vector<16xf32>
                      %mul3A_1098 = arith.mulf %mul3A_773, %mul3A_1097 : vector<16xf32>
                      %add3A_1099 = arith.addf %get3A_1096, %mul3A_1098 : vector<16xf32>
                      %swap3A_1100 = arith.index_cast %add3A_1093 : i32 to index
                      %swap3A_1101 = tpu.vector_load %arg9[%swap3A_1100] {strides = array<i32>} : memref<55296xf32, #tpu.memory_space<vmem>>, vector<16xf32>,
                      %swap3A_1102 = vector.shape_cast %swap3A_1101 : vector<16xf32> to vector<16xf32>
                      %swap3A_1103 = vector.shape_cast %add3A_1099 : vector<16xf32> to vector<16xf32>
                      tpu.vector_store %arg9[%swap3A_1100], %swap3A_1103 {strides = array<i32>} : memref<55296xf32, #tpu.memory_space<vmem>>, vector<16xf32>,
                      %slice3A_1104 = vector.extract_strided_slice %mul3A_562 {offsets = [5], sizes = [1], strides = [1]} : vector<16xf32> to vector<1xf32>
                      %squeeze3A_1105 = vector.extract %slice3A_1104[0] : f32 from vector<1xf32>
                      %mul3A_1106 = arith.mulf %squeeze3A_892, %squeeze3A_1105 : f32
                      %add3A_1107 = arith.constant 320 : i32
                      %add3A_1108 = arith.addi %mul3A_899, %add3A_1107 : i32
                      %add3A_1109 = arith.constant 0 : i32
                      %add3A_1110 = arith.addi %add3A_1108, %add3A_1109 : i32
                      %get3A_1111 = arith.index_cast %add3A_1110 : i32 to index
                      %get3A_1112 = tpu.vector_load %arg9[%get3A_1111] {strides = array<i32>} : memref<55296xf32, #tpu.memory_space<vmem>>, vector<16xf32>,
                      %get3A_1113 = vector.shape_cast %get3A_1112 : vector<16xf32> to vector<16xf32>
                      %mul3A_1114 = vector.broadcast %mul3A_1106 : f32 to vector<16xf32>
                      %mul3A_1115 = arith.mulf %mul3A_697, %mul3A_1114 : vector<16xf32>
                      %add3A_1116 = arith.addf %get3A_1113, %mul3A_1115 : vector<16xf32>
                      %swap3A_1117 = arith.index_cast %add3A_1110 : i32 to index
                      %swap3A_1118 = tpu.vector_load %arg9[%swap3A_1117] {strides = array<i32>} : memref<55296xf32, #tpu.memory_space<vmem>>, vector<16xf32>,
                      %swap3A_1119 = vector.shape_cast %swap3A_1118 : vector<16xf32> to vector<16xf32>
                      %swap3A_1120 = vector.shape_cast %add3A_1116 : vector<16xf32> to vector<16xf32>
                      tpu.vector_store %arg9[%swap3A_1117], %swap3A_1120 {strides = array<i32>} : memref<55296xf32, #tpu.memory_space<vmem>>, vector<16xf32>,
                      %add3A_1121 = arith.constant 16 : i32
                      %add3A_1122 = arith.addi %add3A_1108, %add3A_1121 : i32
                      %get3A_1123 = arith.index_cast %add3A_1122 : i32 to index
                      %get3A_1124 = tpu.vector_load %arg9[%get3A_1123] {strides = array<i32>} : memref<55296xf32, #tpu.memory_space<vmem>>, vector<16xf32>,
                      %get3A_1125 = vector.shape_cast %get3A_1124 : vector<16xf32> to vector<16xf32>
                      %mul3A_1126 = vector.broadcast %mul3A_1106 : f32 to vector<16xf32>
                      %mul3A_1127 = arith.mulf %mul3A_735, %mul3A_1126 : vector<16xf32>
                      %add3A_1128 = arith.addf %get3A_1125, %mul3A_1127 : vector<16xf32>
                      %swap3A_1129 = arith.index_cast %add3A_1122 : i32 to index
                      %swap3A_1130 = tpu.vector_load %arg9[%swap3A_1129] {strides = array<i32>} : memref<55296xf32, #tpu.memory_space<vmem>>, vector<16xf32>,
                      %swap3A_1131 = vector.shape_cast %swap3A_1130 : vector<16xf32> to vector<16xf32>
                      %swap3A_1132 = vector.shape_cast %add3A_1128 : vector<16xf32> to vector<16xf32>
                      tpu.vector_store %arg9[%swap3A_1129], %swap3A_1132 {strides = array<i32>} : memref<55296xf32, #tpu.memory_space<vmem>>, vector<16xf32>,
                      %add3A_1133 = arith.constant 32 : i32
                      %add3A_1134 = arith.addi %add3A_1108, %add3A_1133 : i32
                      %get3A_1135 = arith.index_cast %add3A_1134 : i32 to index
                      %get3A_1136 = tpu.vector_load %arg9[%get3A_1135] {strides = array<i32>} : memref<55296xf32, #tpu.memory_space<vmem>>, vector<16xf32>,
                      %get3A_1137 = vector.shape_cast %get3A_1136 : vector<16xf32> to vector<16xf32>
                      %mul3A_1138 = vector.broadcast %mul3A_1106 : f32 to vector<16xf32>
                      %mul3A_1139 = arith.mulf %mul3A_773, %mul3A_1138 : vector<16xf32>
                      %add3A_1140 = arith.addf %get3A_1137, %mul3A_1139 : vector<16xf32>
                      %swap3A_1141 = arith.index_cast %add3A_1134 : i32 to index
                      %swap3A_1142 = tpu.vector_load %arg9[%swap3A_1141] {strides = array<i32>} : memref<55296xf32, #tpu.memory_space<vmem>>, vector<16xf32>,
                      %swap3A_1143 = vector.shape_cast %swap3A_1142 : vector<16xf32> to vector<16xf32>
                      %swap3A_1144 = vector.shape_cast %add3A_1140 : vector<16xf32> to vector<16xf32>
                      tpu.vector_store %arg9[%swap3A_1141], %swap3A_1144 {strides = array<i32>} : memref<55296xf32, #tpu.memory_space<vmem>>, vector<16xf32>,
                      %slice3A_1145 = vector.extract_strided_slice %mul3A_562 {offsets = [6], sizes = [1], strides = [1]} : vector<16xf32> to vector<1xf32>
                      %squeeze3A_1146 = vector.extract %slice3A_1145[0] : f32 from vector<1xf32>
                      %mul3A_1147 = arith.mulf %squeeze3A_892, %squeeze3A_1146 : f32
                      %add3A_1148 = arith.constant 384 : i32
                      %add3A_1149 = arith.addi %mul3A_899, %add3A_1148 : i32
                      %add3A_1150 = arith.constant 0 : i32
                      %add3A_1151 = arith.addi %add3A_1149, %add3A_1150 : i32
                      %get3A_1152 = arith.index_cast %add3A_1151 : i32 to index
                      %get3A_1153 = tpu.vector_load %arg9[%get3A_1152] {strides = array<i32>} : memref<55296xf32, #tpu.memory_space<vmem>>, vector<16xf32>,
                      %get3A_1154 = vector.shape_cast %get3A_1153 : vector<16xf32> to vector<16xf32>
                      %mul3A_1155 = vector.broadcast %mul3A_1147 : f32 to vector<16xf32>
                      %mul3A_1156 = arith.mulf %mul3A_697, %mul3A_1155 : vector<16xf32>
                      %add3A_1157 = arith.addf %get3A_1154, %mul3A_1156 : vector<16xf32>
                      %swap3A_1158 = arith.index_cast %add3A_1151 : i32 to index
                      %swap3A_1159 = tpu.vector_load %arg9[%swap3A_1158] {strides = array<i32>} : memref<55296xf32, #tpu.memory_space<vmem>>, vector<16xf32>,
                      %swap3A_1160 = vector.shape_cast %swap3A_1159 : vector<16xf32> to vector<16xf32>
                      %swap3A_1161 = vector.shape_cast %add3A_1157 : vector<16xf32> to vector<16xf32>
                      tpu.vector_store %arg9[%swap3A_1158], %swap3A_1161 {strides = array<i32>} : memref<55296xf32, #tpu.memory_space<vmem>>, vector<16xf32>,
                      %add3A_1162 = arith.constant 16 : i32
                      %add3A_1163 = arith.addi %add3A_1149, %add3A_1162 : i32
                      %get3A_1164 = arith.index_cast %add3A_1163 : i32 to index
                      %get3A_1165 = tpu.vector_load %arg9[%get3A_1164] {strides = array<i32>} : memref<55296xf32, #tpu.memory_space<vmem>>, vector<16xf32>,
                      %get3A_1166 = vector.shape_cast %get3A_1165 : vector<16xf32> to vector<16xf32>
                      %mul3A_1167 = vector.broadcast %mul3A_1147 : f32 to vector<16xf32>
                      %mul3A_1168 = arith.mulf %mul3A_735, %mul3A_1167 : vector<16xf32>
                      %add3A_1169 = arith.addf %get3A_1166, %mul3A_1168 : vector<16xf32>
                      %swap3A_1170 = arith.index_cast %add3A_1163 : i32 to index
                      %swap3A_1171 = tpu.vector_load %arg9[%swap3A_1170] {strides = array<i32>} : memref<55296xf32, #tpu.memory_space<vmem>>, vector<16xf32>,
                      %swap3A_1172 = vector.shape_cast %swap3A_1171 : vector<16xf32> to vector<16xf32>
                      %swap3A_1173 = vector.shape_cast %add3A_1169 : vector<16xf32> to vector<16xf32>
                      tpu.vector_store %arg9[%swap3A_1170], %swap3A_1173 {strides = array<i32>} : memref<55296xf32, #tpu.memory_space<vmem>>, vector<16xf32>,
                      %add3A_1174 = arith.constant 32 : i32
                      %add3A_1175 = arith.addi %add3A_1149, %add3A_1174 : i32
                      %get3A_1176 = arith.index_cast %add3A_1175 : i32 to index
                      %get3A_1177 = tpu.vector_load %arg9[%get3A_1176] {strides = array<i32>} : memref<55296xf32, #tpu.memory_space<vmem>>, vector<16xf32>,
                      %get3A_1178 = vector.shape_cast %get3A_1177 : vector<16xf32> to vector<16xf32>
                      %mul3A_1179 = vector.broadcast %mul3A_1147 : f32 to vector<16xf32>
                      %mul3A_1180 = arith.mulf %mul3A_773, %mul3A_1179 : vector<16xf32>
                      %add3A_1181 = arith.addf %get3A_1178, %mul3A_1180 : vector<16xf32>
                      %swap3A_1182 = arith.index_cast %add3A_1175 : i32 to index
                      %swap3A_1183 = tpu.vector_load %arg9[%swap3A_1182] {strides = array<i32>} : memref<55296xf32, #tpu.memory_space<vmem>>, vector<16xf32>,
                      %swap3A_1184 = vector.shape_cast %swap3A_1183 : vector<16xf32> to vector<16xf32>
                      %swap3A_1185 = vector.shape_cast %add3A_1181 : vector<16xf32> to vector<16xf32>
                      tpu.vector_store %arg9[%swap3A_1182], %swap3A_1185 {strides = array<i32>} : memref<55296xf32, #tpu.memory_space<vmem>>, vector<16xf32>,
                      %slice3A_1186 = vector.extract_strided_slice %mul3A_562 {offsets = [7], sizes = [1], strides = [1]} : vector<16xf32> to vector<1xf32>
                      %squeeze3A_1187 = vector.extract %slice3A_1186[0] : f32 from vector<1xf32>
                      %mul3A_1188 = arith.mulf %squeeze3A_892, %squeeze3A_1187 : f32
                      %add3A_1189 = arith.constant 448 : i32
                      %add3A_1190 = arith.addi %mul3A_899, %add3A_1189 : i32
                      %add3A_1191 = arith.constant 0 : i32
                      %add3A_1192 = arith.addi %add3A_1190, %add3A_1191 : i32
                      %get3A_1193 = arith.index_cast %add3A_1192 : i32 to index
                      %get3A_1194 = tpu.vector_load %arg9[%get3A_1193] {strides = array<i32>} : memref<55296xf32, #tpu.memory_space<vmem>>, vector<16xf32>,
                      %get3A_1195 = vector.shape_cast %get3A_1194 : vector<16xf32> to vector<16xf32>
                      %mul3A_1196 = vector.broadcast %mul3A_1188 : f32 to vector<16xf32>
                      %mul3A_1197 = arith.mulf %mul3A_697, %mul3A_1196 : vector<16xf32>
                      %add3A_1198 = arith.addf %get3A_1195, %mul3A_1197 : vector<16xf32>
                      %swap3A_1199 = arith.index_cast %add3A_1192 : i32 to index
                      %swap3A_1200 = tpu.vector_load %arg9[%swap3A_1199] {strides = array<i32>} : memref<55296xf32, #tpu.memory_space<vmem>>, vector<16xf32>,
                      %swap3A_1201 = vector.shape_cast %swap3A_1200 : vector<16xf32> to vector<16xf32>
                      %swap3A_1202 = vector.shape_cast %add3A_1198 : vector<16xf32> to vector<16xf32>
                      tpu.vector_store %arg9[%swap3A_1199], %swap3A_1202 {strides = array<i32>} : memref<55296xf32, #tpu.memory_space<vmem>>, vector<16xf32>,
                      %add3A_1203 = arith.constant 16 : i32
                      %add3A_1204 = arith.addi %add3A_1190, %add3A_1203 : i32
                      %get3A_1205 = arith.index_cast %add3A_1204 : i32 to index
                      %get3A_1206 = tpu.vector_load %arg9[%get3A_1205] {strides = array<i32>} : memref<55296xf32, #tpu.memory_space<vmem>>, vector<16xf32>,
                      %get3A_1207 = vector.shape_cast %get3A_1206 : vector<16xf32> to vector<16xf32>
                      %mul3A_1208 = vector.broadcast %mul3A_1188 : f32 to vector<16xf32>
                      %mul3A_1209 = arith.mulf %mul3A_735, %mul3A_1208 : vector<16xf32>
                      %add3A_1210 = arith.addf %get3A_1207, %mul3A_1209 : vector<16xf32>
                      %swap3A_1211 = arith.index_cast %add3A_1204 : i32 to index
                      %swap3A_1212 = tpu.vector_load %arg9[%swap3A_1211] {strides = array<i32>} : memref<55296xf32, #tpu.memory_space<vmem>>, vector<16xf32>,
                      %swap3A_1213 = vector.shape_cast %swap3A_1212 : vector<16xf32> to vector<16xf32>
                      %swap3A_1214 = vector.shape_cast %add3A_1210 : vector<16xf32> to vector<16xf32>
                      tpu.vector_store %arg9[%swap3A_1211], %swap3A_1214 {strides = array<i32>} : memref<55296xf32, #tpu.memory_space<vmem>>, vector<16xf32>,
                      %add3A_1215 = arith.constant 32 : i32
                      %add3A_1216 = arith.addi %add3A_1190, %add3A_1215 : i32
                      %get3A_1217 = arith.index_cast %add3A_1216 : i32 to index
                      %get3A_1218 = tpu.vector_load %arg9[%get3A_1217] {strides = array<i32>} : memref<55296xf32, #tpu.memory_space<vmem>>, vector<16xf32>,
                      %get3A_1219 = vector.shape_cast %get3A_1218 : vector<16xf32> to vector<16xf32>
                      %mul3A_1220 = vector.broadcast %mul3A_1188 : f32 to vector<16xf32>
                      %mul3A_1221 = arith.mulf %mul3A_773, %mul3A_1220 : vector<16xf32>
                      %add3A_1222 = arith.addf %get3A_1219, %mul3A_1221 : vector<16xf32>
                      %swap3A_1223 = arith.index_cast %add3A_1216 : i32 to index
                      %swap3A_1224 = tpu.vector_load %arg9[%swap3A_1223] {strides = array<i32>} : memref<55296xf32, #tpu.memory_space<vmem>>, vector<16xf32>,
                      %swap3A_1225 = vector.shape_cast %swap3A_1224 : vector<16xf32> to vector<16xf32>
                      %swap3A_1226 = vector.shape_cast %add3A_1222 : vector<16xf32> to vector<16xf32>
                      tpu.vector_store %arg9[%swap3A_1223], %swap3A_1226 {strides = array<i32>} : memref<55296xf32, #tpu.memory_space<vmem>>, vector<16xf32>,
                      %slice3A_1227 = vector.extract_strided_slice %mul3A_562 {offsets = [8], sizes = [1], strides = [1]} : vector<16xf32> to vector<1xf32>
                      %squeeze3A_1228 = vector.extract %slice3A_1227[0] : f32 from vector<1xf32>
                      %mul3A_1229 = arith.mulf %squeeze3A_892, %squeeze3A_1228 : f32
                      %add3A_1230 = arith.constant 512 : i32
                      %add3A_1231 = arith.addi %mul3A_899, %add3A_1230 : i32
                      %add3A_1232 = arith.constant 0 : i32
                      %add3A_1233 = arith.addi %add3A_1231, %add3A_1232 : i32
                      %get3A_1234 = arith.index_cast %add3A_1233 : i32 to index
                      %get3A_1235 = tpu.vector_load %arg9[%get3A_1234] {strides = array<i32>} : memref<55296xf32, #tpu.memory_space<vmem>>, vector<16xf32>,
                      %get3A_1236 = vector.shape_cast %get3A_1235 : vector<16xf32> to vector<16xf32>
                      %mul3A_1237 = vector.broadcast %mul3A_1229 : f32 to vector<16xf32>
                      %mul3A_1238 = arith.mulf %mul3A_697, %mul3A_1237 : vector<16xf32>
                      %add3A_1239 = arith.addf %get3A_1236, %mul3A_1238 : vector<16xf32>
                      %swap3A_1240 = arith.index_cast %add3A_1233 : i32 to index
                      %swap3A_1241 = tpu.vector_load %arg9[%swap3A_1240] {strides = array<i32>} : memref<55296xf32, #tpu.memory_space<vmem>>, vector<16xf32>,
                      %swap3A_1242 = vector.shape_cast %swap3A_1241 : vector<16xf32> to vector<16xf32>
                      %swap3A_1243 = vector.shape_cast %add3A_1239 : vector<16xf32> to vector<16xf32>
                      tpu.vector_store %arg9[%swap3A_1240], %swap3A_1243 {strides = array<i32>} : memref<55296xf32, #tpu.memory_space<vmem>>, vector<16xf32>,
                      %add3A_1244 = arith.constant 16 : i32
                      %add3A_1245 = arith.addi %add3A_1231, %add3A_1244 : i32
                      %get3A_1246 = arith.index_cast %add3A_1245 : i32 to index
                      %get3A_1247 = tpu.vector_load %arg9[%get3A_1246] {strides = array<i32>} : memref<55296xf32, #tpu.memory_space<vmem>>, vector<16xf32>,
                      %get3A_1248 = vector.shape_cast %get3A_1247 : vector<16xf32> to vector<16xf32>
                      %mul3A_1249 = vector.broadcast %mul3A_1229 : f32 to vector<16xf32>
                      %mul3A_1250 = arith.mulf %mul3A_735, %mul3A_1249 : vector<16xf32>
                      %add3A_1251 = arith.addf %get3A_1248, %mul3A_1250 : vector<16xf32>
                      %swap3A_1252 = arith.index_cast %add3A_1245 : i32 to index
                      %swap3A_1253 = tpu.vector_load %arg9[%swap3A_1252] {strides = array<i32>} : memref<55296xf32, #tpu.memory_space<vmem>>, vector<16xf32>,
                      %swap3A_1254 = vector.shape_cast %swap3A_1253 : vector<16xf32> to vector<16xf32>
                      %swap3A_1255 = vector.shape_cast %add3A_1251 : vector<16xf32> to vector<16xf32>
                      tpu.vector_store %arg9[%swap3A_1252], %swap3A_1255 {strides = array<i32>} : memref<55296xf32, #tpu.memory_space<vmem>>, vector<16xf32>,
                      %add3A_1256 = arith.constant 32 : i32
                      %add3A_1257 = arith.addi %add3A_1231, %add3A_1256 : i32
                      %get3A_1258 = arith.index_cast %add3A_1257 : i32 to index
                      %get3A_1259 = tpu.vector_load %arg9[%get3A_1258] {strides = array<i32>} : memref<55296xf32, #tpu.memory_space<vmem>>, vector<16xf32>,
                      %get3A_1260 = vector.shape_cast %get3A_1259 : vector<16xf32> to vector<16xf32>
                      %mul3A_1261 = vector.broadcast %mul3A_1229 : f32 to vector<16xf32>
                      %mul3A_1262 = arith.mulf %mul3A_773, %mul3A_1261 : vector<16xf32>
                      %add3A_1263 = arith.addf %get3A_1260, %mul3A_1262 : vector<16xf32>
                      %swap3A_1264 = arith.index_cast %add3A_1257 : i32 to index
                      %swap3A_1265 = tpu.vector_load %arg9[%swap3A_1264] {strides = array<i32>} : memref<55296xf32, #tpu.memory_space<vmem>>, vector<16xf32>,
                      %swap3A_1266 = vector.shape_cast %swap3A_1265 : vector<16xf32> to vector<16xf32>
                      %swap3A_1267 = vector.shape_cast %add3A_1263 : vector<16xf32> to vector<16xf32>
                      tpu.vector_store %arg9[%swap3A_1264], %swap3A_1267 {strides = array<i32>} : memref<55296xf32, #tpu.memory_space<vmem>>, vector<16xf32>,
                    } else {
                    }
                    %add3A_813 = arith.constant 2 : i32
                    %add3A_814 = arith.addi %add3A, %add3A_813 : i32
                    %add3A_815 = arith.constant 3 : i32
                    %add3A_816 = arith.addi %add3A_814, %add3A_815 : i32
                    %sub3A_817 = arith.subi %add3A_816, %mul3A_19 : i32
                    %ge3A_818 = arith.constant 0 : i32
                    %ge3A_819 = arith.cmpi sge, %sub3A_817, %ge3A_818 : i32
                    %lt3A_820 = arith.constant 8 : i32
                    %lt3A_821 = arith.cmpi slt, %sub3A_817, %lt3A_820 : i32
                    %and3A_822 = arith.andi %ge3A_819, %lt3A_821 : i1
                    %convert_element_type3A_823 = arith.extui %and3A_822 : i1 to i32
                    %cond3A_824 = arith.constant 0 : i32
                    %cond3A_825 = arith.cmpi ne, %convert_element_type3A_823, %cond3A_824 : i32
                    scf.if %cond3A_825 {
                      %slice3A_891 = vector.extract_strided_slice %mul3A_550 {offsets = [3], sizes = [1], strides = [1]} : vector<16xf32> to vector<1xf32>
                      %squeeze3A_892 = vector.extract %slice3A_891[0] : f32 from vector<1xf32>
                      %mul3A_893 = arith.constant 108 : i32
                      %mul3A_894 = arith.muli %sub3A_817, %mul3A_893 : i32
                      %add3A_895 = arith.addi %mul3A_894, %div3A_540 : i32
                      %add3A_896 = arith.constant 2 : i32
                      %add3A_897 = arith.addi %add3A_895, %add3A_896 : i32
                      %mul3A_898 = arith.constant 64 : i32
                      %mul3A_899 = arith.muli %add3A_897, %mul3A_898 : i32
                      %slice3A_900 = vector.extract_strided_slice %mul3A_562 {offsets = [0], sizes = [1], strides = [1]} : vector<16xf32> to vector<1xf32>
                      %squeeze3A_901 = vector.extract %slice3A_900[0] : f32 from vector<1xf32>
                      %mul3A_902 = arith.mulf %squeeze3A_892, %squeeze3A_901 : f32
                      %add3A_903 = arith.constant 0 : i32
                      %add3A_904 = arith.addi %mul3A_899, %add3A_903 : i32
                      %add3A_905 = arith.constant 0 : i32
                      %add3A_906 = arith.addi %add3A_904, %add3A_905 : i32
                      %get3A_907 = arith.index_cast %add3A_906 : i32 to index
                      %get3A_908 = tpu.vector_load %arg9[%get3A_907] {strides = array<i32>} : memref<55296xf32, #tpu.memory_space<vmem>>, vector<16xf32>,
                      %get3A_909 = vector.shape_cast %get3A_908 : vector<16xf32> to vector<16xf32>
                      %mul3A_910 = vector.broadcast %mul3A_902 : f32 to vector<16xf32>
                      %mul3A_911 = arith.mulf %mul3A_697, %mul3A_910 : vector<16xf32>
                      %add3A_912 = arith.addf %get3A_909, %mul3A_911 : vector<16xf32>
                      %swap3A = arith.index_cast %add3A_906 : i32 to index
                      %swap3A_913 = tpu.vector_load %arg9[%swap3A] {strides = array<i32>} : memref<55296xf32, #tpu.memory_space<vmem>>, vector<16xf32>,
                      %swap3A_914 = vector.shape_cast %swap3A_913 : vector<16xf32> to vector<16xf32>
                      %swap3A_915 = vector.shape_cast %add3A_912 : vector<16xf32> to vector<16xf32>
                      tpu.vector_store %arg9[%swap3A], %swap3A_915 {strides = array<i32>} : memref<55296xf32, #tpu.memory_space<vmem>>, vector<16xf32>,
                      %add3A_916 = arith.constant 16 : i32
                      %add3A_917 = arith.addi %add3A_904, %add3A_916 : i32
                      %get3A_918 = arith.index_cast %add3A_917 : i32 to index
                      %get3A_919 = tpu.vector_load %arg9[%get3A_918] {strides = array<i32>} : memref<55296xf32, #tpu.memory_space<vmem>>, vector<16xf32>,
                      %get3A_920 = vector.shape_cast %get3A_919 : vector<16xf32> to vector<16xf32>
                      %mul3A_921 = vector.broadcast %mul3A_902 : f32 to vector<16xf32>
                      %mul3A_922 = arith.mulf %mul3A_735, %mul3A_921 : vector<16xf32>
                      %add3A_923 = arith.addf %get3A_920, %mul3A_922 : vector<16xf32>
                      %swap3A_924 = arith.index_cast %add3A_917 : i32 to index
                      %swap3A_925 = tpu.vector_load %arg9[%swap3A_924] {strides = array<i32>} : memref<55296xf32, #tpu.memory_space<vmem>>, vector<16xf32>,
                      %swap3A_926 = vector.shape_cast %swap3A_925 : vector<16xf32> to vector<16xf32>
                      %swap3A_927 = vector.shape_cast %add3A_923 : vector<16xf32> to vector<16xf32>
                      tpu.vector_store %arg9[%swap3A_924], %swap3A_927 {strides = array<i32>} : memref<55296xf32, #tpu.memory_space<vmem>>, vector<16xf32>,
                      %add3A_928 = arith.constant 32 : i32
                      %add3A_929 = arith.addi %add3A_904, %add3A_928 : i32
                      %get3A_930 = arith.index_cast %add3A_929 : i32 to index
                      %get3A_931 = tpu.vector_load %arg9[%get3A_930] {strides = array<i32>} : memref<55296xf32, #tpu.memory_space<vmem>>, vector<16xf32>,
                      %get3A_932 = vector.shape_cast %get3A_931 : vector<16xf32> to vector<16xf32>
                      %mul3A_933 = vector.broadcast %mul3A_902 : f32 to vector<16xf32>
                      %mul3A_934 = arith.mulf %mul3A_773, %mul3A_933 : vector<16xf32>
                      %add3A_935 = arith.addf %get3A_932, %mul3A_934 : vector<16xf32>
                      %swap3A_936 = arith.index_cast %add3A_929 : i32 to index
                      %swap3A_937 = tpu.vector_load %arg9[%swap3A_936] {strides = array<i32>} : memref<55296xf32, #tpu.memory_space<vmem>>, vector<16xf32>,
                      %swap3A_938 = vector.shape_cast %swap3A_937 : vector<16xf32> to vector<16xf32>
                      %swap3A_939 = vector.shape_cast %add3A_935 : vector<16xf32> to vector<16xf32>
                      tpu.vector_store %arg9[%swap3A_936], %swap3A_939 {strides = array<i32>} : memref<55296xf32, #tpu.memory_space<vmem>>, vector<16xf32>,
                      %slice3A_940 = vector.extract_strided_slice %mul3A_562 {offsets = [1], sizes = [1], strides = [1]} : vector<16xf32> to vector<1xf32>
                      %squeeze3A_941 = vector.extract %slice3A_940[0] : f32 from vector<1xf32>
                      %mul3A_942 = arith.mulf %squeeze3A_892, %squeeze3A_941 : f32
                      %add3A_943 = arith.constant 64 : i32
                      %add3A_944 = arith.addi %mul3A_899, %add3A_943 : i32
                      %add3A_945 = arith.constant 0 : i32
                      %add3A_946 = arith.addi %add3A_944, %add3A_945 : i32
                      %get3A_947 = arith.index_cast %add3A_946 : i32 to index
                      %get3A_948 = tpu.vector_load %arg9[%get3A_947] {strides = array<i32>} : memref<55296xf32, #tpu.memory_space<vmem>>, vector<16xf32>,
                      %get3A_949 = vector.shape_cast %get3A_948 : vector<16xf32> to vector<16xf32>
                      %mul3A_950 = vector.broadcast %mul3A_942 : f32 to vector<16xf32>
                      %mul3A_951 = arith.mulf %mul3A_697, %mul3A_950 : vector<16xf32>
                      %add3A_952 = arith.addf %get3A_949, %mul3A_951 : vector<16xf32>
                      %swap3A_953 = arith.index_cast %add3A_946 : i32 to index
                      %swap3A_954 = tpu.vector_load %arg9[%swap3A_953] {strides = array<i32>} : memref<55296xf32, #tpu.memory_space<vmem>>, vector<16xf32>,
                      %swap3A_955 = vector.shape_cast %swap3A_954 : vector<16xf32> to vector<16xf32>
                      %swap3A_956 = vector.shape_cast %add3A_952 : vector<16xf32> to vector<16xf32>
                      tpu.vector_store %arg9[%swap3A_953], %swap3A_956 {strides = array<i32>} : memref<55296xf32, #tpu.memory_space<vmem>>, vector<16xf32>,
                      %add3A_957 = arith.constant 16 : i32
                      %add3A_958 = arith.addi %add3A_944, %add3A_957 : i32
                      %get3A_959 = arith.index_cast %add3A_958 : i32 to index
                      %get3A_960 = tpu.vector_load %arg9[%get3A_959] {strides = array<i32>} : memref<55296xf32, #tpu.memory_space<vmem>>, vector<16xf32>,
                      %get3A_961 = vector.shape_cast %get3A_960 : vector<16xf32> to vector<16xf32>
                      %mul3A_962 = vector.broadcast %mul3A_942 : f32 to vector<16xf32>
                      %mul3A_963 = arith.mulf %mul3A_735, %mul3A_962 : vector<16xf32>
                      %add3A_964 = arith.addf %get3A_961, %mul3A_963 : vector<16xf32>
                      %swap3A_965 = arith.index_cast %add3A_958 : i32 to index
                      %swap3A_966 = tpu.vector_load %arg9[%swap3A_965] {strides = array<i32>} : memref<55296xf32, #tpu.memory_space<vmem>>, vector<16xf32>,
                      %swap3A_967 = vector.shape_cast %swap3A_966 : vector<16xf32> to vector<16xf32>
                      %swap3A_968 = vector.shape_cast %add3A_964 : vector<16xf32> to vector<16xf32>
                      tpu.vector_store %arg9[%swap3A_965], %swap3A_968 {strides = array<i32>} : memref<55296xf32, #tpu.memory_space<vmem>>, vector<16xf32>,
                      %add3A_969 = arith.constant 32 : i32
                      %add3A_970 = arith.addi %add3A_944, %add3A_969 : i32
                      %get3A_971 = arith.index_cast %add3A_970 : i32 to index
                      %get3A_972 = tpu.vector_load %arg9[%get3A_971] {strides = array<i32>} : memref<55296xf32, #tpu.memory_space<vmem>>, vector<16xf32>,
                      %get3A_973 = vector.shape_cast %get3A_972 : vector<16xf32> to vector<16xf32>
                      %mul3A_974 = vector.broadcast %mul3A_942 : f32 to vector<16xf32>
                      %mul3A_975 = arith.mulf %mul3A_773, %mul3A_974 : vector<16xf32>
                      %add3A_976 = arith.addf %get3A_973, %mul3A_975 : vector<16xf32>
                      %swap3A_977 = arith.index_cast %add3A_970 : i32 to index
                      %swap3A_978 = tpu.vector_load %arg9[%swap3A_977] {strides = array<i32>} : memref<55296xf32, #tpu.memory_space<vmem>>, vector<16xf32>,
                      %swap3A_979 = vector.shape_cast %swap3A_978 : vector<16xf32> to vector<16xf32>
                      %swap3A_980 = vector.shape_cast %add3A_976 : vector<16xf32> to vector<16xf32>
                      tpu.vector_store %arg9[%swap3A_977], %swap3A_980 {strides = array<i32>} : memref<55296xf32, #tpu.memory_space<vmem>>, vector<16xf32>,
                      %slice3A_981 = vector.extract_strided_slice %mul3A_562 {offsets = [2], sizes = [1], strides = [1]} : vector<16xf32> to vector<1xf32>
                      %squeeze3A_982 = vector.extract %slice3A_981[0] : f32 from vector<1xf32>
                      %mul3A_983 = arith.mulf %squeeze3A_892, %squeeze3A_982 : f32
                      %add3A_984 = arith.constant 128 : i32
                      %add3A_985 = arith.addi %mul3A_899, %add3A_984 : i32
                      %add3A_986 = arith.constant 0 : i32
                      %add3A_987 = arith.addi %add3A_985, %add3A_986 : i32
                      %get3A_988 = arith.index_cast %add3A_987 : i32 to index
                      %get3A_989 = tpu.vector_load %arg9[%get3A_988] {strides = array<i32>} : memref<55296xf32, #tpu.memory_space<vmem>>, vector<16xf32>,
                      %get3A_990 = vector.shape_cast %get3A_989 : vector<16xf32> to vector<16xf32>
                      %mul3A_991 = vector.broadcast %mul3A_983 : f32 to vector<16xf32>
                      %mul3A_992 = arith.mulf %mul3A_697, %mul3A_991 : vector<16xf32>
                      %add3A_993 = arith.addf %get3A_990, %mul3A_992 : vector<16xf32>
                      %swap3A_994 = arith.index_cast %add3A_987 : i32 to index
                      %swap3A_995 = tpu.vector_load %arg9[%swap3A_994] {strides = array<i32>} : memref<55296xf32, #tpu.memory_space<vmem>>, vector<16xf32>,
                      %swap3A_996 = vector.shape_cast %swap3A_995 : vector<16xf32> to vector<16xf32>
                      %swap3A_997 = vector.shape_cast %add3A_993 : vector<16xf32> to vector<16xf32>
                      tpu.vector_store %arg9[%swap3A_994], %swap3A_997 {strides = array<i32>} : memref<55296xf32, #tpu.memory_space<vmem>>, vector<16xf32>,
                      %add3A_998 = arith.constant 16 : i32
                      %add3A_999 = arith.addi %add3A_985, %add3A_998 : i32
                      %get3A_1000 = arith.index_cast %add3A_999 : i32 to index
                      %get3A_1001 = tpu.vector_load %arg9[%get3A_1000] {strides = array<i32>} : memref<55296xf32, #tpu.memory_space<vmem>>, vector<16xf32>,
                      %get3A_1002 = vector.shape_cast %get3A_1001 : vector<16xf32> to vector<16xf32>
                      %mul3A_1003 = vector.broadcast %mul3A_983 : f32 to vector<16xf32>
                      %mul3A_1004 = arith.mulf %mul3A_735, %mul3A_1003 : vector<16xf32>
                      %add3A_1005 = arith.addf %get3A_1002, %mul3A_1004 : vector<16xf32>
                      %swap3A_1006 = arith.index_cast %add3A_999 : i32 to index
                      %swap3A_1007 = tpu.vector_load %arg9[%swap3A_1006] {strides = array<i32>} : memref<55296xf32, #tpu.memory_space<vmem>>, vector<16xf32>,
                      %swap3A_1008 = vector.shape_cast %swap3A_1007 : vector<16xf32> to vector<16xf32>
                      %swap3A_1009 = vector.shape_cast %add3A_1005 : vector<16xf32> to vector<16xf32>
                      tpu.vector_store %arg9[%swap3A_1006], %swap3A_1009 {strides = array<i32>} : memref<55296xf32, #tpu.memory_space<vmem>>, vector<16xf32>,
                      %add3A_1010 = arith.constant 32 : i32
                      %add3A_1011 = arith.addi %add3A_985, %add3A_1010 : i32
                      %get3A_1012 = arith.index_cast %add3A_1011 : i32 to index
                      %get3A_1013 = tpu.vector_load %arg9[%get3A_1012] {strides = array<i32>} : memref<55296xf32, #tpu.memory_space<vmem>>, vector<16xf32>,
                      %get3A_1014 = vector.shape_cast %get3A_1013 : vector<16xf32> to vector<16xf32>
                      %mul3A_1015 = vector.broadcast %mul3A_983 : f32 to vector<16xf32>
                      %mul3A_1016 = arith.mulf %mul3A_773, %mul3A_1015 : vector<16xf32>
                      %add3A_1017 = arith.addf %get3A_1014, %mul3A_1016 : vector<16xf32>
                      %swap3A_1018 = arith.index_cast %add3A_1011 : i32 to index
                      %swap3A_1019 = tpu.vector_load %arg9[%swap3A_1018] {strides = array<i32>} : memref<55296xf32, #tpu.memory_space<vmem>>, vector<16xf32>,
                      %swap3A_1020 = vector.shape_cast %swap3A_1019 : vector<16xf32> to vector<16xf32>
                      %swap3A_1021 = vector.shape_cast %add3A_1017 : vector<16xf32> to vector<16xf32>
                      tpu.vector_store %arg9[%swap3A_1018], %swap3A_1021 {strides = array<i32>} : memref<55296xf32, #tpu.memory_space<vmem>>, vector<16xf32>,
                      %slice3A_1022 = vector.extract_strided_slice %mul3A_562 {offsets = [3], sizes = [1], strides = [1]} : vector<16xf32> to vector<1xf32>
                      %squeeze3A_1023 = vector.extract %slice3A_1022[0] : f32 from vector<1xf32>
                      %mul3A_1024 = arith.mulf %squeeze3A_892, %squeeze3A_1023 : f32
                      %add3A_1025 = arith.constant 192 : i32
                      %add3A_1026 = arith.addi %mul3A_899, %add3A_1025 : i32
                      %add3A_1027 = arith.constant 0 : i32
                      %add3A_1028 = arith.addi %add3A_1026, %add3A_1027 : i32
                      %get3A_1029 = arith.index_cast %add3A_1028 : i32 to index
                      %get3A_1030 = tpu.vector_load %arg9[%get3A_1029] {strides = array<i32>} : memref<55296xf32, #tpu.memory_space<vmem>>, vector<16xf32>,
                      %get3A_1031 = vector.shape_cast %get3A_1030 : vector<16xf32> to vector<16xf32>
                      %mul3A_1032 = vector.broadcast %mul3A_1024 : f32 to vector<16xf32>
                      %mul3A_1033 = arith.mulf %mul3A_697, %mul3A_1032 : vector<16xf32>
                      %add3A_1034 = arith.addf %get3A_1031, %mul3A_1033 : vector<16xf32>
                      %swap3A_1035 = arith.index_cast %add3A_1028 : i32 to index
                      %swap3A_1036 = tpu.vector_load %arg9[%swap3A_1035] {strides = array<i32>} : memref<55296xf32, #tpu.memory_space<vmem>>, vector<16xf32>,
                      %swap3A_1037 = vector.shape_cast %swap3A_1036 : vector<16xf32> to vector<16xf32>
                      %swap3A_1038 = vector.shape_cast %add3A_1034 : vector<16xf32> to vector<16xf32>
                      tpu.vector_store %arg9[%swap3A_1035], %swap3A_1038 {strides = array<i32>} : memref<55296xf32, #tpu.memory_space<vmem>>, vector<16xf32>,
                      %add3A_1039 = arith.constant 16 : i32
                      %add3A_1040 = arith.addi %add3A_1026, %add3A_1039 : i32
                      %get3A_1041 = arith.index_cast %add3A_1040 : i32 to index
                      %get3A_1042 = tpu.vector_load %arg9[%get3A_1041] {strides = array<i32>} : memref<55296xf32, #tpu.memory_space<vmem>>, vector<16xf32>,
                      %get3A_1043 = vector.shape_cast %get3A_1042 : vector<16xf32> to vector<16xf32>
                      %mul3A_1044 = vector.broadcast %mul3A_1024 : f32 to vector<16xf32>
                      %mul3A_1045 = arith.mulf %mul3A_735, %mul3A_1044 : vector<16xf32>
                      %add3A_1046 = arith.addf %get3A_1043, %mul3A_1045 : vector<16xf32>
                      %swap3A_1047 = arith.index_cast %add3A_1040 : i32 to index
                      %swap3A_1048 = tpu.vector_load %arg9[%swap3A_1047] {strides = array<i32>} : memref<55296xf32, #tpu.memory_space<vmem>>, vector<16xf32>,
                      %swap3A_1049 = vector.shape_cast %swap3A_1048 : vector<16xf32> to vector<16xf32>
                      %swap3A_1050 = vector.shape_cast %add3A_1046 : vector<16xf32> to vector<16xf32>
                      tpu.vector_store %arg9[%swap3A_1047], %swap3A_1050 {strides = array<i32>} : memref<55296xf32, #tpu.memory_space<vmem>>, vector<16xf32>,
                      %add3A_1051 = arith.constant 32 : i32
                      %add3A_1052 = arith.addi %add3A_1026, %add3A_1051 : i32
                      %get3A_1053 = arith.index_cast %add3A_1052 : i32 to index
                      %get3A_1054 = tpu.vector_load %arg9[%get3A_1053] {strides = array<i32>} : memref<55296xf32, #tpu.memory_space<vmem>>, vector<16xf32>,
                      %get3A_1055 = vector.shape_cast %get3A_1054 : vector<16xf32> to vector<16xf32>
                      %mul3A_1056 = vector.broadcast %mul3A_1024 : f32 to vector<16xf32>
                      %mul3A_1057 = arith.mulf %mul3A_773, %mul3A_1056 : vector<16xf32>
                      %add3A_1058 = arith.addf %get3A_1055, %mul3A_1057 : vector<16xf32>
                      %swap3A_1059 = arith.index_cast %add3A_1052 : i32 to index
                      %swap3A_1060 = tpu.vector_load %arg9[%swap3A_1059] {strides = array<i32>} : memref<55296xf32, #tpu.memory_space<vmem>>, vector<16xf32>,
                      %swap3A_1061 = vector.shape_cast %swap3A_1060 : vector<16xf32> to vector<16xf32>
                      %swap3A_1062 = vector.shape_cast %add3A_1058 : vector<16xf32> to vector<16xf32>
                      tpu.vector_store %arg9[%swap3A_1059], %swap3A_1062 {strides = array<i32>} : memref<55296xf32, #tpu.memory_space<vmem>>, vector<16xf32>,
                      %slice3A_1063 = vector.extract_strided_slice %mul3A_562 {offsets = [4], sizes = [1], strides = [1]} : vector<16xf32> to vector<1xf32>
                      %squeeze3A_1064 = vector.extract %slice3A_1063[0] : f32 from vector<1xf32>
                      %mul3A_1065 = arith.mulf %squeeze3A_892, %squeeze3A_1064 : f32
                      %add3A_1066 = arith.constant 256 : i32
                      %add3A_1067 = arith.addi %mul3A_899, %add3A_1066 : i32
                      %add3A_1068 = arith.constant 0 : i32
                      %add3A_1069 = arith.addi %add3A_1067, %add3A_1068 : i32
                      %get3A_1070 = arith.index_cast %add3A_1069 : i32 to index
                      %get3A_1071 = tpu.vector_load %arg9[%get3A_1070] {strides = array<i32>} : memref<55296xf32, #tpu.memory_space<vmem>>, vector<16xf32>,
                      %get3A_1072 = vector.shape_cast %get3A_1071 : vector<16xf32> to vector<16xf32>
                      %mul3A_1073 = vector.broadcast %mul3A_1065 : f32 to vector<16xf32>
                      %mul3A_1074 = arith.mulf %mul3A_697, %mul3A_1073 : vector<16xf32>
                      %add3A_1075 = arith.addf %get3A_1072, %mul3A_1074 : vector<16xf32>
                      %swap3A_1076 = arith.index_cast %add3A_1069 : i32 to index
                      %swap3A_1077 = tpu.vector_load %arg9[%swap3A_1076] {strides = array<i32>} : memref<55296xf32, #tpu.memory_space<vmem>>, vector<16xf32>,
                      %swap3A_1078 = vector.shape_cast %swap3A_1077 : vector<16xf32> to vector<16xf32>
                      %swap3A_1079 = vector.shape_cast %add3A_1075 : vector<16xf32> to vector<16xf32>
                      tpu.vector_store %arg9[%swap3A_1076], %swap3A_1079 {strides = array<i32>} : memref<55296xf32, #tpu.memory_space<vmem>>, vector<16xf32>,
                      %add3A_1080 = arith.constant 16 : i32
                      %add3A_1081 = arith.addi %add3A_1067, %add3A_1080 : i32
                      %get3A_1082 = arith.index_cast %add3A_1081 : i32 to index
                      %get3A_1083 = tpu.vector_load %arg9[%get3A_1082] {strides = array<i32>} : memref<55296xf32, #tpu.memory_space<vmem>>, vector<16xf32>,
                      %get3A_1084 = vector.shape_cast %get3A_1083 : vector<16xf32> to vector<16xf32>
                      %mul3A_1085 = vector.broadcast %mul3A_1065 : f32 to vector<16xf32>
                      %mul3A_1086 = arith.mulf %mul3A_735, %mul3A_1085 : vector<16xf32>
                      %add3A_1087 = arith.addf %get3A_1084, %mul3A_1086 : vector<16xf32>
                      %swap3A_1088 = arith.index_cast %add3A_1081 : i32 to index
                      %swap3A_1089 = tpu.vector_load %arg9[%swap3A_1088] {strides = array<i32>} : memref<55296xf32, #tpu.memory_space<vmem>>, vector<16xf32>,
                      %swap3A_1090 = vector.shape_cast %swap3A_1089 : vector<16xf32> to vector<16xf32>
                      %swap3A_1091 = vector.shape_cast %add3A_1087 : vector<16xf32> to vector<16xf32>
                      tpu.vector_store %arg9[%swap3A_1088], %swap3A_1091 {strides = array<i32>} : memref<55296xf32, #tpu.memory_space<vmem>>, vector<16xf32>,
                      %add3A_1092 = arith.constant 32 : i32
                      %add3A_1093 = arith.addi %add3A_1067, %add3A_1092 : i32
                      %get3A_1094 = arith.index_cast %add3A_1093 : i32 to index
                      %get3A_1095 = tpu.vector_load %arg9[%get3A_1094] {strides = array<i32>} : memref<55296xf32, #tpu.memory_space<vmem>>, vector<16xf32>,
                      %get3A_1096 = vector.shape_cast %get3A_1095 : vector<16xf32> to vector<16xf32>
                      %mul3A_1097 = vector.broadcast %mul3A_1065 : f32 to vector<16xf32>
                      %mul3A_1098 = arith.mulf %mul3A_773, %mul3A_1097 : vector<16xf32>
                      %add3A_1099 = arith.addf %get3A_1096, %mul3A_1098 : vector<16xf32>
                      %swap3A_1100 = arith.index_cast %add3A_1093 : i32 to index
                      %swap3A_1101 = tpu.vector_load %arg9[%swap3A_1100] {strides = array<i32>} : memref<55296xf32, #tpu.memory_space<vmem>>, vector<16xf32>,
                      %swap3A_1102 = vector.shape_cast %swap3A_1101 : vector<16xf32> to vector<16xf32>
                      %swap3A_1103 = vector.shape_cast %add3A_1099 : vector<16xf32> to vector<16xf32>
                      tpu.vector_store %arg9[%swap3A_1100], %swap3A_1103 {strides = array<i32>} : memref<55296xf32, #tpu.memory_space<vmem>>, vector<16xf32>,
                      %slice3A_1104 = vector.extract_strided_slice %mul3A_562 {offsets = [5], sizes = [1], strides = [1]} : vector<16xf32> to vector<1xf32>
                      %squeeze3A_1105 = vector.extract %slice3A_1104[0] : f32 from vector<1xf32>
                      %mul3A_1106 = arith.mulf %squeeze3A_892, %squeeze3A_1105 : f32
                      %add3A_1107 = arith.constant 320 : i32
                      %add3A_1108 = arith.addi %mul3A_899, %add3A_1107 : i32
                      %add3A_1109 = arith.constant 0 : i32
                      %add3A_1110 = arith.addi %add3A_1108, %add3A_1109 : i32
                      %get3A_1111 = arith.index_cast %add3A_1110 : i32 to index
                      %get3A_1112 = tpu.vector_load %arg9[%get3A_1111] {strides = array<i32>} : memref<55296xf32, #tpu.memory_space<vmem>>, vector<16xf32>,
                      %get3A_1113 = vector.shape_cast %get3A_1112 : vector<16xf32> to vector<16xf32>
                      %mul3A_1114 = vector.broadcast %mul3A_1106 : f32 to vector<16xf32>
                      %mul3A_1115 = arith.mulf %mul3A_697, %mul3A_1114 : vector<16xf32>
                      %add3A_1116 = arith.addf %get3A_1113, %mul3A_1115 : vector<16xf32>
                      %swap3A_1117 = arith.index_cast %add3A_1110 : i32 to index
                      %swap3A_1118 = tpu.vector_load %arg9[%swap3A_1117] {strides = array<i32>} : memref<55296xf32, #tpu.memory_space<vmem>>, vector<16xf32>,
                      %swap3A_1119 = vector.shape_cast %swap3A_1118 : vector<16xf32> to vector<16xf32>
                      %swap3A_1120 = vector.shape_cast %add3A_1116 : vector<16xf32> to vector<16xf32>
                      tpu.vector_store %arg9[%swap3A_1117], %swap3A_1120 {strides = array<i32>} : memref<55296xf32, #tpu.memory_space<vmem>>, vector<16xf32>,
                      %add3A_1121 = arith.constant 16 : i32
                      %add3A_1122 = arith.addi %add3A_1108, %add3A_1121 : i32
                      %get3A_1123 = arith.index_cast %add3A_1122 : i32 to index
                      %get3A_1124 = tpu.vector_load %arg9[%get3A_1123] {strides = array<i32>} : memref<55296xf32, #tpu.memory_space<vmem>>, vector<16xf32>,
                      %get3A_1125 = vector.shape_cast %get3A_1124 : vector<16xf32> to vector<16xf32>
                      %mul3A_1126 = vector.broadcast %mul3A_1106 : f32 to vector<16xf32>
                      %mul3A_1127 = arith.mulf %mul3A_735, %mul3A_1126 : vector<16xf32>
                      %add3A_1128 = arith.addf %get3A_1125, %mul3A_1127 : vector<16xf32>
                      %swap3A_1129 = arith.index_cast %add3A_1122 : i32 to index
                      %swap3A_1130 = tpu.vector_load %arg9[%swap3A_1129] {strides = array<i32>} : memref<55296xf32, #tpu.memory_space<vmem>>, vector<16xf32>,
                      %swap3A_1131 = vector.shape_cast %swap3A_1130 : vector<16xf32> to vector<16xf32>
                      %swap3A_1132 = vector.shape_cast %add3A_1128 : vector<16xf32> to vector<16xf32>
                      tpu.vector_store %arg9[%swap3A_1129], %swap3A_1132 {strides = array<i32>} : memref<55296xf32, #tpu.memory_space<vmem>>, vector<16xf32>,
                      %add3A_1133 = arith.constant 32 : i32
                      %add3A_1134 = arith.addi %add3A_1108, %add3A_1133 : i32
                      %get3A_1135 = arith.index_cast %add3A_1134 : i32 to index
                      %get3A_1136 = tpu.vector_load %arg9[%get3A_1135] {strides = array<i32>} : memref<55296xf32, #tpu.memory_space<vmem>>, vector<16xf32>,
                      %get3A_1137 = vector.shape_cast %get3A_1136 : vector<16xf32> to vector<16xf32>
                      %mul3A_1138 = vector.broadcast %mul3A_1106 : f32 to vector<16xf32>
                      %mul3A_1139 = arith.mulf %mul3A_773, %mul3A_1138 : vector<16xf32>
                      %add3A_1140 = arith.addf %get3A_1137, %mul3A_1139 : vector<16xf32>
                      %swap3A_1141 = arith.index_cast %add3A_1134 : i32 to index
                      %swap3A_1142 = tpu.vector_load %arg9[%swap3A_1141] {strides = array<i32>} : memref<55296xf32, #tpu.memory_space<vmem>>, vector<16xf32>,
                      %swap3A_1143 = vector.shape_cast %swap3A_1142 : vector<16xf32> to vector<16xf32>
                      %swap3A_1144 = vector.shape_cast %add3A_1140 : vector<16xf32> to vector<16xf32>
                      tpu.vector_store %arg9[%swap3A_1141], %swap3A_1144 {strides = array<i32>} : memref<55296xf32, #tpu.memory_space<vmem>>, vector<16xf32>,
                      %slice3A_1145 = vector.extract_strided_slice %mul3A_562 {offsets = [6], sizes = [1], strides = [1]} : vector<16xf32> to vector<1xf32>
                      %squeeze3A_1146 = vector.extract %slice3A_1145[0] : f32 from vector<1xf32>
                      %mul3A_1147 = arith.mulf %squeeze3A_892, %squeeze3A_1146 : f32
                      %add3A_1148 = arith.constant 384 : i32
                      %add3A_1149 = arith.addi %mul3A_899, %add3A_1148 : i32
                      %add3A_1150 = arith.constant 0 : i32
                      %add3A_1151 = arith.addi %add3A_1149, %add3A_1150 : i32
                      %get3A_1152 = arith.index_cast %add3A_1151 : i32 to index
                      %get3A_1153 = tpu.vector_load %arg9[%get3A_1152] {strides = array<i32>} : memref<55296xf32, #tpu.memory_space<vmem>>, vector<16xf32>,
                      %get3A_1154 = vector.shape_cast %get3A_1153 : vector<16xf32> to vector<16xf32>
                      %mul3A_1155 = vector.broadcast %mul3A_1147 : f32 to vector<16xf32>
                      %mul3A_1156 = arith.mulf %mul3A_697, %mul3A_1155 : vector<16xf32>
                      %add3A_1157 = arith.addf %get3A_1154, %mul3A_1156 : vector<16xf32>
                      %swap3A_1158 = arith.index_cast %add3A_1151 : i32 to index
                      %swap3A_1159 = tpu.vector_load %arg9[%swap3A_1158] {strides = array<i32>} : memref<55296xf32, #tpu.memory_space<vmem>>, vector<16xf32>,
                      %swap3A_1160 = vector.shape_cast %swap3A_1159 : vector<16xf32> to vector<16xf32>
                      %swap3A_1161 = vector.shape_cast %add3A_1157 : vector<16xf32> to vector<16xf32>
                      tpu.vector_store %arg9[%swap3A_1158], %swap3A_1161 {strides = array<i32>} : memref<55296xf32, #tpu.memory_space<vmem>>, vector<16xf32>,
                      %add3A_1162 = arith.constant 16 : i32
                      %add3A_1163 = arith.addi %add3A_1149, %add3A_1162 : i32
                      %get3A_1164 = arith.index_cast %add3A_1163 : i32 to index
                      %get3A_1165 = tpu.vector_load %arg9[%get3A_1164] {strides = array<i32>} : memref<55296xf32, #tpu.memory_space<vmem>>, vector<16xf32>,
                      %get3A_1166 = vector.shape_cast %get3A_1165 : vector<16xf32> to vector<16xf32>
                      %mul3A_1167 = vector.broadcast %mul3A_1147 : f32 to vector<16xf32>
                      %mul3A_1168 = arith.mulf %mul3A_735, %mul3A_1167 : vector<16xf32>
                      %add3A_1169 = arith.addf %get3A_1166, %mul3A_1168 : vector<16xf32>
                      %swap3A_1170 = arith.index_cast %add3A_1163 : i32 to index
                      %swap3A_1171 = tpu.vector_load %arg9[%swap3A_1170] {strides = array<i32>} : memref<55296xf32, #tpu.memory_space<vmem>>, vector<16xf32>,
                      %swap3A_1172 = vector.shape_cast %swap3A_1171 : vector<16xf32> to vector<16xf32>
                      %swap3A_1173 = vector.shape_cast %add3A_1169 : vector<16xf32> to vector<16xf32>
                      tpu.vector_store %arg9[%swap3A_1170], %swap3A_1173 {strides = array<i32>} : memref<55296xf32, #tpu.memory_space<vmem>>, vector<16xf32>,
                      %add3A_1174 = arith.constant 32 : i32
                      %add3A_1175 = arith.addi %add3A_1149, %add3A_1174 : i32
                      %get3A_1176 = arith.index_cast %add3A_1175 : i32 to index
                      %get3A_1177 = tpu.vector_load %arg9[%get3A_1176] {strides = array<i32>} : memref<55296xf32, #tpu.memory_space<vmem>>, vector<16xf32>,
                      %get3A_1178 = vector.shape_cast %get3A_1177 : vector<16xf32> to vector<16xf32>
                      %mul3A_1179 = vector.broadcast %mul3A_1147 : f32 to vector<16xf32>
                      %mul3A_1180 = arith.mulf %mul3A_773, %mul3A_1179 : vector<16xf32>
                      %add3A_1181 = arith.addf %get3A_1178, %mul3A_1180 : vector<16xf32>
                      %swap3A_1182 = arith.index_cast %add3A_1175 : i32 to index
                      %swap3A_1183 = tpu.vector_load %arg9[%swap3A_1182] {strides = array<i32>} : memref<55296xf32, #tpu.memory_space<vmem>>, vector<16xf32>,
                      %swap3A_1184 = vector.shape_cast %swap3A_1183 : vector<16xf32> to vector<16xf32>
                      %swap3A_1185 = vector.shape_cast %add3A_1181 : vector<16xf32> to vector<16xf32>
                      tpu.vector_store %arg9[%swap3A_1182], %swap3A_1185 {strides = array<i32>} : memref<55296xf32, #tpu.memory_space<vmem>>, vector<16xf32>,
                      %slice3A_1186 = vector.extract_strided_slice %mul3A_562 {offsets = [7], sizes = [1], strides = [1]} : vector<16xf32> to vector<1xf32>
                      %squeeze3A_1187 = vector.extract %slice3A_1186[0] : f32 from vector<1xf32>
                      %mul3A_1188 = arith.mulf %squeeze3A_892, %squeeze3A_1187 : f32
                      %add3A_1189 = arith.constant 448 : i32
                      %add3A_1190 = arith.addi %mul3A_899, %add3A_1189 : i32
                      %add3A_1191 = arith.constant 0 : i32
                      %add3A_1192 = arith.addi %add3A_1190, %add3A_1191 : i32
                      %get3A_1193 = arith.index_cast %add3A_1192 : i32 to index
                      %get3A_1194 = tpu.vector_load %arg9[%get3A_1193] {strides = array<i32>} : memref<55296xf32, #tpu.memory_space<vmem>>, vector<16xf32>,
                      %get3A_1195 = vector.shape_cast %get3A_1194 : vector<16xf32> to vector<16xf32>
                      %mul3A_1196 = vector.broadcast %mul3A_1188 : f32 to vector<16xf32>
                      %mul3A_1197 = arith.mulf %mul3A_697, %mul3A_1196 : vector<16xf32>
                      %add3A_1198 = arith.addf %get3A_1195, %mul3A_1197 : vector<16xf32>
                      %swap3A_1199 = arith.index_cast %add3A_1192 : i32 to index
                      %swap3A_1200 = tpu.vector_load %arg9[%swap3A_1199] {strides = array<i32>} : memref<55296xf32, #tpu.memory_space<vmem>>, vector<16xf32>,
                      %swap3A_1201 = vector.shape_cast %swap3A_1200 : vector<16xf32> to vector<16xf32>
                      %swap3A_1202 = vector.shape_cast %add3A_1198 : vector<16xf32> to vector<16xf32>
                      tpu.vector_store %arg9[%swap3A_1199], %swap3A_1202 {strides = array<i32>} : memref<55296xf32, #tpu.memory_space<vmem>>, vector<16xf32>,
                      %add3A_1203 = arith.constant 16 : i32
                      %add3A_1204 = arith.addi %add3A_1190, %add3A_1203 : i32
                      %get3A_1205 = arith.index_cast %add3A_1204 : i32 to index
                      %get3A_1206 = tpu.vector_load %arg9[%get3A_1205] {strides = array<i32>} : memref<55296xf32, #tpu.memory_space<vmem>>, vector<16xf32>,
                      %get3A_1207 = vector.shape_cast %get3A_1206 : vector<16xf32> to vector<16xf32>
                      %mul3A_1208 = vector.broadcast %mul3A_1188 : f32 to vector<16xf32>
                      %mul3A_1209 = arith.mulf %mul3A_735, %mul3A_1208 : vector<16xf32>
                      %add3A_1210 = arith.addf %get3A_1207, %mul3A_1209 : vector<16xf32>
                      %swap3A_1211 = arith.index_cast %add3A_1204 : i32 to index
                      %swap3A_1212 = tpu.vector_load %arg9[%swap3A_1211] {strides = array<i32>} : memref<55296xf32, #tpu.memory_space<vmem>>, vector<16xf32>,
                      %swap3A_1213 = vector.shape_cast %swap3A_1212 : vector<16xf32> to vector<16xf32>
                      %swap3A_1214 = vector.shape_cast %add3A_1210 : vector<16xf32> to vector<16xf32>
                      tpu.vector_store %arg9[%swap3A_1211], %swap3A_1214 {strides = array<i32>} : memref<55296xf32, #tpu.memory_space<vmem>>, vector<16xf32>,
                      %add3A_1215 = arith.constant 32 : i32
                      %add3A_1216 = arith.addi %add3A_1190, %add3A_1215 : i32
                      %get3A_1217 = arith.index_cast %add3A_1216 : i32 to index
                      %get3A_1218 = tpu.vector_load %arg9[%get3A_1217] {strides = array<i32>} : memref<55296xf32, #tpu.memory_space<vmem>>, vector<16xf32>,
                      %get3A_1219 = vector.shape_cast %get3A_1218 : vector<16xf32> to vector<16xf32>
                      %mul3A_1220 = vector.broadcast %mul3A_1188 : f32 to vector<16xf32>
                      %mul3A_1221 = arith.mulf %mul3A_773, %mul3A_1220 : vector<16xf32>
                      %add3A_1222 = arith.addf %get3A_1219, %mul3A_1221 : vector<16xf32>
                      %swap3A_1223 = arith.index_cast %add3A_1216 : i32 to index
                      %swap3A_1224 = tpu.vector_load %arg9[%swap3A_1223] {strides = array<i32>} : memref<55296xf32, #tpu.memory_space<vmem>>, vector<16xf32>,
                      %swap3A_1225 = vector.shape_cast %swap3A_1224 : vector<16xf32> to vector<16xf32>
                      %swap3A_1226 = vector.shape_cast %add3A_1222 : vector<16xf32> to vector<16xf32>
                      tpu.vector_store %arg9[%swap3A_1223], %swap3A_1226 {strides = array<i32>} : memref<55296xf32, #tpu.memory_space<vmem>>, vector<16xf32>,
                      %slice3A_1227 = vector.extract_strided_slice %mul3A_562 {offsets = [8], sizes = [1], strides = [1]} : vector<16xf32> to vector<1xf32>
                      %squeeze3A_1228 = vector.extract %slice3A_1227[0] : f32 from vector<1xf32>
                      %mul3A_1229 = arith.mulf %squeeze3A_892, %squeeze3A_1228 : f32
                      %add3A_1230 = arith.constant 512 : i32
                      %add3A_1231 = arith.addi %mul3A_899, %add3A_1230 : i32
                      %add3A_1232 = arith.constant 0 : i32
                      %add3A_1233 = arith.addi %add3A_1231, %add3A_1232 : i32
                      %get3A_1234 = arith.index_cast %add3A_1233 : i32 to index
                      %get3A_1235 = tpu.vector_load %arg9[%get3A_1234] {strides = array<i32>} : memref<55296xf32, #tpu.memory_space<vmem>>, vector<16xf32>,
                      %get3A_1236 = vector.shape_cast %get3A_1235 : vector<16xf32> to vector<16xf32>
                      %mul3A_1237 = vector.broadcast %mul3A_1229 : f32 to vector<16xf32>
                      %mul3A_1238 = arith.mulf %mul3A_697, %mul3A_1237 : vector<16xf32>
                      %add3A_1239 = arith.addf %get3A_1236, %mul3A_1238 : vector<16xf32>
                      %swap3A_1240 = arith.index_cast %add3A_1233 : i32 to index
                      %swap3A_1241 = tpu.vector_load %arg9[%swap3A_1240] {strides = array<i32>} : memref<55296xf32, #tpu.memory_space<vmem>>, vector<16xf32>,
                      %swap3A_1242 = vector.shape_cast %swap3A_1241 : vector<16xf32> to vector<16xf32>
                      %swap3A_1243 = vector.shape_cast %add3A_1239 : vector<16xf32> to vector<16xf32>
                      tpu.vector_store %arg9[%swap3A_1240], %swap3A_1243 {strides = array<i32>} : memref<55296xf32, #tpu.memory_space<vmem>>, vector<16xf32>,
                      %add3A_1244 = arith.constant 16 : i32
                      %add3A_1245 = arith.addi %add3A_1231, %add3A_1244 : i32
                      %get3A_1246 = arith.index_cast %add3A_1245 : i32 to index
                      %get3A_1247 = tpu.vector_load %arg9[%get3A_1246] {strides = array<i32>} : memref<55296xf32, #tpu.memory_space<vmem>>, vector<16xf32>,
                      %get3A_1248 = vector.shape_cast %get3A_1247 : vector<16xf32> to vector<16xf32>
                      %mul3A_1249 = vector.broadcast %mul3A_1229 : f32 to vector<16xf32>
                      %mul3A_1250 = arith.mulf %mul3A_735, %mul3A_1249 : vector<16xf32>
                      %add3A_1251 = arith.addf %get3A_1248, %mul3A_1250 : vector<16xf32>
                      %swap3A_1252 = arith.index_cast %add3A_1245 : i32 to index
                      %swap3A_1253 = tpu.vector_load %arg9[%swap3A_1252] {strides = array<i32>} : memref<55296xf32, #tpu.memory_space<vmem>>, vector<16xf32>,
                      %swap3A_1254 = vector.shape_cast %swap3A_1253 : vector<16xf32> to vector<16xf32>
                      %swap3A_1255 = vector.shape_cast %add3A_1251 : vector<16xf32> to vector<16xf32>
                      tpu.vector_store %arg9[%swap3A_1252], %swap3A_1255 {strides = array<i32>} : memref<55296xf32, #tpu.memory_space<vmem>>, vector<16xf32>,
                      %add3A_1256 = arith.constant 32 : i32
                      %add3A_1257 = arith.addi %add3A_1231, %add3A_1256 : i32
                      %get3A_1258 = arith.index_cast %add3A_1257 : i32 to index
                      %get3A_1259 = tpu.vector_load %arg9[%get3A_1258] {strides = array<i32>} : memref<55296xf32, #tpu.memory_space<vmem>>, vector<16xf32>,
                      %get3A_1260 = vector.shape_cast %get3A_1259 : vector<16xf32> to vector<16xf32>
                      %mul3A_1261 = vector.broadcast %mul3A_1229 : f32 to vector<16xf32>
                      %mul3A_1262 = arith.mulf %mul3A_773, %mul3A_1261 : vector<16xf32>
                      %add3A_1263 = arith.addf %get3A_1260, %mul3A_1262 : vector<16xf32>
                      %swap3A_1264 = arith.index_cast %add3A_1257 : i32 to index
                      %swap3A_1265 = tpu.vector_load %arg9[%swap3A_1264] {strides = array<i32>} : memref<55296xf32, #tpu.memory_space<vmem>>, vector<16xf32>,
                      %swap3A_1266 = vector.shape_cast %swap3A_1265 : vector<16xf32> to vector<16xf32>
                      %swap3A_1267 = vector.shape_cast %add3A_1263 : vector<16xf32> to vector<16xf32>
                      tpu.vector_store %arg9[%swap3A_1264], %swap3A_1267 {strides = array<i32>} : memref<55296xf32, #tpu.memory_space<vmem>>, vector<16xf32>,
                    } else {
                    }
                    %add3A_826 = arith.constant 2 : i32
                    %add3A_827 = arith.addi %add3A, %add3A_826 : i32
                    %add3A_828 = arith.constant 4 : i32
                    %add3A_829 = arith.addi %add3A_827, %add3A_828 : i32
                    %sub3A_830 = arith.subi %add3A_829, %mul3A_19 : i32
                    %ge3A_831 = arith.constant 0 : i32
                    %ge3A_832 = arith.cmpi sge, %sub3A_830, %ge3A_831 : i32
                    %lt3A_833 = arith.constant 8 : i32
                    %lt3A_834 = arith.cmpi slt, %sub3A_830, %lt3A_833 : i32
                    %and3A_835 = arith.andi %ge3A_832, %lt3A_834 : i1
                    %convert_element_type3A_836 = arith.extui %and3A_835 : i1 to i32
                    %cond3A_837 = arith.constant 0 : i32
                    %cond3A_838 = arith.cmpi ne, %convert_element_type3A_836, %cond3A_837 : i32
                    scf.if %cond3A_838 {
                      %slice3A_891 = vector.extract_strided_slice %mul3A_550 {offsets = [4], sizes = [1], strides = [1]} : vector<16xf32> to vector<1xf32>
                      %squeeze3A_892 = vector.extract %slice3A_891[0] : f32 from vector<1xf32>
                      %mul3A_893 = arith.constant 108 : i32
                      %mul3A_894 = arith.muli %sub3A_830, %mul3A_893 : i32
                      %add3A_895 = arith.addi %mul3A_894, %div3A_540 : i32
                      %add3A_896 = arith.constant 2 : i32
                      %add3A_897 = arith.addi %add3A_895, %add3A_896 : i32
                      %mul3A_898 = arith.constant 64 : i32
                      %mul3A_899 = arith.muli %add3A_897, %mul3A_898 : i32
                      %slice3A_900 = vector.extract_strided_slice %mul3A_562 {offsets = [0], sizes = [1], strides = [1]} : vector<16xf32> to vector<1xf32>
                      %squeeze3A_901 = vector.extract %slice3A_900[0] : f32 from vector<1xf32>
                      %mul3A_902 = arith.mulf %squeeze3A_892, %squeeze3A_901 : f32
                      %add3A_903 = arith.constant 0 : i32
                      %add3A_904 = arith.addi %mul3A_899, %add3A_903 : i32
                      %add3A_905 = arith.constant 0 : i32
                      %add3A_906 = arith.addi %add3A_904, %add3A_905 : i32
                      %get3A_907 = arith.index_cast %add3A_906 : i32 to index
                      %get3A_908 = tpu.vector_load %arg9[%get3A_907] {strides = array<i32>} : memref<55296xf32, #tpu.memory_space<vmem>>, vector<16xf32>,
                      %get3A_909 = vector.shape_cast %get3A_908 : vector<16xf32> to vector<16xf32>
                      %mul3A_910 = vector.broadcast %mul3A_902 : f32 to vector<16xf32>
                      %mul3A_911 = arith.mulf %mul3A_697, %mul3A_910 : vector<16xf32>
                      %add3A_912 = arith.addf %get3A_909, %mul3A_911 : vector<16xf32>
                      %swap3A = arith.index_cast %add3A_906 : i32 to index
                      %swap3A_913 = tpu.vector_load %arg9[%swap3A] {strides = array<i32>} : memref<55296xf32, #tpu.memory_space<vmem>>, vector<16xf32>,
                      %swap3A_914 = vector.shape_cast %swap3A_913 : vector<16xf32> to vector<16xf32>
                      %swap3A_915 = vector.shape_cast %add3A_912 : vector<16xf32> to vector<16xf32>
                      tpu.vector_store %arg9[%swap3A], %swap3A_915 {strides = array<i32>} : memref<55296xf32, #tpu.memory_space<vmem>>, vector<16xf32>,
                      %add3A_916 = arith.constant 16 : i32
                      %add3A_917 = arith.addi %add3A_904, %add3A_916 : i32
                      %get3A_918 = arith.index_cast %add3A_917 : i32 to index
                      %get3A_919 = tpu.vector_load %arg9[%get3A_918] {strides = array<i32>} : memref<55296xf32, #tpu.memory_space<vmem>>, vector<16xf32>,
                      %get3A_920 = vector.shape_cast %get3A_919 : vector<16xf32> to vector<16xf32>
                      %mul3A_921 = vector.broadcast %mul3A_902 : f32 to vector<16xf32>
                      %mul3A_922 = arith.mulf %mul3A_735, %mul3A_921 : vector<16xf32>
                      %add3A_923 = arith.addf %get3A_920, %mul3A_922 : vector<16xf32>
                      %swap3A_924 = arith.index_cast %add3A_917 : i32 to index
                      %swap3A_925 = tpu.vector_load %arg9[%swap3A_924] {strides = array<i32>} : memref<55296xf32, #tpu.memory_space<vmem>>, vector<16xf32>,
                      %swap3A_926 = vector.shape_cast %swap3A_925 : vector<16xf32> to vector<16xf32>
                      %swap3A_927 = vector.shape_cast %add3A_923 : vector<16xf32> to vector<16xf32>
                      tpu.vector_store %arg9[%swap3A_924], %swap3A_927 {strides = array<i32>} : memref<55296xf32, #tpu.memory_space<vmem>>, vector<16xf32>,
                      %add3A_928 = arith.constant 32 : i32
                      %add3A_929 = arith.addi %add3A_904, %add3A_928 : i32
                      %get3A_930 = arith.index_cast %add3A_929 : i32 to index
                      %get3A_931 = tpu.vector_load %arg9[%get3A_930] {strides = array<i32>} : memref<55296xf32, #tpu.memory_space<vmem>>, vector<16xf32>,
                      %get3A_932 = vector.shape_cast %get3A_931 : vector<16xf32> to vector<16xf32>
                      %mul3A_933 = vector.broadcast %mul3A_902 : f32 to vector<16xf32>
                      %mul3A_934 = arith.mulf %mul3A_773, %mul3A_933 : vector<16xf32>
                      %add3A_935 = arith.addf %get3A_932, %mul3A_934 : vector<16xf32>
                      %swap3A_936 = arith.index_cast %add3A_929 : i32 to index
                      %swap3A_937 = tpu.vector_load %arg9[%swap3A_936] {strides = array<i32>} : memref<55296xf32, #tpu.memory_space<vmem>>, vector<16xf32>,
                      %swap3A_938 = vector.shape_cast %swap3A_937 : vector<16xf32> to vector<16xf32>
                      %swap3A_939 = vector.shape_cast %add3A_935 : vector<16xf32> to vector<16xf32>
                      tpu.vector_store %arg9[%swap3A_936], %swap3A_939 {strides = array<i32>} : memref<55296xf32, #tpu.memory_space<vmem>>, vector<16xf32>,
                      %slice3A_940 = vector.extract_strided_slice %mul3A_562 {offsets = [1], sizes = [1], strides = [1]} : vector<16xf32> to vector<1xf32>
                      %squeeze3A_941 = vector.extract %slice3A_940[0] : f32 from vector<1xf32>
                      %mul3A_942 = arith.mulf %squeeze3A_892, %squeeze3A_941 : f32
                      %add3A_943 = arith.constant 64 : i32
                      %add3A_944 = arith.addi %mul3A_899, %add3A_943 : i32
                      %add3A_945 = arith.constant 0 : i32
                      %add3A_946 = arith.addi %add3A_944, %add3A_945 : i32
                      %get3A_947 = arith.index_cast %add3A_946 : i32 to index
                      %get3A_948 = tpu.vector_load %arg9[%get3A_947] {strides = array<i32>} : memref<55296xf32, #tpu.memory_space<vmem>>, vector<16xf32>,
                      %get3A_949 = vector.shape_cast %get3A_948 : vector<16xf32> to vector<16xf32>
                      %mul3A_950 = vector.broadcast %mul3A_942 : f32 to vector<16xf32>
                      %mul3A_951 = arith.mulf %mul3A_697, %mul3A_950 : vector<16xf32>
                      %add3A_952 = arith.addf %get3A_949, %mul3A_951 : vector<16xf32>
                      %swap3A_953 = arith.index_cast %add3A_946 : i32 to index
                      %swap3A_954 = tpu.vector_load %arg9[%swap3A_953] {strides = array<i32>} : memref<55296xf32, #tpu.memory_space<vmem>>, vector<16xf32>,
                      %swap3A_955 = vector.shape_cast %swap3A_954 : vector<16xf32> to vector<16xf32>
                      %swap3A_956 = vector.shape_cast %add3A_952 : vector<16xf32> to vector<16xf32>
                      tpu.vector_store %arg9[%swap3A_953], %swap3A_956 {strides = array<i32>} : memref<55296xf32, #tpu.memory_space<vmem>>, vector<16xf32>,
                      %add3A_957 = arith.constant 16 : i32
                      %add3A_958 = arith.addi %add3A_944, %add3A_957 : i32
                      %get3A_959 = arith.index_cast %add3A_958 : i32 to index
                      %get3A_960 = tpu.vector_load %arg9[%get3A_959] {strides = array<i32>} : memref<55296xf32, #tpu.memory_space<vmem>>, vector<16xf32>,
                      %get3A_961 = vector.shape_cast %get3A_960 : vector<16xf32> to vector<16xf32>
                      %mul3A_962 = vector.broadcast %mul3A_942 : f32 to vector<16xf32>
                      %mul3A_963 = arith.mulf %mul3A_735, %mul3A_962 : vector<16xf32>
                      %add3A_964 = arith.addf %get3A_961, %mul3A_963 : vector<16xf32>
                      %swap3A_965 = arith.index_cast %add3A_958 : i32 to index
                      %swap3A_966 = tpu.vector_load %arg9[%swap3A_965] {strides = array<i32>} : memref<55296xf32, #tpu.memory_space<vmem>>, vector<16xf32>,
                      %swap3A_967 = vector.shape_cast %swap3A_966 : vector<16xf32> to vector<16xf32>
                      %swap3A_968 = vector.shape_cast %add3A_964 : vector<16xf32> to vector<16xf32>
                      tpu.vector_store %arg9[%swap3A_965], %swap3A_968 {strides = array<i32>} : memref<55296xf32, #tpu.memory_space<vmem>>, vector<16xf32>,
                      %add3A_969 = arith.constant 32 : i32
                      %add3A_970 = arith.addi %add3A_944, %add3A_969 : i32
                      %get3A_971 = arith.index_cast %add3A_970 : i32 to index
                      %get3A_972 = tpu.vector_load %arg9[%get3A_971] {strides = array<i32>} : memref<55296xf32, #tpu.memory_space<vmem>>, vector<16xf32>,
                      %get3A_973 = vector.shape_cast %get3A_972 : vector<16xf32> to vector<16xf32>
                      %mul3A_974 = vector.broadcast %mul3A_942 : f32 to vector<16xf32>
                      %mul3A_975 = arith.mulf %mul3A_773, %mul3A_974 : vector<16xf32>
                      %add3A_976 = arith.addf %get3A_973, %mul3A_975 : vector<16xf32>
                      %swap3A_977 = arith.index_cast %add3A_970 : i32 to index
                      %swap3A_978 = tpu.vector_load %arg9[%swap3A_977] {strides = array<i32>} : memref<55296xf32, #tpu.memory_space<vmem>>, vector<16xf32>,
                      %swap3A_979 = vector.shape_cast %swap3A_978 : vector<16xf32> to vector<16xf32>
                      %swap3A_980 = vector.shape_cast %add3A_976 : vector<16xf32> to vector<16xf32>
                      tpu.vector_store %arg9[%swap3A_977], %swap3A_980 {strides = array<i32>} : memref<55296xf32, #tpu.memory_space<vmem>>, vector<16xf32>,
                      %slice3A_981 = vector.extract_strided_slice %mul3A_562 {offsets = [2], sizes = [1], strides = [1]} : vector<16xf32> to vector<1xf32>
                      %squeeze3A_982 = vector.extract %slice3A_981[0] : f32 from vector<1xf32>
                      %mul3A_983 = arith.mulf %squeeze3A_892, %squeeze3A_982 : f32
                      %add3A_984 = arith.constant 128 : i32
                      %add3A_985 = arith.addi %mul3A_899, %add3A_984 : i32
                      %add3A_986 = arith.constant 0 : i32
                      %add3A_987 = arith.addi %add3A_985, %add3A_986 : i32
                      %get3A_988 = arith.index_cast %add3A_987 : i32 to index
                      %get3A_989 = tpu.vector_load %arg9[%get3A_988] {strides = array<i32>} : memref<55296xf32, #tpu.memory_space<vmem>>, vector<16xf32>,
                      %get3A_990 = vector.shape_cast %get3A_989 : vector<16xf32> to vector<16xf32>
                      %mul3A_991 = vector.broadcast %mul3A_983 : f32 to vector<16xf32>
                      %mul3A_992 = arith.mulf %mul3A_697, %mul3A_991 : vector<16xf32>
                      %add3A_993 = arith.addf %get3A_990, %mul3A_992 : vector<16xf32>
                      %swap3A_994 = arith.index_cast %add3A_987 : i32 to index
                      %swap3A_995 = tpu.vector_load %arg9[%swap3A_994] {strides = array<i32>} : memref<55296xf32, #tpu.memory_space<vmem>>, vector<16xf32>,
                      %swap3A_996 = vector.shape_cast %swap3A_995 : vector<16xf32> to vector<16xf32>
                      %swap3A_997 = vector.shape_cast %add3A_993 : vector<16xf32> to vector<16xf32>
                      tpu.vector_store %arg9[%swap3A_994], %swap3A_997 {strides = array<i32>} : memref<55296xf32, #tpu.memory_space<vmem>>, vector<16xf32>,
                      %add3A_998 = arith.constant 16 : i32
                      %add3A_999 = arith.addi %add3A_985, %add3A_998 : i32
                      %get3A_1000 = arith.index_cast %add3A_999 : i32 to index
                      %get3A_1001 = tpu.vector_load %arg9[%get3A_1000] {strides = array<i32>} : memref<55296xf32, #tpu.memory_space<vmem>>, vector<16xf32>,
                      %get3A_1002 = vector.shape_cast %get3A_1001 : vector<16xf32> to vector<16xf32>
                      %mul3A_1003 = vector.broadcast %mul3A_983 : f32 to vector<16xf32>
                      %mul3A_1004 = arith.mulf %mul3A_735, %mul3A_1003 : vector<16xf32>
                      %add3A_1005 = arith.addf %get3A_1002, %mul3A_1004 : vector<16xf32>
                      %swap3A_1006 = arith.index_cast %add3A_999 : i32 to index
                      %swap3A_1007 = tpu.vector_load %arg9[%swap3A_1006] {strides = array<i32>} : memref<55296xf32, #tpu.memory_space<vmem>>, vector<16xf32>,
                      %swap3A_1008 = vector.shape_cast %swap3A_1007 : vector<16xf32> to vector<16xf32>
                      %swap3A_1009 = vector.shape_cast %add3A_1005 : vector<16xf32> to vector<16xf32>
                      tpu.vector_store %arg9[%swap3A_1006], %swap3A_1009 {strides = array<i32>} : memref<55296xf32, #tpu.memory_space<vmem>>, vector<16xf32>,
                      %add3A_1010 = arith.constant 32 : i32
                      %add3A_1011 = arith.addi %add3A_985, %add3A_1010 : i32
                      %get3A_1012 = arith.index_cast %add3A_1011 : i32 to index
                      %get3A_1013 = tpu.vector_load %arg9[%get3A_1012] {strides = array<i32>} : memref<55296xf32, #tpu.memory_space<vmem>>, vector<16xf32>,
                      %get3A_1014 = vector.shape_cast %get3A_1013 : vector<16xf32> to vector<16xf32>
                      %mul3A_1015 = vector.broadcast %mul3A_983 : f32 to vector<16xf32>
                      %mul3A_1016 = arith.mulf %mul3A_773, %mul3A_1015 : vector<16xf32>
                      %add3A_1017 = arith.addf %get3A_1014, %mul3A_1016 : vector<16xf32>
                      %swap3A_1018 = arith.index_cast %add3A_1011 : i32 to index
                      %swap3A_1019 = tpu.vector_load %arg9[%swap3A_1018] {strides = array<i32>} : memref<55296xf32, #tpu.memory_space<vmem>>, vector<16xf32>,
                      %swap3A_1020 = vector.shape_cast %swap3A_1019 : vector<16xf32> to vector<16xf32>
                      %swap3A_1021 = vector.shape_cast %add3A_1017 : vector<16xf32> to vector<16xf32>
                      tpu.vector_store %arg9[%swap3A_1018], %swap3A_1021 {strides = array<i32>} : memref<55296xf32, #tpu.memory_space<vmem>>, vector<16xf32>,
                      %slice3A_1022 = vector.extract_strided_slice %mul3A_562 {offsets = [3], sizes = [1], strides = [1]} : vector<16xf32> to vector<1xf32>
                      %squeeze3A_1023 = vector.extract %slice3A_1022[0] : f32 from vector<1xf32>
                      %mul3A_1024 = arith.mulf %squeeze3A_892, %squeeze3A_1023 : f32
                      %add3A_1025 = arith.constant 192 : i32
                      %add3A_1026 = arith.addi %mul3A_899, %add3A_1025 : i32
                      %add3A_1027 = arith.constant 0 : i32
                      %add3A_1028 = arith.addi %add3A_1026, %add3A_1027 : i32
                      %get3A_1029 = arith.index_cast %add3A_1028 : i32 to index
                      %get3A_1030 = tpu.vector_load %arg9[%get3A_1029] {strides = array<i32>} : memref<55296xf32, #tpu.memory_space<vmem>>, vector<16xf32>,
                      %get3A_1031 = vector.shape_cast %get3A_1030 : vector<16xf32> to vector<16xf32>
                      %mul3A_1032 = vector.broadcast %mul3A_1024 : f32 to vector<16xf32>
                      %mul3A_1033 = arith.mulf %mul3A_697, %mul3A_1032 : vector<16xf32>
                      %add3A_1034 = arith.addf %get3A_1031, %mul3A_1033 : vector<16xf32>
                      %swap3A_1035 = arith.index_cast %add3A_1028 : i32 to index
                      %swap3A_1036 = tpu.vector_load %arg9[%swap3A_1035] {strides = array<i32>} : memref<55296xf32, #tpu.memory_space<vmem>>, vector<16xf32>,
                      %swap3A_1037 = vector.shape_cast %swap3A_1036 : vector<16xf32> to vector<16xf32>
                      %swap3A_1038 = vector.shape_cast %add3A_1034 : vector<16xf32> to vector<16xf32>
                      tpu.vector_store %arg9[%swap3A_1035], %swap3A_1038 {strides = array<i32>} : memref<55296xf32, #tpu.memory_space<vmem>>, vector<16xf32>,
                      %add3A_1039 = arith.constant 16 : i32
                      %add3A_1040 = arith.addi %add3A_1026, %add3A_1039 : i32
                      %get3A_1041 = arith.index_cast %add3A_1040 : i32 to index
                      %get3A_1042 = tpu.vector_load %arg9[%get3A_1041] {strides = array<i32>} : memref<55296xf32, #tpu.memory_space<vmem>>, vector<16xf32>,
                      %get3A_1043 = vector.shape_cast %get3A_1042 : vector<16xf32> to vector<16xf32>
                      %mul3A_1044 = vector.broadcast %mul3A_1024 : f32 to vector<16xf32>
                      %mul3A_1045 = arith.mulf %mul3A_735, %mul3A_1044 : vector<16xf32>
                      %add3A_1046 = arith.addf %get3A_1043, %mul3A_1045 : vector<16xf32>
                      %swap3A_1047 = arith.index_cast %add3A_1040 : i32 to index
                      %swap3A_1048 = tpu.vector_load %arg9[%swap3A_1047] {strides = array<i32>} : memref<55296xf32, #tpu.memory_space<vmem>>, vector<16xf32>,
                      %swap3A_1049 = vector.shape_cast %swap3A_1048 : vector<16xf32> to vector<16xf32>
                      %swap3A_1050 = vector.shape_cast %add3A_1046 : vector<16xf32> to vector<16xf32>
                      tpu.vector_store %arg9[%swap3A_1047], %swap3A_1050 {strides = array<i32>} : memref<55296xf32, #tpu.memory_space<vmem>>, vector<16xf32>,
                      %add3A_1051 = arith.constant 32 : i32
                      %add3A_1052 = arith.addi %add3A_1026, %add3A_1051 : i32
                      %get3A_1053 = arith.index_cast %add3A_1052 : i32 to index
                      %get3A_1054 = tpu.vector_load %arg9[%get3A_1053] {strides = array<i32>} : memref<55296xf32, #tpu.memory_space<vmem>>, vector<16xf32>,
                      %get3A_1055 = vector.shape_cast %get3A_1054 : vector<16xf32> to vector<16xf32>
                      %mul3A_1056 = vector.broadcast %mul3A_1024 : f32 to vector<16xf32>
                      %mul3A_1057 = arith.mulf %mul3A_773, %mul3A_1056 : vector<16xf32>
                      %add3A_1058 = arith.addf %get3A_1055, %mul3A_1057 : vector<16xf32>
                      %swap3A_1059 = arith.index_cast %add3A_1052 : i32 to index
                      %swap3A_1060 = tpu.vector_load %arg9[%swap3A_1059] {strides = array<i32>} : memref<55296xf32, #tpu.memory_space<vmem>>, vector<16xf32>,
                      %swap3A_1061 = vector.shape_cast %swap3A_1060 : vector<16xf32> to vector<16xf32>
                      %swap3A_1062 = vector.shape_cast %add3A_1058 : vector<16xf32> to vector<16xf32>
                      tpu.vector_store %arg9[%swap3A_1059], %swap3A_1062 {strides = array<i32>} : memref<55296xf32, #tpu.memory_space<vmem>>, vector<16xf32>,
                      %slice3A_1063 = vector.extract_strided_slice %mul3A_562 {offsets = [4], sizes = [1], strides = [1]} : vector<16xf32> to vector<1xf32>
                      %squeeze3A_1064 = vector.extract %slice3A_1063[0] : f32 from vector<1xf32>
                      %mul3A_1065 = arith.mulf %squeeze3A_892, %squeeze3A_1064 : f32
                      %add3A_1066 = arith.constant 256 : i32
                      %add3A_1067 = arith.addi %mul3A_899, %add3A_1066 : i32
                      %add3A_1068 = arith.constant 0 : i32
                      %add3A_1069 = arith.addi %add3A_1067, %add3A_1068 : i32
                      %get3A_1070 = arith.index_cast %add3A_1069 : i32 to index
                      %get3A_1071 = tpu.vector_load %arg9[%get3A_1070] {strides = array<i32>} : memref<55296xf32, #tpu.memory_space<vmem>>, vector<16xf32>,
                      %get3A_1072 = vector.shape_cast %get3A_1071 : vector<16xf32> to vector<16xf32>
                      %mul3A_1073 = vector.broadcast %mul3A_1065 : f32 to vector<16xf32>
                      %mul3A_1074 = arith.mulf %mul3A_697, %mul3A_1073 : vector<16xf32>
                      %add3A_1075 = arith.addf %get3A_1072, %mul3A_1074 : vector<16xf32>
                      %swap3A_1076 = arith.index_cast %add3A_1069 : i32 to index
                      %swap3A_1077 = tpu.vector_load %arg9[%swap3A_1076] {strides = array<i32>} : memref<55296xf32, #tpu.memory_space<vmem>>, vector<16xf32>,
                      %swap3A_1078 = vector.shape_cast %swap3A_1077 : vector<16xf32> to vector<16xf32>
                      %swap3A_1079 = vector.shape_cast %add3A_1075 : vector<16xf32> to vector<16xf32>
                      tpu.vector_store %arg9[%swap3A_1076], %swap3A_1079 {strides = array<i32>} : memref<55296xf32, #tpu.memory_space<vmem>>, vector<16xf32>,
                      %add3A_1080 = arith.constant 16 : i32
                      %add3A_1081 = arith.addi %add3A_1067, %add3A_1080 : i32
                      %get3A_1082 = arith.index_cast %add3A_1081 : i32 to index
                      %get3A_1083 = tpu.vector_load %arg9[%get3A_1082] {strides = array<i32>} : memref<55296xf32, #tpu.memory_space<vmem>>, vector<16xf32>,
                      %get3A_1084 = vector.shape_cast %get3A_1083 : vector<16xf32> to vector<16xf32>
                      %mul3A_1085 = vector.broadcast %mul3A_1065 : f32 to vector<16xf32>
                      %mul3A_1086 = arith.mulf %mul3A_735, %mul3A_1085 : vector<16xf32>
                      %add3A_1087 = arith.addf %get3A_1084, %mul3A_1086 : vector<16xf32>
                      %swap3A_1088 = arith.index_cast %add3A_1081 : i32 to index
                      %swap3A_1089 = tpu.vector_load %arg9[%swap3A_1088] {strides = array<i32>} : memref<55296xf32, #tpu.memory_space<vmem>>, vector<16xf32>,
                      %swap3A_1090 = vector.shape_cast %swap3A_1089 : vector<16xf32> to vector<16xf32>
                      %swap3A_1091 = vector.shape_cast %add3A_1087 : vector<16xf32> to vector<16xf32>
                      tpu.vector_store %arg9[%swap3A_1088], %swap3A_1091 {strides = array<i32>} : memref<55296xf32, #tpu.memory_space<vmem>>, vector<16xf32>,
                      %add3A_1092 = arith.constant 32 : i32
                      %add3A_1093 = arith.addi %add3A_1067, %add3A_1092 : i32
                      %get3A_1094 = arith.index_cast %add3A_1093 : i32 to index
                      %get3A_1095 = tpu.vector_load %arg9[%get3A_1094] {strides = array<i32>} : memref<55296xf32, #tpu.memory_space<vmem>>, vector<16xf32>,
                      %get3A_1096 = vector.shape_cast %get3A_1095 : vector<16xf32> to vector<16xf32>
                      %mul3A_1097 = vector.broadcast %mul3A_1065 : f32 to vector<16xf32>
                      %mul3A_1098 = arith.mulf %mul3A_773, %mul3A_1097 : vector<16xf32>
                      %add3A_1099 = arith.addf %get3A_1096, %mul3A_1098 : vector<16xf32>
                      %swap3A_1100 = arith.index_cast %add3A_1093 : i32 to index
                      %swap3A_1101 = tpu.vector_load %arg9[%swap3A_1100] {strides = array<i32>} : memref<55296xf32, #tpu.memory_space<vmem>>, vector<16xf32>,
                      %swap3A_1102 = vector.shape_cast %swap3A_1101 : vector<16xf32> to vector<16xf32>
                      %swap3A_1103 = vector.shape_cast %add3A_1099 : vector<16xf32> to vector<16xf32>
                      tpu.vector_store %arg9[%swap3A_1100], %swap3A_1103 {strides = array<i32>} : memref<55296xf32, #tpu.memory_space<vmem>>, vector<16xf32>,
                      %slice3A_1104 = vector.extract_strided_slice %mul3A_562 {offsets = [5], sizes = [1], strides = [1]} : vector<16xf32> to vector<1xf32>
                      %squeeze3A_1105 = vector.extract %slice3A_1104[0] : f32 from vector<1xf32>
                      %mul3A_1106 = arith.mulf %squeeze3A_892, %squeeze3A_1105 : f32
                      %add3A_1107 = arith.constant 320 : i32
                      %add3A_1108 = arith.addi %mul3A_899, %add3A_1107 : i32
                      %add3A_1109 = arith.constant 0 : i32
                      %add3A_1110 = arith.addi %add3A_1108, %add3A_1109 : i32
                      %get3A_1111 = arith.index_cast %add3A_1110 : i32 to index
                      %get3A_1112 = tpu.vector_load %arg9[%get3A_1111] {strides = array<i32>} : memref<55296xf32, #tpu.memory_space<vmem>>, vector<16xf32>,
                      %get3A_1113 = vector.shape_cast %get3A_1112 : vector<16xf32> to vector<16xf32>
                      %mul3A_1114 = vector.broadcast %mul3A_1106 : f32 to vector<16xf32>
                      %mul3A_1115 = arith.mulf %mul3A_697, %mul3A_1114 : vector<16xf32>
                      %add3A_1116 = arith.addf %get3A_1113, %mul3A_1115 : vector<16xf32>
                      %swap3A_1117 = arith.index_cast %add3A_1110 : i32 to index
                      %swap3A_1118 = tpu.vector_load %arg9[%swap3A_1117] {strides = array<i32>} : memref<55296xf32, #tpu.memory_space<vmem>>, vector<16xf32>,
                      %swap3A_1119 = vector.shape_cast %swap3A_1118 : vector<16xf32> to vector<16xf32>
                      %swap3A_1120 = vector.shape_cast %add3A_1116 : vector<16xf32> to vector<16xf32>
                      tpu.vector_store %arg9[%swap3A_1117], %swap3A_1120 {strides = array<i32>} : memref<55296xf32, #tpu.memory_space<vmem>>, vector<16xf32>,
                      %add3A_1121 = arith.constant 16 : i32
                      %add3A_1122 = arith.addi %add3A_1108, %add3A_1121 : i32
                      %get3A_1123 = arith.index_cast %add3A_1122 : i32 to index
                      %get3A_1124 = tpu.vector_load %arg9[%get3A_1123] {strides = array<i32>} : memref<55296xf32, #tpu.memory_space<vmem>>, vector<16xf32>,
                      %get3A_1125 = vector.shape_cast %get3A_1124 : vector<16xf32> to vector<16xf32>
                      %mul3A_1126 = vector.broadcast %mul3A_1106 : f32 to vector<16xf32>
                      %mul3A_1127 = arith.mulf %mul3A_735, %mul3A_1126 : vector<16xf32>
                      %add3A_1128 = arith.addf %get3A_1125, %mul3A_1127 : vector<16xf32>
                      %swap3A_1129 = arith.index_cast %add3A_1122 : i32 to index
                      %swap3A_1130 = tpu.vector_load %arg9[%swap3A_1129] {strides = array<i32>} : memref<55296xf32, #tpu.memory_space<vmem>>, vector<16xf32>,
                      %swap3A_1131 = vector.shape_cast %swap3A_1130 : vector<16xf32> to vector<16xf32>
                      %swap3A_1132 = vector.shape_cast %add3A_1128 : vector<16xf32> to vector<16xf32>
                      tpu.vector_store %arg9[%swap3A_1129], %swap3A_1132 {strides = array<i32>} : memref<55296xf32, #tpu.memory_space<vmem>>, vector<16xf32>,
                      %add3A_1133 = arith.constant 32 : i32
                      %add3A_1134 = arith.addi %add3A_1108, %add3A_1133 : i32
                      %get3A_1135 = arith.index_cast %add3A_1134 : i32 to index
                      %get3A_1136 = tpu.vector_load %arg9[%get3A_1135] {strides = array<i32>} : memref<55296xf32, #tpu.memory_space<vmem>>, vector<16xf32>,
                      %get3A_1137 = vector.shape_cast %get3A_1136 : vector<16xf32> to vector<16xf32>
                      %mul3A_1138 = vector.broadcast %mul3A_1106 : f32 to vector<16xf32>
                      %mul3A_1139 = arith.mulf %mul3A_773, %mul3A_1138 : vector<16xf32>
                      %add3A_1140 = arith.addf %get3A_1137, %mul3A_1139 : vector<16xf32>
                      %swap3A_1141 = arith.index_cast %add3A_1134 : i32 to index
                      %swap3A_1142 = tpu.vector_load %arg9[%swap3A_1141] {strides = array<i32>} : memref<55296xf32, #tpu.memory_space<vmem>>, vector<16xf32>,
                      %swap3A_1143 = vector.shape_cast %swap3A_1142 : vector<16xf32> to vector<16xf32>
                      %swap3A_1144 = vector.shape_cast %add3A_1140 : vector<16xf32> to vector<16xf32>
                      tpu.vector_store %arg9[%swap3A_1141], %swap3A_1144 {strides = array<i32>} : memref<55296xf32, #tpu.memory_space<vmem>>, vector<16xf32>,
                      %slice3A_1145 = vector.extract_strided_slice %mul3A_562 {offsets = [6], sizes = [1], strides = [1]} : vector<16xf32> to vector<1xf32>
                      %squeeze3A_1146 = vector.extract %slice3A_1145[0] : f32 from vector<1xf32>
                      %mul3A_1147 = arith.mulf %squeeze3A_892, %squeeze3A_1146 : f32
                      %add3A_1148 = arith.constant 384 : i32
                      %add3A_1149 = arith.addi %mul3A_899, %add3A_1148 : i32
                      %add3A_1150 = arith.constant 0 : i32
                      %add3A_1151 = arith.addi %add3A_1149, %add3A_1150 : i32
                      %get3A_1152 = arith.index_cast %add3A_1151 : i32 to index
                      %get3A_1153 = tpu.vector_load %arg9[%get3A_1152] {strides = array<i32>} : memref<55296xf32, #tpu.memory_space<vmem>>, vector<16xf32>,
                      %get3A_1154 = vector.shape_cast %get3A_1153 : vector<16xf32> to vector<16xf32>
                      %mul3A_1155 = vector.broadcast %mul3A_1147 : f32 to vector<16xf32>
                      %mul3A_1156 = arith.mulf %mul3A_697, %mul3A_1155 : vector<16xf32>
                      %add3A_1157 = arith.addf %get3A_1154, %mul3A_1156 : vector<16xf32>
                      %swap3A_1158 = arith.index_cast %add3A_1151 : i32 to index
                      %swap3A_1159 = tpu.vector_load %arg9[%swap3A_1158] {strides = array<i32>} : memref<55296xf32, #tpu.memory_space<vmem>>, vector<16xf32>,
                      %swap3A_1160 = vector.shape_cast %swap3A_1159 : vector<16xf32> to vector<16xf32>
                      %swap3A_1161 = vector.shape_cast %add3A_1157 : vector<16xf32> to vector<16xf32>
                      tpu.vector_store %arg9[%swap3A_1158], %swap3A_1161 {strides = array<i32>} : memref<55296xf32, #tpu.memory_space<vmem>>, vector<16xf32>,
                      %add3A_1162 = arith.constant 16 : i32
                      %add3A_1163 = arith.addi %add3A_1149, %add3A_1162 : i32
                      %get3A_1164 = arith.index_cast %add3A_1163 : i32 to index
                      %get3A_1165 = tpu.vector_load %arg9[%get3A_1164] {strides = array<i32>} : memref<55296xf32, #tpu.memory_space<vmem>>, vector<16xf32>,
                      %get3A_1166 = vector.shape_cast %get3A_1165 : vector<16xf32> to vector<16xf32>
                      %mul3A_1167 = vector.broadcast %mul3A_1147 : f32 to vector<16xf32>
                      %mul3A_1168 = arith.mulf %mul3A_735, %mul3A_1167 : vector<16xf32>
                      %add3A_1169 = arith.addf %get3A_1166, %mul3A_1168 : vector<16xf32>
                      %swap3A_1170 = arith.index_cast %add3A_1163 : i32 to index
                      %swap3A_1171 = tpu.vector_load %arg9[%swap3A_1170] {strides = array<i32>} : memref<55296xf32, #tpu.memory_space<vmem>>, vector<16xf32>,
                      %swap3A_1172 = vector.shape_cast %swap3A_1171 : vector<16xf32> to vector<16xf32>
                      %swap3A_1173 = vector.shape_cast %add3A_1169 : vector<16xf32> to vector<16xf32>
                      tpu.vector_store %arg9[%swap3A_1170], %swap3A_1173 {strides = array<i32>} : memref<55296xf32, #tpu.memory_space<vmem>>, vector<16xf32>,
                      %add3A_1174 = arith.constant 32 : i32
                      %add3A_1175 = arith.addi %add3A_1149, %add3A_1174 : i32
                      %get3A_1176 = arith.index_cast %add3A_1175 : i32 to index
                      %get3A_1177 = tpu.vector_load %arg9[%get3A_1176] {strides = array<i32>} : memref<55296xf32, #tpu.memory_space<vmem>>, vector<16xf32>,
                      %get3A_1178 = vector.shape_cast %get3A_1177 : vector<16xf32> to vector<16xf32>
                      %mul3A_1179 = vector.broadcast %mul3A_1147 : f32 to vector<16xf32>
                      %mul3A_1180 = arith.mulf %mul3A_773, %mul3A_1179 : vector<16xf32>
                      %add3A_1181 = arith.addf %get3A_1178, %mul3A_1180 : vector<16xf32>
                      %swap3A_1182 = arith.index_cast %add3A_1175 : i32 to index
                      %swap3A_1183 = tpu.vector_load %arg9[%swap3A_1182] {strides = array<i32>} : memref<55296xf32, #tpu.memory_space<vmem>>, vector<16xf32>,
                      %swap3A_1184 = vector.shape_cast %swap3A_1183 : vector<16xf32> to vector<16xf32>
                      %swap3A_1185 = vector.shape_cast %add3A_1181 : vector<16xf32> to vector<16xf32>
                      tpu.vector_store %arg9[%swap3A_1182], %swap3A_1185 {strides = array<i32>} : memref<55296xf32, #tpu.memory_space<vmem>>, vector<16xf32>,
                      %slice3A_1186 = vector.extract_strided_slice %mul3A_562 {offsets = [7], sizes = [1], strides = [1]} : vector<16xf32> to vector<1xf32>
                      %squeeze3A_1187 = vector.extract %slice3A_1186[0] : f32 from vector<1xf32>
                      %mul3A_1188 = arith.mulf %squeeze3A_892, %squeeze3A_1187 : f32
                      %add3A_1189 = arith.constant 448 : i32
                      %add3A_1190 = arith.addi %mul3A_899, %add3A_1189 : i32
                      %add3A_1191 = arith.constant 0 : i32
                      %add3A_1192 = arith.addi %add3A_1190, %add3A_1191 : i32
                      %get3A_1193 = arith.index_cast %add3A_1192 : i32 to index
                      %get3A_1194 = tpu.vector_load %arg9[%get3A_1193] {strides = array<i32>} : memref<55296xf32, #tpu.memory_space<vmem>>, vector<16xf32>,
                      %get3A_1195 = vector.shape_cast %get3A_1194 : vector<16xf32> to vector<16xf32>
                      %mul3A_1196 = vector.broadcast %mul3A_1188 : f32 to vector<16xf32>
                      %mul3A_1197 = arith.mulf %mul3A_697, %mul3A_1196 : vector<16xf32>
                      %add3A_1198 = arith.addf %get3A_1195, %mul3A_1197 : vector<16xf32>
                      %swap3A_1199 = arith.index_cast %add3A_1192 : i32 to index
                      %swap3A_1200 = tpu.vector_load %arg9[%swap3A_1199] {strides = array<i32>} : memref<55296xf32, #tpu.memory_space<vmem>>, vector<16xf32>,
                      %swap3A_1201 = vector.shape_cast %swap3A_1200 : vector<16xf32> to vector<16xf32>
                      %swap3A_1202 = vector.shape_cast %add3A_1198 : vector<16xf32> to vector<16xf32>
                      tpu.vector_store %arg9[%swap3A_1199], %swap3A_1202 {strides = array<i32>} : memref<55296xf32, #tpu.memory_space<vmem>>, vector<16xf32>,
                      %add3A_1203 = arith.constant 16 : i32
                      %add3A_1204 = arith.addi %add3A_1190, %add3A_1203 : i32
                      %get3A_1205 = arith.index_cast %add3A_1204 : i32 to index
                      %get3A_1206 = tpu.vector_load %arg9[%get3A_1205] {strides = array<i32>} : memref<55296xf32, #tpu.memory_space<vmem>>, vector<16xf32>,
                      %get3A_1207 = vector.shape_cast %get3A_1206 : vector<16xf32> to vector<16xf32>
                      %mul3A_1208 = vector.broadcast %mul3A_1188 : f32 to vector<16xf32>
                      %mul3A_1209 = arith.mulf %mul3A_735, %mul3A_1208 : vector<16xf32>
                      %add3A_1210 = arith.addf %get3A_1207, %mul3A_1209 : vector<16xf32>
                      %swap3A_1211 = arith.index_cast %add3A_1204 : i32 to index
                      %swap3A_1212 = tpu.vector_load %arg9[%swap3A_1211] {strides = array<i32>} : memref<55296xf32, #tpu.memory_space<vmem>>, vector<16xf32>,
                      %swap3A_1213 = vector.shape_cast %swap3A_1212 : vector<16xf32> to vector<16xf32>
                      %swap3A_1214 = vector.shape_cast %add3A_1210 : vector<16xf32> to vector<16xf32>
                      tpu.vector_store %arg9[%swap3A_1211], %swap3A_1214 {strides = array<i32>} : memref<55296xf32, #tpu.memory_space<vmem>>, vector<16xf32>,
                      %add3A_1215 = arith.constant 32 : i32
                      %add3A_1216 = arith.addi %add3A_1190, %add3A_1215 : i32
                      %get3A_1217 = arith.index_cast %add3A_1216 : i32 to index
                      %get3A_1218 = tpu.vector_load %arg9[%get3A_1217] {strides = array<i32>} : memref<55296xf32, #tpu.memory_space<vmem>>, vector<16xf32>,
                      %get3A_1219 = vector.shape_cast %get3A_1218 : vector<16xf32> to vector<16xf32>
                      %mul3A_1220 = vector.broadcast %mul3A_1188 : f32 to vector<16xf32>
                      %mul3A_1221 = arith.mulf %mul3A_773, %mul3A_1220 : vector<16xf32>
                      %add3A_1222 = arith.addf %get3A_1219, %mul3A_1221 : vector<16xf32>
                      %swap3A_1223 = arith.index_cast %add3A_1216 : i32 to index
                      %swap3A_1224 = tpu.vector_load %arg9[%swap3A_1223] {strides = array<i32>} : memref<55296xf32, #tpu.memory_space<vmem>>, vector<16xf32>,
                      %swap3A_1225 = vector.shape_cast %swap3A_1224 : vector<16xf32> to vector<16xf32>
                      %swap3A_1226 = vector.shape_cast %add3A_1222 : vector<16xf32> to vector<16xf32>
                      tpu.vector_store %arg9[%swap3A_1223], %swap3A_1226 {strides = array<i32>} : memref<55296xf32, #tpu.memory_space<vmem>>, vector<16xf32>,
                      %slice3A_1227 = vector.extract_strided_slice %mul3A_562 {offsets = [8], sizes = [1], strides = [1]} : vector<16xf32> to vector<1xf32>
                      %squeeze3A_1228 = vector.extract %slice3A_1227[0] : f32 from vector<1xf32>
                      %mul3A_1229 = arith.mulf %squeeze3A_892, %squeeze3A_1228 : f32
                      %add3A_1230 = arith.constant 512 : i32
                      %add3A_1231 = arith.addi %mul3A_899, %add3A_1230 : i32
                      %add3A_1232 = arith.constant 0 : i32
                      %add3A_1233 = arith.addi %add3A_1231, %add3A_1232 : i32
                      %get3A_1234 = arith.index_cast %add3A_1233 : i32 to index
                      %get3A_1235 = tpu.vector_load %arg9[%get3A_1234] {strides = array<i32>} : memref<55296xf32, #tpu.memory_space<vmem>>, vector<16xf32>,
                      %get3A_1236 = vector.shape_cast %get3A_1235 : vector<16xf32> to vector<16xf32>
                      %mul3A_1237 = vector.broadcast %mul3A_1229 : f32 to vector<16xf32>
                      %mul3A_1238 = arith.mulf %mul3A_697, %mul3A_1237 : vector<16xf32>
                      %add3A_1239 = arith.addf %get3A_1236, %mul3A_1238 : vector<16xf32>
                      %swap3A_1240 = arith.index_cast %add3A_1233 : i32 to index
                      %swap3A_1241 = tpu.vector_load %arg9[%swap3A_1240] {strides = array<i32>} : memref<55296xf32, #tpu.memory_space<vmem>>, vector<16xf32>,
                      %swap3A_1242 = vector.shape_cast %swap3A_1241 : vector<16xf32> to vector<16xf32>
                      %swap3A_1243 = vector.shape_cast %add3A_1239 : vector<16xf32> to vector<16xf32>
                      tpu.vector_store %arg9[%swap3A_1240], %swap3A_1243 {strides = array<i32>} : memref<55296xf32, #tpu.memory_space<vmem>>, vector<16xf32>,
                      %add3A_1244 = arith.constant 16 : i32
                      %add3A_1245 = arith.addi %add3A_1231, %add3A_1244 : i32
                      %get3A_1246 = arith.index_cast %add3A_1245 : i32 to index
                      %get3A_1247 = tpu.vector_load %arg9[%get3A_1246] {strides = array<i32>} : memref<55296xf32, #tpu.memory_space<vmem>>, vector<16xf32>,
                      %get3A_1248 = vector.shape_cast %get3A_1247 : vector<16xf32> to vector<16xf32>
                      %mul3A_1249 = vector.broadcast %mul3A_1229 : f32 to vector<16xf32>
                      %mul3A_1250 = arith.mulf %mul3A_735, %mul3A_1249 : vector<16xf32>
                      %add3A_1251 = arith.addf %get3A_1248, %mul3A_1250 : vector<16xf32>
                      %swap3A_1252 = arith.index_cast %add3A_1245 : i32 to index
                      %swap3A_1253 = tpu.vector_load %arg9[%swap3A_1252] {strides = array<i32>} : memref<55296xf32, #tpu.memory_space<vmem>>, vector<16xf32>,
                      %swap3A_1254 = vector.shape_cast %swap3A_1253 : vector<16xf32> to vector<16xf32>
                      %swap3A_1255 = vector.shape_cast %add3A_1251 : vector<16xf32> to vector<16xf32>
                      tpu.vector_store %arg9[%swap3A_1252], %swap3A_1255 {strides = array<i32>} : memref<55296xf32, #tpu.memory_space<vmem>>, vector<16xf32>,
                      %add3A_1256 = arith.constant 32 : i32
                      %add3A_1257 = arith.addi %add3A_1231, %add3A_1256 : i32
                      %get3A_1258 = arith.index_cast %add3A_1257 : i32 to index
                      %get3A_1259 = tpu.vector_load %arg9[%get3A_1258] {strides = array<i32>} : memref<55296xf32, #tpu.memory_space<vmem>>, vector<16xf32>,
                      %get3A_1260 = vector.shape_cast %get3A_1259 : vector<16xf32> to vector<16xf32>
                      %mul3A_1261 = vector.broadcast %mul3A_1229 : f32 to vector<16xf32>
                      %mul3A_1262 = arith.mulf %mul3A_773, %mul3A_1261 : vector<16xf32>
                      %add3A_1263 = arith.addf %get3A_1260, %mul3A_1262 : vector<16xf32>
                      %swap3A_1264 = arith.index_cast %add3A_1257 : i32 to index
                      %swap3A_1265 = tpu.vector_load %arg9[%swap3A_1264] {strides = array<i32>} : memref<55296xf32, #tpu.memory_space<vmem>>, vector<16xf32>,
                      %swap3A_1266 = vector.shape_cast %swap3A_1265 : vector<16xf32> to vector<16xf32>
                      %swap3A_1267 = vector.shape_cast %add3A_1263 : vector<16xf32> to vector<16xf32>
                      tpu.vector_store %arg9[%swap3A_1264], %swap3A_1267 {strides = array<i32>} : memref<55296xf32, #tpu.memory_space<vmem>>, vector<16xf32>,
                    } else {
                    }
                    %add3A_839 = arith.constant 2 : i32
                    %add3A_840 = arith.addi %add3A, %add3A_839 : i32
                    %add3A_841 = arith.constant 5 : i32
                    %add3A_842 = arith.addi %add3A_840, %add3A_841 : i32
                    %sub3A_843 = arith.subi %add3A_842, %mul3A_19 : i32
                    %ge3A_844 = arith.constant 0 : i32
                    %ge3A_845 = arith.cmpi sge, %sub3A_843, %ge3A_844 : i32
                    %lt3A_846 = arith.constant 8 : i32
                    %lt3A_847 = arith.cmpi slt, %sub3A_843, %lt3A_846 : i32
                    %and3A_848 = arith.andi %ge3A_845, %lt3A_847 : i1
                    %convert_element_type3A_849 = arith.extui %and3A_848 : i1 to i32
                    %cond3A_850 = arith.constant 0 : i32
                    %cond3A_851 = arith.cmpi ne, %convert_element_type3A_849, %cond3A_850 : i32
                    scf.if %cond3A_851 {
                      %slice3A_891 = vector.extract_strided_slice %mul3A_550 {offsets = [5], sizes = [1], strides = [1]} : vector<16xf32> to vector<1xf32>
                      %squeeze3A_892 = vector.extract %slice3A_891[0] : f32 from vector<1xf32>
                      %mul3A_893 = arith.constant 108 : i32
                      %mul3A_894 = arith.muli %sub3A_843, %mul3A_893 : i32
                      %add3A_895 = arith.addi %mul3A_894, %div3A_540 : i32
                      %add3A_896 = arith.constant 2 : i32
                      %add3A_897 = arith.addi %add3A_895, %add3A_896 : i32
                      %mul3A_898 = arith.constant 64 : i32
                      %mul3A_899 = arith.muli %add3A_897, %mul3A_898 : i32
                      %slice3A_900 = vector.extract_strided_slice %mul3A_562 {offsets = [0], sizes = [1], strides = [1]} : vector<16xf32> to vector<1xf32>
                      %squeeze3A_901 = vector.extract %slice3A_900[0] : f32 from vector<1xf32>
                      %mul3A_902 = arith.mulf %squeeze3A_892, %squeeze3A_901 : f32
                      %add3A_903 = arith.constant 0 : i32
                      %add3A_904 = arith.addi %mul3A_899, %add3A_903 : i32
                      %add3A_905 = arith.constant 0 : i32
                      %add3A_906 = arith.addi %add3A_904, %add3A_905 : i32
                      %get3A_907 = arith.index_cast %add3A_906 : i32 to index
                      %get3A_908 = tpu.vector_load %arg9[%get3A_907] {strides = array<i32>} : memref<55296xf32, #tpu.memory_space<vmem>>, vector<16xf32>,
                      %get3A_909 = vector.shape_cast %get3A_908 : vector<16xf32> to vector<16xf32>
                      %mul3A_910 = vector.broadcast %mul3A_902 : f32 to vector<16xf32>
                      %mul3A_911 = arith.mulf %mul3A_697, %mul3A_910 : vector<16xf32>
                      %add3A_912 = arith.addf %get3A_909, %mul3A_911 : vector<16xf32>
                      %swap3A = arith.index_cast %add3A_906 : i32 to index
                      %swap3A_913 = tpu.vector_load %arg9[%swap3A] {strides = array<i32>} : memref<55296xf32, #tpu.memory_space<vmem>>, vector<16xf32>,
                      %swap3A_914 = vector.shape_cast %swap3A_913 : vector<16xf32> to vector<16xf32>
                      %swap3A_915 = vector.shape_cast %add3A_912 : vector<16xf32> to vector<16xf32>
                      tpu.vector_store %arg9[%swap3A], %swap3A_915 {strides = array<i32>} : memref<55296xf32, #tpu.memory_space<vmem>>, vector<16xf32>,
                      %add3A_916 = arith.constant 16 : i32
                      %add3A_917 = arith.addi %add3A_904, %add3A_916 : i32
                      %get3A_918 = arith.index_cast %add3A_917 : i32 to index
                      %get3A_919 = tpu.vector_load %arg9[%get3A_918] {strides = array<i32>} : memref<55296xf32, #tpu.memory_space<vmem>>, vector<16xf32>,
                      %get3A_920 = vector.shape_cast %get3A_919 : vector<16xf32> to vector<16xf32>
                      %mul3A_921 = vector.broadcast %mul3A_902 : f32 to vector<16xf32>
                      %mul3A_922 = arith.mulf %mul3A_735, %mul3A_921 : vector<16xf32>
                      %add3A_923 = arith.addf %get3A_920, %mul3A_922 : vector<16xf32>
                      %swap3A_924 = arith.index_cast %add3A_917 : i32 to index
                      %swap3A_925 = tpu.vector_load %arg9[%swap3A_924] {strides = array<i32>} : memref<55296xf32, #tpu.memory_space<vmem>>, vector<16xf32>,
                      %swap3A_926 = vector.shape_cast %swap3A_925 : vector<16xf32> to vector<16xf32>
                      %swap3A_927 = vector.shape_cast %add3A_923 : vector<16xf32> to vector<16xf32>
                      tpu.vector_store %arg9[%swap3A_924], %swap3A_927 {strides = array<i32>} : memref<55296xf32, #tpu.memory_space<vmem>>, vector<16xf32>,
                      %add3A_928 = arith.constant 32 : i32
                      %add3A_929 = arith.addi %add3A_904, %add3A_928 : i32
                      %get3A_930 = arith.index_cast %add3A_929 : i32 to index
                      %get3A_931 = tpu.vector_load %arg9[%get3A_930] {strides = array<i32>} : memref<55296xf32, #tpu.memory_space<vmem>>, vector<16xf32>,
                      %get3A_932 = vector.shape_cast %get3A_931 : vector<16xf32> to vector<16xf32>
                      %mul3A_933 = vector.broadcast %mul3A_902 : f32 to vector<16xf32>
                      %mul3A_934 = arith.mulf %mul3A_773, %mul3A_933 : vector<16xf32>
                      %add3A_935 = arith.addf %get3A_932, %mul3A_934 : vector<16xf32>
                      %swap3A_936 = arith.index_cast %add3A_929 : i32 to index
                      %swap3A_937 = tpu.vector_load %arg9[%swap3A_936] {strides = array<i32>} : memref<55296xf32, #tpu.memory_space<vmem>>, vector<16xf32>,
                      %swap3A_938 = vector.shape_cast %swap3A_937 : vector<16xf32> to vector<16xf32>
                      %swap3A_939 = vector.shape_cast %add3A_935 : vector<16xf32> to vector<16xf32>
                      tpu.vector_store %arg9[%swap3A_936], %swap3A_939 {strides = array<i32>} : memref<55296xf32, #tpu.memory_space<vmem>>, vector<16xf32>,
                      %slice3A_940 = vector.extract_strided_slice %mul3A_562 {offsets = [1], sizes = [1], strides = [1]} : vector<16xf32> to vector<1xf32>
                      %squeeze3A_941 = vector.extract %slice3A_940[0] : f32 from vector<1xf32>
                      %mul3A_942 = arith.mulf %squeeze3A_892, %squeeze3A_941 : f32
                      %add3A_943 = arith.constant 64 : i32
                      %add3A_944 = arith.addi %mul3A_899, %add3A_943 : i32
                      %add3A_945 = arith.constant 0 : i32
                      %add3A_946 = arith.addi %add3A_944, %add3A_945 : i32
                      %get3A_947 = arith.index_cast %add3A_946 : i32 to index
                      %get3A_948 = tpu.vector_load %arg9[%get3A_947] {strides = array<i32>} : memref<55296xf32, #tpu.memory_space<vmem>>, vector<16xf32>,
                      %get3A_949 = vector.shape_cast %get3A_948 : vector<16xf32> to vector<16xf32>
                      %mul3A_950 = vector.broadcast %mul3A_942 : f32 to vector<16xf32>
                      %mul3A_951 = arith.mulf %mul3A_697, %mul3A_950 : vector<16xf32>
                      %add3A_952 = arith.addf %get3A_949, %mul3A_951 : vector<16xf32>
                      %swap3A_953 = arith.index_cast %add3A_946 : i32 to index
                      %swap3A_954 = tpu.vector_load %arg9[%swap3A_953] {strides = array<i32>} : memref<55296xf32, #tpu.memory_space<vmem>>, vector<16xf32>,
                      %swap3A_955 = vector.shape_cast %swap3A_954 : vector<16xf32> to vector<16xf32>
                      %swap3A_956 = vector.shape_cast %add3A_952 : vector<16xf32> to vector<16xf32>
                      tpu.vector_store %arg9[%swap3A_953], %swap3A_956 {strides = array<i32>} : memref<55296xf32, #tpu.memory_space<vmem>>, vector<16xf32>,
                      %add3A_957 = arith.constant 16 : i32
                      %add3A_958 = arith.addi %add3A_944, %add3A_957 : i32
                      %get3A_959 = arith.index_cast %add3A_958 : i32 to index
                      %get3A_960 = tpu.vector_load %arg9[%get3A_959] {strides = array<i32>} : memref<55296xf32, #tpu.memory_space<vmem>>, vector<16xf32>,
                      %get3A_961 = vector.shape_cast %get3A_960 : vector<16xf32> to vector<16xf32>
                      %mul3A_962 = vector.broadcast %mul3A_942 : f32 to vector<16xf32>
                      %mul3A_963 = arith.mulf %mul3A_735, %mul3A_962 : vector<16xf32>
                      %add3A_964 = arith.addf %get3A_961, %mul3A_963 : vector<16xf32>
                      %swap3A_965 = arith.index_cast %add3A_958 : i32 to index
                      %swap3A_966 = tpu.vector_load %arg9[%swap3A_965] {strides = array<i32>} : memref<55296xf32, #tpu.memory_space<vmem>>, vector<16xf32>,
                      %swap3A_967 = vector.shape_cast %swap3A_966 : vector<16xf32> to vector<16xf32>
                      %swap3A_968 = vector.shape_cast %add3A_964 : vector<16xf32> to vector<16xf32>
                      tpu.vector_store %arg9[%swap3A_965], %swap3A_968 {strides = array<i32>} : memref<55296xf32, #tpu.memory_space<vmem>>, vector<16xf32>,
                      %add3A_969 = arith.constant 32 : i32
                      %add3A_970 = arith.addi %add3A_944, %add3A_969 : i32
                      %get3A_971 = arith.index_cast %add3A_970 : i32 to index
                      %get3A_972 = tpu.vector_load %arg9[%get3A_971] {strides = array<i32>} : memref<55296xf32, #tpu.memory_space<vmem>>, vector<16xf32>,
                      %get3A_973 = vector.shape_cast %get3A_972 : vector<16xf32> to vector<16xf32>
                      %mul3A_974 = vector.broadcast %mul3A_942 : f32 to vector<16xf32>
                      %mul3A_975 = arith.mulf %mul3A_773, %mul3A_974 : vector<16xf32>
                      %add3A_976 = arith.addf %get3A_973, %mul3A_975 : vector<16xf32>
                      %swap3A_977 = arith.index_cast %add3A_970 : i32 to index
                      %swap3A_978 = tpu.vector_load %arg9[%swap3A_977] {strides = array<i32>} : memref<55296xf32, #tpu.memory_space<vmem>>, vector<16xf32>,
                      %swap3A_979 = vector.shape_cast %swap3A_978 : vector<16xf32> to vector<16xf32>
                      %swap3A_980 = vector.shape_cast %add3A_976 : vector<16xf32> to vector<16xf32>
                      tpu.vector_store %arg9[%swap3A_977], %swap3A_980 {strides = array<i32>} : memref<55296xf32, #tpu.memory_space<vmem>>, vector<16xf32>,
                      %slice3A_981 = vector.extract_strided_slice %mul3A_562 {offsets = [2], sizes = [1], strides = [1]} : vector<16xf32> to vector<1xf32>
                      %squeeze3A_982 = vector.extract %slice3A_981[0] : f32 from vector<1xf32>
                      %mul3A_983 = arith.mulf %squeeze3A_892, %squeeze3A_982 : f32
                      %add3A_984 = arith.constant 128 : i32
                      %add3A_985 = arith.addi %mul3A_899, %add3A_984 : i32
                      %add3A_986 = arith.constant 0 : i32
                      %add3A_987 = arith.addi %add3A_985, %add3A_986 : i32
                      %get3A_988 = arith.index_cast %add3A_987 : i32 to index
                      %get3A_989 = tpu.vector_load %arg9[%get3A_988] {strides = array<i32>} : memref<55296xf32, #tpu.memory_space<vmem>>, vector<16xf32>,
                      %get3A_990 = vector.shape_cast %get3A_989 : vector<16xf32> to vector<16xf32>
                      %mul3A_991 = vector.broadcast %mul3A_983 : f32 to vector<16xf32>
                      %mul3A_992 = arith.mulf %mul3A_697, %mul3A_991 : vector<16xf32>
                      %add3A_993 = arith.addf %get3A_990, %mul3A_992 : vector<16xf32>
                      %swap3A_994 = arith.index_cast %add3A_987 : i32 to index
                      %swap3A_995 = tpu.vector_load %arg9[%swap3A_994] {strides = array<i32>} : memref<55296xf32, #tpu.memory_space<vmem>>, vector<16xf32>,
                      %swap3A_996 = vector.shape_cast %swap3A_995 : vector<16xf32> to vector<16xf32>
                      %swap3A_997 = vector.shape_cast %add3A_993 : vector<16xf32> to vector<16xf32>
                      tpu.vector_store %arg9[%swap3A_994], %swap3A_997 {strides = array<i32>} : memref<55296xf32, #tpu.memory_space<vmem>>, vector<16xf32>,
                      %add3A_998 = arith.constant 16 : i32
                      %add3A_999 = arith.addi %add3A_985, %add3A_998 : i32
                      %get3A_1000 = arith.index_cast %add3A_999 : i32 to index
                      %get3A_1001 = tpu.vector_load %arg9[%get3A_1000] {strides = array<i32>} : memref<55296xf32, #tpu.memory_space<vmem>>, vector<16xf32>,
                      %get3A_1002 = vector.shape_cast %get3A_1001 : vector<16xf32> to vector<16xf32>
                      %mul3A_1003 = vector.broadcast %mul3A_983 : f32 to vector<16xf32>
                      %mul3A_1004 = arith.mulf %mul3A_735, %mul3A_1003 : vector<16xf32>
                      %add3A_1005 = arith.addf %get3A_1002, %mul3A_1004 : vector<16xf32>
                      %swap3A_1006 = arith.index_cast %add3A_999 : i32 to index
                      %swap3A_1007 = tpu.vector_load %arg9[%swap3A_1006] {strides = array<i32>} : memref<55296xf32, #tpu.memory_space<vmem>>, vector<16xf32>,
                      %swap3A_1008 = vector.shape_cast %swap3A_1007 : vector<16xf32> to vector<16xf32>
                      %swap3A_1009 = vector.shape_cast %add3A_1005 : vector<16xf32> to vector<16xf32>
                      tpu.vector_store %arg9[%swap3A_1006], %swap3A_1009 {strides = array<i32>} : memref<55296xf32, #tpu.memory_space<vmem>>, vector<16xf32>,
                      %add3A_1010 = arith.constant 32 : i32
                      %add3A_1011 = arith.addi %add3A_985, %add3A_1010 : i32
                      %get3A_1012 = arith.index_cast %add3A_1011 : i32 to index
                      %get3A_1013 = tpu.vector_load %arg9[%get3A_1012] {strides = array<i32>} : memref<55296xf32, #tpu.memory_space<vmem>>, vector<16xf32>,
                      %get3A_1014 = vector.shape_cast %get3A_1013 : vector<16xf32> to vector<16xf32>
                      %mul3A_1015 = vector.broadcast %mul3A_983 : f32 to vector<16xf32>
                      %mul3A_1016 = arith.mulf %mul3A_773, %mul3A_1015 : vector<16xf32>
                      %add3A_1017 = arith.addf %get3A_1014, %mul3A_1016 : vector<16xf32>
                      %swap3A_1018 = arith.index_cast %add3A_1011 : i32 to index
                      %swap3A_1019 = tpu.vector_load %arg9[%swap3A_1018] {strides = array<i32>} : memref<55296xf32, #tpu.memory_space<vmem>>, vector<16xf32>,
                      %swap3A_1020 = vector.shape_cast %swap3A_1019 : vector<16xf32> to vector<16xf32>
                      %swap3A_1021 = vector.shape_cast %add3A_1017 : vector<16xf32> to vector<16xf32>
                      tpu.vector_store %arg9[%swap3A_1018], %swap3A_1021 {strides = array<i32>} : memref<55296xf32, #tpu.memory_space<vmem>>, vector<16xf32>,
                      %slice3A_1022 = vector.extract_strided_slice %mul3A_562 {offsets = [3], sizes = [1], strides = [1]} : vector<16xf32> to vector<1xf32>
                      %squeeze3A_1023 = vector.extract %slice3A_1022[0] : f32 from vector<1xf32>
                      %mul3A_1024 = arith.mulf %squeeze3A_892, %squeeze3A_1023 : f32
                      %add3A_1025 = arith.constant 192 : i32
                      %add3A_1026 = arith.addi %mul3A_899, %add3A_1025 : i32
                      %add3A_1027 = arith.constant 0 : i32
                      %add3A_1028 = arith.addi %add3A_1026, %add3A_1027 : i32
                      %get3A_1029 = arith.index_cast %add3A_1028 : i32 to index
                      %get3A_1030 = tpu.vector_load %arg9[%get3A_1029] {strides = array<i32>} : memref<55296xf32, #tpu.memory_space<vmem>>, vector<16xf32>,
                      %get3A_1031 = vector.shape_cast %get3A_1030 : vector<16xf32> to vector<16xf32>
                      %mul3A_1032 = vector.broadcast %mul3A_1024 : f32 to vector<16xf32>
                      %mul3A_1033 = arith.mulf %mul3A_697, %mul3A_1032 : vector<16xf32>
                      %add3A_1034 = arith.addf %get3A_1031, %mul3A_1033 : vector<16xf32>
                      %swap3A_1035 = arith.index_cast %add3A_1028 : i32 to index
                      %swap3A_1036 = tpu.vector_load %arg9[%swap3A_1035] {strides = array<i32>} : memref<55296xf32, #tpu.memory_space<vmem>>, vector<16xf32>,
                      %swap3A_1037 = vector.shape_cast %swap3A_1036 : vector<16xf32> to vector<16xf32>
                      %swap3A_1038 = vector.shape_cast %add3A_1034 : vector<16xf32> to vector<16xf32>
                      tpu.vector_store %arg9[%swap3A_1035], %swap3A_1038 {strides = array<i32>} : memref<55296xf32, #tpu.memory_space<vmem>>, vector<16xf32>,
                      %add3A_1039 = arith.constant 16 : i32
                      %add3A_1040 = arith.addi %add3A_1026, %add3A_1039 : i32
                      %get3A_1041 = arith.index_cast %add3A_1040 : i32 to index
                      %get3A_1042 = tpu.vector_load %arg9[%get3A_1041] {strides = array<i32>} : memref<55296xf32, #tpu.memory_space<vmem>>, vector<16xf32>,
                      %get3A_1043 = vector.shape_cast %get3A_1042 : vector<16xf32> to vector<16xf32>
                      %mul3A_1044 = vector.broadcast %mul3A_1024 : f32 to vector<16xf32>
                      %mul3A_1045 = arith.mulf %mul3A_735, %mul3A_1044 : vector<16xf32>
                      %add3A_1046 = arith.addf %get3A_1043, %mul3A_1045 : vector<16xf32>
                      %swap3A_1047 = arith.index_cast %add3A_1040 : i32 to index
                      %swap3A_1048 = tpu.vector_load %arg9[%swap3A_1047] {strides = array<i32>} : memref<55296xf32, #tpu.memory_space<vmem>>, vector<16xf32>,
                      %swap3A_1049 = vector.shape_cast %swap3A_1048 : vector<16xf32> to vector<16xf32>
                      %swap3A_1050 = vector.shape_cast %add3A_1046 : vector<16xf32> to vector<16xf32>
                      tpu.vector_store %arg9[%swap3A_1047], %swap3A_1050 {strides = array<i32>} : memref<55296xf32, #tpu.memory_space<vmem>>, vector<16xf32>,
                      %add3A_1051 = arith.constant 32 : i32
                      %add3A_1052 = arith.addi %add3A_1026, %add3A_1051 : i32
                      %get3A_1053 = arith.index_cast %add3A_1052 : i32 to index
                      %get3A_1054 = tpu.vector_load %arg9[%get3A_1053] {strides = array<i32>} : memref<55296xf32, #tpu.memory_space<vmem>>, vector<16xf32>,
                      %get3A_1055 = vector.shape_cast %get3A_1054 : vector<16xf32> to vector<16xf32>
                      %mul3A_1056 = vector.broadcast %mul3A_1024 : f32 to vector<16xf32>
                      %mul3A_1057 = arith.mulf %mul3A_773, %mul3A_1056 : vector<16xf32>
                      %add3A_1058 = arith.addf %get3A_1055, %mul3A_1057 : vector<16xf32>
                      %swap3A_1059 = arith.index_cast %add3A_1052 : i32 to index
                      %swap3A_1060 = tpu.vector_load %arg9[%swap3A_1059] {strides = array<i32>} : memref<55296xf32, #tpu.memory_space<vmem>>, vector<16xf32>,
                      %swap3A_1061 = vector.shape_cast %swap3A_1060 : vector<16xf32> to vector<16xf32>
                      %swap3A_1062 = vector.shape_cast %add3A_1058 : vector<16xf32> to vector<16xf32>
                      tpu.vector_store %arg9[%swap3A_1059], %swap3A_1062 {strides = array<i32>} : memref<55296xf32, #tpu.memory_space<vmem>>, vector<16xf32>,
                      %slice3A_1063 = vector.extract_strided_slice %mul3A_562 {offsets = [4], sizes = [1], strides = [1]} : vector<16xf32> to vector<1xf32>
                      %squeeze3A_1064 = vector.extract %slice3A_1063[0] : f32 from vector<1xf32>
                      %mul3A_1065 = arith.mulf %squeeze3A_892, %squeeze3A_1064 : f32
                      %add3A_1066 = arith.constant 256 : i32
                      %add3A_1067 = arith.addi %mul3A_899, %add3A_1066 : i32
                      %add3A_1068 = arith.constant 0 : i32
                      %add3A_1069 = arith.addi %add3A_1067, %add3A_1068 : i32
                      %get3A_1070 = arith.index_cast %add3A_1069 : i32 to index
                      %get3A_1071 = tpu.vector_load %arg9[%get3A_1070] {strides = array<i32>} : memref<55296xf32, #tpu.memory_space<vmem>>, vector<16xf32>,
                      %get3A_1072 = vector.shape_cast %get3A_1071 : vector<16xf32> to vector<16xf32>
                      %mul3A_1073 = vector.broadcast %mul3A_1065 : f32 to vector<16xf32>
                      %mul3A_1074 = arith.mulf %mul3A_697, %mul3A_1073 : vector<16xf32>
                      %add3A_1075 = arith.addf %get3A_1072, %mul3A_1074 : vector<16xf32>
                      %swap3A_1076 = arith.index_cast %add3A_1069 : i32 to index
                      %swap3A_1077 = tpu.vector_load %arg9[%swap3A_1076] {strides = array<i32>} : memref<55296xf32, #tpu.memory_space<vmem>>, vector<16xf32>,
                      %swap3A_1078 = vector.shape_cast %swap3A_1077 : vector<16xf32> to vector<16xf32>
                      %swap3A_1079 = vector.shape_cast %add3A_1075 : vector<16xf32> to vector<16xf32>
                      tpu.vector_store %arg9[%swap3A_1076], %swap3A_1079 {strides = array<i32>} : memref<55296xf32, #tpu.memory_space<vmem>>, vector<16xf32>,
                      %add3A_1080 = arith.constant 16 : i32
                      %add3A_1081 = arith.addi %add3A_1067, %add3A_1080 : i32
                      %get3A_1082 = arith.index_cast %add3A_1081 : i32 to index
                      %get3A_1083 = tpu.vector_load %arg9[%get3A_1082] {strides = array<i32>} : memref<55296xf32, #tpu.memory_space<vmem>>, vector<16xf32>,
                      %get3A_1084 = vector.shape_cast %get3A_1083 : vector<16xf32> to vector<16xf32>
                      %mul3A_1085 = vector.broadcast %mul3A_1065 : f32 to vector<16xf32>
                      %mul3A_1086 = arith.mulf %mul3A_735, %mul3A_1085 : vector<16xf32>
                      %add3A_1087 = arith.addf %get3A_1084, %mul3A_1086 : vector<16xf32>
                      %swap3A_1088 = arith.index_cast %add3A_1081 : i32 to index
                      %swap3A_1089 = tpu.vector_load %arg9[%swap3A_1088] {strides = array<i32>} : memref<55296xf32, #tpu.memory_space<vmem>>, vector<16xf32>,
                      %swap3A_1090 = vector.shape_cast %swap3A_1089 : vector<16xf32> to vector<16xf32>
                      %swap3A_1091 = vector.shape_cast %add3A_1087 : vector<16xf32> to vector<16xf32>
                      tpu.vector_store %arg9[%swap3A_1088], %swap3A_1091 {strides = array<i32>} : memref<55296xf32, #tpu.memory_space<vmem>>, vector<16xf32>,
                      %add3A_1092 = arith.constant 32 : i32
                      %add3A_1093 = arith.addi %add3A_1067, %add3A_1092 : i32
                      %get3A_1094 = arith.index_cast %add3A_1093 : i32 to index
                      %get3A_1095 = tpu.vector_load %arg9[%get3A_1094] {strides = array<i32>} : memref<55296xf32, #tpu.memory_space<vmem>>, vector<16xf32>,
                      %get3A_1096 = vector.shape_cast %get3A_1095 : vector<16xf32> to vector<16xf32>
                      %mul3A_1097 = vector.broadcast %mul3A_1065 : f32 to vector<16xf32>
                      %mul3A_1098 = arith.mulf %mul3A_773, %mul3A_1097 : vector<16xf32>
                      %add3A_1099 = arith.addf %get3A_1096, %mul3A_1098 : vector<16xf32>
                      %swap3A_1100 = arith.index_cast %add3A_1093 : i32 to index
                      %swap3A_1101 = tpu.vector_load %arg9[%swap3A_1100] {strides = array<i32>} : memref<55296xf32, #tpu.memory_space<vmem>>, vector<16xf32>,
                      %swap3A_1102 = vector.shape_cast %swap3A_1101 : vector<16xf32> to vector<16xf32>
                      %swap3A_1103 = vector.shape_cast %add3A_1099 : vector<16xf32> to vector<16xf32>
                      tpu.vector_store %arg9[%swap3A_1100], %swap3A_1103 {strides = array<i32>} : memref<55296xf32, #tpu.memory_space<vmem>>, vector<16xf32>,
                      %slice3A_1104 = vector.extract_strided_slice %mul3A_562 {offsets = [5], sizes = [1], strides = [1]} : vector<16xf32> to vector<1xf32>
                      %squeeze3A_1105 = vector.extract %slice3A_1104[0] : f32 from vector<1xf32>
                      %mul3A_1106 = arith.mulf %squeeze3A_892, %squeeze3A_1105 : f32
                      %add3A_1107 = arith.constant 320 : i32
                      %add3A_1108 = arith.addi %mul3A_899, %add3A_1107 : i32
                      %add3A_1109 = arith.constant 0 : i32
                      %add3A_1110 = arith.addi %add3A_1108, %add3A_1109 : i32
                      %get3A_1111 = arith.index_cast %add3A_1110 : i32 to index
                      %get3A_1112 = tpu.vector_load %arg9[%get3A_1111] {strides = array<i32>} : memref<55296xf32, #tpu.memory_space<vmem>>, vector<16xf32>,
                      %get3A_1113 = vector.shape_cast %get3A_1112 : vector<16xf32> to vector<16xf32>
                      %mul3A_1114 = vector.broadcast %mul3A_1106 : f32 to vector<16xf32>
                      %mul3A_1115 = arith.mulf %mul3A_697, %mul3A_1114 : vector<16xf32>
                      %add3A_1116 = arith.addf %get3A_1113, %mul3A_1115 : vector<16xf32>
                      %swap3A_1117 = arith.index_cast %add3A_1110 : i32 to index
                      %swap3A_1118 = tpu.vector_load %arg9[%swap3A_1117] {strides = array<i32>} : memref<55296xf32, #tpu.memory_space<vmem>>, vector<16xf32>,
                      %swap3A_1119 = vector.shape_cast %swap3A_1118 : vector<16xf32> to vector<16xf32>
                      %swap3A_1120 = vector.shape_cast %add3A_1116 : vector<16xf32> to vector<16xf32>
                      tpu.vector_store %arg9[%swap3A_1117], %swap3A_1120 {strides = array<i32>} : memref<55296xf32, #tpu.memory_space<vmem>>, vector<16xf32>,
                      %add3A_1121 = arith.constant 16 : i32
                      %add3A_1122 = arith.addi %add3A_1108, %add3A_1121 : i32
                      %get3A_1123 = arith.index_cast %add3A_1122 : i32 to index
                      %get3A_1124 = tpu.vector_load %arg9[%get3A_1123] {strides = array<i32>} : memref<55296xf32, #tpu.memory_space<vmem>>, vector<16xf32>,
                      %get3A_1125 = vector.shape_cast %get3A_1124 : vector<16xf32> to vector<16xf32>
                      %mul3A_1126 = vector.broadcast %mul3A_1106 : f32 to vector<16xf32>
                      %mul3A_1127 = arith.mulf %mul3A_735, %mul3A_1126 : vector<16xf32>
                      %add3A_1128 = arith.addf %get3A_1125, %mul3A_1127 : vector<16xf32>
                      %swap3A_1129 = arith.index_cast %add3A_1122 : i32 to index
                      %swap3A_1130 = tpu.vector_load %arg9[%swap3A_1129] {strides = array<i32>} : memref<55296xf32, #tpu.memory_space<vmem>>, vector<16xf32>,
                      %swap3A_1131 = vector.shape_cast %swap3A_1130 : vector<16xf32> to vector<16xf32>
                      %swap3A_1132 = vector.shape_cast %add3A_1128 : vector<16xf32> to vector<16xf32>
                      tpu.vector_store %arg9[%swap3A_1129], %swap3A_1132 {strides = array<i32>} : memref<55296xf32, #tpu.memory_space<vmem>>, vector<16xf32>,
                      %add3A_1133 = arith.constant 32 : i32
                      %add3A_1134 = arith.addi %add3A_1108, %add3A_1133 : i32
                      %get3A_1135 = arith.index_cast %add3A_1134 : i32 to index
                      %get3A_1136 = tpu.vector_load %arg9[%get3A_1135] {strides = array<i32>} : memref<55296xf32, #tpu.memory_space<vmem>>, vector<16xf32>,
                      %get3A_1137 = vector.shape_cast %get3A_1136 : vector<16xf32> to vector<16xf32>
                      %mul3A_1138 = vector.broadcast %mul3A_1106 : f32 to vector<16xf32>
                      %mul3A_1139 = arith.mulf %mul3A_773, %mul3A_1138 : vector<16xf32>
                      %add3A_1140 = arith.addf %get3A_1137, %mul3A_1139 : vector<16xf32>
                      %swap3A_1141 = arith.index_cast %add3A_1134 : i32 to index
                      %swap3A_1142 = tpu.vector_load %arg9[%swap3A_1141] {strides = array<i32>} : memref<55296xf32, #tpu.memory_space<vmem>>, vector<16xf32>,
                      %swap3A_1143 = vector.shape_cast %swap3A_1142 : vector<16xf32> to vector<16xf32>
                      %swap3A_1144 = vector.shape_cast %add3A_1140 : vector<16xf32> to vector<16xf32>
                      tpu.vector_store %arg9[%swap3A_1141], %swap3A_1144 {strides = array<i32>} : memref<55296xf32, #tpu.memory_space<vmem>>, vector<16xf32>,
                      %slice3A_1145 = vector.extract_strided_slice %mul3A_562 {offsets = [6], sizes = [1], strides = [1]} : vector<16xf32> to vector<1xf32>
                      %squeeze3A_1146 = vector.extract %slice3A_1145[0] : f32 from vector<1xf32>
                      %mul3A_1147 = arith.mulf %squeeze3A_892, %squeeze3A_1146 : f32
                      %add3A_1148 = arith.constant 384 : i32
                      %add3A_1149 = arith.addi %mul3A_899, %add3A_1148 : i32
                      %add3A_1150 = arith.constant 0 : i32
                      %add3A_1151 = arith.addi %add3A_1149, %add3A_1150 : i32
                      %get3A_1152 = arith.index_cast %add3A_1151 : i32 to index
                      %get3A_1153 = tpu.vector_load %arg9[%get3A_1152] {strides = array<i32>} : memref<55296xf32, #tpu.memory_space<vmem>>, vector<16xf32>,
                      %get3A_1154 = vector.shape_cast %get3A_1153 : vector<16xf32> to vector<16xf32>
                      %mul3A_1155 = vector.broadcast %mul3A_1147 : f32 to vector<16xf32>
                      %mul3A_1156 = arith.mulf %mul3A_697, %mul3A_1155 : vector<16xf32>
                      %add3A_1157 = arith.addf %get3A_1154, %mul3A_1156 : vector<16xf32>
                      %swap3A_1158 = arith.index_cast %add3A_1151 : i32 to index
                      %swap3A_1159 = tpu.vector_load %arg9[%swap3A_1158] {strides = array<i32>} : memref<55296xf32, #tpu.memory_space<vmem>>, vector<16xf32>,
                      %swap3A_1160 = vector.shape_cast %swap3A_1159 : vector<16xf32> to vector<16xf32>
                      %swap3A_1161 = vector.shape_cast %add3A_1157 : vector<16xf32> to vector<16xf32>
                      tpu.vector_store %arg9[%swap3A_1158], %swap3A_1161 {strides = array<i32>} : memref<55296xf32, #tpu.memory_space<vmem>>, vector<16xf32>,
                      %add3A_1162 = arith.constant 16 : i32
                      %add3A_1163 = arith.addi %add3A_1149, %add3A_1162 : i32
                      %get3A_1164 = arith.index_cast %add3A_1163 : i32 to index
                      %get3A_1165 = tpu.vector_load %arg9[%get3A_1164] {strides = array<i32>} : memref<55296xf32, #tpu.memory_space<vmem>>, vector<16xf32>,
                      %get3A_1166 = vector.shape_cast %get3A_1165 : vector<16xf32> to vector<16xf32>
                      %mul3A_1167 = vector.broadcast %mul3A_1147 : f32 to vector<16xf32>
                      %mul3A_1168 = arith.mulf %mul3A_735, %mul3A_1167 : vector<16xf32>
                      %add3A_1169 = arith.addf %get3A_1166, %mul3A_1168 : vector<16xf32>
                      %swap3A_1170 = arith.index_cast %add3A_1163 : i32 to index
                      %swap3A_1171 = tpu.vector_load %arg9[%swap3A_1170] {strides = array<i32>} : memref<55296xf32, #tpu.memory_space<vmem>>, vector<16xf32>,
                      %swap3A_1172 = vector.shape_cast %swap3A_1171 : vector<16xf32> to vector<16xf32>
                      %swap3A_1173 = vector.shape_cast %add3A_1169 : vector<16xf32> to vector<16xf32>
                      tpu.vector_store %arg9[%swap3A_1170], %swap3A_1173 {strides = array<i32>} : memref<55296xf32, #tpu.memory_space<vmem>>, vector<16xf32>,
                      %add3A_1174 = arith.constant 32 : i32
                      %add3A_1175 = arith.addi %add3A_1149, %add3A_1174 : i32
                      %get3A_1176 = arith.index_cast %add3A_1175 : i32 to index
                      %get3A_1177 = tpu.vector_load %arg9[%get3A_1176] {strides = array<i32>} : memref<55296xf32, #tpu.memory_space<vmem>>, vector<16xf32>,
                      %get3A_1178 = vector.shape_cast %get3A_1177 : vector<16xf32> to vector<16xf32>
                      %mul3A_1179 = vector.broadcast %mul3A_1147 : f32 to vector<16xf32>
                      %mul3A_1180 = arith.mulf %mul3A_773, %mul3A_1179 : vector<16xf32>
                      %add3A_1181 = arith.addf %get3A_1178, %mul3A_1180 : vector<16xf32>
                      %swap3A_1182 = arith.index_cast %add3A_1175 : i32 to index
                      %swap3A_1183 = tpu.vector_load %arg9[%swap3A_1182] {strides = array<i32>} : memref<55296xf32, #tpu.memory_space<vmem>>, vector<16xf32>,
                      %swap3A_1184 = vector.shape_cast %swap3A_1183 : vector<16xf32> to vector<16xf32>
                      %swap3A_1185 = vector.shape_cast %add3A_1181 : vector<16xf32> to vector<16xf32>
                      tpu.vector_store %arg9[%swap3A_1182], %swap3A_1185 {strides = array<i32>} : memref<55296xf32, #tpu.memory_space<vmem>>, vector<16xf32>,
                      %slice3A_1186 = vector.extract_strided_slice %mul3A_562 {offsets = [7], sizes = [1], strides = [1]} : vector<16xf32> to vector<1xf32>
                      %squeeze3A_1187 = vector.extract %slice3A_1186[0] : f32 from vector<1xf32>
                      %mul3A_1188 = arith.mulf %squeeze3A_892, %squeeze3A_1187 : f32
                      %add3A_1189 = arith.constant 448 : i32
                      %add3A_1190 = arith.addi %mul3A_899, %add3A_1189 : i32
                      %add3A_1191 = arith.constant 0 : i32
                      %add3A_1192 = arith.addi %add3A_1190, %add3A_1191 : i32
                      %get3A_1193 = arith.index_cast %add3A_1192 : i32 to index
                      %get3A_1194 = tpu.vector_load %arg9[%get3A_1193] {strides = array<i32>} : memref<55296xf32, #tpu.memory_space<vmem>>, vector<16xf32>,
                      %get3A_1195 = vector.shape_cast %get3A_1194 : vector<16xf32> to vector<16xf32>
                      %mul3A_1196 = vector.broadcast %mul3A_1188 : f32 to vector<16xf32>
                      %mul3A_1197 = arith.mulf %mul3A_697, %mul3A_1196 : vector<16xf32>
                      %add3A_1198 = arith.addf %get3A_1195, %mul3A_1197 : vector<16xf32>
                      %swap3A_1199 = arith.index_cast %add3A_1192 : i32 to index
                      %swap3A_1200 = tpu.vector_load %arg9[%swap3A_1199] {strides = array<i32>} : memref<55296xf32, #tpu.memory_space<vmem>>, vector<16xf32>,
                      %swap3A_1201 = vector.shape_cast %swap3A_1200 : vector<16xf32> to vector<16xf32>
                      %swap3A_1202 = vector.shape_cast %add3A_1198 : vector<16xf32> to vector<16xf32>
                      tpu.vector_store %arg9[%swap3A_1199], %swap3A_1202 {strides = array<i32>} : memref<55296xf32, #tpu.memory_space<vmem>>, vector<16xf32>,
                      %add3A_1203 = arith.constant 16 : i32
                      %add3A_1204 = arith.addi %add3A_1190, %add3A_1203 : i32
                      %get3A_1205 = arith.index_cast %add3A_1204 : i32 to index
                      %get3A_1206 = tpu.vector_load %arg9[%get3A_1205] {strides = array<i32>} : memref<55296xf32, #tpu.memory_space<vmem>>, vector<16xf32>,
                      %get3A_1207 = vector.shape_cast %get3A_1206 : vector<16xf32> to vector<16xf32>
                      %mul3A_1208 = vector.broadcast %mul3A_1188 : f32 to vector<16xf32>
                      %mul3A_1209 = arith.mulf %mul3A_735, %mul3A_1208 : vector<16xf32>
                      %add3A_1210 = arith.addf %get3A_1207, %mul3A_1209 : vector<16xf32>
                      %swap3A_1211 = arith.index_cast %add3A_1204 : i32 to index
                      %swap3A_1212 = tpu.vector_load %arg9[%swap3A_1211] {strides = array<i32>} : memref<55296xf32, #tpu.memory_space<vmem>>, vector<16xf32>,
                      %swap3A_1213 = vector.shape_cast %swap3A_1212 : vector<16xf32> to vector<16xf32>
                      %swap3A_1214 = vector.shape_cast %add3A_1210 : vector<16xf32> to vector<16xf32>
                      tpu.vector_store %arg9[%swap3A_1211], %swap3A_1214 {strides = array<i32>} : memref<55296xf32, #tpu.memory_space<vmem>>, vector<16xf32>,
                      %add3A_1215 = arith.constant 32 : i32
                      %add3A_1216 = arith.addi %add3A_1190, %add3A_1215 : i32
                      %get3A_1217 = arith.index_cast %add3A_1216 : i32 to index
                      %get3A_1218 = tpu.vector_load %arg9[%get3A_1217] {strides = array<i32>} : memref<55296xf32, #tpu.memory_space<vmem>>, vector<16xf32>,
                      %get3A_1219 = vector.shape_cast %get3A_1218 : vector<16xf32> to vector<16xf32>
                      %mul3A_1220 = vector.broadcast %mul3A_1188 : f32 to vector<16xf32>
                      %mul3A_1221 = arith.mulf %mul3A_773, %mul3A_1220 : vector<16xf32>
                      %add3A_1222 = arith.addf %get3A_1219, %mul3A_1221 : vector<16xf32>
                      %swap3A_1223 = arith.index_cast %add3A_1216 : i32 to index
                      %swap3A_1224 = tpu.vector_load %arg9[%swap3A_1223] {strides = array<i32>} : memref<55296xf32, #tpu.memory_space<vmem>>, vector<16xf32>,
                      %swap3A_1225 = vector.shape_cast %swap3A_1224 : vector<16xf32> to vector<16xf32>
                      %swap3A_1226 = vector.shape_cast %add3A_1222 : vector<16xf32> to vector<16xf32>
                      tpu.vector_store %arg9[%swap3A_1223], %swap3A_1226 {strides = array<i32>} : memref<55296xf32, #tpu.memory_space<vmem>>, vector<16xf32>,
                      %slice3A_1227 = vector.extract_strided_slice %mul3A_562 {offsets = [8], sizes = [1], strides = [1]} : vector<16xf32> to vector<1xf32>
                      %squeeze3A_1228 = vector.extract %slice3A_1227[0] : f32 from vector<1xf32>
                      %mul3A_1229 = arith.mulf %squeeze3A_892, %squeeze3A_1228 : f32
                      %add3A_1230 = arith.constant 512 : i32
                      %add3A_1231 = arith.addi %mul3A_899, %add3A_1230 : i32
                      %add3A_1232 = arith.constant 0 : i32
                      %add3A_1233 = arith.addi %add3A_1231, %add3A_1232 : i32
                      %get3A_1234 = arith.index_cast %add3A_1233 : i32 to index
                      %get3A_1235 = tpu.vector_load %arg9[%get3A_1234] {strides = array<i32>} : memref<55296xf32, #tpu.memory_space<vmem>>, vector<16xf32>,
                      %get3A_1236 = vector.shape_cast %get3A_1235 : vector<16xf32> to vector<16xf32>
                      %mul3A_1237 = vector.broadcast %mul3A_1229 : f32 to vector<16xf32>
                      %mul3A_1238 = arith.mulf %mul3A_697, %mul3A_1237 : vector<16xf32>
                      %add3A_1239 = arith.addf %get3A_1236, %mul3A_1238 : vector<16xf32>
                      %swap3A_1240 = arith.index_cast %add3A_1233 : i32 to index
                      %swap3A_1241 = tpu.vector_load %arg9[%swap3A_1240] {strides = array<i32>} : memref<55296xf32, #tpu.memory_space<vmem>>, vector<16xf32>,
                      %swap3A_1242 = vector.shape_cast %swap3A_1241 : vector<16xf32> to vector<16xf32>
                      %swap3A_1243 = vector.shape_cast %add3A_1239 : vector<16xf32> to vector<16xf32>
                      tpu.vector_store %arg9[%swap3A_1240], %swap3A_1243 {strides = array<i32>} : memref<55296xf32, #tpu.memory_space<vmem>>, vector<16xf32>,
                      %add3A_1244 = arith.constant 16 : i32
                      %add3A_1245 = arith.addi %add3A_1231, %add3A_1244 : i32
                      %get3A_1246 = arith.index_cast %add3A_1245 : i32 to index
                      %get3A_1247 = tpu.vector_load %arg9[%get3A_1246] {strides = array<i32>} : memref<55296xf32, #tpu.memory_space<vmem>>, vector<16xf32>,
                      %get3A_1248 = vector.shape_cast %get3A_1247 : vector<16xf32> to vector<16xf32>
                      %mul3A_1249 = vector.broadcast %mul3A_1229 : f32 to vector<16xf32>
                      %mul3A_1250 = arith.mulf %mul3A_735, %mul3A_1249 : vector<16xf32>
                      %add3A_1251 = arith.addf %get3A_1248, %mul3A_1250 : vector<16xf32>
                      %swap3A_1252 = arith.index_cast %add3A_1245 : i32 to index
                      %swap3A_1253 = tpu.vector_load %arg9[%swap3A_1252] {strides = array<i32>} : memref<55296xf32, #tpu.memory_space<vmem>>, vector<16xf32>,
                      %swap3A_1254 = vector.shape_cast %swap3A_1253 : vector<16xf32> to vector<16xf32>
                      %swap3A_1255 = vector.shape_cast %add3A_1251 : vector<16xf32> to vector<16xf32>
                      tpu.vector_store %arg9[%swap3A_1252], %swap3A_1255 {strides = array<i32>} : memref<55296xf32, #tpu.memory_space<vmem>>, vector<16xf32>,
                      %add3A_1256 = arith.constant 32 : i32
                      %add3A_1257 = arith.addi %add3A_1231, %add3A_1256 : i32
                      %get3A_1258 = arith.index_cast %add3A_1257 : i32 to index
                      %get3A_1259 = tpu.vector_load %arg9[%get3A_1258] {strides = array<i32>} : memref<55296xf32, #tpu.memory_space<vmem>>, vector<16xf32>,
                      %get3A_1260 = vector.shape_cast %get3A_1259 : vector<16xf32> to vector<16xf32>
                      %mul3A_1261 = vector.broadcast %mul3A_1229 : f32 to vector<16xf32>
                      %mul3A_1262 = arith.mulf %mul3A_773, %mul3A_1261 : vector<16xf32>
                      %add3A_1263 = arith.addf %get3A_1260, %mul3A_1262 : vector<16xf32>
                      %swap3A_1264 = arith.index_cast %add3A_1257 : i32 to index
                      %swap3A_1265 = tpu.vector_load %arg9[%swap3A_1264] {strides = array<i32>} : memref<55296xf32, #tpu.memory_space<vmem>>, vector<16xf32>,
                      %swap3A_1266 = vector.shape_cast %swap3A_1265 : vector<16xf32> to vector<16xf32>
                      %swap3A_1267 = vector.shape_cast %add3A_1263 : vector<16xf32> to vector<16xf32>
                      tpu.vector_store %arg9[%swap3A_1264], %swap3A_1267 {strides = array<i32>} : memref<55296xf32, #tpu.memory_space<vmem>>, vector<16xf32>,
                    } else {
                    }
                    %add3A_852 = arith.constant 2 : i32
                    %add3A_853 = arith.addi %add3A, %add3A_852 : i32
                    %add3A_854 = arith.constant 6 : i32
                    %add3A_855 = arith.addi %add3A_853, %add3A_854 : i32
                    %sub3A_856 = arith.subi %add3A_855, %mul3A_19 : i32
                    %ge3A_857 = arith.constant 0 : i32
                    %ge3A_858 = arith.cmpi sge, %sub3A_856, %ge3A_857 : i32
                    %lt3A_859 = arith.constant 8 : i32
                    %lt3A_860 = arith.cmpi slt, %sub3A_856, %lt3A_859 : i32
                    %and3A_861 = arith.andi %ge3A_858, %lt3A_860 : i1
                    %convert_element_type3A_862 = arith.extui %and3A_861 : i1 to i32
                    %cond3A_863 = arith.constant 0 : i32
                    %cond3A_864 = arith.cmpi ne, %convert_element_type3A_862, %cond3A_863 : i32
                    scf.if %cond3A_864 {
                      %slice3A_891 = vector.extract_strided_slice %mul3A_550 {offsets = [6], sizes = [1], strides = [1]} : vector<16xf32> to vector<1xf32>
                      %squeeze3A_892 = vector.extract %slice3A_891[0] : f32 from vector<1xf32>
                      %mul3A_893 = arith.constant 108 : i32
                      %mul3A_894 = arith.muli %sub3A_856, %mul3A_893 : i32
                      %add3A_895 = arith.addi %mul3A_894, %div3A_540 : i32
                      %add3A_896 = arith.constant 2 : i32
                      %add3A_897 = arith.addi %add3A_895, %add3A_896 : i32
                      %mul3A_898 = arith.constant 64 : i32
                      %mul3A_899 = arith.muli %add3A_897, %mul3A_898 : i32
                      %slice3A_900 = vector.extract_strided_slice %mul3A_562 {offsets = [0], sizes = [1], strides = [1]} : vector<16xf32> to vector<1xf32>
                      %squeeze3A_901 = vector.extract %slice3A_900[0] : f32 from vector<1xf32>
                      %mul3A_902 = arith.mulf %squeeze3A_892, %squeeze3A_901 : f32
                      %add3A_903 = arith.constant 0 : i32
                      %add3A_904 = arith.addi %mul3A_899, %add3A_903 : i32
                      %add3A_905 = arith.constant 0 : i32
                      %add3A_906 = arith.addi %add3A_904, %add3A_905 : i32
                      %get3A_907 = arith.index_cast %add3A_906 : i32 to index
                      %get3A_908 = tpu.vector_load %arg9[%get3A_907] {strides = array<i32>} : memref<55296xf32, #tpu.memory_space<vmem>>, vector<16xf32>,
                      %get3A_909 = vector.shape_cast %get3A_908 : vector<16xf32> to vector<16xf32>
                      %mul3A_910 = vector.broadcast %mul3A_902 : f32 to vector<16xf32>
                      %mul3A_911 = arith.mulf %mul3A_697, %mul3A_910 : vector<16xf32>
                      %add3A_912 = arith.addf %get3A_909, %mul3A_911 : vector<16xf32>
                      %swap3A = arith.index_cast %add3A_906 : i32 to index
                      %swap3A_913 = tpu.vector_load %arg9[%swap3A] {strides = array<i32>} : memref<55296xf32, #tpu.memory_space<vmem>>, vector<16xf32>,
                      %swap3A_914 = vector.shape_cast %swap3A_913 : vector<16xf32> to vector<16xf32>
                      %swap3A_915 = vector.shape_cast %add3A_912 : vector<16xf32> to vector<16xf32>
                      tpu.vector_store %arg9[%swap3A], %swap3A_915 {strides = array<i32>} : memref<55296xf32, #tpu.memory_space<vmem>>, vector<16xf32>,
                      %add3A_916 = arith.constant 16 : i32
                      %add3A_917 = arith.addi %add3A_904, %add3A_916 : i32
                      %get3A_918 = arith.index_cast %add3A_917 : i32 to index
                      %get3A_919 = tpu.vector_load %arg9[%get3A_918] {strides = array<i32>} : memref<55296xf32, #tpu.memory_space<vmem>>, vector<16xf32>,
                      %get3A_920 = vector.shape_cast %get3A_919 : vector<16xf32> to vector<16xf32>
                      %mul3A_921 = vector.broadcast %mul3A_902 : f32 to vector<16xf32>
                      %mul3A_922 = arith.mulf %mul3A_735, %mul3A_921 : vector<16xf32>
                      %add3A_923 = arith.addf %get3A_920, %mul3A_922 : vector<16xf32>
                      %swap3A_924 = arith.index_cast %add3A_917 : i32 to index
                      %swap3A_925 = tpu.vector_load %arg9[%swap3A_924] {strides = array<i32>} : memref<55296xf32, #tpu.memory_space<vmem>>, vector<16xf32>,
                      %swap3A_926 = vector.shape_cast %swap3A_925 : vector<16xf32> to vector<16xf32>
                      %swap3A_927 = vector.shape_cast %add3A_923 : vector<16xf32> to vector<16xf32>
                      tpu.vector_store %arg9[%swap3A_924], %swap3A_927 {strides = array<i32>} : memref<55296xf32, #tpu.memory_space<vmem>>, vector<16xf32>,
                      %add3A_928 = arith.constant 32 : i32
                      %add3A_929 = arith.addi %add3A_904, %add3A_928 : i32
                      %get3A_930 = arith.index_cast %add3A_929 : i32 to index
                      %get3A_931 = tpu.vector_load %arg9[%get3A_930] {strides = array<i32>} : memref<55296xf32, #tpu.memory_space<vmem>>, vector<16xf32>,
                      %get3A_932 = vector.shape_cast %get3A_931 : vector<16xf32> to vector<16xf32>
                      %mul3A_933 = vector.broadcast %mul3A_902 : f32 to vector<16xf32>
                      %mul3A_934 = arith.mulf %mul3A_773, %mul3A_933 : vector<16xf32>
                      %add3A_935 = arith.addf %get3A_932, %mul3A_934 : vector<16xf32>
                      %swap3A_936 = arith.index_cast %add3A_929 : i32 to index
                      %swap3A_937 = tpu.vector_load %arg9[%swap3A_936] {strides = array<i32>} : memref<55296xf32, #tpu.memory_space<vmem>>, vector<16xf32>,
                      %swap3A_938 = vector.shape_cast %swap3A_937 : vector<16xf32> to vector<16xf32>
                      %swap3A_939 = vector.shape_cast %add3A_935 : vector<16xf32> to vector<16xf32>
                      tpu.vector_store %arg9[%swap3A_936], %swap3A_939 {strides = array<i32>} : memref<55296xf32, #tpu.memory_space<vmem>>, vector<16xf32>,
                      %slice3A_940 = vector.extract_strided_slice %mul3A_562 {offsets = [1], sizes = [1], strides = [1]} : vector<16xf32> to vector<1xf32>
                      %squeeze3A_941 = vector.extract %slice3A_940[0] : f32 from vector<1xf32>
                      %mul3A_942 = arith.mulf %squeeze3A_892, %squeeze3A_941 : f32
                      %add3A_943 = arith.constant 64 : i32
                      %add3A_944 = arith.addi %mul3A_899, %add3A_943 : i32
                      %add3A_945 = arith.constant 0 : i32
                      %add3A_946 = arith.addi %add3A_944, %add3A_945 : i32
                      %get3A_947 = arith.index_cast %add3A_946 : i32 to index
                      %get3A_948 = tpu.vector_load %arg9[%get3A_947] {strides = array<i32>} : memref<55296xf32, #tpu.memory_space<vmem>>, vector<16xf32>,
                      %get3A_949 = vector.shape_cast %get3A_948 : vector<16xf32> to vector<16xf32>
                      %mul3A_950 = vector.broadcast %mul3A_942 : f32 to vector<16xf32>
                      %mul3A_951 = arith.mulf %mul3A_697, %mul3A_950 : vector<16xf32>
                      %add3A_952 = arith.addf %get3A_949, %mul3A_951 : vector<16xf32>
                      %swap3A_953 = arith.index_cast %add3A_946 : i32 to index
                      %swap3A_954 = tpu.vector_load %arg9[%swap3A_953] {strides = array<i32>} : memref<55296xf32, #tpu.memory_space<vmem>>, vector<16xf32>,
                      %swap3A_955 = vector.shape_cast %swap3A_954 : vector<16xf32> to vector<16xf32>
                      %swap3A_956 = vector.shape_cast %add3A_952 : vector<16xf32> to vector<16xf32>
                      tpu.vector_store %arg9[%swap3A_953], %swap3A_956 {strides = array<i32>} : memref<55296xf32, #tpu.memory_space<vmem>>, vector<16xf32>,
                      %add3A_957 = arith.constant 16 : i32
                      %add3A_958 = arith.addi %add3A_944, %add3A_957 : i32
                      %get3A_959 = arith.index_cast %add3A_958 : i32 to index
                      %get3A_960 = tpu.vector_load %arg9[%get3A_959] {strides = array<i32>} : memref<55296xf32, #tpu.memory_space<vmem>>, vector<16xf32>,
                      %get3A_961 = vector.shape_cast %get3A_960 : vector<16xf32> to vector<16xf32>
                      %mul3A_962 = vector.broadcast %mul3A_942 : f32 to vector<16xf32>
                      %mul3A_963 = arith.mulf %mul3A_735, %mul3A_962 : vector<16xf32>
                      %add3A_964 = arith.addf %get3A_961, %mul3A_963 : vector<16xf32>
                      %swap3A_965 = arith.index_cast %add3A_958 : i32 to index
                      %swap3A_966 = tpu.vector_load %arg9[%swap3A_965] {strides = array<i32>} : memref<55296xf32, #tpu.memory_space<vmem>>, vector<16xf32>,
                      %swap3A_967 = vector.shape_cast %swap3A_966 : vector<16xf32> to vector<16xf32>
                      %swap3A_968 = vector.shape_cast %add3A_964 : vector<16xf32> to vector<16xf32>
                      tpu.vector_store %arg9[%swap3A_965], %swap3A_968 {strides = array<i32>} : memref<55296xf32, #tpu.memory_space<vmem>>, vector<16xf32>,
                      %add3A_969 = arith.constant 32 : i32
                      %add3A_970 = arith.addi %add3A_944, %add3A_969 : i32
                      %get3A_971 = arith.index_cast %add3A_970 : i32 to index
                      %get3A_972 = tpu.vector_load %arg9[%get3A_971] {strides = array<i32>} : memref<55296xf32, #tpu.memory_space<vmem>>, vector<16xf32>,
                      %get3A_973 = vector.shape_cast %get3A_972 : vector<16xf32> to vector<16xf32>
                      %mul3A_974 = vector.broadcast %mul3A_942 : f32 to vector<16xf32>
                      %mul3A_975 = arith.mulf %mul3A_773, %mul3A_974 : vector<16xf32>
                      %add3A_976 = arith.addf %get3A_973, %mul3A_975 : vector<16xf32>
                      %swap3A_977 = arith.index_cast %add3A_970 : i32 to index
                      %swap3A_978 = tpu.vector_load %arg9[%swap3A_977] {strides = array<i32>} : memref<55296xf32, #tpu.memory_space<vmem>>, vector<16xf32>,
                      %swap3A_979 = vector.shape_cast %swap3A_978 : vector<16xf32> to vector<16xf32>
                      %swap3A_980 = vector.shape_cast %add3A_976 : vector<16xf32> to vector<16xf32>
                      tpu.vector_store %arg9[%swap3A_977], %swap3A_980 {strides = array<i32>} : memref<55296xf32, #tpu.memory_space<vmem>>, vector<16xf32>,
                      %slice3A_981 = vector.extract_strided_slice %mul3A_562 {offsets = [2], sizes = [1], strides = [1]} : vector<16xf32> to vector<1xf32>
                      %squeeze3A_982 = vector.extract %slice3A_981[0] : f32 from vector<1xf32>
                      %mul3A_983 = arith.mulf %squeeze3A_892, %squeeze3A_982 : f32
                      %add3A_984 = arith.constant 128 : i32
                      %add3A_985 = arith.addi %mul3A_899, %add3A_984 : i32
                      %add3A_986 = arith.constant 0 : i32
                      %add3A_987 = arith.addi %add3A_985, %add3A_986 : i32
                      %get3A_988 = arith.index_cast %add3A_987 : i32 to index
                      %get3A_989 = tpu.vector_load %arg9[%get3A_988] {strides = array<i32>} : memref<55296xf32, #tpu.memory_space<vmem>>, vector<16xf32>,
                      %get3A_990 = vector.shape_cast %get3A_989 : vector<16xf32> to vector<16xf32>
                      %mul3A_991 = vector.broadcast %mul3A_983 : f32 to vector<16xf32>
                      %mul3A_992 = arith.mulf %mul3A_697, %mul3A_991 : vector<16xf32>
                      %add3A_993 = arith.addf %get3A_990, %mul3A_992 : vector<16xf32>
                      %swap3A_994 = arith.index_cast %add3A_987 : i32 to index
                      %swap3A_995 = tpu.vector_load %arg9[%swap3A_994] {strides = array<i32>} : memref<55296xf32, #tpu.memory_space<vmem>>, vector<16xf32>,
                      %swap3A_996 = vector.shape_cast %swap3A_995 : vector<16xf32> to vector<16xf32>
                      %swap3A_997 = vector.shape_cast %add3A_993 : vector<16xf32> to vector<16xf32>
                      tpu.vector_store %arg9[%swap3A_994], %swap3A_997 {strides = array<i32>} : memref<55296xf32, #tpu.memory_space<vmem>>, vector<16xf32>,
                      %add3A_998 = arith.constant 16 : i32
                      %add3A_999 = arith.addi %add3A_985, %add3A_998 : i32
                      %get3A_1000 = arith.index_cast %add3A_999 : i32 to index
                      %get3A_1001 = tpu.vector_load %arg9[%get3A_1000] {strides = array<i32>} : memref<55296xf32, #tpu.memory_space<vmem>>, vector<16xf32>,
                      %get3A_1002 = vector.shape_cast %get3A_1001 : vector<16xf32> to vector<16xf32>
                      %mul3A_1003 = vector.broadcast %mul3A_983 : f32 to vector<16xf32>
                      %mul3A_1004 = arith.mulf %mul3A_735, %mul3A_1003 : vector<16xf32>
                      %add3A_1005 = arith.addf %get3A_1002, %mul3A_1004 : vector<16xf32>
                      %swap3A_1006 = arith.index_cast %add3A_999 : i32 to index
                      %swap3A_1007 = tpu.vector_load %arg9[%swap3A_1006] {strides = array<i32>} : memref<55296xf32, #tpu.memory_space<vmem>>, vector<16xf32>,
                      %swap3A_1008 = vector.shape_cast %swap3A_1007 : vector<16xf32> to vector<16xf32>
                      %swap3A_1009 = vector.shape_cast %add3A_1005 : vector<16xf32> to vector<16xf32>
                      tpu.vector_store %arg9[%swap3A_1006], %swap3A_1009 {strides = array<i32>} : memref<55296xf32, #tpu.memory_space<vmem>>, vector<16xf32>,
                      %add3A_1010 = arith.constant 32 : i32
                      %add3A_1011 = arith.addi %add3A_985, %add3A_1010 : i32
                      %get3A_1012 = arith.index_cast %add3A_1011 : i32 to index
                      %get3A_1013 = tpu.vector_load %arg9[%get3A_1012] {strides = array<i32>} : memref<55296xf32, #tpu.memory_space<vmem>>, vector<16xf32>,
                      %get3A_1014 = vector.shape_cast %get3A_1013 : vector<16xf32> to vector<16xf32>
                      %mul3A_1015 = vector.broadcast %mul3A_983 : f32 to vector<16xf32>
                      %mul3A_1016 = arith.mulf %mul3A_773, %mul3A_1015 : vector<16xf32>
                      %add3A_1017 = arith.addf %get3A_1014, %mul3A_1016 : vector<16xf32>
                      %swap3A_1018 = arith.index_cast %add3A_1011 : i32 to index
                      %swap3A_1019 = tpu.vector_load %arg9[%swap3A_1018] {strides = array<i32>} : memref<55296xf32, #tpu.memory_space<vmem>>, vector<16xf32>,
                      %swap3A_1020 = vector.shape_cast %swap3A_1019 : vector<16xf32> to vector<16xf32>
                      %swap3A_1021 = vector.shape_cast %add3A_1017 : vector<16xf32> to vector<16xf32>
                      tpu.vector_store %arg9[%swap3A_1018], %swap3A_1021 {strides = array<i32>} : memref<55296xf32, #tpu.memory_space<vmem>>, vector<16xf32>,
                      %slice3A_1022 = vector.extract_strided_slice %mul3A_562 {offsets = [3], sizes = [1], strides = [1]} : vector<16xf32> to vector<1xf32>
                      %squeeze3A_1023 = vector.extract %slice3A_1022[0] : f32 from vector<1xf32>
                      %mul3A_1024 = arith.mulf %squeeze3A_892, %squeeze3A_1023 : f32
                      %add3A_1025 = arith.constant 192 : i32
                      %add3A_1026 = arith.addi %mul3A_899, %add3A_1025 : i32
                      %add3A_1027 = arith.constant 0 : i32
                      %add3A_1028 = arith.addi %add3A_1026, %add3A_1027 : i32
                      %get3A_1029 = arith.index_cast %add3A_1028 : i32 to index
                      %get3A_1030 = tpu.vector_load %arg9[%get3A_1029] {strides = array<i32>} : memref<55296xf32, #tpu.memory_space<vmem>>, vector<16xf32>,
                      %get3A_1031 = vector.shape_cast %get3A_1030 : vector<16xf32> to vector<16xf32>
                      %mul3A_1032 = vector.broadcast %mul3A_1024 : f32 to vector<16xf32>
                      %mul3A_1033 = arith.mulf %mul3A_697, %mul3A_1032 : vector<16xf32>
                      %add3A_1034 = arith.addf %get3A_1031, %mul3A_1033 : vector<16xf32>
                      %swap3A_1035 = arith.index_cast %add3A_1028 : i32 to index
                      %swap3A_1036 = tpu.vector_load %arg9[%swap3A_1035] {strides = array<i32>} : memref<55296xf32, #tpu.memory_space<vmem>>, vector<16xf32>,
                      %swap3A_1037 = vector.shape_cast %swap3A_1036 : vector<16xf32> to vector<16xf32>
                      %swap3A_1038 = vector.shape_cast %add3A_1034 : vector<16xf32> to vector<16xf32>
                      tpu.vector_store %arg9[%swap3A_1035], %swap3A_1038 {strides = array<i32>} : memref<55296xf32, #tpu.memory_space<vmem>>, vector<16xf32>,
                      %add3A_1039 = arith.constant 16 : i32
                      %add3A_1040 = arith.addi %add3A_1026, %add3A_1039 : i32
                      %get3A_1041 = arith.index_cast %add3A_1040 : i32 to index
                      %get3A_1042 = tpu.vector_load %arg9[%get3A_1041] {strides = array<i32>} : memref<55296xf32, #tpu.memory_space<vmem>>, vector<16xf32>,
                      %get3A_1043 = vector.shape_cast %get3A_1042 : vector<16xf32> to vector<16xf32>
                      %mul3A_1044 = vector.broadcast %mul3A_1024 : f32 to vector<16xf32>
                      %mul3A_1045 = arith.mulf %mul3A_735, %mul3A_1044 : vector<16xf32>
                      %add3A_1046 = arith.addf %get3A_1043, %mul3A_1045 : vector<16xf32>
                      %swap3A_1047 = arith.index_cast %add3A_1040 : i32 to index
                      %swap3A_1048 = tpu.vector_load %arg9[%swap3A_1047] {strides = array<i32>} : memref<55296xf32, #tpu.memory_space<vmem>>, vector<16xf32>,
                      %swap3A_1049 = vector.shape_cast %swap3A_1048 : vector<16xf32> to vector<16xf32>
                      %swap3A_1050 = vector.shape_cast %add3A_1046 : vector<16xf32> to vector<16xf32>
                      tpu.vector_store %arg9[%swap3A_1047], %swap3A_1050 {strides = array<i32>} : memref<55296xf32, #tpu.memory_space<vmem>>, vector<16xf32>,
                      %add3A_1051 = arith.constant 32 : i32
                      %add3A_1052 = arith.addi %add3A_1026, %add3A_1051 : i32
                      %get3A_1053 = arith.index_cast %add3A_1052 : i32 to index
                      %get3A_1054 = tpu.vector_load %arg9[%get3A_1053] {strides = array<i32>} : memref<55296xf32, #tpu.memory_space<vmem>>, vector<16xf32>,
                      %get3A_1055 = vector.shape_cast %get3A_1054 : vector<16xf32> to vector<16xf32>
                      %mul3A_1056 = vector.broadcast %mul3A_1024 : f32 to vector<16xf32>
                      %mul3A_1057 = arith.mulf %mul3A_773, %mul3A_1056 : vector<16xf32>
                      %add3A_1058 = arith.addf %get3A_1055, %mul3A_1057 : vector<16xf32>
                      %swap3A_1059 = arith.index_cast %add3A_1052 : i32 to index
                      %swap3A_1060 = tpu.vector_load %arg9[%swap3A_1059] {strides = array<i32>} : memref<55296xf32, #tpu.memory_space<vmem>>, vector<16xf32>,
                      %swap3A_1061 = vector.shape_cast %swap3A_1060 : vector<16xf32> to vector<16xf32>
                      %swap3A_1062 = vector.shape_cast %add3A_1058 : vector<16xf32> to vector<16xf32>
                      tpu.vector_store %arg9[%swap3A_1059], %swap3A_1062 {strides = array<i32>} : memref<55296xf32, #tpu.memory_space<vmem>>, vector<16xf32>,
                      %slice3A_1063 = vector.extract_strided_slice %mul3A_562 {offsets = [4], sizes = [1], strides = [1]} : vector<16xf32> to vector<1xf32>
                      %squeeze3A_1064 = vector.extract %slice3A_1063[0] : f32 from vector<1xf32>
                      %mul3A_1065 = arith.mulf %squeeze3A_892, %squeeze3A_1064 : f32
                      %add3A_1066 = arith.constant 256 : i32
                      %add3A_1067 = arith.addi %mul3A_899, %add3A_1066 : i32
                      %add3A_1068 = arith.constant 0 : i32
                      %add3A_1069 = arith.addi %add3A_1067, %add3A_1068 : i32
                      %get3A_1070 = arith.index_cast %add3A_1069 : i32 to index
                      %get3A_1071 = tpu.vector_load %arg9[%get3A_1070] {strides = array<i32>} : memref<55296xf32, #tpu.memory_space<vmem>>, vector<16xf32>,
                      %get3A_1072 = vector.shape_cast %get3A_1071 : vector<16xf32> to vector<16xf32>
                      %mul3A_1073 = vector.broadcast %mul3A_1065 : f32 to vector<16xf32>
                      %mul3A_1074 = arith.mulf %mul3A_697, %mul3A_1073 : vector<16xf32>
                      %add3A_1075 = arith.addf %get3A_1072, %mul3A_1074 : vector<16xf32>
                      %swap3A_1076 = arith.index_cast %add3A_1069 : i32 to index
                      %swap3A_1077 = tpu.vector_load %arg9[%swap3A_1076] {strides = array<i32>} : memref<55296xf32, #tpu.memory_space<vmem>>, vector<16xf32>,
                      %swap3A_1078 = vector.shape_cast %swap3A_1077 : vector<16xf32> to vector<16xf32>
                      %swap3A_1079 = vector.shape_cast %add3A_1075 : vector<16xf32> to vector<16xf32>
                      tpu.vector_store %arg9[%swap3A_1076], %swap3A_1079 {strides = array<i32>} : memref<55296xf32, #tpu.memory_space<vmem>>, vector<16xf32>,
                      %add3A_1080 = arith.constant 16 : i32
                      %add3A_1081 = arith.addi %add3A_1067, %add3A_1080 : i32
                      %get3A_1082 = arith.index_cast %add3A_1081 : i32 to index
                      %get3A_1083 = tpu.vector_load %arg9[%get3A_1082] {strides = array<i32>} : memref<55296xf32, #tpu.memory_space<vmem>>, vector<16xf32>,
                      %get3A_1084 = vector.shape_cast %get3A_1083 : vector<16xf32> to vector<16xf32>
                      %mul3A_1085 = vector.broadcast %mul3A_1065 : f32 to vector<16xf32>
                      %mul3A_1086 = arith.mulf %mul3A_735, %mul3A_1085 : vector<16xf32>
                      %add3A_1087 = arith.addf %get3A_1084, %mul3A_1086 : vector<16xf32>
                      %swap3A_1088 = arith.index_cast %add3A_1081 : i32 to index
                      %swap3A_1089 = tpu.vector_load %arg9[%swap3A_1088] {strides = array<i32>} : memref<55296xf32, #tpu.memory_space<vmem>>, vector<16xf32>,
                      %swap3A_1090 = vector.shape_cast %swap3A_1089 : vector<16xf32> to vector<16xf32>
                      %swap3A_1091 = vector.shape_cast %add3A_1087 : vector<16xf32> to vector<16xf32>
                      tpu.vector_store %arg9[%swap3A_1088], %swap3A_1091 {strides = array<i32>} : memref<55296xf32, #tpu.memory_space<vmem>>, vector<16xf32>,
                      %add3A_1092 = arith.constant 32 : i32
                      %add3A_1093 = arith.addi %add3A_1067, %add3A_1092 : i32
                      %get3A_1094 = arith.index_cast %add3A_1093 : i32 to index
                      %get3A_1095 = tpu.vector_load %arg9[%get3A_1094] {strides = array<i32>} : memref<55296xf32, #tpu.memory_space<vmem>>, vector<16xf32>,
                      %get3A_1096 = vector.shape_cast %get3A_1095 : vector<16xf32> to vector<16xf32>
                      %mul3A_1097 = vector.broadcast %mul3A_1065 : f32 to vector<16xf32>
                      %mul3A_1098 = arith.mulf %mul3A_773, %mul3A_1097 : vector<16xf32>
                      %add3A_1099 = arith.addf %get3A_1096, %mul3A_1098 : vector<16xf32>
                      %swap3A_1100 = arith.index_cast %add3A_1093 : i32 to index
                      %swap3A_1101 = tpu.vector_load %arg9[%swap3A_1100] {strides = array<i32>} : memref<55296xf32, #tpu.memory_space<vmem>>, vector<16xf32>,
                      %swap3A_1102 = vector.shape_cast %swap3A_1101 : vector<16xf32> to vector<16xf32>
                      %swap3A_1103 = vector.shape_cast %add3A_1099 : vector<16xf32> to vector<16xf32>
                      tpu.vector_store %arg9[%swap3A_1100], %swap3A_1103 {strides = array<i32>} : memref<55296xf32, #tpu.memory_space<vmem>>, vector<16xf32>,
                      %slice3A_1104 = vector.extract_strided_slice %mul3A_562 {offsets = [5], sizes = [1], strides = [1]} : vector<16xf32> to vector<1xf32>
                      %squeeze3A_1105 = vector.extract %slice3A_1104[0] : f32 from vector<1xf32>
                      %mul3A_1106 = arith.mulf %squeeze3A_892, %squeeze3A_1105 : f32
                      %add3A_1107 = arith.constant 320 : i32
                      %add3A_1108 = arith.addi %mul3A_899, %add3A_1107 : i32
                      %add3A_1109 = arith.constant 0 : i32
                      %add3A_1110 = arith.addi %add3A_1108, %add3A_1109 : i32
                      %get3A_1111 = arith.index_cast %add3A_1110 : i32 to index
                      %get3A_1112 = tpu.vector_load %arg9[%get3A_1111] {strides = array<i32>} : memref<55296xf32, #tpu.memory_space<vmem>>, vector<16xf32>,
                      %get3A_1113 = vector.shape_cast %get3A_1112 : vector<16xf32> to vector<16xf32>
                      %mul3A_1114 = vector.broadcast %mul3A_1106 : f32 to vector<16xf32>
                      %mul3A_1115 = arith.mulf %mul3A_697, %mul3A_1114 : vector<16xf32>
                      %add3A_1116 = arith.addf %get3A_1113, %mul3A_1115 : vector<16xf32>
                      %swap3A_1117 = arith.index_cast %add3A_1110 : i32 to index
                      %swap3A_1118 = tpu.vector_load %arg9[%swap3A_1117] {strides = array<i32>} : memref<55296xf32, #tpu.memory_space<vmem>>, vector<16xf32>,
                      %swap3A_1119 = vector.shape_cast %swap3A_1118 : vector<16xf32> to vector<16xf32>
                      %swap3A_1120 = vector.shape_cast %add3A_1116 : vector<16xf32> to vector<16xf32>
                      tpu.vector_store %arg9[%swap3A_1117], %swap3A_1120 {strides = array<i32>} : memref<55296xf32, #tpu.memory_space<vmem>>, vector<16xf32>,
                      %add3A_1121 = arith.constant 16 : i32
                      %add3A_1122 = arith.addi %add3A_1108, %add3A_1121 : i32
                      %get3A_1123 = arith.index_cast %add3A_1122 : i32 to index
                      %get3A_1124 = tpu.vector_load %arg9[%get3A_1123] {strides = array<i32>} : memref<55296xf32, #tpu.memory_space<vmem>>, vector<16xf32>,
                      %get3A_1125 = vector.shape_cast %get3A_1124 : vector<16xf32> to vector<16xf32>
                      %mul3A_1126 = vector.broadcast %mul3A_1106 : f32 to vector<16xf32>
                      %mul3A_1127 = arith.mulf %mul3A_735, %mul3A_1126 : vector<16xf32>
                      %add3A_1128 = arith.addf %get3A_1125, %mul3A_1127 : vector<16xf32>
                      %swap3A_1129 = arith.index_cast %add3A_1122 : i32 to index
                      %swap3A_1130 = tpu.vector_load %arg9[%swap3A_1129] {strides = array<i32>} : memref<55296xf32, #tpu.memory_space<vmem>>, vector<16xf32>,
                      %swap3A_1131 = vector.shape_cast %swap3A_1130 : vector<16xf32> to vector<16xf32>
                      %swap3A_1132 = vector.shape_cast %add3A_1128 : vector<16xf32> to vector<16xf32>
                      tpu.vector_store %arg9[%swap3A_1129], %swap3A_1132 {strides = array<i32>} : memref<55296xf32, #tpu.memory_space<vmem>>, vector<16xf32>,
                      %add3A_1133 = arith.constant 32 : i32
                      %add3A_1134 = arith.addi %add3A_1108, %add3A_1133 : i32
                      %get3A_1135 = arith.index_cast %add3A_1134 : i32 to index
                      %get3A_1136 = tpu.vector_load %arg9[%get3A_1135] {strides = array<i32>} : memref<55296xf32, #tpu.memory_space<vmem>>, vector<16xf32>,
                      %get3A_1137 = vector.shape_cast %get3A_1136 : vector<16xf32> to vector<16xf32>
                      %mul3A_1138 = vector.broadcast %mul3A_1106 : f32 to vector<16xf32>
                      %mul3A_1139 = arith.mulf %mul3A_773, %mul3A_1138 : vector<16xf32>
                      %add3A_1140 = arith.addf %get3A_1137, %mul3A_1139 : vector<16xf32>
                      %swap3A_1141 = arith.index_cast %add3A_1134 : i32 to index
                      %swap3A_1142 = tpu.vector_load %arg9[%swap3A_1141] {strides = array<i32>} : memref<55296xf32, #tpu.memory_space<vmem>>, vector<16xf32>,
                      %swap3A_1143 = vector.shape_cast %swap3A_1142 : vector<16xf32> to vector<16xf32>
                      %swap3A_1144 = vector.shape_cast %add3A_1140 : vector<16xf32> to vector<16xf32>
                      tpu.vector_store %arg9[%swap3A_1141], %swap3A_1144 {strides = array<i32>} : memref<55296xf32, #tpu.memory_space<vmem>>, vector<16xf32>,
                      %slice3A_1145 = vector.extract_strided_slice %mul3A_562 {offsets = [6], sizes = [1], strides = [1]} : vector<16xf32> to vector<1xf32>
                      %squeeze3A_1146 = vector.extract %slice3A_1145[0] : f32 from vector<1xf32>
                      %mul3A_1147 = arith.mulf %squeeze3A_892, %squeeze3A_1146 : f32
                      %add3A_1148 = arith.constant 384 : i32
                      %add3A_1149 = arith.addi %mul3A_899, %add3A_1148 : i32
                      %add3A_1150 = arith.constant 0 : i32
                      %add3A_1151 = arith.addi %add3A_1149, %add3A_1150 : i32
                      %get3A_1152 = arith.index_cast %add3A_1151 : i32 to index
                      %get3A_1153 = tpu.vector_load %arg9[%get3A_1152] {strides = array<i32>} : memref<55296xf32, #tpu.memory_space<vmem>>, vector<16xf32>,
                      %get3A_1154 = vector.shape_cast %get3A_1153 : vector<16xf32> to vector<16xf32>
                      %mul3A_1155 = vector.broadcast %mul3A_1147 : f32 to vector<16xf32>
                      %mul3A_1156 = arith.mulf %mul3A_697, %mul3A_1155 : vector<16xf32>
                      %add3A_1157 = arith.addf %get3A_1154, %mul3A_1156 : vector<16xf32>
                      %swap3A_1158 = arith.index_cast %add3A_1151 : i32 to index
                      %swap3A_1159 = tpu.vector_load %arg9[%swap3A_1158] {strides = array<i32>} : memref<55296xf32, #tpu.memory_space<vmem>>, vector<16xf32>,
                      %swap3A_1160 = vector.shape_cast %swap3A_1159 : vector<16xf32> to vector<16xf32>
                      %swap3A_1161 = vector.shape_cast %add3A_1157 : vector<16xf32> to vector<16xf32>
                      tpu.vector_store %arg9[%swap3A_1158], %swap3A_1161 {strides = array<i32>} : memref<55296xf32, #tpu.memory_space<vmem>>, vector<16xf32>,
                      %add3A_1162 = arith.constant 16 : i32
                      %add3A_1163 = arith.addi %add3A_1149, %add3A_1162 : i32
                      %get3A_1164 = arith.index_cast %add3A_1163 : i32 to index
                      %get3A_1165 = tpu.vector_load %arg9[%get3A_1164] {strides = array<i32>} : memref<55296xf32, #tpu.memory_space<vmem>>, vector<16xf32>,
                      %get3A_1166 = vector.shape_cast %get3A_1165 : vector<16xf32> to vector<16xf32>
                      %mul3A_1167 = vector.broadcast %mul3A_1147 : f32 to vector<16xf32>
                      %mul3A_1168 = arith.mulf %mul3A_735, %mul3A_1167 : vector<16xf32>
                      %add3A_1169 = arith.addf %get3A_1166, %mul3A_1168 : vector<16xf32>
                      %swap3A_1170 = arith.index_cast %add3A_1163 : i32 to index
                      %swap3A_1171 = tpu.vector_load %arg9[%swap3A_1170] {strides = array<i32>} : memref<55296xf32, #tpu.memory_space<vmem>>, vector<16xf32>,
                      %swap3A_1172 = vector.shape_cast %swap3A_1171 : vector<16xf32> to vector<16xf32>
                      %swap3A_1173 = vector.shape_cast %add3A_1169 : vector<16xf32> to vector<16xf32>
                      tpu.vector_store %arg9[%swap3A_1170], %swap3A_1173 {strides = array<i32>} : memref<55296xf32, #tpu.memory_space<vmem>>, vector<16xf32>,
                      %add3A_1174 = arith.constant 32 : i32
                      %add3A_1175 = arith.addi %add3A_1149, %add3A_1174 : i32
                      %get3A_1176 = arith.index_cast %add3A_1175 : i32 to index
                      %get3A_1177 = tpu.vector_load %arg9[%get3A_1176] {strides = array<i32>} : memref<55296xf32, #tpu.memory_space<vmem>>, vector<16xf32>,
                      %get3A_1178 = vector.shape_cast %get3A_1177 : vector<16xf32> to vector<16xf32>
                      %mul3A_1179 = vector.broadcast %mul3A_1147 : f32 to vector<16xf32>
                      %mul3A_1180 = arith.mulf %mul3A_773, %mul3A_1179 : vector<16xf32>
                      %add3A_1181 = arith.addf %get3A_1178, %mul3A_1180 : vector<16xf32>
                      %swap3A_1182 = arith.index_cast %add3A_1175 : i32 to index
                      %swap3A_1183 = tpu.vector_load %arg9[%swap3A_1182] {strides = array<i32>} : memref<55296xf32, #tpu.memory_space<vmem>>, vector<16xf32>,
                      %swap3A_1184 = vector.shape_cast %swap3A_1183 : vector<16xf32> to vector<16xf32>
                      %swap3A_1185 = vector.shape_cast %add3A_1181 : vector<16xf32> to vector<16xf32>
                      tpu.vector_store %arg9[%swap3A_1182], %swap3A_1185 {strides = array<i32>} : memref<55296xf32, #tpu.memory_space<vmem>>, vector<16xf32>,
                      %slice3A_1186 = vector.extract_strided_slice %mul3A_562 {offsets = [7], sizes = [1], strides = [1]} : vector<16xf32> to vector<1xf32>
                      %squeeze3A_1187 = vector.extract %slice3A_1186[0] : f32 from vector<1xf32>
                      %mul3A_1188 = arith.mulf %squeeze3A_892, %squeeze3A_1187 : f32
                      %add3A_1189 = arith.constant 448 : i32
                      %add3A_1190 = arith.addi %mul3A_899, %add3A_1189 : i32
                      %add3A_1191 = arith.constant 0 : i32
                      %add3A_1192 = arith.addi %add3A_1190, %add3A_1191 : i32
                      %get3A_1193 = arith.index_cast %add3A_1192 : i32 to index
                      %get3A_1194 = tpu.vector_load %arg9[%get3A_1193] {strides = array<i32>} : memref<55296xf32, #tpu.memory_space<vmem>>, vector<16xf32>,
                      %get3A_1195 = vector.shape_cast %get3A_1194 : vector<16xf32> to vector<16xf32>
                      %mul3A_1196 = vector.broadcast %mul3A_1188 : f32 to vector<16xf32>
                      %mul3A_1197 = arith.mulf %mul3A_697, %mul3A_1196 : vector<16xf32>
                      %add3A_1198 = arith.addf %get3A_1195, %mul3A_1197 : vector<16xf32>
                      %swap3A_1199 = arith.index_cast %add3A_1192 : i32 to index
                      %swap3A_1200 = tpu.vector_load %arg9[%swap3A_1199] {strides = array<i32>} : memref<55296xf32, #tpu.memory_space<vmem>>, vector<16xf32>,
                      %swap3A_1201 = vector.shape_cast %swap3A_1200 : vector<16xf32> to vector<16xf32>
                      %swap3A_1202 = vector.shape_cast %add3A_1198 : vector<16xf32> to vector<16xf32>
                      tpu.vector_store %arg9[%swap3A_1199], %swap3A_1202 {strides = array<i32>} : memref<55296xf32, #tpu.memory_space<vmem>>, vector<16xf32>,
                      %add3A_1203 = arith.constant 16 : i32
                      %add3A_1204 = arith.addi %add3A_1190, %add3A_1203 : i32
                      %get3A_1205 = arith.index_cast %add3A_1204 : i32 to index
                      %get3A_1206 = tpu.vector_load %arg9[%get3A_1205] {strides = array<i32>} : memref<55296xf32, #tpu.memory_space<vmem>>, vector<16xf32>,
                      %get3A_1207 = vector.shape_cast %get3A_1206 : vector<16xf32> to vector<16xf32>
                      %mul3A_1208 = vector.broadcast %mul3A_1188 : f32 to vector<16xf32>
                      %mul3A_1209 = arith.mulf %mul3A_735, %mul3A_1208 : vector<16xf32>
                      %add3A_1210 = arith.addf %get3A_1207, %mul3A_1209 : vector<16xf32>
                      %swap3A_1211 = arith.index_cast %add3A_1204 : i32 to index
                      %swap3A_1212 = tpu.vector_load %arg9[%swap3A_1211] {strides = array<i32>} : memref<55296xf32, #tpu.memory_space<vmem>>, vector<16xf32>,
                      %swap3A_1213 = vector.shape_cast %swap3A_1212 : vector<16xf32> to vector<16xf32>
                      %swap3A_1214 = vector.shape_cast %add3A_1210 : vector<16xf32> to vector<16xf32>
                      tpu.vector_store %arg9[%swap3A_1211], %swap3A_1214 {strides = array<i32>} : memref<55296xf32, #tpu.memory_space<vmem>>, vector<16xf32>,
                      %add3A_1215 = arith.constant 32 : i32
                      %add3A_1216 = arith.addi %add3A_1190, %add3A_1215 : i32
                      %get3A_1217 = arith.index_cast %add3A_1216 : i32 to index
                      %get3A_1218 = tpu.vector_load %arg9[%get3A_1217] {strides = array<i32>} : memref<55296xf32, #tpu.memory_space<vmem>>, vector<16xf32>,
                      %get3A_1219 = vector.shape_cast %get3A_1218 : vector<16xf32> to vector<16xf32>
                      %mul3A_1220 = vector.broadcast %mul3A_1188 : f32 to vector<16xf32>
                      %mul3A_1221 = arith.mulf %mul3A_773, %mul3A_1220 : vector<16xf32>
                      %add3A_1222 = arith.addf %get3A_1219, %mul3A_1221 : vector<16xf32>
                      %swap3A_1223 = arith.index_cast %add3A_1216 : i32 to index
                      %swap3A_1224 = tpu.vector_load %arg9[%swap3A_1223] {strides = array<i32>} : memref<55296xf32, #tpu.memory_space<vmem>>, vector<16xf32>,
                      %swap3A_1225 = vector.shape_cast %swap3A_1224 : vector<16xf32> to vector<16xf32>
                      %swap3A_1226 = vector.shape_cast %add3A_1222 : vector<16xf32> to vector<16xf32>
                      tpu.vector_store %arg9[%swap3A_1223], %swap3A_1226 {strides = array<i32>} : memref<55296xf32, #tpu.memory_space<vmem>>, vector<16xf32>,
                      %slice3A_1227 = vector.extract_strided_slice %mul3A_562 {offsets = [8], sizes = [1], strides = [1]} : vector<16xf32> to vector<1xf32>
                      %squeeze3A_1228 = vector.extract %slice3A_1227[0] : f32 from vector<1xf32>
                      %mul3A_1229 = arith.mulf %squeeze3A_892, %squeeze3A_1228 : f32
                      %add3A_1230 = arith.constant 512 : i32
                      %add3A_1231 = arith.addi %mul3A_899, %add3A_1230 : i32
                      %add3A_1232 = arith.constant 0 : i32
                      %add3A_1233 = arith.addi %add3A_1231, %add3A_1232 : i32
                      %get3A_1234 = arith.index_cast %add3A_1233 : i32 to index
                      %get3A_1235 = tpu.vector_load %arg9[%get3A_1234] {strides = array<i32>} : memref<55296xf32, #tpu.memory_space<vmem>>, vector<16xf32>,
                      %get3A_1236 = vector.shape_cast %get3A_1235 : vector<16xf32> to vector<16xf32>
                      %mul3A_1237 = vector.broadcast %mul3A_1229 : f32 to vector<16xf32>
                      %mul3A_1238 = arith.mulf %mul3A_697, %mul3A_1237 : vector<16xf32>
                      %add3A_1239 = arith.addf %get3A_1236, %mul3A_1238 : vector<16xf32>
                      %swap3A_1240 = arith.index_cast %add3A_1233 : i32 to index
                      %swap3A_1241 = tpu.vector_load %arg9[%swap3A_1240] {strides = array<i32>} : memref<55296xf32, #tpu.memory_space<vmem>>, vector<16xf32>,
                      %swap3A_1242 = vector.shape_cast %swap3A_1241 : vector<16xf32> to vector<16xf32>
                      %swap3A_1243 = vector.shape_cast %add3A_1239 : vector<16xf32> to vector<16xf32>
                      tpu.vector_store %arg9[%swap3A_1240], %swap3A_1243 {strides = array<i32>} : memref<55296xf32, #tpu.memory_space<vmem>>, vector<16xf32>,
                      %add3A_1244 = arith.constant 16 : i32
                      %add3A_1245 = arith.addi %add3A_1231, %add3A_1244 : i32
                      %get3A_1246 = arith.index_cast %add3A_1245 : i32 to index
                      %get3A_1247 = tpu.vector_load %arg9[%get3A_1246] {strides = array<i32>} : memref<55296xf32, #tpu.memory_space<vmem>>, vector<16xf32>,
                      %get3A_1248 = vector.shape_cast %get3A_1247 : vector<16xf32> to vector<16xf32>
                      %mul3A_1249 = vector.broadcast %mul3A_1229 : f32 to vector<16xf32>
                      %mul3A_1250 = arith.mulf %mul3A_735, %mul3A_1249 : vector<16xf32>
                      %add3A_1251 = arith.addf %get3A_1248, %mul3A_1250 : vector<16xf32>
                      %swap3A_1252 = arith.index_cast %add3A_1245 : i32 to index
                      %swap3A_1253 = tpu.vector_load %arg9[%swap3A_1252] {strides = array<i32>} : memref<55296xf32, #tpu.memory_space<vmem>>, vector<16xf32>,
                      %swap3A_1254 = vector.shape_cast %swap3A_1253 : vector<16xf32> to vector<16xf32>
                      %swap3A_1255 = vector.shape_cast %add3A_1251 : vector<16xf32> to vector<16xf32>
                      tpu.vector_store %arg9[%swap3A_1252], %swap3A_1255 {strides = array<i32>} : memref<55296xf32, #tpu.memory_space<vmem>>, vector<16xf32>,
                      %add3A_1256 = arith.constant 32 : i32
                      %add3A_1257 = arith.addi %add3A_1231, %add3A_1256 : i32
                      %get3A_1258 = arith.index_cast %add3A_1257 : i32 to index
                      %get3A_1259 = tpu.vector_load %arg9[%get3A_1258] {strides = array<i32>} : memref<55296xf32, #tpu.memory_space<vmem>>, vector<16xf32>,
                      %get3A_1260 = vector.shape_cast %get3A_1259 : vector<16xf32> to vector<16xf32>
                      %mul3A_1261 = vector.broadcast %mul3A_1229 : f32 to vector<16xf32>
                      %mul3A_1262 = arith.mulf %mul3A_773, %mul3A_1261 : vector<16xf32>
                      %add3A_1263 = arith.addf %get3A_1260, %mul3A_1262 : vector<16xf32>
                      %swap3A_1264 = arith.index_cast %add3A_1257 : i32 to index
                      %swap3A_1265 = tpu.vector_load %arg9[%swap3A_1264] {strides = array<i32>} : memref<55296xf32, #tpu.memory_space<vmem>>, vector<16xf32>,
                      %swap3A_1266 = vector.shape_cast %swap3A_1265 : vector<16xf32> to vector<16xf32>
                      %swap3A_1267 = vector.shape_cast %add3A_1263 : vector<16xf32> to vector<16xf32>
                      tpu.vector_store %arg9[%swap3A_1264], %swap3A_1267 {strides = array<i32>} : memref<55296xf32, #tpu.memory_space<vmem>>, vector<16xf32>,
                    } else {
                    }
                    %add3A_865 = arith.constant 2 : i32
                    %add3A_866 = arith.addi %add3A, %add3A_865 : i32
                    %add3A_867 = arith.constant 7 : i32
                    %add3A_868 = arith.addi %add3A_866, %add3A_867 : i32
                    %sub3A_869 = arith.subi %add3A_868, %mul3A_19 : i32
                    %ge3A_870 = arith.constant 0 : i32
                    %ge3A_871 = arith.cmpi sge, %sub3A_869, %ge3A_870 : i32
                    %lt3A_872 = arith.constant 8 : i32
                    %lt3A_873 = arith.cmpi slt, %sub3A_869, %lt3A_872 : i32
                    %and3A_874 = arith.andi %ge3A_871, %lt3A_873 : i1
                    %convert_element_type3A_875 = arith.extui %and3A_874 : i1 to i32
                    %cond3A_876 = arith.constant 0 : i32
                    %cond3A_877 = arith.cmpi ne, %convert_element_type3A_875, %cond3A_876 : i32
                    scf.if %cond3A_877 {
                      %slice3A_891 = vector.extract_strided_slice %mul3A_550 {offsets = [7], sizes = [1], strides = [1]} : vector<16xf32> to vector<1xf32>
                      %squeeze3A_892 = vector.extract %slice3A_891[0] : f32 from vector<1xf32>
                      %mul3A_893 = arith.constant 108 : i32
                      %mul3A_894 = arith.muli %sub3A_869, %mul3A_893 : i32
                      %add3A_895 = arith.addi %mul3A_894, %div3A_540 : i32
                      %add3A_896 = arith.constant 2 : i32
                      %add3A_897 = arith.addi %add3A_895, %add3A_896 : i32
                      %mul3A_898 = arith.constant 64 : i32
                      %mul3A_899 = arith.muli %add3A_897, %mul3A_898 : i32
                      %slice3A_900 = vector.extract_strided_slice %mul3A_562 {offsets = [0], sizes = [1], strides = [1]} : vector<16xf32> to vector<1xf32>
                      %squeeze3A_901 = vector.extract %slice3A_900[0] : f32 from vector<1xf32>
                      %mul3A_902 = arith.mulf %squeeze3A_892, %squeeze3A_901 : f32
                      %add3A_903 = arith.constant 0 : i32
                      %add3A_904 = arith.addi %mul3A_899, %add3A_903 : i32
                      %add3A_905 = arith.constant 0 : i32
                      %add3A_906 = arith.addi %add3A_904, %add3A_905 : i32
                      %get3A_907 = arith.index_cast %add3A_906 : i32 to index
                      %get3A_908 = tpu.vector_load %arg9[%get3A_907] {strides = array<i32>} : memref<55296xf32, #tpu.memory_space<vmem>>, vector<16xf32>,
                      %get3A_909 = vector.shape_cast %get3A_908 : vector<16xf32> to vector<16xf32>
                      %mul3A_910 = vector.broadcast %mul3A_902 : f32 to vector<16xf32>
                      %mul3A_911 = arith.mulf %mul3A_697, %mul3A_910 : vector<16xf32>
                      %add3A_912 = arith.addf %get3A_909, %mul3A_911 : vector<16xf32>
                      %swap3A = arith.index_cast %add3A_906 : i32 to index
                      %swap3A_913 = tpu.vector_load %arg9[%swap3A] {strides = array<i32>} : memref<55296xf32, #tpu.memory_space<vmem>>, vector<16xf32>,
                      %swap3A_914 = vector.shape_cast %swap3A_913 : vector<16xf32> to vector<16xf32>
                      %swap3A_915 = vector.shape_cast %add3A_912 : vector<16xf32> to vector<16xf32>
                      tpu.vector_store %arg9[%swap3A], %swap3A_915 {strides = array<i32>} : memref<55296xf32, #tpu.memory_space<vmem>>, vector<16xf32>,
                      %add3A_916 = arith.constant 16 : i32
                      %add3A_917 = arith.addi %add3A_904, %add3A_916 : i32
                      %get3A_918 = arith.index_cast %add3A_917 : i32 to index
                      %get3A_919 = tpu.vector_load %arg9[%get3A_918] {strides = array<i32>} : memref<55296xf32, #tpu.memory_space<vmem>>, vector<16xf32>,
                      %get3A_920 = vector.shape_cast %get3A_919 : vector<16xf32> to vector<16xf32>
                      %mul3A_921 = vector.broadcast %mul3A_902 : f32 to vector<16xf32>
                      %mul3A_922 = arith.mulf %mul3A_735, %mul3A_921 : vector<16xf32>
                      %add3A_923 = arith.addf %get3A_920, %mul3A_922 : vector<16xf32>
                      %swap3A_924 = arith.index_cast %add3A_917 : i32 to index
                      %swap3A_925 = tpu.vector_load %arg9[%swap3A_924] {strides = array<i32>} : memref<55296xf32, #tpu.memory_space<vmem>>, vector<16xf32>,
                      %swap3A_926 = vector.shape_cast %swap3A_925 : vector<16xf32> to vector<16xf32>
                      %swap3A_927 = vector.shape_cast %add3A_923 : vector<16xf32> to vector<16xf32>
                      tpu.vector_store %arg9[%swap3A_924], %swap3A_927 {strides = array<i32>} : memref<55296xf32, #tpu.memory_space<vmem>>, vector<16xf32>,
                      %add3A_928 = arith.constant 32 : i32
                      %add3A_929 = arith.addi %add3A_904, %add3A_928 : i32
                      %get3A_930 = arith.index_cast %add3A_929 : i32 to index
                      %get3A_931 = tpu.vector_load %arg9[%get3A_930] {strides = array<i32>} : memref<55296xf32, #tpu.memory_space<vmem>>, vector<16xf32>,
                      %get3A_932 = vector.shape_cast %get3A_931 : vector<16xf32> to vector<16xf32>
                      %mul3A_933 = vector.broadcast %mul3A_902 : f32 to vector<16xf32>
                      %mul3A_934 = arith.mulf %mul3A_773, %mul3A_933 : vector<16xf32>
                      %add3A_935 = arith.addf %get3A_932, %mul3A_934 : vector<16xf32>
                      %swap3A_936 = arith.index_cast %add3A_929 : i32 to index
                      %swap3A_937 = tpu.vector_load %arg9[%swap3A_936] {strides = array<i32>} : memref<55296xf32, #tpu.memory_space<vmem>>, vector<16xf32>,
                      %swap3A_938 = vector.shape_cast %swap3A_937 : vector<16xf32> to vector<16xf32>
                      %swap3A_939 = vector.shape_cast %add3A_935 : vector<16xf32> to vector<16xf32>
                      tpu.vector_store %arg9[%swap3A_936], %swap3A_939 {strides = array<i32>} : memref<55296xf32, #tpu.memory_space<vmem>>, vector<16xf32>,
                      %slice3A_940 = vector.extract_strided_slice %mul3A_562 {offsets = [1], sizes = [1], strides = [1]} : vector<16xf32> to vector<1xf32>
                      %squeeze3A_941 = vector.extract %slice3A_940[0] : f32 from vector<1xf32>
                      %mul3A_942 = arith.mulf %squeeze3A_892, %squeeze3A_941 : f32
                      %add3A_943 = arith.constant 64 : i32
                      %add3A_944 = arith.addi %mul3A_899, %add3A_943 : i32
                      %add3A_945 = arith.constant 0 : i32
                      %add3A_946 = arith.addi %add3A_944, %add3A_945 : i32
                      %get3A_947 = arith.index_cast %add3A_946 : i32 to index
                      %get3A_948 = tpu.vector_load %arg9[%get3A_947] {strides = array<i32>} : memref<55296xf32, #tpu.memory_space<vmem>>, vector<16xf32>,
                      %get3A_949 = vector.shape_cast %get3A_948 : vector<16xf32> to vector<16xf32>
                      %mul3A_950 = vector.broadcast %mul3A_942 : f32 to vector<16xf32>
                      %mul3A_951 = arith.mulf %mul3A_697, %mul3A_950 : vector<16xf32>
                      %add3A_952 = arith.addf %get3A_949, %mul3A_951 : vector<16xf32>
                      %swap3A_953 = arith.index_cast %add3A_946 : i32 to index
                      %swap3A_954 = tpu.vector_load %arg9[%swap3A_953] {strides = array<i32>} : memref<55296xf32, #tpu.memory_space<vmem>>, vector<16xf32>,
                      %swap3A_955 = vector.shape_cast %swap3A_954 : vector<16xf32> to vector<16xf32>
                      %swap3A_956 = vector.shape_cast %add3A_952 : vector<16xf32> to vector<16xf32>
                      tpu.vector_store %arg9[%swap3A_953], %swap3A_956 {strides = array<i32>} : memref<55296xf32, #tpu.memory_space<vmem>>, vector<16xf32>,
                      %add3A_957 = arith.constant 16 : i32
                      %add3A_958 = arith.addi %add3A_944, %add3A_957 : i32
                      %get3A_959 = arith.index_cast %add3A_958 : i32 to index
                      %get3A_960 = tpu.vector_load %arg9[%get3A_959] {strides = array<i32>} : memref<55296xf32, #tpu.memory_space<vmem>>, vector<16xf32>,
                      %get3A_961 = vector.shape_cast %get3A_960 : vector<16xf32> to vector<16xf32>
                      %mul3A_962 = vector.broadcast %mul3A_942 : f32 to vector<16xf32>
                      %mul3A_963 = arith.mulf %mul3A_735, %mul3A_962 : vector<16xf32>
                      %add3A_964 = arith.addf %get3A_961, %mul3A_963 : vector<16xf32>
                      %swap3A_965 = arith.index_cast %add3A_958 : i32 to index
                      %swap3A_966 = tpu.vector_load %arg9[%swap3A_965] {strides = array<i32>} : memref<55296xf32, #tpu.memory_space<vmem>>, vector<16xf32>,
                      %swap3A_967 = vector.shape_cast %swap3A_966 : vector<16xf32> to vector<16xf32>
                      %swap3A_968 = vector.shape_cast %add3A_964 : vector<16xf32> to vector<16xf32>
                      tpu.vector_store %arg9[%swap3A_965], %swap3A_968 {strides = array<i32>} : memref<55296xf32, #tpu.memory_space<vmem>>, vector<16xf32>,
                      %add3A_969 = arith.constant 32 : i32
                      %add3A_970 = arith.addi %add3A_944, %add3A_969 : i32
                      %get3A_971 = arith.index_cast %add3A_970 : i32 to index
                      %get3A_972 = tpu.vector_load %arg9[%get3A_971] {strides = array<i32>} : memref<55296xf32, #tpu.memory_space<vmem>>, vector<16xf32>,
                      %get3A_973 = vector.shape_cast %get3A_972 : vector<16xf32> to vector<16xf32>
                      %mul3A_974 = vector.broadcast %mul3A_942 : f32 to vector<16xf32>
                      %mul3A_975 = arith.mulf %mul3A_773, %mul3A_974 : vector<16xf32>
                      %add3A_976 = arith.addf %get3A_973, %mul3A_975 : vector<16xf32>
                      %swap3A_977 = arith.index_cast %add3A_970 : i32 to index
                      %swap3A_978 = tpu.vector_load %arg9[%swap3A_977] {strides = array<i32>} : memref<55296xf32, #tpu.memory_space<vmem>>, vector<16xf32>,
                      %swap3A_979 = vector.shape_cast %swap3A_978 : vector<16xf32> to vector<16xf32>
                      %swap3A_980 = vector.shape_cast %add3A_976 : vector<16xf32> to vector<16xf32>
                      tpu.vector_store %arg9[%swap3A_977], %swap3A_980 {strides = array<i32>} : memref<55296xf32, #tpu.memory_space<vmem>>, vector<16xf32>,
                      %slice3A_981 = vector.extract_strided_slice %mul3A_562 {offsets = [2], sizes = [1], strides = [1]} : vector<16xf32> to vector<1xf32>
                      %squeeze3A_982 = vector.extract %slice3A_981[0] : f32 from vector<1xf32>
                      %mul3A_983 = arith.mulf %squeeze3A_892, %squeeze3A_982 : f32
                      %add3A_984 = arith.constant 128 : i32
                      %add3A_985 = arith.addi %mul3A_899, %add3A_984 : i32
                      %add3A_986 = arith.constant 0 : i32
                      %add3A_987 = arith.addi %add3A_985, %add3A_986 : i32
                      %get3A_988 = arith.index_cast %add3A_987 : i32 to index
                      %get3A_989 = tpu.vector_load %arg9[%get3A_988] {strides = array<i32>} : memref<55296xf32, #tpu.memory_space<vmem>>, vector<16xf32>,
                      %get3A_990 = vector.shape_cast %get3A_989 : vector<16xf32> to vector<16xf32>
                      %mul3A_991 = vector.broadcast %mul3A_983 : f32 to vector<16xf32>
                      %mul3A_992 = arith.mulf %mul3A_697, %mul3A_991 : vector<16xf32>
                      %add3A_993 = arith.addf %get3A_990, %mul3A_992 : vector<16xf32>
                      %swap3A_994 = arith.index_cast %add3A_987 : i32 to index
                      %swap3A_995 = tpu.vector_load %arg9[%swap3A_994] {strides = array<i32>} : memref<55296xf32, #tpu.memory_space<vmem>>, vector<16xf32>,
                      %swap3A_996 = vector.shape_cast %swap3A_995 : vector<16xf32> to vector<16xf32>
                      %swap3A_997 = vector.shape_cast %add3A_993 : vector<16xf32> to vector<16xf32>
                      tpu.vector_store %arg9[%swap3A_994], %swap3A_997 {strides = array<i32>} : memref<55296xf32, #tpu.memory_space<vmem>>, vector<16xf32>,
                      %add3A_998 = arith.constant 16 : i32
                      %add3A_999 = arith.addi %add3A_985, %add3A_998 : i32
                      %get3A_1000 = arith.index_cast %add3A_999 : i32 to index
                      %get3A_1001 = tpu.vector_load %arg9[%get3A_1000] {strides = array<i32>} : memref<55296xf32, #tpu.memory_space<vmem>>, vector<16xf32>,
                      %get3A_1002 = vector.shape_cast %get3A_1001 : vector<16xf32> to vector<16xf32>
                      %mul3A_1003 = vector.broadcast %mul3A_983 : f32 to vector<16xf32>
                      %mul3A_1004 = arith.mulf %mul3A_735, %mul3A_1003 : vector<16xf32>
                      %add3A_1005 = arith.addf %get3A_1002, %mul3A_1004 : vector<16xf32>
                      %swap3A_1006 = arith.index_cast %add3A_999 : i32 to index
                      %swap3A_1007 = tpu.vector_load %arg9[%swap3A_1006] {strides = array<i32>} : memref<55296xf32, #tpu.memory_space<vmem>>, vector<16xf32>,
                      %swap3A_1008 = vector.shape_cast %swap3A_1007 : vector<16xf32> to vector<16xf32>
                      %swap3A_1009 = vector.shape_cast %add3A_1005 : vector<16xf32> to vector<16xf32>
                      tpu.vector_store %arg9[%swap3A_1006], %swap3A_1009 {strides = array<i32>} : memref<55296xf32, #tpu.memory_space<vmem>>, vector<16xf32>,
                      %add3A_1010 = arith.constant 32 : i32
                      %add3A_1011 = arith.addi %add3A_985, %add3A_1010 : i32
                      %get3A_1012 = arith.index_cast %add3A_1011 : i32 to index
                      %get3A_1013 = tpu.vector_load %arg9[%get3A_1012] {strides = array<i32>} : memref<55296xf32, #tpu.memory_space<vmem>>, vector<16xf32>,
                      %get3A_1014 = vector.shape_cast %get3A_1013 : vector<16xf32> to vector<16xf32>
                      %mul3A_1015 = vector.broadcast %mul3A_983 : f32 to vector<16xf32>
                      %mul3A_1016 = arith.mulf %mul3A_773, %mul3A_1015 : vector<16xf32>
                      %add3A_1017 = arith.addf %get3A_1014, %mul3A_1016 : vector<16xf32>
                      %swap3A_1018 = arith.index_cast %add3A_1011 : i32 to index
                      %swap3A_1019 = tpu.vector_load %arg9[%swap3A_1018] {strides = array<i32>} : memref<55296xf32, #tpu.memory_space<vmem>>, vector<16xf32>,
                      %swap3A_1020 = vector.shape_cast %swap3A_1019 : vector<16xf32> to vector<16xf32>
                      %swap3A_1021 = vector.shape_cast %add3A_1017 : vector<16xf32> to vector<16xf32>
                      tpu.vector_store %arg9[%swap3A_1018], %swap3A_1021 {strides = array<i32>} : memref<55296xf32, #tpu.memory_space<vmem>>, vector<16xf32>,
                      %slice3A_1022 = vector.extract_strided_slice %mul3A_562 {offsets = [3], sizes = [1], strides = [1]} : vector<16xf32> to vector<1xf32>
                      %squeeze3A_1023 = vector.extract %slice3A_1022[0] : f32 from vector<1xf32>
                      %mul3A_1024 = arith.mulf %squeeze3A_892, %squeeze3A_1023 : f32
                      %add3A_1025 = arith.constant 192 : i32
                      %add3A_1026 = arith.addi %mul3A_899, %add3A_1025 : i32
                      %add3A_1027 = arith.constant 0 : i32
                      %add3A_1028 = arith.addi %add3A_1026, %add3A_1027 : i32
                      %get3A_1029 = arith.index_cast %add3A_1028 : i32 to index
                      %get3A_1030 = tpu.vector_load %arg9[%get3A_1029] {strides = array<i32>} : memref<55296xf32, #tpu.memory_space<vmem>>, vector<16xf32>,
                      %get3A_1031 = vector.shape_cast %get3A_1030 : vector<16xf32> to vector<16xf32>
                      %mul3A_1032 = vector.broadcast %mul3A_1024 : f32 to vector<16xf32>
                      %mul3A_1033 = arith.mulf %mul3A_697, %mul3A_1032 : vector<16xf32>
                      %add3A_1034 = arith.addf %get3A_1031, %mul3A_1033 : vector<16xf32>
                      %swap3A_1035 = arith.index_cast %add3A_1028 : i32 to index
                      %swap3A_1036 = tpu.vector_load %arg9[%swap3A_1035] {strides = array<i32>} : memref<55296xf32, #tpu.memory_space<vmem>>, vector<16xf32>,
                      %swap3A_1037 = vector.shape_cast %swap3A_1036 : vector<16xf32> to vector<16xf32>
                      %swap3A_1038 = vector.shape_cast %add3A_1034 : vector<16xf32> to vector<16xf32>
                      tpu.vector_store %arg9[%swap3A_1035], %swap3A_1038 {strides = array<i32>} : memref<55296xf32, #tpu.memory_space<vmem>>, vector<16xf32>,
                      %add3A_1039 = arith.constant 16 : i32
                      %add3A_1040 = arith.addi %add3A_1026, %add3A_1039 : i32
                      %get3A_1041 = arith.index_cast %add3A_1040 : i32 to index
                      %get3A_1042 = tpu.vector_load %arg9[%get3A_1041] {strides = array<i32>} : memref<55296xf32, #tpu.memory_space<vmem>>, vector<16xf32>,
                      %get3A_1043 = vector.shape_cast %get3A_1042 : vector<16xf32> to vector<16xf32>
                      %mul3A_1044 = vector.broadcast %mul3A_1024 : f32 to vector<16xf32>
                      %mul3A_1045 = arith.mulf %mul3A_735, %mul3A_1044 : vector<16xf32>
                      %add3A_1046 = arith.addf %get3A_1043, %mul3A_1045 : vector<16xf32>
                      %swap3A_1047 = arith.index_cast %add3A_1040 : i32 to index
                      %swap3A_1048 = tpu.vector_load %arg9[%swap3A_1047] {strides = array<i32>} : memref<55296xf32, #tpu.memory_space<vmem>>, vector<16xf32>,
                      %swap3A_1049 = vector.shape_cast %swap3A_1048 : vector<16xf32> to vector<16xf32>
                      %swap3A_1050 = vector.shape_cast %add3A_1046 : vector<16xf32> to vector<16xf32>
                      tpu.vector_store %arg9[%swap3A_1047], %swap3A_1050 {strides = array<i32>} : memref<55296xf32, #tpu.memory_space<vmem>>, vector<16xf32>,
                      %add3A_1051 = arith.constant 32 : i32
                      %add3A_1052 = arith.addi %add3A_1026, %add3A_1051 : i32
                      %get3A_1053 = arith.index_cast %add3A_1052 : i32 to index
                      %get3A_1054 = tpu.vector_load %arg9[%get3A_1053] {strides = array<i32>} : memref<55296xf32, #tpu.memory_space<vmem>>, vector<16xf32>,
                      %get3A_1055 = vector.shape_cast %get3A_1054 : vector<16xf32> to vector<16xf32>
                      %mul3A_1056 = vector.broadcast %mul3A_1024 : f32 to vector<16xf32>
                      %mul3A_1057 = arith.mulf %mul3A_773, %mul3A_1056 : vector<16xf32>
                      %add3A_1058 = arith.addf %get3A_1055, %mul3A_1057 : vector<16xf32>
                      %swap3A_1059 = arith.index_cast %add3A_1052 : i32 to index
                      %swap3A_1060 = tpu.vector_load %arg9[%swap3A_1059] {strides = array<i32>} : memref<55296xf32, #tpu.memory_space<vmem>>, vector<16xf32>,
                      %swap3A_1061 = vector.shape_cast %swap3A_1060 : vector<16xf32> to vector<16xf32>
                      %swap3A_1062 = vector.shape_cast %add3A_1058 : vector<16xf32> to vector<16xf32>
                      tpu.vector_store %arg9[%swap3A_1059], %swap3A_1062 {strides = array<i32>} : memref<55296xf32, #tpu.memory_space<vmem>>, vector<16xf32>,
                      %slice3A_1063 = vector.extract_strided_slice %mul3A_562 {offsets = [4], sizes = [1], strides = [1]} : vector<16xf32> to vector<1xf32>
                      %squeeze3A_1064 = vector.extract %slice3A_1063[0] : f32 from vector<1xf32>
                      %mul3A_1065 = arith.mulf %squeeze3A_892, %squeeze3A_1064 : f32
                      %add3A_1066 = arith.constant 256 : i32
                      %add3A_1067 = arith.addi %mul3A_899, %add3A_1066 : i32
                      %add3A_1068 = arith.constant 0 : i32
                      %add3A_1069 = arith.addi %add3A_1067, %add3A_1068 : i32
                      %get3A_1070 = arith.index_cast %add3A_1069 : i32 to index
                      %get3A_1071 = tpu.vector_load %arg9[%get3A_1070] {strides = array<i32>} : memref<55296xf32, #tpu.memory_space<vmem>>, vector<16xf32>,
                      %get3A_1072 = vector.shape_cast %get3A_1071 : vector<16xf32> to vector<16xf32>
                      %mul3A_1073 = vector.broadcast %mul3A_1065 : f32 to vector<16xf32>
                      %mul3A_1074 = arith.mulf %mul3A_697, %mul3A_1073 : vector<16xf32>
                      %add3A_1075 = arith.addf %get3A_1072, %mul3A_1074 : vector<16xf32>
                      %swap3A_1076 = arith.index_cast %add3A_1069 : i32 to index
                      %swap3A_1077 = tpu.vector_load %arg9[%swap3A_1076] {strides = array<i32>} : memref<55296xf32, #tpu.memory_space<vmem>>, vector<16xf32>,
                      %swap3A_1078 = vector.shape_cast %swap3A_1077 : vector<16xf32> to vector<16xf32>
                      %swap3A_1079 = vector.shape_cast %add3A_1075 : vector<16xf32> to vector<16xf32>
                      tpu.vector_store %arg9[%swap3A_1076], %swap3A_1079 {strides = array<i32>} : memref<55296xf32, #tpu.memory_space<vmem>>, vector<16xf32>,
                      %add3A_1080 = arith.constant 16 : i32
                      %add3A_1081 = arith.addi %add3A_1067, %add3A_1080 : i32
                      %get3A_1082 = arith.index_cast %add3A_1081 : i32 to index
                      %get3A_1083 = tpu.vector_load %arg9[%get3A_1082] {strides = array<i32>} : memref<55296xf32, #tpu.memory_space<vmem>>, vector<16xf32>,
                      %get3A_1084 = vector.shape_cast %get3A_1083 : vector<16xf32> to vector<16xf32>
                      %mul3A_1085 = vector.broadcast %mul3A_1065 : f32 to vector<16xf32>
                      %mul3A_1086 = arith.mulf %mul3A_735, %mul3A_1085 : vector<16xf32>
                      %add3A_1087 = arith.addf %get3A_1084, %mul3A_1086 : vector<16xf32>
                      %swap3A_1088 = arith.index_cast %add3A_1081 : i32 to index
                      %swap3A_1089 = tpu.vector_load %arg9[%swap3A_1088] {strides = array<i32>} : memref<55296xf32, #tpu.memory_space<vmem>>, vector<16xf32>,
                      %swap3A_1090 = vector.shape_cast %swap3A_1089 : vector<16xf32> to vector<16xf32>
                      %swap3A_1091 = vector.shape_cast %add3A_1087 : vector<16xf32> to vector<16xf32>
                      tpu.vector_store %arg9[%swap3A_1088], %swap3A_1091 {strides = array<i32>} : memref<55296xf32, #tpu.memory_space<vmem>>, vector<16xf32>,
                      %add3A_1092 = arith.constant 32 : i32
                      %add3A_1093 = arith.addi %add3A_1067, %add3A_1092 : i32
                      %get3A_1094 = arith.index_cast %add3A_1093 : i32 to index
                      %get3A_1095 = tpu.vector_load %arg9[%get3A_1094] {strides = array<i32>} : memref<55296xf32, #tpu.memory_space<vmem>>, vector<16xf32>,
                      %get3A_1096 = vector.shape_cast %get3A_1095 : vector<16xf32> to vector<16xf32>
                      %mul3A_1097 = vector.broadcast %mul3A_1065 : f32 to vector<16xf32>
                      %mul3A_1098 = arith.mulf %mul3A_773, %mul3A_1097 : vector<16xf32>
                      %add3A_1099 = arith.addf %get3A_1096, %mul3A_1098 : vector<16xf32>
                      %swap3A_1100 = arith.index_cast %add3A_1093 : i32 to index
                      %swap3A_1101 = tpu.vector_load %arg9[%swap3A_1100] {strides = array<i32>} : memref<55296xf32, #tpu.memory_space<vmem>>, vector<16xf32>,
                      %swap3A_1102 = vector.shape_cast %swap3A_1101 : vector<16xf32> to vector<16xf32>
                      %swap3A_1103 = vector.shape_cast %add3A_1099 : vector<16xf32> to vector<16xf32>
                      tpu.vector_store %arg9[%swap3A_1100], %swap3A_1103 {strides = array<i32>} : memref<55296xf32, #tpu.memory_space<vmem>>, vector<16xf32>,
                      %slice3A_1104 = vector.extract_strided_slice %mul3A_562 {offsets = [5], sizes = [1], strides = [1]} : vector<16xf32> to vector<1xf32>
                      %squeeze3A_1105 = vector.extract %slice3A_1104[0] : f32 from vector<1xf32>
                      %mul3A_1106 = arith.mulf %squeeze3A_892, %squeeze3A_1105 : f32
                      %add3A_1107 = arith.constant 320 : i32
                      %add3A_1108 = arith.addi %mul3A_899, %add3A_1107 : i32
                      %add3A_1109 = arith.constant 0 : i32
                      %add3A_1110 = arith.addi %add3A_1108, %add3A_1109 : i32
                      %get3A_1111 = arith.index_cast %add3A_1110 : i32 to index
                      %get3A_1112 = tpu.vector_load %arg9[%get3A_1111] {strides = array<i32>} : memref<55296xf32, #tpu.memory_space<vmem>>, vector<16xf32>,
                      %get3A_1113 = vector.shape_cast %get3A_1112 : vector<16xf32> to vector<16xf32>
                      %mul3A_1114 = vector.broadcast %mul3A_1106 : f32 to vector<16xf32>
                      %mul3A_1115 = arith.mulf %mul3A_697, %mul3A_1114 : vector<16xf32>
                      %add3A_1116 = arith.addf %get3A_1113, %mul3A_1115 : vector<16xf32>
                      %swap3A_1117 = arith.index_cast %add3A_1110 : i32 to index
                      %swap3A_1118 = tpu.vector_load %arg9[%swap3A_1117] {strides = array<i32>} : memref<55296xf32, #tpu.memory_space<vmem>>, vector<16xf32>,
                      %swap3A_1119 = vector.shape_cast %swap3A_1118 : vector<16xf32> to vector<16xf32>
                      %swap3A_1120 = vector.shape_cast %add3A_1116 : vector<16xf32> to vector<16xf32>
                      tpu.vector_store %arg9[%swap3A_1117], %swap3A_1120 {strides = array<i32>} : memref<55296xf32, #tpu.memory_space<vmem>>, vector<16xf32>,
                      %add3A_1121 = arith.constant 16 : i32
                      %add3A_1122 = arith.addi %add3A_1108, %add3A_1121 : i32
                      %get3A_1123 = arith.index_cast %add3A_1122 : i32 to index
                      %get3A_1124 = tpu.vector_load %arg9[%get3A_1123] {strides = array<i32>} : memref<55296xf32, #tpu.memory_space<vmem>>, vector<16xf32>,
                      %get3A_1125 = vector.shape_cast %get3A_1124 : vector<16xf32> to vector<16xf32>
                      %mul3A_1126 = vector.broadcast %mul3A_1106 : f32 to vector<16xf32>
                      %mul3A_1127 = arith.mulf %mul3A_735, %mul3A_1126 : vector<16xf32>
                      %add3A_1128 = arith.addf %get3A_1125, %mul3A_1127 : vector<16xf32>
                      %swap3A_1129 = arith.index_cast %add3A_1122 : i32 to index
                      %swap3A_1130 = tpu.vector_load %arg9[%swap3A_1129] {strides = array<i32>} : memref<55296xf32, #tpu.memory_space<vmem>>, vector<16xf32>,
                      %swap3A_1131 = vector.shape_cast %swap3A_1130 : vector<16xf32> to vector<16xf32>
                      %swap3A_1132 = vector.shape_cast %add3A_1128 : vector<16xf32> to vector<16xf32>
                      tpu.vector_store %arg9[%swap3A_1129], %swap3A_1132 {strides = array<i32>} : memref<55296xf32, #tpu.memory_space<vmem>>, vector<16xf32>,
                      %add3A_1133 = arith.constant 32 : i32
                      %add3A_1134 = arith.addi %add3A_1108, %add3A_1133 : i32
                      %get3A_1135 = arith.index_cast %add3A_1134 : i32 to index
                      %get3A_1136 = tpu.vector_load %arg9[%get3A_1135] {strides = array<i32>} : memref<55296xf32, #tpu.memory_space<vmem>>, vector<16xf32>,
                      %get3A_1137 = vector.shape_cast %get3A_1136 : vector<16xf32> to vector<16xf32>
                      %mul3A_1138 = vector.broadcast %mul3A_1106 : f32 to vector<16xf32>
                      %mul3A_1139 = arith.mulf %mul3A_773, %mul3A_1138 : vector<16xf32>
                      %add3A_1140 = arith.addf %get3A_1137, %mul3A_1139 : vector<16xf32>
                      %swap3A_1141 = arith.index_cast %add3A_1134 : i32 to index
                      %swap3A_1142 = tpu.vector_load %arg9[%swap3A_1141] {strides = array<i32>} : memref<55296xf32, #tpu.memory_space<vmem>>, vector<16xf32>,
                      %swap3A_1143 = vector.shape_cast %swap3A_1142 : vector<16xf32> to vector<16xf32>
                      %swap3A_1144 = vector.shape_cast %add3A_1140 : vector<16xf32> to vector<16xf32>
                      tpu.vector_store %arg9[%swap3A_1141], %swap3A_1144 {strides = array<i32>} : memref<55296xf32, #tpu.memory_space<vmem>>, vector<16xf32>,
                      %slice3A_1145 = vector.extract_strided_slice %mul3A_562 {offsets = [6], sizes = [1], strides = [1]} : vector<16xf32> to vector<1xf32>
                      %squeeze3A_1146 = vector.extract %slice3A_1145[0] : f32 from vector<1xf32>
                      %mul3A_1147 = arith.mulf %squeeze3A_892, %squeeze3A_1146 : f32
                      %add3A_1148 = arith.constant 384 : i32
                      %add3A_1149 = arith.addi %mul3A_899, %add3A_1148 : i32
                      %add3A_1150 = arith.constant 0 : i32
                      %add3A_1151 = arith.addi %add3A_1149, %add3A_1150 : i32
                      %get3A_1152 = arith.index_cast %add3A_1151 : i32 to index
                      %get3A_1153 = tpu.vector_load %arg9[%get3A_1152] {strides = array<i32>} : memref<55296xf32, #tpu.memory_space<vmem>>, vector<16xf32>,
                      %get3A_1154 = vector.shape_cast %get3A_1153 : vector<16xf32> to vector<16xf32>
                      %mul3A_1155 = vector.broadcast %mul3A_1147 : f32 to vector<16xf32>
                      %mul3A_1156 = arith.mulf %mul3A_697, %mul3A_1155 : vector<16xf32>
                      %add3A_1157 = arith.addf %get3A_1154, %mul3A_1156 : vector<16xf32>
                      %swap3A_1158 = arith.index_cast %add3A_1151 : i32 to index
                      %swap3A_1159 = tpu.vector_load %arg9[%swap3A_1158] {strides = array<i32>} : memref<55296xf32, #tpu.memory_space<vmem>>, vector<16xf32>,
                      %swap3A_1160 = vector.shape_cast %swap3A_1159 : vector<16xf32> to vector<16xf32>
                      %swap3A_1161 = vector.shape_cast %add3A_1157 : vector<16xf32> to vector<16xf32>
                      tpu.vector_store %arg9[%swap3A_1158], %swap3A_1161 {strides = array<i32>} : memref<55296xf32, #tpu.memory_space<vmem>>, vector<16xf32>,
                      %add3A_1162 = arith.constant 16 : i32
                      %add3A_1163 = arith.addi %add3A_1149, %add3A_1162 : i32
                      %get3A_1164 = arith.index_cast %add3A_1163 : i32 to index
                      %get3A_1165 = tpu.vector_load %arg9[%get3A_1164] {strides = array<i32>} : memref<55296xf32, #tpu.memory_space<vmem>>, vector<16xf32>,
                      %get3A_1166 = vector.shape_cast %get3A_1165 : vector<16xf32> to vector<16xf32>
                      %mul3A_1167 = vector.broadcast %mul3A_1147 : f32 to vector<16xf32>
                      %mul3A_1168 = arith.mulf %mul3A_735, %mul3A_1167 : vector<16xf32>
                      %add3A_1169 = arith.addf %get3A_1166, %mul3A_1168 : vector<16xf32>
                      %swap3A_1170 = arith.index_cast %add3A_1163 : i32 to index
                      %swap3A_1171 = tpu.vector_load %arg9[%swap3A_1170] {strides = array<i32>} : memref<55296xf32, #tpu.memory_space<vmem>>, vector<16xf32>,
                      %swap3A_1172 = vector.shape_cast %swap3A_1171 : vector<16xf32> to vector<16xf32>
                      %swap3A_1173 = vector.shape_cast %add3A_1169 : vector<16xf32> to vector<16xf32>
                      tpu.vector_store %arg9[%swap3A_1170], %swap3A_1173 {strides = array<i32>} : memref<55296xf32, #tpu.memory_space<vmem>>, vector<16xf32>,
                      %add3A_1174 = arith.constant 32 : i32
                      %add3A_1175 = arith.addi %add3A_1149, %add3A_1174 : i32
                      %get3A_1176 = arith.index_cast %add3A_1175 : i32 to index
                      %get3A_1177 = tpu.vector_load %arg9[%get3A_1176] {strides = array<i32>} : memref<55296xf32, #tpu.memory_space<vmem>>, vector<16xf32>,
                      %get3A_1178 = vector.shape_cast %get3A_1177 : vector<16xf32> to vector<16xf32>
                      %mul3A_1179 = vector.broadcast %mul3A_1147 : f32 to vector<16xf32>
                      %mul3A_1180 = arith.mulf %mul3A_773, %mul3A_1179 : vector<16xf32>
                      %add3A_1181 = arith.addf %get3A_1178, %mul3A_1180 : vector<16xf32>
                      %swap3A_1182 = arith.index_cast %add3A_1175 : i32 to index
                      %swap3A_1183 = tpu.vector_load %arg9[%swap3A_1182] {strides = array<i32>} : memref<55296xf32, #tpu.memory_space<vmem>>, vector<16xf32>,
                      %swap3A_1184 = vector.shape_cast %swap3A_1183 : vector<16xf32> to vector<16xf32>
                      %swap3A_1185 = vector.shape_cast %add3A_1181 : vector<16xf32> to vector<16xf32>
                      tpu.vector_store %arg9[%swap3A_1182], %swap3A_1185 {strides = array<i32>} : memref<55296xf32, #tpu.memory_space<vmem>>, vector<16xf32>,
                      %slice3A_1186 = vector.extract_strided_slice %mul3A_562 {offsets = [7], sizes = [1], strides = [1]} : vector<16xf32> to vector<1xf32>
                      %squeeze3A_1187 = vector.extract %slice3A_1186[0] : f32 from vector<1xf32>
                      %mul3A_1188 = arith.mulf %squeeze3A_892, %squeeze3A_1187 : f32
                      %add3A_1189 = arith.constant 448 : i32
                      %add3A_1190 = arith.addi %mul3A_899, %add3A_1189 : i32
                      %add3A_1191 = arith.constant 0 : i32
                      %add3A_1192 = arith.addi %add3A_1190, %add3A_1191 : i32
                      %get3A_1193 = arith.index_cast %add3A_1192 : i32 to index
                      %get3A_1194 = tpu.vector_load %arg9[%get3A_1193] {strides = array<i32>} : memref<55296xf32, #tpu.memory_space<vmem>>, vector<16xf32>,
                      %get3A_1195 = vector.shape_cast %get3A_1194 : vector<16xf32> to vector<16xf32>
                      %mul3A_1196 = vector.broadcast %mul3A_1188 : f32 to vector<16xf32>
                      %mul3A_1197 = arith.mulf %mul3A_697, %mul3A_1196 : vector<16xf32>
                      %add3A_1198 = arith.addf %get3A_1195, %mul3A_1197 : vector<16xf32>
                      %swap3A_1199 = arith.index_cast %add3A_1192 : i32 to index
                      %swap3A_1200 = tpu.vector_load %arg9[%swap3A_1199] {strides = array<i32>} : memref<55296xf32, #tpu.memory_space<vmem>>, vector<16xf32>,
                      %swap3A_1201 = vector.shape_cast %swap3A_1200 : vector<16xf32> to vector<16xf32>
                      %swap3A_1202 = vector.shape_cast %add3A_1198 : vector<16xf32> to vector<16xf32>
                      tpu.vector_store %arg9[%swap3A_1199], %swap3A_1202 {strides = array<i32>} : memref<55296xf32, #tpu.memory_space<vmem>>, vector<16xf32>,
                      %add3A_1203 = arith.constant 16 : i32
                      %add3A_1204 = arith.addi %add3A_1190, %add3A_1203 : i32
                      %get3A_1205 = arith.index_cast %add3A_1204 : i32 to index
                      %get3A_1206 = tpu.vector_load %arg9[%get3A_1205] {strides = array<i32>} : memref<55296xf32, #tpu.memory_space<vmem>>, vector<16xf32>,
                      %get3A_1207 = vector.shape_cast %get3A_1206 : vector<16xf32> to vector<16xf32>
                      %mul3A_1208 = vector.broadcast %mul3A_1188 : f32 to vector<16xf32>
                      %mul3A_1209 = arith.mulf %mul3A_735, %mul3A_1208 : vector<16xf32>
                      %add3A_1210 = arith.addf %get3A_1207, %mul3A_1209 : vector<16xf32>
                      %swap3A_1211 = arith.index_cast %add3A_1204 : i32 to index
                      %swap3A_1212 = tpu.vector_load %arg9[%swap3A_1211] {strides = array<i32>} : memref<55296xf32, #tpu.memory_space<vmem>>, vector<16xf32>,
                      %swap3A_1213 = vector.shape_cast %swap3A_1212 : vector<16xf32> to vector<16xf32>
                      %swap3A_1214 = vector.shape_cast %add3A_1210 : vector<16xf32> to vector<16xf32>
                      tpu.vector_store %arg9[%swap3A_1211], %swap3A_1214 {strides = array<i32>} : memref<55296xf32, #tpu.memory_space<vmem>>, vector<16xf32>,
                      %add3A_1215 = arith.constant 32 : i32
                      %add3A_1216 = arith.addi %add3A_1190, %add3A_1215 : i32
                      %get3A_1217 = arith.index_cast %add3A_1216 : i32 to index
                      %get3A_1218 = tpu.vector_load %arg9[%get3A_1217] {strides = array<i32>} : memref<55296xf32, #tpu.memory_space<vmem>>, vector<16xf32>,
                      %get3A_1219 = vector.shape_cast %get3A_1218 : vector<16xf32> to vector<16xf32>
                      %mul3A_1220 = vector.broadcast %mul3A_1188 : f32 to vector<16xf32>
                      %mul3A_1221 = arith.mulf %mul3A_773, %mul3A_1220 : vector<16xf32>
                      %add3A_1222 = arith.addf %get3A_1219, %mul3A_1221 : vector<16xf32>
                      %swap3A_1223 = arith.index_cast %add3A_1216 : i32 to index
                      %swap3A_1224 = tpu.vector_load %arg9[%swap3A_1223] {strides = array<i32>} : memref<55296xf32, #tpu.memory_space<vmem>>, vector<16xf32>,
                      %swap3A_1225 = vector.shape_cast %swap3A_1224 : vector<16xf32> to vector<16xf32>
                      %swap3A_1226 = vector.shape_cast %add3A_1222 : vector<16xf32> to vector<16xf32>
                      tpu.vector_store %arg9[%swap3A_1223], %swap3A_1226 {strides = array<i32>} : memref<55296xf32, #tpu.memory_space<vmem>>, vector<16xf32>,
                      %slice3A_1227 = vector.extract_strided_slice %mul3A_562 {offsets = [8], sizes = [1], strides = [1]} : vector<16xf32> to vector<1xf32>
                      %squeeze3A_1228 = vector.extract %slice3A_1227[0] : f32 from vector<1xf32>
                      %mul3A_1229 = arith.mulf %squeeze3A_892, %squeeze3A_1228 : f32
                      %add3A_1230 = arith.constant 512 : i32
                      %add3A_1231 = arith.addi %mul3A_899, %add3A_1230 : i32
                      %add3A_1232 = arith.constant 0 : i32
                      %add3A_1233 = arith.addi %add3A_1231, %add3A_1232 : i32
                      %get3A_1234 = arith.index_cast %add3A_1233 : i32 to index
                      %get3A_1235 = tpu.vector_load %arg9[%get3A_1234] {strides = array<i32>} : memref<55296xf32, #tpu.memory_space<vmem>>, vector<16xf32>,
                      %get3A_1236 = vector.shape_cast %get3A_1235 : vector<16xf32> to vector<16xf32>
                      %mul3A_1237 = vector.broadcast %mul3A_1229 : f32 to vector<16xf32>
                      %mul3A_1238 = arith.mulf %mul3A_697, %mul3A_1237 : vector<16xf32>
                      %add3A_1239 = arith.addf %get3A_1236, %mul3A_1238 : vector<16xf32>
                      %swap3A_1240 = arith.index_cast %add3A_1233 : i32 to index
                      %swap3A_1241 = tpu.vector_load %arg9[%swap3A_1240] {strides = array<i32>} : memref<55296xf32, #tpu.memory_space<vmem>>, vector<16xf32>,
                      %swap3A_1242 = vector.shape_cast %swap3A_1241 : vector<16xf32> to vector<16xf32>
                      %swap3A_1243 = vector.shape_cast %add3A_1239 : vector<16xf32> to vector<16xf32>
                      tpu.vector_store %arg9[%swap3A_1240], %swap3A_1243 {strides = array<i32>} : memref<55296xf32, #tpu.memory_space<vmem>>, vector<16xf32>,
                      %add3A_1244 = arith.constant 16 : i32
                      %add3A_1245 = arith.addi %add3A_1231, %add3A_1244 : i32
                      %get3A_1246 = arith.index_cast %add3A_1245 : i32 to index
                      %get3A_1247 = tpu.vector_load %arg9[%get3A_1246] {strides = array<i32>} : memref<55296xf32, #tpu.memory_space<vmem>>, vector<16xf32>,
                      %get3A_1248 = vector.shape_cast %get3A_1247 : vector<16xf32> to vector<16xf32>
                      %mul3A_1249 = vector.broadcast %mul3A_1229 : f32 to vector<16xf32>
                      %mul3A_1250 = arith.mulf %mul3A_735, %mul3A_1249 : vector<16xf32>
                      %add3A_1251 = arith.addf %get3A_1248, %mul3A_1250 : vector<16xf32>
                      %swap3A_1252 = arith.index_cast %add3A_1245 : i32 to index
                      %swap3A_1253 = tpu.vector_load %arg9[%swap3A_1252] {strides = array<i32>} : memref<55296xf32, #tpu.memory_space<vmem>>, vector<16xf32>,
                      %swap3A_1254 = vector.shape_cast %swap3A_1253 : vector<16xf32> to vector<16xf32>
                      %swap3A_1255 = vector.shape_cast %add3A_1251 : vector<16xf32> to vector<16xf32>
                      tpu.vector_store %arg9[%swap3A_1252], %swap3A_1255 {strides = array<i32>} : memref<55296xf32, #tpu.memory_space<vmem>>, vector<16xf32>,
                      %add3A_1256 = arith.constant 32 : i32
                      %add3A_1257 = arith.addi %add3A_1231, %add3A_1256 : i32
                      %get3A_1258 = arith.index_cast %add3A_1257 : i32 to index
                      %get3A_1259 = tpu.vector_load %arg9[%get3A_1258] {strides = array<i32>} : memref<55296xf32, #tpu.memory_space<vmem>>, vector<16xf32>,
                      %get3A_1260 = vector.shape_cast %get3A_1259 : vector<16xf32> to vector<16xf32>
                      %mul3A_1261 = vector.broadcast %mul3A_1229 : f32 to vector<16xf32>
                      %mul3A_1262 = arith.mulf %mul3A_773, %mul3A_1261 : vector<16xf32>
                      %add3A_1263 = arith.addf %get3A_1260, %mul3A_1262 : vector<16xf32>
                      %swap3A_1264 = arith.index_cast %add3A_1257 : i32 to index
                      %swap3A_1265 = tpu.vector_load %arg9[%swap3A_1264] {strides = array<i32>} : memref<55296xf32, #tpu.memory_space<vmem>>, vector<16xf32>,
                      %swap3A_1266 = vector.shape_cast %swap3A_1265 : vector<16xf32> to vector<16xf32>
                      %swap3A_1267 = vector.shape_cast %add3A_1263 : vector<16xf32> to vector<16xf32>
                      tpu.vector_store %arg9[%swap3A_1264], %swap3A_1267 {strides = array<i32>} : memref<55296xf32, #tpu.memory_space<vmem>>, vector<16xf32>,
                    } else {
                    }
                    %add3A_878 = arith.constant 2 : i32
                    %add3A_879 = arith.addi %add3A, %add3A_878 : i32
                    %add3A_880 = arith.constant 8 : i32
                    %add3A_881 = arith.addi %add3A_879, %add3A_880 : i32
                    %sub3A_882 = arith.subi %add3A_881, %mul3A_19 : i32
                    %ge3A_883 = arith.constant 0 : i32
                    %ge3A_884 = arith.cmpi sge, %sub3A_882, %ge3A_883 : i32
                    %lt3A_885 = arith.constant 8 : i32
                    %lt3A_886 = arith.cmpi slt, %sub3A_882, %lt3A_885 : i32
                    %and3A_887 = arith.andi %ge3A_884, %lt3A_886 : i1
                    %convert_element_type3A_888 = arith.extui %and3A_887 : i1 to i32
                    %cond3A_889 = arith.constant 0 : i32
                    %cond3A_890 = arith.cmpi ne, %convert_element_type3A_888, %cond3A_889 : i32
                    scf.if %cond3A_890 {
                      %slice3A_891 = vector.extract_strided_slice %mul3A_550 {offsets = [8], sizes = [1], strides = [1]} : vector<16xf32> to vector<1xf32>
                      %squeeze3A_892 = vector.extract %slice3A_891[0] : f32 from vector<1xf32>
                      %mul3A_893 = arith.constant 108 : i32
                      %mul3A_894 = arith.muli %sub3A_882, %mul3A_893 : i32
                      %add3A_895 = arith.addi %mul3A_894, %div3A_540 : i32
                      %add3A_896 = arith.constant 2 : i32
                      %add3A_897 = arith.addi %add3A_895, %add3A_896 : i32
                      %mul3A_898 = arith.constant 64 : i32
                      %mul3A_899 = arith.muli %add3A_897, %mul3A_898 : i32
                      %slice3A_900 = vector.extract_strided_slice %mul3A_562 {offsets = [0], sizes = [1], strides = [1]} : vector<16xf32> to vector<1xf32>
                      %squeeze3A_901 = vector.extract %slice3A_900[0] : f32 from vector<1xf32>
                      %mul3A_902 = arith.mulf %squeeze3A_892, %squeeze3A_901 : f32
                      %add3A_903 = arith.constant 0 : i32
                      %add3A_904 = arith.addi %mul3A_899, %add3A_903 : i32
                      %add3A_905 = arith.constant 0 : i32
                      %add3A_906 = arith.addi %add3A_904, %add3A_905 : i32
                      %get3A_907 = arith.index_cast %add3A_906 : i32 to index
                      %get3A_908 = tpu.vector_load %arg9[%get3A_907] {strides = array<i32>} : memref<55296xf32, #tpu.memory_space<vmem>>, vector<16xf32>,
                      %get3A_909 = vector.shape_cast %get3A_908 : vector<16xf32> to vector<16xf32>
                      %mul3A_910 = vector.broadcast %mul3A_902 : f32 to vector<16xf32>
                      %mul3A_911 = arith.mulf %mul3A_697, %mul3A_910 : vector<16xf32>
                      %add3A_912 = arith.addf %get3A_909, %mul3A_911 : vector<16xf32>
                      %swap3A = arith.index_cast %add3A_906 : i32 to index
                      %swap3A_913 = tpu.vector_load %arg9[%swap3A] {strides = array<i32>} : memref<55296xf32, #tpu.memory_space<vmem>>, vector<16xf32>,
                      %swap3A_914 = vector.shape_cast %swap3A_913 : vector<16xf32> to vector<16xf32>
                      %swap3A_915 = vector.shape_cast %add3A_912 : vector<16xf32> to vector<16xf32>
                      tpu.vector_store %arg9[%swap3A], %swap3A_915 {strides = array<i32>} : memref<55296xf32, #tpu.memory_space<vmem>>, vector<16xf32>,
                      %add3A_916 = arith.constant 16 : i32
                      %add3A_917 = arith.addi %add3A_904, %add3A_916 : i32
                      %get3A_918 = arith.index_cast %add3A_917 : i32 to index
                      %get3A_919 = tpu.vector_load %arg9[%get3A_918] {strides = array<i32>} : memref<55296xf32, #tpu.memory_space<vmem>>, vector<16xf32>,
                      %get3A_920 = vector.shape_cast %get3A_919 : vector<16xf32> to vector<16xf32>
                      %mul3A_921 = vector.broadcast %mul3A_902 : f32 to vector<16xf32>
                      %mul3A_922 = arith.mulf %mul3A_735, %mul3A_921 : vector<16xf32>
                      %add3A_923 = arith.addf %get3A_920, %mul3A_922 : vector<16xf32>
                      %swap3A_924 = arith.index_cast %add3A_917 : i32 to index
                      %swap3A_925 = tpu.vector_load %arg9[%swap3A_924] {strides = array<i32>} : memref<55296xf32, #tpu.memory_space<vmem>>, vector<16xf32>,
                      %swap3A_926 = vector.shape_cast %swap3A_925 : vector<16xf32> to vector<16xf32>
                      %swap3A_927 = vector.shape_cast %add3A_923 : vector<16xf32> to vector<16xf32>
                      tpu.vector_store %arg9[%swap3A_924], %swap3A_927 {strides = array<i32>} : memref<55296xf32, #tpu.memory_space<vmem>>, vector<16xf32>,
                      %add3A_928 = arith.constant 32 : i32
                      %add3A_929 = arith.addi %add3A_904, %add3A_928 : i32
                      %get3A_930 = arith.index_cast %add3A_929 : i32 to index
                      %get3A_931 = tpu.vector_load %arg9[%get3A_930] {strides = array<i32>} : memref<55296xf32, #tpu.memory_space<vmem>>, vector<16xf32>,
                      %get3A_932 = vector.shape_cast %get3A_931 : vector<16xf32> to vector<16xf32>
                      %mul3A_933 = vector.broadcast %mul3A_902 : f32 to vector<16xf32>
                      %mul3A_934 = arith.mulf %mul3A_773, %mul3A_933 : vector<16xf32>
                      %add3A_935 = arith.addf %get3A_932, %mul3A_934 : vector<16xf32>
                      %swap3A_936 = arith.index_cast %add3A_929 : i32 to index
                      %swap3A_937 = tpu.vector_load %arg9[%swap3A_936] {strides = array<i32>} : memref<55296xf32, #tpu.memory_space<vmem>>, vector<16xf32>,
                      %swap3A_938 = vector.shape_cast %swap3A_937 : vector<16xf32> to vector<16xf32>
                      %swap3A_939 = vector.shape_cast %add3A_935 : vector<16xf32> to vector<16xf32>
                      tpu.vector_store %arg9[%swap3A_936], %swap3A_939 {strides = array<i32>} : memref<55296xf32, #tpu.memory_space<vmem>>, vector<16xf32>,
                      %slice3A_940 = vector.extract_strided_slice %mul3A_562 {offsets = [1], sizes = [1], strides = [1]} : vector<16xf32> to vector<1xf32>
                      %squeeze3A_941 = vector.extract %slice3A_940[0] : f32 from vector<1xf32>
                      %mul3A_942 = arith.mulf %squeeze3A_892, %squeeze3A_941 : f32
                      %add3A_943 = arith.constant 64 : i32
                      %add3A_944 = arith.addi %mul3A_899, %add3A_943 : i32
                      %add3A_945 = arith.constant 0 : i32
                      %add3A_946 = arith.addi %add3A_944, %add3A_945 : i32
                      %get3A_947 = arith.index_cast %add3A_946 : i32 to index
                      %get3A_948 = tpu.vector_load %arg9[%get3A_947] {strides = array<i32>} : memref<55296xf32, #tpu.memory_space<vmem>>, vector<16xf32>,
                      %get3A_949 = vector.shape_cast %get3A_948 : vector<16xf32> to vector<16xf32>
                      %mul3A_950 = vector.broadcast %mul3A_942 : f32 to vector<16xf32>
                      %mul3A_951 = arith.mulf %mul3A_697, %mul3A_950 : vector<16xf32>
                      %add3A_952 = arith.addf %get3A_949, %mul3A_951 : vector<16xf32>
                      %swap3A_953 = arith.index_cast %add3A_946 : i32 to index
                      %swap3A_954 = tpu.vector_load %arg9[%swap3A_953] {strides = array<i32>} : memref<55296xf32, #tpu.memory_space<vmem>>, vector<16xf32>,
                      %swap3A_955 = vector.shape_cast %swap3A_954 : vector<16xf32> to vector<16xf32>
                      %swap3A_956 = vector.shape_cast %add3A_952 : vector<16xf32> to vector<16xf32>
                      tpu.vector_store %arg9[%swap3A_953], %swap3A_956 {strides = array<i32>} : memref<55296xf32, #tpu.memory_space<vmem>>, vector<16xf32>,
                      %add3A_957 = arith.constant 16 : i32
                      %add3A_958 = arith.addi %add3A_944, %add3A_957 : i32
                      %get3A_959 = arith.index_cast %add3A_958 : i32 to index
                      %get3A_960 = tpu.vector_load %arg9[%get3A_959] {strides = array<i32>} : memref<55296xf32, #tpu.memory_space<vmem>>, vector<16xf32>,
                      %get3A_961 = vector.shape_cast %get3A_960 : vector<16xf32> to vector<16xf32>
                      %mul3A_962 = vector.broadcast %mul3A_942 : f32 to vector<16xf32>
                      %mul3A_963 = arith.mulf %mul3A_735, %mul3A_962 : vector<16xf32>
                      %add3A_964 = arith.addf %get3A_961, %mul3A_963 : vector<16xf32>
                      %swap3A_965 = arith.index_cast %add3A_958 : i32 to index
                      %swap3A_966 = tpu.vector_load %arg9[%swap3A_965] {strides = array<i32>} : memref<55296xf32, #tpu.memory_space<vmem>>, vector<16xf32>,
                      %swap3A_967 = vector.shape_cast %swap3A_966 : vector<16xf32> to vector<16xf32>
                      %swap3A_968 = vector.shape_cast %add3A_964 : vector<16xf32> to vector<16xf32>
                      tpu.vector_store %arg9[%swap3A_965], %swap3A_968 {strides = array<i32>} : memref<55296xf32, #tpu.memory_space<vmem>>, vector<16xf32>,
                      %add3A_969 = arith.constant 32 : i32
                      %add3A_970 = arith.addi %add3A_944, %add3A_969 : i32
                      %get3A_971 = arith.index_cast %add3A_970 : i32 to index
                      %get3A_972 = tpu.vector_load %arg9[%get3A_971] {strides = array<i32>} : memref<55296xf32, #tpu.memory_space<vmem>>, vector<16xf32>,
                      %get3A_973 = vector.shape_cast %get3A_972 : vector<16xf32> to vector<16xf32>
                      %mul3A_974 = vector.broadcast %mul3A_942 : f32 to vector<16xf32>
                      %mul3A_975 = arith.mulf %mul3A_773, %mul3A_974 : vector<16xf32>
                      %add3A_976 = arith.addf %get3A_973, %mul3A_975 : vector<16xf32>
                      %swap3A_977 = arith.index_cast %add3A_970 : i32 to index
                      %swap3A_978 = tpu.vector_load %arg9[%swap3A_977] {strides = array<i32>} : memref<55296xf32, #tpu.memory_space<vmem>>, vector<16xf32>,
                      %swap3A_979 = vector.shape_cast %swap3A_978 : vector<16xf32> to vector<16xf32>
                      %swap3A_980 = vector.shape_cast %add3A_976 : vector<16xf32> to vector<16xf32>
                      tpu.vector_store %arg9[%swap3A_977], %swap3A_980 {strides = array<i32>} : memref<55296xf32, #tpu.memory_space<vmem>>, vector<16xf32>,
                      %slice3A_981 = vector.extract_strided_slice %mul3A_562 {offsets = [2], sizes = [1], strides = [1]} : vector<16xf32> to vector<1xf32>
                      %squeeze3A_982 = vector.extract %slice3A_981[0] : f32 from vector<1xf32>
                      %mul3A_983 = arith.mulf %squeeze3A_892, %squeeze3A_982 : f32
                      %add3A_984 = arith.constant 128 : i32
                      %add3A_985 = arith.addi %mul3A_899, %add3A_984 : i32
                      %add3A_986 = arith.constant 0 : i32
                      %add3A_987 = arith.addi %add3A_985, %add3A_986 : i32
                      %get3A_988 = arith.index_cast %add3A_987 : i32 to index
                      %get3A_989 = tpu.vector_load %arg9[%get3A_988] {strides = array<i32>} : memref<55296xf32, #tpu.memory_space<vmem>>, vector<16xf32>,
                      %get3A_990 = vector.shape_cast %get3A_989 : vector<16xf32> to vector<16xf32>
                      %mul3A_991 = vector.broadcast %mul3A_983 : f32 to vector<16xf32>
                      %mul3A_992 = arith.mulf %mul3A_697, %mul3A_991 : vector<16xf32>
                      %add3A_993 = arith.addf %get3A_990, %mul3A_992 : vector<16xf32>
                      %swap3A_994 = arith.index_cast %add3A_987 : i32 to index
                      %swap3A_995 = tpu.vector_load %arg9[%swap3A_994] {strides = array<i32>} : memref<55296xf32, #tpu.memory_space<vmem>>, vector<16xf32>,
                      %swap3A_996 = vector.shape_cast %swap3A_995 : vector<16xf32> to vector<16xf32>
                      %swap3A_997 = vector.shape_cast %add3A_993 : vector<16xf32> to vector<16xf32>
                      tpu.vector_store %arg9[%swap3A_994], %swap3A_997 {strides = array<i32>} : memref<55296xf32, #tpu.memory_space<vmem>>, vector<16xf32>,
                      %add3A_998 = arith.constant 16 : i32
                      %add3A_999 = arith.addi %add3A_985, %add3A_998 : i32
                      %get3A_1000 = arith.index_cast %add3A_999 : i32 to index
                      %get3A_1001 = tpu.vector_load %arg9[%get3A_1000] {strides = array<i32>} : memref<55296xf32, #tpu.memory_space<vmem>>, vector<16xf32>,
                      %get3A_1002 = vector.shape_cast %get3A_1001 : vector<16xf32> to vector<16xf32>
                      %mul3A_1003 = vector.broadcast %mul3A_983 : f32 to vector<16xf32>
                      %mul3A_1004 = arith.mulf %mul3A_735, %mul3A_1003 : vector<16xf32>
                      %add3A_1005 = arith.addf %get3A_1002, %mul3A_1004 : vector<16xf32>
                      %swap3A_1006 = arith.index_cast %add3A_999 : i32 to index
                      %swap3A_1007 = tpu.vector_load %arg9[%swap3A_1006] {strides = array<i32>} : memref<55296xf32, #tpu.memory_space<vmem>>, vector<16xf32>,
                      %swap3A_1008 = vector.shape_cast %swap3A_1007 : vector<16xf32> to vector<16xf32>
                      %swap3A_1009 = vector.shape_cast %add3A_1005 : vector<16xf32> to vector<16xf32>
                      tpu.vector_store %arg9[%swap3A_1006], %swap3A_1009 {strides = array<i32>} : memref<55296xf32, #tpu.memory_space<vmem>>, vector<16xf32>,
                      %add3A_1010 = arith.constant 32 : i32
                      %add3A_1011 = arith.addi %add3A_985, %add3A_1010 : i32
                      %get3A_1012 = arith.index_cast %add3A_1011 : i32 to index
                      %get3A_1013 = tpu.vector_load %arg9[%get3A_1012] {strides = array<i32>} : memref<55296xf32, #tpu.memory_space<vmem>>, vector<16xf32>,
                      %get3A_1014 = vector.shape_cast %get3A_1013 : vector<16xf32> to vector<16xf32>
                      %mul3A_1015 = vector.broadcast %mul3A_983 : f32 to vector<16xf32>
                      %mul3A_1016 = arith.mulf %mul3A_773, %mul3A_1015 : vector<16xf32>
                      %add3A_1017 = arith.addf %get3A_1014, %mul3A_1016 : vector<16xf32>
                      %swap3A_1018 = arith.index_cast %add3A_1011 : i32 to index
                      %swap3A_1019 = tpu.vector_load %arg9[%swap3A_1018] {strides = array<i32>} : memref<55296xf32, #tpu.memory_space<vmem>>, vector<16xf32>,
                      %swap3A_1020 = vector.shape_cast %swap3A_1019 : vector<16xf32> to vector<16xf32>
                      %swap3A_1021 = vector.shape_cast %add3A_1017 : vector<16xf32> to vector<16xf32>
                      tpu.vector_store %arg9[%swap3A_1018], %swap3A_1021 {strides = array<i32>} : memref<55296xf32, #tpu.memory_space<vmem>>, vector<16xf32>,
                      %slice3A_1022 = vector.extract_strided_slice %mul3A_562 {offsets = [3], sizes = [1], strides = [1]} : vector<16xf32> to vector<1xf32>
                      %squeeze3A_1023 = vector.extract %slice3A_1022[0] : f32 from vector<1xf32>
                      %mul3A_1024 = arith.mulf %squeeze3A_892, %squeeze3A_1023 : f32
                      %add3A_1025 = arith.constant 192 : i32
                      %add3A_1026 = arith.addi %mul3A_899, %add3A_1025 : i32
                      %add3A_1027 = arith.constant 0 : i32
                      %add3A_1028 = arith.addi %add3A_1026, %add3A_1027 : i32
                      %get3A_1029 = arith.index_cast %add3A_1028 : i32 to index
                      %get3A_1030 = tpu.vector_load %arg9[%get3A_1029] {strides = array<i32>} : memref<55296xf32, #tpu.memory_space<vmem>>, vector<16xf32>,
                      %get3A_1031 = vector.shape_cast %get3A_1030 : vector<16xf32> to vector<16xf32>
                      %mul3A_1032 = vector.broadcast %mul3A_1024 : f32 to vector<16xf32>
                      %mul3A_1033 = arith.mulf %mul3A_697, %mul3A_1032 : vector<16xf32>
                      %add3A_1034 = arith.addf %get3A_1031, %mul3A_1033 : vector<16xf32>
                      %swap3A_1035 = arith.index_cast %add3A_1028 : i32 to index
                      %swap3A_1036 = tpu.vector_load %arg9[%swap3A_1035] {strides = array<i32>} : memref<55296xf32, #tpu.memory_space<vmem>>, vector<16xf32>,
                      %swap3A_1037 = vector.shape_cast %swap3A_1036 : vector<16xf32> to vector<16xf32>
                      %swap3A_1038 = vector.shape_cast %add3A_1034 : vector<16xf32> to vector<16xf32>
                      tpu.vector_store %arg9[%swap3A_1035], %swap3A_1038 {strides = array<i32>} : memref<55296xf32, #tpu.memory_space<vmem>>, vector<16xf32>,
                      %add3A_1039 = arith.constant 16 : i32
                      %add3A_1040 = arith.addi %add3A_1026, %add3A_1039 : i32
                      %get3A_1041 = arith.index_cast %add3A_1040 : i32 to index
                      %get3A_1042 = tpu.vector_load %arg9[%get3A_1041] {strides = array<i32>} : memref<55296xf32, #tpu.memory_space<vmem>>, vector<16xf32>,
                      %get3A_1043 = vector.shape_cast %get3A_1042 : vector<16xf32> to vector<16xf32>
                      %mul3A_1044 = vector.broadcast %mul3A_1024 : f32 to vector<16xf32>
                      %mul3A_1045 = arith.mulf %mul3A_735, %mul3A_1044 : vector<16xf32>
                      %add3A_1046 = arith.addf %get3A_1043, %mul3A_1045 : vector<16xf32>
                      %swap3A_1047 = arith.index_cast %add3A_1040 : i32 to index
                      %swap3A_1048 = tpu.vector_load %arg9[%swap3A_1047] {strides = array<i32>} : memref<55296xf32, #tpu.memory_space<vmem>>, vector<16xf32>,
                      %swap3A_1049 = vector.shape_cast %swap3A_1048 : vector<16xf32> to vector<16xf32>
                      %swap3A_1050 = vector.shape_cast %add3A_1046 : vector<16xf32> to vector<16xf32>
                      tpu.vector_store %arg9[%swap3A_1047], %swap3A_1050 {strides = array<i32>} : memref<55296xf32, #tpu.memory_space<vmem>>, vector<16xf32>,
                      %add3A_1051 = arith.constant 32 : i32
                      %add3A_1052 = arith.addi %add3A_1026, %add3A_1051 : i32
                      %get3A_1053 = arith.index_cast %add3A_1052 : i32 to index
                      %get3A_1054 = tpu.vector_load %arg9[%get3A_1053] {strides = array<i32>} : memref<55296xf32, #tpu.memory_space<vmem>>, vector<16xf32>,
                      %get3A_1055 = vector.shape_cast %get3A_1054 : vector<16xf32> to vector<16xf32>
                      %mul3A_1056 = vector.broadcast %mul3A_1024 : f32 to vector<16xf32>
                      %mul3A_1057 = arith.mulf %mul3A_773, %mul3A_1056 : vector<16xf32>
                      %add3A_1058 = arith.addf %get3A_1055, %mul3A_1057 : vector<16xf32>
                      %swap3A_1059 = arith.index_cast %add3A_1052 : i32 to index
                      %swap3A_1060 = tpu.vector_load %arg9[%swap3A_1059] {strides = array<i32>} : memref<55296xf32, #tpu.memory_space<vmem>>, vector<16xf32>,
                      %swap3A_1061 = vector.shape_cast %swap3A_1060 : vector<16xf32> to vector<16xf32>
                      %swap3A_1062 = vector.shape_cast %add3A_1058 : vector<16xf32> to vector<16xf32>
                      tpu.vector_store %arg9[%swap3A_1059], %swap3A_1062 {strides = array<i32>} : memref<55296xf32, #tpu.memory_space<vmem>>, vector<16xf32>,
                      %slice3A_1063 = vector.extract_strided_slice %mul3A_562 {offsets = [4], sizes = [1], strides = [1]} : vector<16xf32> to vector<1xf32>
                      %squeeze3A_1064 = vector.extract %slice3A_1063[0] : f32 from vector<1xf32>
                      %mul3A_1065 = arith.mulf %squeeze3A_892, %squeeze3A_1064 : f32
                      %add3A_1066 = arith.constant 256 : i32
                      %add3A_1067 = arith.addi %mul3A_899, %add3A_1066 : i32
                      %add3A_1068 = arith.constant 0 : i32
                      %add3A_1069 = arith.addi %add3A_1067, %add3A_1068 : i32
                      %get3A_1070 = arith.index_cast %add3A_1069 : i32 to index
                      %get3A_1071 = tpu.vector_load %arg9[%get3A_1070] {strides = array<i32>} : memref<55296xf32, #tpu.memory_space<vmem>>, vector<16xf32>,
                      %get3A_1072 = vector.shape_cast %get3A_1071 : vector<16xf32> to vector<16xf32>
                      %mul3A_1073 = vector.broadcast %mul3A_1065 : f32 to vector<16xf32>
                      %mul3A_1074 = arith.mulf %mul3A_697, %mul3A_1073 : vector<16xf32>
                      %add3A_1075 = arith.addf %get3A_1072, %mul3A_1074 : vector<16xf32>
                      %swap3A_1076 = arith.index_cast %add3A_1069 : i32 to index
                      %swap3A_1077 = tpu.vector_load %arg9[%swap3A_1076] {strides = array<i32>} : memref<55296xf32, #tpu.memory_space<vmem>>, vector<16xf32>,
                      %swap3A_1078 = vector.shape_cast %swap3A_1077 : vector<16xf32> to vector<16xf32>
                      %swap3A_1079 = vector.shape_cast %add3A_1075 : vector<16xf32> to vector<16xf32>
                      tpu.vector_store %arg9[%swap3A_1076], %swap3A_1079 {strides = array<i32>} : memref<55296xf32, #tpu.memory_space<vmem>>, vector<16xf32>,
                      %add3A_1080 = arith.constant 16 : i32
                      %add3A_1081 = arith.addi %add3A_1067, %add3A_1080 : i32
                      %get3A_1082 = arith.index_cast %add3A_1081 : i32 to index
                      %get3A_1083 = tpu.vector_load %arg9[%get3A_1082] {strides = array<i32>} : memref<55296xf32, #tpu.memory_space<vmem>>, vector<16xf32>,
                      %get3A_1084 = vector.shape_cast %get3A_1083 : vector<16xf32> to vector<16xf32>
                      %mul3A_1085 = vector.broadcast %mul3A_1065 : f32 to vector<16xf32>
                      %mul3A_1086 = arith.mulf %mul3A_735, %mul3A_1085 : vector<16xf32>
                      %add3A_1087 = arith.addf %get3A_1084, %mul3A_1086 : vector<16xf32>
                      %swap3A_1088 = arith.index_cast %add3A_1081 : i32 to index
                      %swap3A_1089 = tpu.vector_load %arg9[%swap3A_1088] {strides = array<i32>} : memref<55296xf32, #tpu.memory_space<vmem>>, vector<16xf32>,
                      %swap3A_1090 = vector.shape_cast %swap3A_1089 : vector<16xf32> to vector<16xf32>
                      %swap3A_1091 = vector.shape_cast %add3A_1087 : vector<16xf32> to vector<16xf32>
                      tpu.vector_store %arg9[%swap3A_1088], %swap3A_1091 {strides = array<i32>} : memref<55296xf32, #tpu.memory_space<vmem>>, vector<16xf32>,
                      %add3A_1092 = arith.constant 32 : i32
                      %add3A_1093 = arith.addi %add3A_1067, %add3A_1092 : i32
                      %get3A_1094 = arith.index_cast %add3A_1093 : i32 to index
                      %get3A_1095 = tpu.vector_load %arg9[%get3A_1094] {strides = array<i32>} : memref<55296xf32, #tpu.memory_space<vmem>>, vector<16xf32>,
                      %get3A_1096 = vector.shape_cast %get3A_1095 : vector<16xf32> to vector<16xf32>
                      %mul3A_1097 = vector.broadcast %mul3A_1065 : f32 to vector<16xf32>
                      %mul3A_1098 = arith.mulf %mul3A_773, %mul3A_1097 : vector<16xf32>
                      %add3A_1099 = arith.addf %get3A_1096, %mul3A_1098 : vector<16xf32>
                      %swap3A_1100 = arith.index_cast %add3A_1093 : i32 to index
                      %swap3A_1101 = tpu.vector_load %arg9[%swap3A_1100] {strides = array<i32>} : memref<55296xf32, #tpu.memory_space<vmem>>, vector<16xf32>,
                      %swap3A_1102 = vector.shape_cast %swap3A_1101 : vector<16xf32> to vector<16xf32>
                      %swap3A_1103 = vector.shape_cast %add3A_1099 : vector<16xf32> to vector<16xf32>
                      tpu.vector_store %arg9[%swap3A_1100], %swap3A_1103 {strides = array<i32>} : memref<55296xf32, #tpu.memory_space<vmem>>, vector<16xf32>,
                      %slice3A_1104 = vector.extract_strided_slice %mul3A_562 {offsets = [5], sizes = [1], strides = [1]} : vector<16xf32> to vector<1xf32>
                      %squeeze3A_1105 = vector.extract %slice3A_1104[0] : f32 from vector<1xf32>
                      %mul3A_1106 = arith.mulf %squeeze3A_892, %squeeze3A_1105 : f32
                      %add3A_1107 = arith.constant 320 : i32
                      %add3A_1108 = arith.addi %mul3A_899, %add3A_1107 : i32
                      %add3A_1109 = arith.constant 0 : i32
                      %add3A_1110 = arith.addi %add3A_1108, %add3A_1109 : i32
                      %get3A_1111 = arith.index_cast %add3A_1110 : i32 to index
                      %get3A_1112 = tpu.vector_load %arg9[%get3A_1111] {strides = array<i32>} : memref<55296xf32, #tpu.memory_space<vmem>>, vector<16xf32>,
                      %get3A_1113 = vector.shape_cast %get3A_1112 : vector<16xf32> to vector<16xf32>
                      %mul3A_1114 = vector.broadcast %mul3A_1106 : f32 to vector<16xf32>
                      %mul3A_1115 = arith.mulf %mul3A_697, %mul3A_1114 : vector<16xf32>
                      %add3A_1116 = arith.addf %get3A_1113, %mul3A_1115 : vector<16xf32>
                      %swap3A_1117 = arith.index_cast %add3A_1110 : i32 to index
                      %swap3A_1118 = tpu.vector_load %arg9[%swap3A_1117] {strides = array<i32>} : memref<55296xf32, #tpu.memory_space<vmem>>, vector<16xf32>,
                      %swap3A_1119 = vector.shape_cast %swap3A_1118 : vector<16xf32> to vector<16xf32>
                      %swap3A_1120 = vector.shape_cast %add3A_1116 : vector<16xf32> to vector<16xf32>
                      tpu.vector_store %arg9[%swap3A_1117], %swap3A_1120 {strides = array<i32>} : memref<55296xf32, #tpu.memory_space<vmem>>, vector<16xf32>,
                      %add3A_1121 = arith.constant 16 : i32
                      %add3A_1122 = arith.addi %add3A_1108, %add3A_1121 : i32
                      %get3A_1123 = arith.index_cast %add3A_1122 : i32 to index
                      %get3A_1124 = tpu.vector_load %arg9[%get3A_1123] {strides = array<i32>} : memref<55296xf32, #tpu.memory_space<vmem>>, vector<16xf32>,
                      %get3A_1125 = vector.shape_cast %get3A_1124 : vector<16xf32> to vector<16xf32>
                      %mul3A_1126 = vector.broadcast %mul3A_1106 : f32 to vector<16xf32>
                      %mul3A_1127 = arith.mulf %mul3A_735, %mul3A_1126 : vector<16xf32>
                      %add3A_1128 = arith.addf %get3A_1125, %mul3A_1127 : vector<16xf32>
                      %swap3A_1129 = arith.index_cast %add3A_1122 : i32 to index
                      %swap3A_1130 = tpu.vector_load %arg9[%swap3A_1129] {strides = array<i32>} : memref<55296xf32, #tpu.memory_space<vmem>>, vector<16xf32>,
                      %swap3A_1131 = vector.shape_cast %swap3A_1130 : vector<16xf32> to vector<16xf32>
                      %swap3A_1132 = vector.shape_cast %add3A_1128 : vector<16xf32> to vector<16xf32>
                      tpu.vector_store %arg9[%swap3A_1129], %swap3A_1132 {strides = array<i32>} : memref<55296xf32, #tpu.memory_space<vmem>>, vector<16xf32>,
                      %add3A_1133 = arith.constant 32 : i32
                      %add3A_1134 = arith.addi %add3A_1108, %add3A_1133 : i32
                      %get3A_1135 = arith.index_cast %add3A_1134 : i32 to index
                      %get3A_1136 = tpu.vector_load %arg9[%get3A_1135] {strides = array<i32>} : memref<55296xf32, #tpu.memory_space<vmem>>, vector<16xf32>,
                      %get3A_1137 = vector.shape_cast %get3A_1136 : vector<16xf32> to vector<16xf32>
                      %mul3A_1138 = vector.broadcast %mul3A_1106 : f32 to vector<16xf32>
                      %mul3A_1139 = arith.mulf %mul3A_773, %mul3A_1138 : vector<16xf32>
                      %add3A_1140 = arith.addf %get3A_1137, %mul3A_1139 : vector<16xf32>
                      %swap3A_1141 = arith.index_cast %add3A_1134 : i32 to index
                      %swap3A_1142 = tpu.vector_load %arg9[%swap3A_1141] {strides = array<i32>} : memref<55296xf32, #tpu.memory_space<vmem>>, vector<16xf32>,
                      %swap3A_1143 = vector.shape_cast %swap3A_1142 : vector<16xf32> to vector<16xf32>
                      %swap3A_1144 = vector.shape_cast %add3A_1140 : vector<16xf32> to vector<16xf32>
                      tpu.vector_store %arg9[%swap3A_1141], %swap3A_1144 {strides = array<i32>} : memref<55296xf32, #tpu.memory_space<vmem>>, vector<16xf32>,
                      %slice3A_1145 = vector.extract_strided_slice %mul3A_562 {offsets = [6], sizes = [1], strides = [1]} : vector<16xf32> to vector<1xf32>
                      %squeeze3A_1146 = vector.extract %slice3A_1145[0] : f32 from vector<1xf32>
                      %mul3A_1147 = arith.mulf %squeeze3A_892, %squeeze3A_1146 : f32
                      %add3A_1148 = arith.constant 384 : i32
                      %add3A_1149 = arith.addi %mul3A_899, %add3A_1148 : i32
                      %add3A_1150 = arith.constant 0 : i32
                      %add3A_1151 = arith.addi %add3A_1149, %add3A_1150 : i32
                      %get3A_1152 = arith.index_cast %add3A_1151 : i32 to index
                      %get3A_1153 = tpu.vector_load %arg9[%get3A_1152] {strides = array<i32>} : memref<55296xf32, #tpu.memory_space<vmem>>, vector<16xf32>,
                      %get3A_1154 = vector.shape_cast %get3A_1153 : vector<16xf32> to vector<16xf32>
                      %mul3A_1155 = vector.broadcast %mul3A_1147 : f32 to vector<16xf32>
                      %mul3A_1156 = arith.mulf %mul3A_697, %mul3A_1155 : vector<16xf32>
                      %add3A_1157 = arith.addf %get3A_1154, %mul3A_1156 : vector<16xf32>
                      %swap3A_1158 = arith.index_cast %add3A_1151 : i32 to index
                      %swap3A_1159 = tpu.vector_load %arg9[%swap3A_1158] {strides = array<i32>} : memref<55296xf32, #tpu.memory_space<vmem>>, vector<16xf32>,
                      %swap3A_1160 = vector.shape_cast %swap3A_1159 : vector<16xf32> to vector<16xf32>
                      %swap3A_1161 = vector.shape_cast %add3A_1157 : vector<16xf32> to vector<16xf32>
                      tpu.vector_store %arg9[%swap3A_1158], %swap3A_1161 {strides = array<i32>} : memref<55296xf32, #tpu.memory_space<vmem>>, vector<16xf32>,
                      %add3A_1162 = arith.constant 16 : i32
                      %add3A_1163 = arith.addi %add3A_1149, %add3A_1162 : i32
                      %get3A_1164 = arith.index_cast %add3A_1163 : i32 to index
                      %get3A_1165 = tpu.vector_load %arg9[%get3A_1164] {strides = array<i32>} : memref<55296xf32, #tpu.memory_space<vmem>>, vector<16xf32>,
                      %get3A_1166 = vector.shape_cast %get3A_1165 : vector<16xf32> to vector<16xf32>
                      %mul3A_1167 = vector.broadcast %mul3A_1147 : f32 to vector<16xf32>
                      %mul3A_1168 = arith.mulf %mul3A_735, %mul3A_1167 : vector<16xf32>
                      %add3A_1169 = arith.addf %get3A_1166, %mul3A_1168 : vector<16xf32>
                      %swap3A_1170 = arith.index_cast %add3A_1163 : i32 to index
                      %swap3A_1171 = tpu.vector_load %arg9[%swap3A_1170] {strides = array<i32>} : memref<55296xf32, #tpu.memory_space<vmem>>, vector<16xf32>,
                      %swap3A_1172 = vector.shape_cast %swap3A_1171 : vector<16xf32> to vector<16xf32>
                      %swap3A_1173 = vector.shape_cast %add3A_1169 : vector<16xf32> to vector<16xf32>
                      tpu.vector_store %arg9[%swap3A_1170], %swap3A_1173 {strides = array<i32>} : memref<55296xf32, #tpu.memory_space<vmem>>, vector<16xf32>,
                      %add3A_1174 = arith.constant 32 : i32
                      %add3A_1175 = arith.addi %add3A_1149, %add3A_1174 : i32
                      %get3A_1176 = arith.index_cast %add3A_1175 : i32 to index
                      %get3A_1177 = tpu.vector_load %arg9[%get3A_1176] {strides = array<i32>} : memref<55296xf32, #tpu.memory_space<vmem>>, vector<16xf32>,
                      %get3A_1178 = vector.shape_cast %get3A_1177 : vector<16xf32> to vector<16xf32>
                      %mul3A_1179 = vector.broadcast %mul3A_1147 : f32 to vector<16xf32>
                      %mul3A_1180 = arith.mulf %mul3A_773, %mul3A_1179 : vector<16xf32>
                      %add3A_1181 = arith.addf %get3A_1178, %mul3A_1180 : vector<16xf32>
                      %swap3A_1182 = arith.index_cast %add3A_1175 : i32 to index
                      %swap3A_1183 = tpu.vector_load %arg9[%swap3A_1182] {strides = array<i32>} : memref<55296xf32, #tpu.memory_space<vmem>>, vector<16xf32>,
                      %swap3A_1184 = vector.shape_cast %swap3A_1183 : vector<16xf32> to vector<16xf32>
                      %swap3A_1185 = vector.shape_cast %add3A_1181 : vector<16xf32> to vector<16xf32>
                      tpu.vector_store %arg9[%swap3A_1182], %swap3A_1185 {strides = array<i32>} : memref<55296xf32, #tpu.memory_space<vmem>>, vector<16xf32>,
                      %slice3A_1186 = vector.extract_strided_slice %mul3A_562 {offsets = [7], sizes = [1], strides = [1]} : vector<16xf32> to vector<1xf32>
                      %squeeze3A_1187 = vector.extract %slice3A_1186[0] : f32 from vector<1xf32>
                      %mul3A_1188 = arith.mulf %squeeze3A_892, %squeeze3A_1187 : f32
                      %add3A_1189 = arith.constant 448 : i32
                      %add3A_1190 = arith.addi %mul3A_899, %add3A_1189 : i32
                      %add3A_1191 = arith.constant 0 : i32
                      %add3A_1192 = arith.addi %add3A_1190, %add3A_1191 : i32
                      %get3A_1193 = arith.index_cast %add3A_1192 : i32 to index
                      %get3A_1194 = tpu.vector_load %arg9[%get3A_1193] {strides = array<i32>} : memref<55296xf32, #tpu.memory_space<vmem>>, vector<16xf32>,
                      %get3A_1195 = vector.shape_cast %get3A_1194 : vector<16xf32> to vector<16xf32>
                      %mul3A_1196 = vector.broadcast %mul3A_1188 : f32 to vector<16xf32>
                      %mul3A_1197 = arith.mulf %mul3A_697, %mul3A_1196 : vector<16xf32>
                      %add3A_1198 = arith.addf %get3A_1195, %mul3A_1197 : vector<16xf32>
                      %swap3A_1199 = arith.index_cast %add3A_1192 : i32 to index
                      %swap3A_1200 = tpu.vector_load %arg9[%swap3A_1199] {strides = array<i32>} : memref<55296xf32, #tpu.memory_space<vmem>>, vector<16xf32>,
                      %swap3A_1201 = vector.shape_cast %swap3A_1200 : vector<16xf32> to vector<16xf32>
                      %swap3A_1202 = vector.shape_cast %add3A_1198 : vector<16xf32> to vector<16xf32>
                      tpu.vector_store %arg9[%swap3A_1199], %swap3A_1202 {strides = array<i32>} : memref<55296xf32, #tpu.memory_space<vmem>>, vector<16xf32>,
                      %add3A_1203 = arith.constant 16 : i32
                      %add3A_1204 = arith.addi %add3A_1190, %add3A_1203 : i32
                      %get3A_1205 = arith.index_cast %add3A_1204 : i32 to index
                      %get3A_1206 = tpu.vector_load %arg9[%get3A_1205] {strides = array<i32>} : memref<55296xf32, #tpu.memory_space<vmem>>, vector<16xf32>,
                      %get3A_1207 = vector.shape_cast %get3A_1206 : vector<16xf32> to vector<16xf32>
                      %mul3A_1208 = vector.broadcast %mul3A_1188 : f32 to vector<16xf32>
                      %mul3A_1209 = arith.mulf %mul3A_735, %mul3A_1208 : vector<16xf32>
                      %add3A_1210 = arith.addf %get3A_1207, %mul3A_1209 : vector<16xf32>
                      %swap3A_1211 = arith.index_cast %add3A_1204 : i32 to index
                      %swap3A_1212 = tpu.vector_load %arg9[%swap3A_1211] {strides = array<i32>} : memref<55296xf32, #tpu.memory_space<vmem>>, vector<16xf32>,
                      %swap3A_1213 = vector.shape_cast %swap3A_1212 : vector<16xf32> to vector<16xf32>
                      %swap3A_1214 = vector.shape_cast %add3A_1210 : vector<16xf32> to vector<16xf32>
                      tpu.vector_store %arg9[%swap3A_1211], %swap3A_1214 {strides = array<i32>} : memref<55296xf32, #tpu.memory_space<vmem>>, vector<16xf32>,
                      %add3A_1215 = arith.constant 32 : i32
                      %add3A_1216 = arith.addi %add3A_1190, %add3A_1215 : i32
                      %get3A_1217 = arith.index_cast %add3A_1216 : i32 to index
                      %get3A_1218 = tpu.vector_load %arg9[%get3A_1217] {strides = array<i32>} : memref<55296xf32, #tpu.memory_space<vmem>>, vector<16xf32>,
                      %get3A_1219 = vector.shape_cast %get3A_1218 : vector<16xf32> to vector<16xf32>
                      %mul3A_1220 = vector.broadcast %mul3A_1188 : f32 to vector<16xf32>
                      %mul3A_1221 = arith.mulf %mul3A_773, %mul3A_1220 : vector<16xf32>
                      %add3A_1222 = arith.addf %get3A_1219, %mul3A_1221 : vector<16xf32>
                      %swap3A_1223 = arith.index_cast %add3A_1216 : i32 to index
                      %swap3A_1224 = tpu.vector_load %arg9[%swap3A_1223] {strides = array<i32>} : memref<55296xf32, #tpu.memory_space<vmem>>, vector<16xf32>,
                      %swap3A_1225 = vector.shape_cast %swap3A_1224 : vector<16xf32> to vector<16xf32>
                      %swap3A_1226 = vector.shape_cast %add3A_1222 : vector<16xf32> to vector<16xf32>
                      tpu.vector_store %arg9[%swap3A_1223], %swap3A_1226 {strides = array<i32>} : memref<55296xf32, #tpu.memory_space<vmem>>, vector<16xf32>,
                      %slice3A_1227 = vector.extract_strided_slice %mul3A_562 {offsets = [8], sizes = [1], strides = [1]} : vector<16xf32> to vector<1xf32>
                      %squeeze3A_1228 = vector.extract %slice3A_1227[0] : f32 from vector<1xf32>
                      %mul3A_1229 = arith.mulf %squeeze3A_892, %squeeze3A_1228 : f32
                      %add3A_1230 = arith.constant 512 : i32
                      %add3A_1231 = arith.addi %mul3A_899, %add3A_1230 : i32
                      %add3A_1232 = arith.constant 0 : i32
                      %add3A_1233 = arith.addi %add3A_1231, %add3A_1232 : i32
                      %get3A_1234 = arith.index_cast %add3A_1233 : i32 to index
                      %get3A_1235 = tpu.vector_load %arg9[%get3A_1234] {strides = array<i32>} : memref<55296xf32, #tpu.memory_space<vmem>>, vector<16xf32>,
                      %get3A_1236 = vector.shape_cast %get3A_1235 : vector<16xf32> to vector<16xf32>
                      %mul3A_1237 = vector.broadcast %mul3A_1229 : f32 to vector<16xf32>
                      %mul3A_1238 = arith.mulf %mul3A_697, %mul3A_1237 : vector<16xf32>
                      %add3A_1239 = arith.addf %get3A_1236, %mul3A_1238 : vector<16xf32>
                      %swap3A_1240 = arith.index_cast %add3A_1233 : i32 to index
                      %swap3A_1241 = tpu.vector_load %arg9[%swap3A_1240] {strides = array<i32>} : memref<55296xf32, #tpu.memory_space<vmem>>, vector<16xf32>,
                      %swap3A_1242 = vector.shape_cast %swap3A_1241 : vector<16xf32> to vector<16xf32>
                      %swap3A_1243 = vector.shape_cast %add3A_1239 : vector<16xf32> to vector<16xf32>
                      tpu.vector_store %arg9[%swap3A_1240], %swap3A_1243 {strides = array<i32>} : memref<55296xf32, #tpu.memory_space<vmem>>, vector<16xf32>,
                      %add3A_1244 = arith.constant 16 : i32
                      %add3A_1245 = arith.addi %add3A_1231, %add3A_1244 : i32
                      %get3A_1246 = arith.index_cast %add3A_1245 : i32 to index
                      %get3A_1247 = tpu.vector_load %arg9[%get3A_1246] {strides = array<i32>} : memref<55296xf32, #tpu.memory_space<vmem>>, vector<16xf32>,
                      %get3A_1248 = vector.shape_cast %get3A_1247 : vector<16xf32> to vector<16xf32>
                      %mul3A_1249 = vector.broadcast %mul3A_1229 : f32 to vector<16xf32>
                      %mul3A_1250 = arith.mulf %mul3A_735, %mul3A_1249 : vector<16xf32>
                      %add3A_1251 = arith.addf %get3A_1248, %mul3A_1250 : vector<16xf32>
                      %swap3A_1252 = arith.index_cast %add3A_1245 : i32 to index
                      %swap3A_1253 = tpu.vector_load %arg9[%swap3A_1252] {strides = array<i32>} : memref<55296xf32, #tpu.memory_space<vmem>>, vector<16xf32>,
                      %swap3A_1254 = vector.shape_cast %swap3A_1253 : vector<16xf32> to vector<16xf32>
                      %swap3A_1255 = vector.shape_cast %add3A_1251 : vector<16xf32> to vector<16xf32>
                      tpu.vector_store %arg9[%swap3A_1252], %swap3A_1255 {strides = array<i32>} : memref<55296xf32, #tpu.memory_space<vmem>>, vector<16xf32>,
                      %add3A_1256 = arith.constant 32 : i32
                      %add3A_1257 = arith.addi %add3A_1231, %add3A_1256 : i32
                      %get3A_1258 = arith.index_cast %add3A_1257 : i32 to index
                      %get3A_1259 = tpu.vector_load %arg9[%get3A_1258] {strides = array<i32>} : memref<55296xf32, #tpu.memory_space<vmem>>, vector<16xf32>,
                      %get3A_1260 = vector.shape_cast %get3A_1259 : vector<16xf32> to vector<16xf32>
                      %mul3A_1261 = vector.broadcast %mul3A_1229 : f32 to vector<16xf32>
                      %mul3A_1262 = arith.mulf %mul3A_773, %mul3A_1261 : vector<16xf32>
                      %add3A_1263 = arith.addf %get3A_1260, %mul3A_1262 : vector<16xf32>
                      %swap3A_1264 = arith.index_cast %add3A_1257 : i32 to index
                      %swap3A_1265 = tpu.vector_load %arg9[%swap3A_1264] {strides = array<i32>} : memref<55296xf32, #tpu.memory_space<vmem>>, vector<16xf32>,
                      %swap3A_1266 = vector.shape_cast %swap3A_1265 : vector<16xf32> to vector<16xf32>
                      %swap3A_1267 = vector.shape_cast %add3A_1263 : vector<16xf32> to vector<16xf32>
                      tpu.vector_store %arg9[%swap3A_1264], %swap3A_1267 {strides = array<i32>} : memref<55296xf32, #tpu.memory_space<vmem>>, vector<16xf32>,
                    } else {
                    }
                  } else {
                  }
                  %scan3A_345 = arith.constant 0 : i32
                  scf.yield %scan3A_345 : i32
                }
                %scan3A_283 = arith.constant 16 : i32
              } else {
              }
              %scan3A_264 = arith.constant 0 : i32
              scf.yield %scan3A_264 : i32
            }
            %scan3A_203 = arith.constant 16 : i32
          } else {
          }
          %scan3A_196 = arith.constant 0 : i32
          scf.yield %scan3A_196 : i32
        }
        %scan3A_47 = arith.constant 12 : i32
      } else {
      }
      %scan3A_38 = arith.constant 0 : i32
      scf.yield %scan3A_38 : i32
    }
    %scan3A_26 = arith.constant 16 : i32
    %mul3A_27 = arith.constant 55296 : i32
    %mul3A_28 = arith.muli %arg1, %mul3A_27 : i32
    "tpu.region"() ({
      %run_scoped3A = tpu.sem_alloc : memref<!tpu.dma_semaphore, #tpu.memory_space<semaphore_mem>>
      %dma_start3A = tpu.memref_slice %arg8[%arg0, %mul3A_28] : memref<2x884736xf32, #tpu.memory_space<hbm>> -> memref<1x55296xf32, #tpu.memory_space<hbm>>
      %dma_start3A_29 = tpu.memref_squeeze %dma_start3A : memref<1x55296xf32, #tpu.memory_space<hbm>> -> memref<55296xf32, #tpu.memory_space<hbm>>
      %dma_start3A_30 = tpu.memref_slice %arg8[%arg0, %mul3A_28] : memref<2x884736xf32, #tpu.memory_space<hbm>> -> memref<1x55296xf32, #tpu.memory_space<hbm>>
      %dma_start3A_31 = tpu.memref_squeeze %dma_start3A_30 : memref<1x55296xf32, #tpu.memory_space<hbm>> -> memref<55296xf32, #tpu.memory_space<hbm>>
      tpu.enqueue_dma source(%arg9 : memref<55296xf32, #tpu.memory_space<vmem>>) target(%dma_start3A_31 : memref<55296xf32, #tpu.memory_space<hbm>>) target_semaphore(%run_scoped3A : memref<!tpu.dma_semaphore, #tpu.memory_space<semaphore_mem>>)
      %dma_wait3A = tpu.memref_slice %arg8[%arg0, %mul3A_28] : memref<2x884736xf32, #tpu.memory_space<hbm>> -> memref<1x55296xf32, #tpu.memory_space<hbm>>
      %dma_wait3A_32 = tpu.memref_squeeze %dma_wait3A : memref<1x55296xf32, #tpu.memory_space<hbm>> -> memref<55296xf32, #tpu.memory_space<hbm>>
      %dma_wait3A_33 = tpu.memref_slice %arg8[%arg0, %mul3A_28] : memref<2x884736xf32, #tpu.memory_space<hbm>> -> memref<1x55296xf32, #tpu.memory_space<hbm>>
      %dma_wait3A_34 = tpu.memref_squeeze %dma_wait3A_33 : memref<1x55296xf32, #tpu.memory_space<hbm>> -> memref<55296xf32, #tpu.memory_space<hbm>>
      tpu.wait_dma2 semaphore(%run_scoped3A : memref<!tpu.dma_semaphore, #tpu.memory_space<semaphore_mem>>) src(%arg9 : memref<55296xf32, #tpu.memory_space<vmem>>) dst(%dma_wait3A_34 : memref<55296xf32, #tpu.memory_space<hbm>>)
      tpu.yield
    }) : () -> ()
    return
  }
}

</mosaic_0001>

<sc_bundles>
// kernel: kernel.3.cloned.1.call-start
scs
__scs_entry_jumppad:
0x0: {  	(pc) =	sbr.rel $0x88, $3  }
0x1: {  	(tag) =	ssettag $0x0;
	lr =	simm.s32 $0x1  }
0x2: {  	[smem:$0x3F9A] =	sst lr;
	_ =	strace $0xD0000000  }
0x3: {  	_ = 	snop  }
0x4: {  	_ = 	snop  }
0x5: {  	_ = 	snop  }
0x6: {  	_ = 	snop  }
0x7: {  	_ = 	snop  }
__scs_overlays_trampoline_lowered:
0x8: {  	[smem:$0x3FA9] =	sst s0  }
0x9: {  	[smem:$0x3FAA] =	sst s1  }
0xa: {  	[smem:$0x3FAB] =	sst s2  }
0xb: {  	[smem:$0x3FAC] =	sst s3  }
0xc: {  	[smem:$0x3FAD] =	sst s4  }
0xd: {  	[smem:$0x3FAE] =	sst s5  }
0xe: {  	[smem:$0x3FAF] =	sst s6  }
0xf: {  	[smem:$0x3FB0] =	sst s7  }
0x10: {  	[smem:$0x3FB1] =	sst s8  }
0x11: {  	[smem:$0x3FB2] =	sst s9;
	s0 =	simm.s32 @!p0 $0x0  }
0x12: {  	s1 =	sld [smem:$0x3F98];
	s0 =	simm.s32 @p0 $0x1  }
0x13: {  	[smem:$0x3FB3] =	sst s0;
	s0 =	simm.s32 @!p1 $0x0  }
0x14: {  	s2 =	sld [smem:$0x3F97];
	s0 =	simm.s32 @p1 $0x1  }
0x15: {  	[smem:$0x3FB4] =	sst s0;
	s0 =	simm.s32 @!p2 $0x0  }
0x16: {  	s3 =	sld [smem:$0x3FDB];
	s0 =	simm.s32 @p2 $0x1  }
0x17: {  	s4 =	simm.s32 $0x1BF5;
	[smem:$0x3FB6] =	sst s0  }
0x18: {  	s0 =	sld [smem:$0x3F99];
	_ =	swait.ge [sflag:s4], $0x0  }
0x19: {  	s7 =	sld [smem:$0x3F9A]  }
0x1a: {  	s8 =	sadd.s32 $0xFFFFE003, lr  }
0x1b: {  	s9 =	sadd.s32 $0xFFFFFEF7, lr;
	s5 =	simm.s32 $0xFFFFFFFF;
	p2 =	slt.u32 s8, $0xFFFFF086  }
0x1c: {  	p1 =	slt.u32 s9, $0xF7A;
	s5 =	simm.s32 @!p2 $0x0  }
0x1d: {  	s5 =	simm.s32 @p1 $0x1;
	p0 =	seq.s32 s7, s2  }
0x1e: {  	s7 =	smul.u32 @!p0 $0xF7A, s2;
	p2 =	seq.s32 @!p0 s5, $0x0  }
0x1f: {  	s9 =	smul.u32 $0xF7A, s1;
	s8 =	simm.s32 @!p0 $0x1BF5;
	p2 =	por !p2, p0  }
0x20: {  	[sflag:s8] =	ssyncset.s32 @!p0 $0xFFFFF086;
	s6 =	sadd.s32 @!p0 s3, s7;
	s7 =	simm.s32 @!p0 $0x108  }
0x21: {  	s3 =	sadd.s32 s3, s9;
	s6 =	sadd.s32 @!p0 $0x88, s6;
	s7 =	simm.s32 @p2 $0x1082  }
0x22: {  	[simem:s7], [sflag:s8] =	dma.local @!p0 [hbm:s6], $0xF7A  }
0x23: {  	s9 =	sor.u32 $0xD0000000, s2;
	s6 =	simm.s32 $0x108;
	_ =	swait.ge @!p0 [sflag:s8], $0x0  }
0x24: {  	s3 =	sadd.s32 $0x88, s3;
	s6 =	simm.s32 @!p1 $0x1082;
	[sflag:s4] =	ssyncset.s32 $0xFFFFF086  }
0x25: {  	[simem:s6], [sflag:s4] =	dma.local [hbm:s3], $0xF7A  }
0x26: {  	[smem:$0x3F9A] =	sst s1;
	(tag) =	ssettag s2;
	_ =	strace s9  }
0x27: {  	s1 =	sld [smem:$0x3FAA]  }
0x28: {  	s2 =	sld [smem:$0x3FAB]  }
0x29: {  	s4 =	sld [smem:$0x3FAD]  }
0x2a: {  	p0 =	seq.s32 s5, $0x0;
	s5 =	sld [smem:$0x3FAE]  }
0x2b: {  	s6 =	sld [smem:$0x3FAF]  }
0x2c: {  	s7 =	sld [smem:$0x3FB0]  }
0x2d: {  	s3 =	simm.s32 $0x108;
	s8 =	sld [smem:$0x3FB1]  }
0x2e: {  	s3 =	simm.s32 @!p0 $0x1082;
	s9 =	sld [smem:$0x3FB2]  }
0x2f: {  	lr =	sadd.s32 s0, s3;
	s0 =	sld [smem:$0x3FA9]  }
0x30: {  	s3 =	sld [smem:$0x3FAC]  }
0x31: {  	[smem:$0x3FB5] =	sst s10  }
0x32: {  	s10 =	sld [smem:$0x3FB3];
	_ =	sdelay $0x3  }
0x33: {  	p0 =	seq.s32 s10, $0x1;
	s10 =	sld [smem:$0x3FB5];
	_ =	sdelay $0x3  }
0x34: {  	[smem:$0x3FB5] =	sst s10  }
0x35: {  	s10 =	sld [smem:$0x3FB4];
	_ =	sdelay $0x3  }
0x36: {  	p1 =	seq.s32 s10, $0x1;
	s10 =	sld [smem:$0x3FB5];
	_ =	sdelay $0x3  }
0x37: {  	[smem:$0x3FB5] =	sst s10  }
0x38: {  	s10 =	sld [smem:$0x3FB6]  }
0x39: {  	_ = 	snop;
	(pc) =	sbr.ind lr, $3  }
0x3a: {  	_ = 	snop  }
0x3b: {  	_ = 	snop  }
0x3c: {  	p2 =	seq.s32 s10, $0x1;
	s10 =	sld [smem:$0x3FB5]  }
0x3d: {  	_ =	shalt  }
0x3e: {  	_ =	shalt  }
0x3f: {  	_ =	shalt  }
0x40: {  	_ =	shalt  }
0x41: {  	_ =	shalt  }
0x42: {  	_ =	shalt  }
0x43: {  	_ =	shalt  }
0x44: {  	_ =	shalt  }
0x45: {  	_ =	shalt  }
0x46: {  	_ =	shalt  }
0x47: {  	_ =	shalt  }
0x48: {  	_ =	shalt  }
0x49: {  	_ =	shalt  }
0x4a: {  	_ =	shalt  }
0x4b: {  	_ =	shalt  }
0x4c: {  	_ =	shalt  }
0x4d: {  	_ =	shalt  }
0x4e: {  	_ =	shalt  }
0x4f: {  	_ =	shalt  }
0x50: {  	_ =	shalt  }
0x51: {  	_ =	shalt  }
0x52: {  	_ =	shalt  }
0x53: {  	_ =	shalt  }
0x54: {  	_ =	shalt  }
0x55: {  	_ =	shalt  }
0x56: {  	_ =	shalt  }
0x57: {  	_ =	shalt  }
0x58: {  	_ =	shalt  }
0x59: {  	_ =	shalt  }
0x5a: {  	_ =	shalt  }
0x5b: {  	_ =	shalt  }
0x5c: {  	_ =	shalt  }
0x5d: {  	_ =	shalt  }
0x5e: {  	_ =	shalt  }
0x5f: {  	_ =	shalt  }
0x60: {  	_ =	shalt  }
0x61: {  	_ =	shalt  }
0x62: {  	_ =	shalt  }
0x63: {  	_ =	shalt  }
0x64: {  	_ =	shalt  }
0x65: {  	_ =	shalt  }
0x66: {  	_ =	shalt  }
0x67: {  	_ =	shalt  }
0x68: {  	_ =	shalt  }
0x69: {  	_ =	shalt  }
0x6a: {  	_ =	shalt  }
0x6b: {  	_ =	shalt  }
0x6c: {  	_ =	shalt  }
0x6d: {  	_ =	shalt  }
0x6e: {  	_ =	shalt  }
0x6f: {  	_ =	shalt  }
0x70: {  	_ =	shalt  }
0x71: {  	_ =	shalt  }
0x72: {  	_ =	shalt  }
0x73: {  	_ =	shalt  }
0x74: {  	_ =	shalt  }
0x75: {  	_ =	shalt  }
0x76: {  	_ =	shalt  }
0x77: {  	_ =	shalt  }
0x78: {  	_ =	shalt  }
0x79: {  	_ =	shalt  }
0x7a: {  	_ =	shalt  }
0x7b: {  	_ =	shalt  }
0x7c: {  	_ =	shalt  }
0x7d: {  	_ =	shalt  }
0x7e: {  	_ =	shalt  }
0x7f: {  	_ =	shalt  }
0x80: {  	_ =	shalt  }
0x81: {  	_ =	shalt  }
0x82: {  	_ =	shalt  }
0x83: {  	_ =	shalt  }
0x84: {  	_ =	shalt  }
0x85: {  	_ =	shalt  }
0x86: {  	_ =	shalt  }
0x87: {  	_ =	shalt  }
.Lfunc_end0:
.L_simem_size_0:
called_computation_lowered:
.L_overlay_start_0:
0x88: {  	s2 =	sld [smem:$0x3FD9]  }
0x89: {  	s3 =	sld [smem:$0x3FFE];
	_ =	sdelay $0x1  }
0x8a: {  	s1 =	srdreg.scid  }
0x8b: {  	s0 =	sand.u32 $0x1, s1  }
0x8c: {  	s17 =	sshll.u32 s0, $0xA;
	s2 =	sadd.s32 s3, s2  }
0x8d: {  	s2 =	sadd.s32 s2, s17  }
0x8e: {  	[smem:$0x3FC1] =	sst s2  }
0x8f: {  	_ = 	snop  }
0x90: {  	s2 =	sld [smem:$0x3FD0];
	(tm) =	ssettm $0x1  }
0x91: {  	s18 =	sld [smem:$0x3FFB];
	_ =	sdelay $0x3  }
0x92: {  	_ =	strace s18  }
0x93: {  	s3 =	sld [smem:$0x3FFC];
	_ =	sdelay $0x3  }
0x94: {  	_ =	strace s3  }
0x95: {  	s3 =	sld [smem:$0x3FFD];
	_ =	sdelay $0x3  }
0x96: {  	_ =	strace s3  }
0x97: {  	_ =	strace $0x8FFFFFFF  }
0x98: {  	s19 =	sld [smem:$0x3FDB];
	_ =	sdelay $0x1  }
0x99: {  	s4 =	simm.s32 $_scs_section_size  }
0x9a: {  	s5 =	simm.s32 $_size__tile_overlayer_lowered;
	s6 =	simm.s32 $_tile_overlayer_lowered  }
0x9b: {  	s22 =	simm.s32 $0x1BFF;
	s21 =	sshll.u32 s6, $0x1;
	s3 =	sadd.s32 s4, s19  }
0x9c: {  	s7 =	simm.s32 $0x0;
	s20 =	sshll.u32 s5, $0x1;
	s5 =	sadd.s32 s21, s3  }
0x9d: {  	[timem:s7], [sflag:s22] =	dma.local [hbm:s5], s20  }
0x9e: {  	_ =	swait.ge [sflag:s22], s20  }
0x9f: {  	s4 =	ssub.s32 $0x0, s20;
	[sflag:s22] =	ssyncset.done $0x0  }
0xa0: {  	[sflag:s22] =	ssyncadd.s32 s4;
	_ =	sdelay $0x1  }
0xa1: {  	s23 =	simm.s32 $0x1B8B  }
0xa2: {  	_ =	swait.ge [sflag:s23], $0x1  }
0xa3: {  	[sflag:s23] =	ssyncset.done $0x0  }
0xa4: {  	s25 =	simm.s32 $0x1B8E;
	s24 =	sld [smem:$0x3FFE];
	[sflag:s23] =	ssyncadd.s32 $0xFFFFFFFF  }
0xa5: {  	s26 =	simm.s32 $execute0_lowered;
	[smem:$0x3FD2] =	sst s25  }
0xa6: {  	s5 =	sshll.u32 s26, $0x1;
	_ =	strace $0x80000046;
	[dreg:$0x1] =	wrdreg $0xFFFFFFFF  }
0xa7: {  	s28 =	simm.s32 $_size_execute0_lowered;
	s3 =	sadd.s32 s3, s5;
	[dreg:$0x0] =	wrdreg $0x0  }
0xa8: {  	s5 =	sshll.u32 s28, $0x1;
	[dreg:$0x2] =	wrdreg s3  }
0xa9: {  	[dreg:$0x3] =	wrdreg s5  }
0xaa: {  	[dreg:$0x4] =	wrdreg $0xC0  }
0xab: {  	_ =	task [dreg:s7], $0x5FFFF  }
0xac: {  	[dreg:$0x1] =	wrdreg $0xFFFFFFFF  }
0xad: {  	[dreg:$0x0] =	wrdreg $0x60  }
0xae: {  	[dreg:$0x2] =	wrdreg s2  }
0xaf: {  	[dreg:$0x3] =	wrdreg s24  }
0xb0: {  	[dreg:$0x4] =	wrdreg $0x9  }
0xb1: {  	_ =	task.clear_ibuf [dreg:s7], $0x5FFFF;
	_ =	strace $0x90000046  }
0xb2: {  	s29 =	simm.s32 $0x9;
	_ =	strace $0x80000048  }
0xb3: {  	_ =	swait.ge [sflag:s29], $0x1  }
0xb4: {  	[sflag:s29] =	ssyncadd.s32 $0xFFFFFFFF  }
0xb5: {  	_ =	strace $0x90000048  }
0xb6: {  	_ =	sfence  }
0xb7: {  	s30 =	sld [smem:$0x0];
	_ =	sdelay $0x2  }
0xb8: {  	s31 =	sshll.u32 s1, $0xD;
	s1 =	sshrl.u32 s1, $0x2  }
0xb9: {  	s3 =	sand.u32 $0x4000, s31;
	s1 =	sadd.s32 s1, s30  }
0xba: {  	s0 =	sor.u32 s3, s0;
	s1 =	sshll.u32 s1, $0x11  }
0xbb: {  	s0 =	sor.u32 s1, s0  }
0xbc: {  	s0 =	sadd.s32 $0x8F2B, s0  }
0xbd: {  	[sflag:s0] =	ssyncadd.remote.s32 $0x1  }
0xbe: {  	_ =	sfence.sel $0xFFFF  }
0xbf: {  	[dreg:$0x0] =	wrdreg $0xFFFFFFFF;
	(pc) =	sbr.abs _section_cstart, $3  }
0xc0: {  	[dreg:$0x1] =	wrdreg $0xFFFFFFFF  }
0xc1: {  	_ =	task.clear_ibuf [dreg:s7], $0x2FFFF;
	_ =	strace $0x9FFFFFFF  }
0xc2: {  	(tm) =	ssettm $0x7FFFFFFF  }
0xc3: {  	_ =	shalt  }
tec
execute0_lowered:
.L_overlay_start_1:
0x0: {  	(tag) =	ssettag $0x1  }
0x1: {  	s0 =	rddreg [dreg:$0x1];
	s5 =	simm.s32 $0x0  }
0x2: {  	[smem:$0x7FF] =	sst s5;
	s1 =	sadd.s32 $0xE00, s0  }
0x3: {  	s2 =	sadd.s32 $0x12E00, s0;
	_ =	strace $0x80000047;
	[dreg:$0x3] =	wrdreg s1  }
0x4: {  	s24 =	srdreg.scid;
	s3 =	sadd.s32 $0x24E00, s0;
	[dreg:$0x4] =	wrdreg s2  }
0x5: {  	s4 =	stileid.u32;
	v0 =	vimm.f32 $0.0e+00;
	vm0 =	vcmask $0x300;
	s26 =	sadd.s32 $0x36E00, s0;
	[dreg:$0x5] =	wrdreg s3  }
0x6: {  	vm9 =	vcmask $0x704;
	s25 =	smul.u32 $0x1B000, s4;
	v1 =	vsel vm0, $0xC0800000, v0;
	s6 =	sadd.s32 $0x48E00, s0;
	[dreg:$0x6] =	wrdreg s26  }
0x7: {  	vm10 =	vcmask $0xB08;
	s4 =	sshll.u32 s4, $0x3;
	s1 =	sand.u32 $0x1, s24;
	[dreg:$0x8] =	wrdreg s6;
	v1 =	vsel vm9, $0xC0400000, v1  }
0x8: {  	vm11 =	vcmask $0xF0C;
	s30 =	sadd.s32 $0xFFFFFFF6, s4;
	s28 =	sshll.u32 s1, $0x7;
	s1 =	ssub.s32 $0x2, s1;
	v1 =	vsel vm10, $0xC0000000, v1  }
.Ltmp0:
0x9: {  	vm12 =	vcmask $0x1714;
	s2 =	sor.u32 s28, s25;
	s29 =	sshrl.u32 s1, $0x1;
	v1 =	vsel vm11, $0xBF800000, v1;
	(pc) =	sbr.rel .LBB2_1-.Ltmp0, $4  }
0xa: {  	vm13 =	vcmask $0x1B18;
	[dreg:$0x9] =	wrdreg s30;
	s2 =	sshrl.u32 s2, $0x3;
	s1 =	ssub.s32 s1, s29;
	v1 =	vsel vm12, $0x3F800000, v1  }
0xb: {  	vm14 =	vcmask $0x1F1C;
	[dreg:$0x7] =	wrdreg s28;
	s0 =	sadd.s32 s2, s0;
	s31 =	smax.u32 s1, $0x1;
	v1 =	vsel vm13, $0x40000000, v1  }
0xc: {  	vm15 =	vcmask $0x2320;
	vm1 =	vcmask $0x2300;
	s0 =	sadd.s32 $0x49000, s0;
	[dreg:$0xb] =	wrdreg s31;
	v1 =	vsel vm14, $0x40400000, v1  }
0xd: {  	v2 =	vlaneseq.u32;
	v3 =	vsel vm1, $0x3F800000, v0;
	s2 =	simm.s32 $0x1;
	s1 =	simm.s32 $0x0;
	[dreg:$0xa] =	wrdreg s0;
	v1 =	vsel vm15, $0x40800000, v1  }
.LBB2_32:
0xe: {  	s5 =	simm.s32 $0x0  }
0xf: {  	s0 =	rddreg [dreg:$0xa];
	s1 =	simm.s32 $0x80;
	s2 =	simm.s32 $0x100  }
0x10: {  	[hbm4b:s0+s1] =	stream.strided.scatter [tilespmem:s5], [sflag:$0x1], $0xD800, s2, s1, $0x38;
	[tilespmem:$0x11480] =	vst v63  }
0x11: {  	s2 =	simm.s32 $0x1  }
0x12: {  	_ =	swait.ge [sflag:s2], $0xD800  }
0x13: {  	s30 =	rddreg [dreg:$0xc]  }
0x14: {  	s31 =	rddreg [dreg:$0xb];
	s1 =	sadd.s32 $0x1, s30  }
0x15: {  	p0 =	sne.s32 s1, s31  }
.Ltmp1:
0x16: {  	_ = 	snop;
	(pc) =	sbr.rel @!p0 .LBB2_33-.Ltmp1, $3  }
0x17: {  	_ =	sdelay $0x1  }
0x18: {  	[sflag:s2] =	ssyncset.done $0x0  }
0x19: {  	[sflag:s2] =	ssyncadd.s32 $0xFFFF2800  }
.LBB2_1:
0x1a: {  	[dreg:$0xc] =	wrdreg s1  }
0x1b: {  	s0 =	rddreg [dreg:$0x8];
	s31 =	simm.s32 $0x11400  }
0x1c: {  	[tilespmem:s31], [sflag:$0x1] =	stream.linear.gather [hbm4b:s0+s5], $0x80, $0x38;
	[tilespmem:$0x11480] =	vst v63  }
0x1d: {  	_ =	swait.ge [sflag:s2], $0x80  }
0x1e: {  	[sflag:s2] =	ssyncset.done $0x0  }
0x1f: {  	[sflag:s2] =	ssyncadd.s32 $0xFFFFFF80  }
0x20: {  	s1 =	simm.s32 $0x0;
	s0 =	simm.s32 $0x40;
	v4 =	vld [tilespmem:$0x11400]  }
.LBB2_2:
0x21: {  	p0 =	sne.s32 s0, $0x35FC0;
	[tilespmem:s1+$0x0] =	vst v0;
	s1 =	smov.u32 s0;
	s0 =	sadd.s32 $0x40, s0  }
.Ltmp2:
0x22: {  	(pc) =	sbr.rel @p0 .LBB2_2-.Ltmp2, $2  }
0x23: {  	_ =	sdelay $0x2  }
0x24: {  	s1 =	sshra.s32 s1, $0x2  }
0x25: {  	(v2sf) =	vpush v4, $0x1;
	_ =	sdelay $0xb  }
.Ltmp3:
0x26: {  	_ = 	snop;
	(pc) =	sbr.rel .LBB2_4-.Ltmp3, $3  }
0x27: {  	_ =	sdelay $0x1  }
0x28: {  	s0 =	spop (v2sf)  }
0x29: {  	[tilespmem:s1+$0x0] =	vst v0;
	v4 =	vbroadcast v4, $0x0;
	s1 =	simm.s32 $0x0;
	[dreg:$0xd] =	wrdreg s0  }
.LBB2_31:
0x2a: {  	s1 =	rddreg [dreg:$0xe]  }
0x2b: {  	s1 =	sadd.s32 $0x1, s1  }
0x2c: {  	p0 =	sne.s32 s1, $0x10  }
.Ltmp4:
0x2d: {  	_ = 	snop;
	(pc) =	sbr.rel @!p0 .LBB2_32-.Ltmp4, $1  }
0x2e: {  	_ =	sdelay $0x3  }
.LBB2_4:
0x2f: {  	s0 =	rddreg [dreg:$0x9]  }
0x30: {  	s0 =	sadd.s32 s1, s0  }
0x31: {  	p0 =	sgt.u32 s0, $0x5F  }
.Ltmp5:
0x32: {  	_ = 	snop;
	(pc) =	sbr.rel @p0 .LBB2_31-.Ltmp5, $2  }
0x33: {  	_ =	sdelay $0x2  }
0x34: {  	[dreg:$0xe] =	wrdreg s1  }
0x35: {  	s0 =	smul.u32 $0x1800, s0  }
0x36: {  	s1 =	rddreg [dreg:$0x7]  }
0x37: {  	s6 =	rddreg [dreg:$0x0];
	s0 =	sor.u32 s1, s0  }
0x38: {  	s3 =	simm.s32 $0x80;
	s4 =	simm.s32 $0x100;
	s0 =	sshrl.u32 s0, $0x3  }
0x39: {  	s2 =	simm.s32 $0xD800;
	s7 =	simm.s32 $0x1;
	s1 =	sadd.s32 s6, s0  }
0x3a: {  	[tilespmem:s2], [sflag:$0x1] =	stream.strided.gather [hbm4b:s1+s3], $0xC00, s4, s3, $0x38;
	[tilespmem:$0x11480] =	vst v63  }
0x3b: {  	_ =	swait.ge [sflag:s7], $0xC00  }
0x3c: {  	[sflag:s7] =	ssyncset.done $0x0;
	s8 =	rddreg [dreg:$0x3]  }
0x3d: {  	s5 =	simm.s32 $0xE400;
	[sflag:s7] =	ssyncadd.s32 $0xFFFFF400;
	s1 =	sadd.s32 s8, s0  }
0x3e: {  	[tilespmem:s5], [sflag:$0x1] =	stream.strided.gather [hbm4b:s1+s3], $0xC00, s4, s3, $0x38;
	[tilespmem:$0x11480] =	vst v63  }
0x3f: {  	_ =	swait.ge [sflag:s7], $0xC00  }
0x40: {  	[sflag:s7] =	ssyncset.done $0x0;
	s9 =	rddreg [dreg:$0x4]  }
0x41: {  	s10 =	simm.s32 $0xF000;
	[sflag:s7] =	ssyncadd.s32 $0xFFFFF400;
	s1 =	sadd.s32 s9, s0  }
0x42: {  	[tilespmem:s10], [sflag:$0x1] =	stream.strided.gather [hbm4b:s1+s3], $0xC00, s4, s3, $0x38;
	[tilespmem:$0x11480] =	vst v63  }
0x43: {  	_ =	swait.ge [sflag:s7], $0xC00  }
0x44: {  	[sflag:s7] =	ssyncset.done $0x0;
	s11 =	rddreg [dreg:$0x5]  }
0x45: {  	s12 =	simm.s32 $0xFC00;
	[sflag:s7] =	ssyncadd.s32 $0xFFFFF400;
	s1 =	sadd.s32 s11, s0  }
0x46: {  	[tilespmem:s12], [sflag:$0x1] =	stream.strided.gather [hbm4b:s1+s3], $0xC00, s4, s3, $0x38;
	[tilespmem:$0x11480] =	vst v63  }
0x47: {  	_ =	swait.ge [sflag:s7], $0xC00  }
0x48: {  	[sflag:s7] =	ssyncset.done $0x0;
	s13 =	rddreg [dreg:$0x6]  }
0x49: {  	s14 =	simm.s32 $0x10800;
	[sflag:s7] =	ssyncadd.s32 $0xFFFFF400;
	s0 =	sadd.s32 s13, s0  }
0x4a: {  	[tilespmem:s14], [sflag:$0x1] =	stream.strided.gather [hbm4b:s0+s3], $0xC00, s4, s3, $0x38;
	[tilespmem:$0x11480] =	vst v63  }
0x4b: {  	_ =	swait.ge [sflag:s7], $0xC00  }
0x4c: {  	s15 =	rddreg [dreg:$0xe];
	[sflag:s7] =	ssyncset.done $0x0  }
0x4d: {  	s6 =	smul.u32 $0x6C, s15;
	[sflag:s7] =	ssyncadd.s32 $0xFFFFF400  }
0x4e: {  	s16 =	sadd.s32 $0xFFFFFFF8, s15;
	s18 =	sadd.s32 $0xFFFFFFF9, s15;
	s20 =	sadd.s32 $0xFFFFFFFA, s15  }
0x4f: {  	s22 =	sadd.s32 $0xFFFFFFFB, s15;
	s24 =	sadd.s32 $0xFFFFFFFC, s15;
	s25 =	sadd.s32 $0xFFFFFFFD, s15  }
0x50: {  	s28 =	sadd.s32 $0xFFFFFFFE, s15;
	s30 =	sadd.s32 $0xFFFFFFFF, s15;
	p1 =	sgt.u32 s15, $0x7  }
0x51: {  	p0 =	sgt.u32 s16, $0x7;
	s17 =	sadd.s32 $0xFFFFFCA0, s6;
	[dreg:$0xf] =	wrdreg s6  }
0x52: {  	p4 =	sgt.u32 s24, $0x7;
	s19 =	sadd.s32 $0xFFFFFD0C, s6;
	[dreg:$0x10] =	wrdreg s17  }
0x53: {  	s21 =	sadd.s32 $0xFFFFFD78, s6;
	s23 =	sadd.s32 $0xFFFFFDE4, s6;
	[dreg:$0x11] =	wrdreg s19  }
0x54: {  	s7 =	sadd.s32 $0xFFFFFE50, s6;
	s0 =	simm.s32 @!p0 $0x0;
	[dreg:$0x12] =	wrdreg s21  }
0x55: {  	s26 =	sadd.s32 $0xFFFFFEBC, s6;
	s29 =	sadd.s32 $0xFFFFFF28, s6;
	[dreg:$0x13] =	wrdreg s23  }
0x56: {  	[dreg:$0x14] =	wrdreg s7;
	s0 =	simm.s32 @p0 $0x1;
	p0 =	sgt.u32 s18, $0x7  }
0x57: {  	s31 =	sadd.s32 $0xFFFFFF94, s6;
	[dreg:$0x15] =	wrdreg s26;
	s1 =	simm.s32 @!p0 $0x0  }
0x58: {  	[dreg:$0x16] =	wrdreg s29;
	s1 =	simm.s32 @p0 $0x1;
	p0 =	sgt.u32 s20, $0x7  }
.Ltmp6:
0x59: {  	[smem:$0x7FB] =	sst s1;
	s1 =	simm.s32 @!p0 $0x0;
	(pc) =	sbr.rel .LBB2_6-.Ltmp6, $4  }
0x5a: {  	[dreg:$0x17] =	wrdreg s31;
	s1 =	simm.s32 @p0 $0x1;
	p0 =	sgt.u32 s22, $0x7  }
0x5b: {  	p5 =	sgt.u32 s25, $0x7;
	[smem:$0x7FA] =	sst s0;
	s2 =	simm.s32 @!p0 $0x0  }
0x5c: {  	p6 =	sgt.u32 s28, $0x7;
	[smem:$0x7FC] =	sst s1;
	s2 =	simm.s32 @p0 $0x1  }
0x5d: {  	s0 =	simm.s32 $0x0;
	p0 =	sgt.u32 s30, $0x7;
	[smem:$0x7FD] =	sst s2  }
.LBB2_30:
0x5e: {  	s0 =	rddreg [dreg:$0x18]  }
0x5f: {  	s0 =	sadd.s32 $0x1, s0  }
0x60: {  	p2 =	sne.s32 s0, $0xC  }
.Ltmp7:
0x61: {  	_ = 	snop;
	(pc) =	sbr.rel @!p2 .LBB2_31-.Ltmp7, $1  }
0x62: {  	_ =	sdelay $0x3  }
.LBB2_6:
0x63: {  	s15 =	sshll.u32 s0, $0x8  }
0x64: {  	v5 =	vld [tilespmem:s15+$0xD800]  }
0x65: {  	v6 =	vld [tilespmem:s15+$0xD810];
	_ =	sdelay $0x1  }
0x66: {  	v7 =	vld [tilespmem:s15+$0xD820];
	_ =	sdelay $0x1  }
0x67: {  	v8 =	vld [tilespmem:s15+$0xD830]  }
0x68: {  	v5 =	vadd.f32 v6, v5  }
0x69: {  	v6 =	vld [tilespmem:s15+$0xD840]  }
0x6a: {  	v5 =	vadd.f32 v7, v5  }
0x6b: {  	v7 =	vld [tilespmem:s15+$0xD850]  }
0x6c: {  	v5 =	vadd.f32 v8, v5  }
0x6d: {  	v60 =	vld [tilespmem:s15+$0xD860]  }
0x6e: {  	v5 =	vadd.f32 v6, v5  }
0x6f: {  	v6 =	vld [tilespmem:s15+$0xD870]  }
0x70: {  	v5 =	vadd.f32 v7, v5  }
0x71: {  	v7 =	vld [tilespmem:s15+$0xD880]  }
0x72: {  	v5 =	vadd.f32 v60, v5  }
0x73: {  	v61 =	vld [tilespmem:s15+$0xD890]  }
0x74: {  	v5 =	vadd.f32 v6, v5  }
0x75: {  	v6 =	vld [tilespmem:s15+$0xD8A0]  }
0x76: {  	v5 =	vadd.f32 v7, v5  }
0x77: {  	v7 =	vld [tilespmem:s15+$0xD8B0]  }
0x78: {  	v5 =	vadd.f32 v61, v5  }
0x79: {  	v62 =	vld [tilespmem:s15+$0xD8C0]  }
0x7a: {  	v5 =	vadd.f32 v6, v5  }
0x7b: {  	v6 =	vld [tilespmem:s15+$0xD8D0]  }
0x7c: {  	v5 =	vadd.f32 v7, v5  }
0x7d: {  	v7 =	vld [tilespmem:s15+$0xD8E0]  }
0x7e: {  	v5 =	vadd.f32 v62, v5  }
0x7f: {  	v63 =	vld [tilespmem:s15+$0xD8F0]  }
0x80: {  	v5 =	vadd.f32 v6, v5;
	_ =	sdelay $0x1  }
0x81: {  	v5 =	vadd.f32 v7, v5;
	_ =	sdelay $0x1  }
0x82: {  	v5 =	vadd.f32 v63, v5;
	_ =	sdelay $0x1  }
0x83: {  	(v2sf) =	vpush v5, $0x0  }
0x84: {  	(v2sf) =	vpush v5, $0x1;
	_ =	sdelay $0x1  }
0x85: {  	(v2sf) =	vpush v5, $0x2;
	_ =	sdelay $0x1  }
0x86: {  	(v2sf) =	vpush v5, $0x3;
	_ =	sdelay $0x1  }
0x87: {  	(v2sf) =	vpush v5, $0x4;
	_ =	sdelay $0x1  }
0x88: {  	(v2sf) =	vpush v5, $0x5;
	_ =	sdelay $0x1  }
0x89: {  	(v2sf) =	vpush v5, $0x6;
	_ =	sdelay $0x1  }
0x8a: {  	(v2sf) =	vpush v5, $0x7;
	_ =	sdelay $0x1  }
0x8b: {  	s16 =	spop (v2sf);
	(v2sf) =	vpush v5, $0x8  }
0x8c: {  	[dreg:$0x18] =	wrdreg s0;
	s1 =	spop (v2sf)  }
0x8d: {  	(v2sf) =	vpush v5, $0x9;
	s0 =	sadd.f32 s1, s16  }
0x8e: {  	s17 =	spop (v2sf)  }
0x8f: {  	(v2sf) =	vpush v5, $0xA;
	s0 =	sadd.f32 s0, s17  }
0x90: {  	s18 =	spop (v2sf)  }
0x91: {  	(v2sf) =	vpush v5, $0xB;
	s0 =	sadd.f32 s0, s18  }
0x92: {  	s19 =	spop (v2sf)  }
0x93: {  	(v2sf) =	vpush v5, $0xC;
	s0 =	sadd.f32 s0, s19  }
0x94: {  	s20 =	spop (v2sf)  }
0x95: {  	(v2sf) =	vpush v5, $0xD;
	s0 =	sadd.f32 s0, s20  }
0x96: {  	s21 =	spop (v2sf)  }
0x97: {  	(v2sf) =	vpush v5, $0xE;
	s0 =	sadd.f32 s0, s21  }
0x98: {  	s22 =	spop (v2sf)  }
0x99: {  	(v2sf) =	vpush v5, $0xF;
	s0 =	sadd.f32 s0, s22  }
0x9a: {  	s23 =	spop (v2sf)  }
0x9b: {  	s0 =	sadd.f32 s0, s23  }
0x9c: {  	s24 =	spop (v2sf)  }
0x9d: {  	s0 =	sadd.f32 s0, s24  }
0x9e: {  	s25 =	spop (v2sf)  }
0x9f: {  	s0 =	sadd.f32 s0, s25  }
0xa0: {  	s26 =	spop (v2sf)  }
0xa1: {  	s0 =	sadd.f32 s0, s26  }
0xa2: {  	s28 =	spop (v2sf)  }
0xa3: {  	s0 =	sadd.f32 s0, s28  }
0xa4: {  	s29 =	spop (v2sf)  }
0xa5: {  	s0 =	sadd.f32 s0, s29  }
0xa6: {  	s30 =	spop (v2sf)  }
0xa7: {  	s0 =	sadd.f32 s0, s30  }
0xa8: {  	s31 =	spop (v2sf)  }
0xa9: {  	s0 =	sadd.f32 s0, s31;
	_ =	sdelay $0x1  }
0xaa: {  	p3 =	sgt.f32 s0, $0.0e+00  }
.Ltmp8:
0xab: {  	_ = 	snop;
	(pc) =	sbr.rel @!p3 .LBB2_30-.Ltmp8, $4  }
.Ltmp9:
0xac: {  	p2 =	por $0x0, $0x0;
	(pc) =	sbr.rel @p3 .LBB2_7-.Ltmp9, $4  }
0xad: {  	s0 =	simm.s32 @!p2 $0x0  }
0xae: {  	[dreg:$0x19] =	wrdreg s15;
	s0 =	simm.s32 @p2 $0x1  }
0xaf: {  	[smem:$0x7F9] =	sst s0;
	s0 =	simm.s32 $0x0  }
0xb0: {  	_ = 	snop  }
.LBB2_29:
0xb1: {  	s0 =	rddreg [dreg:$0x1a]  }
0xb2: {  	s1 =	sld [smem:$0x7F9]  }
0xb3: {  	s0 =	sadd.s32 $0x1, s0  }
0xb4: {  	p2 =	sne.s32 s0, $0x10  }
.Ltmp10:
0xb5: {  	p3 =	seq.s32 s1, $0x1;
	(pc) =	sbr.rel @!p2 .LBB2_30-.Ltmp10, $4  }
0xb6: {  	p3 =	por !p3, !p3  }
0xb7: {  	s1 =	simm.s32 @!p3 $0x0  }
0xb8: {  	s1 =	simm.s32 @p3 $0x1  }
0xb9: {  	[smem:$0x7F9] =	sst s1  }
.LBB2_7:
0xba: {  	s15 =	sshll.u32 s0, $0x4;
	s1 =	rddreg [dreg:$0x19]  }
0xbb: {  	[dreg:$0x1a] =	wrdreg s0;
	s0 =	sor.u32 s1, s15  }
0xbc: {  	v5 =	vld [tilespmem:s0+$0xD800];
	_ =	sdelay $0x4  }
0xbd: {  	(v2sf) =	vpush v5, $0x0  }
0xbe: {  	(v2sf) =	vpush v5, $0x1;
	_ =	sdelay $0x1  }
0xbf: {  	(v2sf) =	vpush v5, $0x2;
	_ =	sdelay $0x1  }
0xc0: {  	(v2sf) =	vpush v5, $0x3;
	_ =	sdelay $0x1  }
0xc1: {  	(v2sf) =	vpush v5, $0x4;
	_ =	sdelay $0x1  }
0xc2: {  	(v2sf) =	vpush v5, $0x5;
	_ =	sdelay $0x1  }
0xc3: {  	(v2sf) =	vpush v5, $0x6;
	_ =	sdelay $0x1  }
0xc4: {  	(v2sf) =	vpush v5, $0x7;
	_ =	sdelay $0x1  }
0xc5: {  	s16 =	spop (v2sf);
	(v2sf) =	vpush v5, $0x8  }
0xc6: {  	s2 =	spop (v2sf)  }
0xc7: {  	(v2sf) =	vpush v5, $0x9;
	s1 =	sadd.f32 s2, s16  }
0xc8: {  	s17 =	spop (v2sf)  }
0xc9: {  	(v2sf) =	vpush v5, $0xA;
	s1 =	sadd.f32 s1, s17  }
0xca: {  	s18 =	spop (v2sf)  }
0xcb: {  	(v2sf) =	vpush v5, $0xB;
	s1 =	sadd.f32 s1, s18  }
0xcc: {  	s19 =	spop (v2sf)  }
0xcd: {  	(v2sf) =	vpush v5, $0xC;
	s1 =	sadd.f32 s1, s19  }
0xce: {  	s20 =	spop (v2sf)  }
0xcf: {  	(v2sf) =	vpush v5, $0xD;
	s1 =	sadd.f32 s1, s20  }
0xd0: {  	s21 =	spop (v2sf)  }
0xd1: {  	(v2sf) =	vpush v5, $0xE;
	s1 =	sadd.f32 s1, s21  }
0xd2: {  	s22 =	spop (v2sf)  }
0xd3: {  	(v2sf) =	vpush v5, $0xF;
	s1 =	sadd.f32 s1, s22  }
0xd4: {  	s23 =	spop (v2sf)  }
0xd5: {  	s1 =	sadd.f32 s1, s23  }
0xd6: {  	s24 =	spop (v2sf)  }
0xd7: {  	s1 =	sadd.f32 s1, s24  }
0xd8: {  	s25 =	spop (v2sf)  }
0xd9: {  	s1 =	sadd.f32 s1, s25  }
0xda: {  	s26 =	spop (v2sf)  }
0xdb: {  	s1 =	sadd.f32 s1, s26  }
0xdc: {  	s28 =	spop (v2sf)  }
0xdd: {  	s1 =	sadd.f32 s1, s28  }
0xde: {  	s29 =	spop (v2sf)  }
0xdf: {  	s1 =	sadd.f32 s1, s29  }
0xe0: {  	s30 =	spop (v2sf)  }
0xe1: {  	s1 =	sadd.f32 s1, s30  }
0xe2: {  	s31 =	spop (v2sf)  }
0xe3: {  	s1 =	sadd.f32 s1, s31;
	_ =	sdelay $0x1  }
0xe4: {  	p2 =	sgt.f32 s1, $0.0e+00  }
.Ltmp11:
0xe5: {  	_ = 	snop;
	(pc) =	sbr.rel @!p2 .LBB2_29-.Ltmp11, $1  }
0xe6: {  	_ =	sdelay $0x3  }
0xe7: {  	s2 =	sld [smem:$0x7F9]  }
0xe8: {  	s17 =	rddreg [dreg:$0x10]  }
0xe9: {  	s18 =	rddreg [dreg:$0x11]  }
0xea: {  	s3 =	rddreg [dreg:$0x12]  }
0xeb: {  	s20 =	rddreg [dreg:$0x13]  }
0xec: {  	s22 =	rddreg [dreg:$0x14]  }
0xed: {  	s4 =	rddreg [dreg:$0x15]  }
0xee: {  	s25 =	rddreg [dreg:$0x16]  }
0xef: {  	s1 =	simm.s32 $0x1;
	s16 =	sshrl.u32 s0, $0x5;
	s28 =	rddreg [dreg:$0x17]  }
0xf0: {  	s29 =	rddreg [dreg:$0xf];
	s3 =	sadd.s32 s3, s16;
	s4 =	sadd.s32 s4, s16  }
0xf1: {  	s19 =	sshll.u32 s3, $0x6;
	s3 =	sadd.s32 s20, s16;
	s24 =	sshll.u32 s4, $0x6  }
0xf2: {  	p2 =	seq.s32 s2, $0x1;
	[dreg:$0x1f] =	wrdreg s19;
	s21 =	sshll.u32 s3, $0x6  }
0xf3: {  	s3 =	sadd.s32 s22, s16;
	[smem:$0x7F5] =	sst s24;
	s2 =	sadd.s32 s29, s16  }
0xf4: {  	s1 =	simm.s32 @!p2 $0x0;
	[smem:$0x7F3] =	sst s21;
	s23 =	sshll.u32 s3, $0x6  }
0xf5: {  	s3 =	sadd.s32 s25, s16;
	s31 =	sshll.u32 s2, $0x6;
	[smem:$0x7F4] =	sst s23  }
0xf6: {  	s1 =	sshll.u32 s1, $0x4;
	s26 =	sshll.u32 s3, $0x6;
	[smem:$0x7F8] =	sst s31  }
.Ltmp12:
0xf7: {  	s8 =	ssub.s32 $0x0, s1;
	s1 =	sadd.s32 s17, s16;
	(pc) =	sbr.rel .LBB2_9-.Ltmp12, $4  }
0xf8: {  	v6 =	vld [tilespmem:s0+$0xE400];
	s3 =	sadd.s32 s28, s16;
	[smem:$0x7F6] =	sst s26;
	s1 =	sshll.u32 s1, $0x6  }
0xf9: {  	v7 =	vld [tilespmem:s0+$0xF000];
	s30 =	sshll.u32 s3, $0x6;
	[dreg:$0x1d] =	wrdreg s1;
	s1 =	sadd.s32 s18, s16  }
0xfa: {  	v8 =	vld [tilespmem:s0+$0xFC00];
	[smem:$0x7F7] =	sst s30;
	s1 =	sshll.u32 s1, $0x6  }
0xfb: {  	v9 =	vld [tilespmem:s0+$0x10800];
	s3 =	simm.s32 $0x0;
	[dreg:$0x1e] =	wrdreg s1  }
.LBB2_28:
0xfc: {  	s3 =	sadd.s32 $0x1, s3  }
0xfd: {  	p2 =	sne.s32 s3, $0x10  }
.Ltmp13:
0xfe: {  	_ = 	snop;
	(pc) =	sbr.rel @!p2 .LBB2_29-.Ltmp13, $2  }
0xff: {  	_ =	sdelay $0x2  }
0x100: {  	s8 =	sadd.s32 $0xFFFFFFFF, s8  }
.LBB2_9:
0x101: {  	v10 =	vmov s3  }
0x102: {  	vm0 =	veq.s32 v10, v2  }
0x103: {  	v10 =	vsel vm0, $0x3F800000, v0  }
0x104: {  	v11 =	vmul.f32 v10, v5;
	_ =	sdelay $0x1  }
0x105: {  	(v2sf) =	vpush v11, $0x0  }
0x106: {  	(v2sf) =	vpush v11, $0x1;
	_ =	sdelay $0x1  }
0x107: {  	(v2sf) =	vpush v11, $0x2;
	_ =	sdelay $0x1  }
0x108: {  	(v2sf) =	vpush v11, $0x3;
	_ =	sdelay $0x1  }
0x109: {  	(v2sf) =	vpush v11, $0x4;
	_ =	sdelay $0x1  }
0x10a: {  	(v2sf) =	vpush v11, $0x5;
	_ =	sdelay $0x1  }
0x10b: {  	(v2sf) =	vpush v11, $0x6;
	_ =	sdelay $0x1  }
0x10c: {  	(v2sf) =	vpush v11, $0x7;
	_ =	sdelay $0x1  }
0x10d: {  	s0 =	spop (v2sf);
	(v2sf) =	vpush v11, $0x8  }
0x10e: {  	s2 =	spop (v2sf)  }
0x10f: {  	(v2sf) =	vpush v11, $0x9;
	s0 =	sadd.f32 s2, s0  }
0x110: {  	s17 =	spop (v2sf)  }
0x111: {  	(v2sf) =	vpush v11, $0xA;
	s0 =	sadd.f32 s0, s17  }
0x112: {  	s18 =	spop (v2sf)  }
0x113: {  	(v2sf) =	vpush v11, $0xB;
	s0 =	sadd.f32 s0, s18  }
0x114: {  	s19 =	spop (v2sf)  }
0x115: {  	(v2sf) =	vpush v11, $0xC;
	s0 =	sadd.f32 s0, s19  }
0x116: {  	s20 =	spop (v2sf)  }
0x117: {  	(v2sf) =	vpush v11, $0xD;
	s0 =	sadd.f32 s0, s20  }
0x118: {  	s21 =	spop (v2sf)  }
0x119: {  	(v2sf) =	vpush v11, $0xE;
	s0 =	sadd.f32 s0, s21  }
0x11a: {  	s22 =	spop (v2sf)  }
0x11b: {  	(v2sf) =	vpush v11, $0xF;
	s0 =	sadd.f32 s0, s22  }
0x11c: {  	s23 =	spop (v2sf)  }
0x11d: {  	s0 =	sadd.f32 s0, s23  }
0x11e: {  	s24 =	spop (v2sf)  }
0x11f: {  	s0 =	sadd.f32 s0, s24  }
0x120: {  	s25 =	spop (v2sf)  }
0x121: {  	s0 =	sadd.f32 s0, s25  }
0x122: {  	s26 =	spop (v2sf)  }
0x123: {  	s0 =	sadd.f32 s0, s26  }
0x124: {  	s28 =	spop (v2sf)  }
0x125: {  	s0 =	sadd.f32 s0, s28  }
0x126: {  	s29 =	spop (v2sf)  }
0x127: {  	s0 =	sadd.f32 s0, s29  }
0x128: {  	s30 =	spop (v2sf)  }
0x129: {  	s0 =	sadd.f32 s0, s30  }
0x12a: {  	s31 =	spop (v2sf)  }
0x12b: {  	s0 =	sadd.f32 s0, s31;
	_ =	sdelay $0x1  }
0x12c: {  	p2 =	sgt.f32 s0, $0.0e+00  }
.Ltmp14:
0x12d: {  	_ = 	snop;
	(pc) =	sbr.rel @!p2 .LBB2_28-.Ltmp14, $1  }
0x12e: {  	_ =	sdelay $0x3  }
0x12f: {  	v11 =	vmul.f32 v10, v6;
	_ =	sdelay $0x1  }
0x130: {  	(v2sf) =	vpush v11, $0x0  }
0x131: {  	(v2sf) =	vpush v11, $0x1  }
0x132: {  	(v2sf) =	vpush v11, $0x2  }
0x133: {  	(v2sf) =	vpush v11, $0x3  }
0x134: {  	(v2sf) =	vpush v11, $0x4  }
0x135: {  	(v2sf) =	vpush v11, $0x5  }
0x136: {  	(v2sf) =	vpush v11, $0x6  }
0x137: {  	(v2sf) =	vpush v11, $0x7  }
0x138: {  	(v2sf) =	vpush v11, $0x8  }
0x139: {  	(v2sf) =	vpush v11, $0x9  }
0x13a: {  	(v2sf) =	vpush v11, $0xA  }
0x13b: {  	(v2sf) =	vpush v11, $0xB  }
0x13c: {  	(v2sf) =	vpush v11, $0xC  }
0x13d: {  	(v2sf) =	vpush v11, $0xD  }
0x13e: {  	v12 =	vmul.f32 v10, v7;
	(v2sf) =	vpush v11, $0xE  }
0x13f: {  	s0 =	spop (v2sf);
	(v2sf) =	vpush v11, $0xF  }
0x140: {  	s2 =	spop (v2sf);
	(v2sf) =	vpush v12, $0x0  }
0x141: {  	s30 =	spop (v2sf);
	(v2sf) =	vpush v12, $0x1  }
0x142: {  	s7 =	spop (v2sf);
	(v2sf) =	vpush v12, $0x2  }
0x143: {  	s31 =	spop (v2sf);
	(v2sf) =	vpush v12, $0x3  }
0x144: {  	s1 =	spop (v2sf);
	(v2sf) =	vpush v12, $0x4  }
0x145: {  	s4 =	spop (v2sf);
	(v2sf) =	vpush v12, $0x5  }
0x146: {  	s0 =	sadd.f32 s2, s0;
	s9 =	spop (v2sf);
	(v2sf) =	vpush v12, $0x6  }
0x147: {  	s5 =	spop (v2sf);
	(v2sf) =	vpush v12, $0x7  }
0x148: {  	s0 =	sadd.f32 s0, s30;
	s10 =	spop (v2sf);
	(v2sf) =	vpush v12, $0x8  }
0x149: {  	s6 =	spop (v2sf);
	(v2sf) =	vpush v12, $0x9  }
0x14a: {  	s0 =	sadd.f32 s0, s7;
	s11 =	spop (v2sf);
	(v2sf) =	vpush v12, $0xA  }
0x14b: {  	s12 =	spop (v2sf);
	(v2sf) =	vpush v12, $0xB  }
0x14c: {  	s0 =	sadd.f32 s0, s31;
	s13 =	spop (v2sf);
	(v2sf) =	vpush v12, $0xC  }
0x14d: {  	s17 =	spop (v2sf);
	(v2sf) =	vpush v12, $0xD  }
0x14e: {  	v11 =	vmul.f32 v10, v8;
	s0 =	sadd.f32 s0, s1;
	s14 =	spop (v2sf);
	(v2sf) =	vpush v12, $0xE  }
0x14f: {  	s18 =	spop (v2sf);
	(v2sf) =	vpush v12, $0xF  }
0x150: {  	s0 =	sadd.f32 s0, s4;
	s15 =	spop (v2sf);
	(v2sf) =	vpush v11, $0x0  }
0x151: {  	s19 =	spop (v2sf);
	(v2sf) =	vpush v11, $0x1  }
0x152: {  	s0 =	sadd.f32 s0, s9;
	s16 =	spop (v2sf)  }
0x153: {  	s20 =	spop (v2sf);
	(v2sf) =	vpush v11, $0x2  }
0x154: {  	s0 =	sadd.f32 s0, s5;
	s23 =	spop (v2sf)  }
0x155: {  	(v2sf) =	vpush v11, $0x3;
	s21 =	spop (v2sf)  }
0x156: {  	s0 =	sadd.f32 s0, s10;
	s24 =	spop (v2sf)  }
0x157: {  	s9 =	sadd.f32 s15, s18;
	(v2sf) =	vpush v11, $0x4;
	s22 =	spop (v2sf)  }
0x158: {  	s0 =	sadd.f32 s0, s6;
	s25 =	spop (v2sf)  }
0x159: {  	s7 =	sadd.f32 s9, s19;
	(v2sf) =	vpush v11, $0x5;
	s26 =	spop (v2sf)  }
0x15a: {  	s0 =	sadd.f32 s0, s11;
	s29 =	spop (v2sf)  }
0x15b: {  	s7 =	sadd.f32 s7, s16;
	s30 =	spop (v2sf);
	(v2sf) =	vpush v11, $0x6  }
0x15c: {  	s0 =	sadd.f32 s0, s12;
	s31 =	spop (v2sf)  }
0x15d: {  	s7 =	sadd.f32 s7, s20;
	(v2sf) =	vpush v11, $0x7;
	s1 =	spop (v2sf)  }
0x15e: {  	s0 =	sadd.f32 s0, s13;
	s4 =	spop (v2sf)  }
0x15f: {  	s7 =	sadd.f32 s7, s23;
	s5 =	spop (v2sf);
	(v2sf) =	vpush v11, $0x8  }
0x160: {  	s0 =	sadd.f32 s0, s17;
	s6 =	spop (v2sf)  }
0x161: {  	(v2sf) =	vpush v11, $0x9;
	s10 =	sadd.f32 s6, s5  }
0x162: {  	s2 =	sadd.f32 s7, s21;
	s12 =	spop (v2sf)  }
0x163: {  	(v2sf) =	vpush v11, $0xA;
	s10 =	sadd.f32 s10, s12  }
0x164: {  	s0 =	sadd.f32 s0, s14;
	s14 =	spop (v2sf)  }
0x165: {  	(v2sf) =	vpush v11, $0xB;
	s7 =	sadd.f32 s10, s14  }
0x166: {  	s2 =	sadd.f32 s2, s24;
	s17 =	spop (v2sf)  }
0x167: {  	(v2sf) =	vpush v11, $0xC;
	s7 =	sadd.f32 s7, s17  }
0x168: {  	s2 =	sadd.f32 s2, s22;
	s18 =	spop (v2sf)  }
0x169: {  	(v2sf) =	vpush v11, $0xD;
	s7 =	sadd.f32 s7, s18  }
0x16a: {  	s2 =	sadd.f32 s2, s25;
	s19 =	spop (v2sf)  }
0x16b: {  	(v2sf) =	vpush v11, $0xE;
	s7 =	sadd.f32 s7, s19  }
0x16c: {  	s2 =	sadd.f32 s2, s26;
	s20 =	spop (v2sf)  }
0x16d: {  	(v2sf) =	vpush v11, $0xF;
	s7 =	sadd.f32 s7, s20  }
0x16e: {  	s2 =	sadd.f32 s2, s29;
	s21 =	spop (v2sf)  }
0x16f: {  	v11 =	vmov s0;
	s7 =	sadd.f32 s7, s21  }
0x170: {  	s22 =	sadd.f32 s2, s30;
	v11 =	vsub.f32 v1, v11;
	s23 =	spop (v2sf)  }
0x171: {  	s2 =	sadd.f32 s7, s23  }
0x172: {  	v10 =	vmul.f32 v10, v9;
	s0 =	sadd.f32 s22, s31;
	v12 =	vsub.f32 $0.0e+00, v11;
	s24 =	spop (v2sf)  }
0x173: {  	s2 =	sadd.f32 s2, s24  }
0x174: {  	(v2sf) =	vpush v10, $0x0;
	s0 =	sadd.f32 s0, s1;
	v11 =	vmul.f32 v12, v11;
	s25 =	spop (v2sf)  }
0x175: {  	(v2sf) =	vpush v10, $0x1;
	s2 =	sadd.f32 s2, s25  }
0x176: {  	s0 =	sadd.f32 s0, s4;
	(v2sf) =	vpush v10, $0x2;
	s26 =	spop (v2sf);
	v11 =	vmul.f32 v11, v4  }
0x177: {  	(v2sf) =	vpush v10, $0x3;
	s2 =	sadd.f32 s2, s26  }
0x178: {  	(v2sf) =	vpush v10, $0x4;
	v12 =	vmov s0;
	s29 =	spop (v2sf);
	v11 =	vmul.f32 $1.442695020e+00, v11  }
0x179: {  	(v2sf) =	vpush v10, $0x5;
	v12 =	vsub.f32 v1, v12;
	s30 =	sadd.f32 s2, s29  }
0x17a: {  	(v2sf) =	vpush v10, $0x6;
	(erf) = vpow2.f32 v11;
	s31 =	spop (v2sf)  }
0x17b: {  	(v2sf) =	vpush v10, $0x7;
	v11 =	vsub.f32 $0.0e+00, v12;
	s0 =	sadd.f32 s30, s31  }
0x17c: {  	(v2sf) =	vpush v10, $0x8;
	s1 =	spop (v2sf)  }
0x17d: {  	(v2sf) =	vpush v10, $0x9;
	v11 =	vmul.f32 v11, v12;
	s0 =	sadd.f32 s0, s1  }
0x17e: {  	(v2sf) =	vpush v10, $0xA  }
0x17f: {  	(v2sf) =	vpush v10, $0xB;
	v11 =	vmul.f32 v11, v4;
	v12 =	vmov s0  }
0x180: {  	(v2sf) =	vpush v10, $0xC;
	v12 =	vsub.f32 v1, v12  }
0x181: {  	(v2sf) =	vpush v10, $0xD;
	v11 =	vmul.f32 $1.442695020e+00, v11  }
0x182: {  	(v2sf) =	vpush v10, $0xE;
	v13 =	vsub.f32 $0.0e+00, v12  }
0x183: {  	[dreg:$0x1c] =	wrdreg s3;
	s3 =	spop (v2sf);
	(v2sf) =	vpush v10, $0xF;
	v10 =	vpop (erf);
	(erf) = vpow2.f32 v11  }
0x184: {  	s6 =	spop (v2sf);
	(v2sf) =	vpush v10, $0x0;
	v11 =	vmul.f32 v13, v12  }
0x185: {  	s0 =	spop (v2sf);
	(v2sf) =	vpush v10, $0x1  }
0x186: {  	s30 =	spop (v2sf);
	(v2sf) =	vpush v10, $0x2;
	v11 =	vmul.f32 v11, v4  }
0x187: {  	s31 =	spop (v2sf);
	(v2sf) =	vpush v10, $0x3  }
0x188: {  	s11 =	spop (v2sf);
	(v2sf) =	vpush v10, $0x4;
	v11 =	vmul.f32 $1.442695020e+00, v11  }
0x189: {  	s29 =	spop (v2sf);
	(v2sf) =	vpush v10, $0x5  }
0x18a: {  	s14 =	spop (v2sf);
	(v2sf) =	vpush v10, $0x6;
	(erf) = vpow2.f32 v11  }
0x18b: {  	s2 =	spop (v2sf);
	(v2sf) =	vpush v10, $0x7  }
0x18c: {  	s1 =	spop (v2sf);
	(v2sf) =	vpush v10, $0x8;
	v11 =	vpop (erf)  }
0x18d: {  	s15 =	spop (v2sf);
	(v2sf) =	vpush v11, $0x0  }
0x18e: {  	[dreg:$0x1b] =	wrdreg s8;
	s8 =	spop (v2sf);
	(v2sf) =	vpush v11, $0x1  }
0x18f: {  	s10 =	spop (v2sf);
	(v2sf) =	vpush v11, $0x2  }
0x190: {  	s4 =	spop (v2sf);
	(v2sf) =	vpush v11, $0x3  }
0x191: {  	s12 =	spop (v2sf);
	(v2sf) =	vpush v11, $0x4  }
0x192: {  	s13 =	spop (v2sf);
	(v2sf) =	vpush v11, $0x5  }
0x193: {  	s9 =	spop (v2sf);
	v10 =	vpop (erf);
	(v2sf) =	vpush v11, $0x6  }
0x194: {  	s23 =	spop (v2sf);
	v10 =	vmul.f32 v3, v10;
	(v2sf) =	vpush v11, $0x7  }
0x195: {  	s3 =	sadd.f32 s6, s3;
	s7 =	spop (v2sf);
	(v2sf) =	vpush v11, $0x8  }
0x196: {  	s25 =	spop (v2sf);
	(v2sf) =	vpush v10, $0x0  }
0x197: {  	s0 =	sadd.f32 s3, s0;
	s5 =	spop (v2sf);
	(v2sf) =	vpush v10, $0x1  }
0x198: {  	[smem:$0x7F0] =	sst s4;
	s4 =	spop (v2sf)  }
0x199: {  	s0 =	sadd.f32 s0, s30;
	s21 =	spop (v2sf);
	(v2sf) =	vpush v10, $0x2  }
0x19a: {  	s20 =	spop (v2sf)  }
0x19b: {  	s0 =	sadd.f32 s0, s31;
	s24 =	spop (v2sf);
	(v2sf) =	vpush v10, $0x3  }
0x19c: {  	s19 =	spop (v2sf)  }
0x19d: {  	s0 =	sadd.f32 s0, s11;
	(v2sf) =	vpush v10, $0x4;
	s18 =	spop (v2sf)  }
0x19e: {  	s17 =	spop (v2sf)  }
0x19f: {  	s0 =	sadd.f32 s0, s29;
	(v2sf) =	vpush v10, $0x5;
	s28 =	spop (v2sf)  }
0x1a0: {  	s22 =	spop (v2sf)  }
0x1a1: {  	s0 =	sadd.f32 s0, s14;
	s26 =	spop (v2sf)  }
0x1a2: {  	[smem:$0x7F2] =	sst s13;
	(v2sf) =	vpush v10, $0x6;
	s13 =	spop (v2sf)  }
0x1a3: {  	[smem:$0x7F1] =	sst s12;
	s6 =	spop (v2sf)  }
0x1a4: {  	s0 =	sadd.f32 s0, s2;
	s12 =	spop (v2sf)  }
0x1a5: {  	(v2sf) =	vpush v10, $0x7;
	s16 =	spop (v2sf)  }
0x1a6: {  	s0 =	sadd.f32 s0, s1;
	s30 =	spop (v2sf)  }
0x1a7: {  	s3 =	sadd.f32 s30, s16  }
0x1a8: {  	s0 =	sadd.f32 s0, s15;
	s30 =	spop (v2sf)  }
0x1a9: {  	s3 =	sadd.f32 s3, s30  }
0x1aa: {  	s1 =	sadd.f32 s18, s19;
	s31 =	spop (v2sf)  }
0x1ab: {  	s3 =	sadd.f32 s3, s31  }
0x1ac: {  	s11 =	spop (v2sf);
	s31 =	sadd.f32 s23, s9  }
0x1ad: {  	s3 =	sadd.f32 s3, s11  }
0x1ae: {  	s16 =	spop (v2sf);
	s14 =	sadd.f32 s31, s7  }
0x1af: {  	s3 =	sadd.f32 s3, s16  }
0x1b0: {  	(v2sf) =	vpush v10, $0x8;
	s16 =	sadd.f32 s1, s17  }
0x1b1: {  	s29 =	spop (v2sf);
	s14 =	sadd.f32 s14, s25  }
0x1b2: {  	s3 =	sadd.f32 s3, s29  }
0x1b3: {  	s16 =	sadd.f32 s16, s28  }
0x1b4: {  	s30 =	spop (v2sf);
	s14 =	sadd.f32 s14, s5  }
0x1b5: {  	s3 =	sadd.f32 s3, s30  }
0x1b6: {  	s16 =	sadd.f32 s16, s22  }
0x1b7: {  	s14 =	sadd.f32 s14, s4  }
0x1b8: {  	s16 =	sadd.f32 s16, s26  }
0x1b9: {  	s14 =	sadd.f32 s14, s21  }
0x1ba: {  	s16 =	sadd.f32 s16, s13  }
0x1bb: {  	s14 =	sadd.f32 s14, s20  }
0x1bc: {  	s16 =	sadd.f32 s16, s6  }
0x1bd: {  	s14 =	sadd.f32 s14, s24  }
0x1be: {  	s16 =	sadd.f32 s16, s12  }
0x1bf: {  	s0 =	sadd.f32 s0, s8;
	s2 =	spop (v2sf)  }
0x1c0: {  	s3 =	sadd.f32 s3, s2;
	s14 =	smul.f32 s16, s14  }
0x1c1: {  	_ = 	snop  }
0x1c2: {  	s0 =	sadd.f32 s0, s10;
	s3 =	smul.f32 s14, s3  }
0x1c3: {  	s10 =	sld [smem:$0x7F0]  }
0x1c4: {  	v11 =	vmov s3  }
0x1c5: {  	s11 =	sld [smem:$0x7F1];
	v11 =	vadd.f32 $0.0e+00, v11  }
0x1c6: {  	s0 =	sadd.f32 s0, s10  }
0x1c7: {  	s14 =	sld [smem:$0x7F2];
	v11 =	vbroadcast v11, $0x0  }
0x1c8: {  	s0 =	sadd.f32 s0, s11  }
0x1c9: {  	(erf) = vrcp.f32 v11  }
0x1ca: {  	s0 =	sadd.f32 s0, s14  }
0x1cb: {  	s15 =	rddreg [dreg:$0xd]  }
0x1cc: {  	s0 =	smul.f32 s0, s15;
	_ =	sdelay $0x1  }
0x1cd: {  	v11 =	vmov s0  }
0x1ce: {  	v11 =	vadd.f32 $0.0e+00, v11;
	_ =	sdelay $0x1  }
0x1cf: {  	s8 =	rddreg [dreg:$0x1b];
	v11 =	vbroadcast v11, $0x0  }
0x1d0: {  	s30 =	sadd.s32 $0x1E, s8;
	v12 =	vpop (erf)  }
0x1d1: {  	v13 =	vadd.s32 s30, v2;
	v11 =	vmul.f32 v12, v11  }
0x1d2: {  	s31 =	sld [smem:$0x7FA];
	vm1 =	vgt.s32 v13, $0x0;
	s16 =	sadd.s32 $0xFFFFFFFE, s8  }
0x1d3: {  	s29 =	sadd.s32 $0xE, s8;
	vm15 =	vlt.u32 v13, $0x9;
	v10 =	vmul.f32 v11, v10;
	v11 =	vadd.s32 s16, v2  }
0x1d4: {  	v16 =	vnsel vm1, $0x0, v13;
	v12 =	vadd.s32 s29, v2;
	vm0 =	vgt.s32 v11, $0x0  }
0x1d5: {  	p2 =	seq.s32 s31, $0x1;
	v16 =	vmin.u32 v16, $0xF;
	vm12 =	vgt.s32 v12, $0x0;
	v14 =	vnsel vm0, $0x0, v11  }
.Ltmp15:
0x1d6: {  	vm14 =	vlt.u32 v12, $0x9;
	v15 =	vnsel vm12, $0x0, v12;
	v14 =	vmin.u32 v14, $0xF;
	(pc) =	sbr.rel @p2 .LBB2_12-.Ltmp15, $4  }
0x1d7: {  	v15 =	vmin.u32 v15, $0xF;
	vm13 =	vlt.u32 v11, $0x9;
	v14 =	vperm.xlane v10, v14  }
0x1d8: {  	v11 =	vperm.xlane v10, v15;
	v12 =	vsel vm13, $0x3F800000, v0;
	v10 =	vperm.xlane v10, v16  }
0x1d9: {  	v13 =	vsel vm14, $0x3F800000, v0;
	v12 =	vmul.f32 v14, v12;
	v14 =	vsel vm15, $0x3F800000, v0  }
0x1da: {  	v11 =	vmul.f32 v11, v13;
	v10 =	vmul.f32 v10, v14  }
0x1db: {  	s2 =	rddreg [dreg:$0x1d]  }
0x1dc: {  	v13 =	vld [tilespmem:s2+$0x80]  }
0x1dd: {  	s0 =	smul.f32 s19, s9;
	v14 =	vld [tilespmem:s2+$0x90]  }
0x1de: {  	v15 =	vld [tilespmem:s2+$0xA0]  }
0x1df: {  	v17 =	vld [tilespmem:s2+$0xC0];
	v16 =	vmul.f32 s0, v12  }
0x1e0: {  	s3 =	smul.f32 s18, s9;
	v19 =	vld [tilespmem:s2+$0xD0];
	v18 =	vmul.f32 s0, v11  }
0x1e1: {  	v20 =	vld [tilespmem:s2+$0xE0];
	v30 =	vmul.f32 s0, v10;
	v13 =	vadd.f32 v13, v16  }
0x1e2: {  	v21 =	vld [tilespmem:s2+$0x100];
	v31 =	vmul.f32 s3, v12;
	v14 =	vadd.f32 v14, v18  }
0x1e3: {  	s11 =	smul.f32 s17, s9;
	v32 =	vld [tilespmem:s2+$0x110];
	[tilespmem:s2+$0x80] =	vst v13;
	v13 =	vadd.f32 v15, v30;
	v15 =	vmul.f32 s3, v11  }
0x1e4: {  	v34 =	vld [tilespmem:s2+$0x120];
	v33 =	vmul.f32 s3, v10;
	[tilespmem:s2+$0x90] =	vst v14;
	v14 =	vadd.f32 v17, v31  }
0x1e5: {  	v35 =	vld [tilespmem:s2+$0x140];
	[tilespmem:s2+$0xA0] =	vst v13;
	v13 =	vadd.f32 v19, v15;
	v15 =	vmul.f32 s11, v12  }
0x1e6: {  	s14 =	smul.f32 s28, s9;
	v37 =	vld [tilespmem:s2+$0x150];
	v36 =	vmul.f32 s11, v11;
	[tilespmem:s2+$0xC0] =	vst v14;
	v14 =	vadd.f32 v20, v33  }
0x1e7: {  	v38 =	vld [tilespmem:s2+$0x160];
	[tilespmem:s2+$0xD0] =	vst v13;
	v13 =	vadd.f32 v21, v15;
	v15 =	vmul.f32 s11, v10  }
0x1e8: {  	v40 =	vld [tilespmem:s2+$0x180];
	v39 =	vmul.f32 s14, v12;
	[tilespmem:s2+$0xE0] =	vst v14;
	v14 =	vadd.f32 v32, v36  }
0x1e9: {  	s15 =	smul.f32 s22, s9;
	v41 =	vld [tilespmem:s2+$0x190];
	[tilespmem:s2+$0x100] =	vst v13;
	v13 =	vadd.f32 v34, v15;
	v15 =	vmul.f32 s14, v11  }
0x1ea: {  	v43 =	vld [tilespmem:s2+$0x1A0];
	v42 =	vmul.f32 s14, v10;
	[tilespmem:s2+$0x110] =	vst v14;
	v14 =	vadd.f32 v35, v39  }
0x1eb: {  	v44 =	vld [tilespmem:s2+$0x1C0];
	[tilespmem:s2+$0x120] =	vst v13;
	v13 =	vadd.f32 v37, v15;
	v15 =	vmul.f32 s15, v12  }
0x1ec: {  	s16 =	smul.f32 s26, s9;
	v46 =	vld [tilespmem:s2+$0x1D0];
	v45 =	vmul.f32 s15, v11;
	[tilespmem:s2+$0x140] =	vst v14;
	v14 =	vadd.f32 v38, v42  }
0x1ed: {  	v47 =	vld [tilespmem:s2+$0x1E0];
	[tilespmem:s2+$0x150] =	vst v13;
	v13 =	vadd.f32 v40, v15;
	v15 =	vmul.f32 s15, v10  }
0x1ee: {  	v49 =	vld [tilespmem:s2+$0x200];
	v48 =	vmul.f32 s16, v12;
	[tilespmem:s2+$0x160] =	vst v14;
	v14 =	vadd.f32 v41, v45  }
0x1ef: {  	s29 =	smul.f32 s13, s9;
	v50 =	vld [tilespmem:s2+$0x210];
	[tilespmem:s2+$0x180] =	vst v13;
	v13 =	vadd.f32 v43, v15;
	v15 =	vmul.f32 s16, v11  }
0x1f0: {  	v52 =	vld [tilespmem:s2+$0x220];
	v51 =	vmul.f32 s16, v10;
	[tilespmem:s2+$0x190] =	vst v14;
	v14 =	vadd.f32 v44, v48  }
0x1f1: {  	v53 =	vld [tilespmem:s2+$0x240];
	[tilespmem:s2+$0x1A0] =	vst v13;
	v13 =	vadd.f32 v46, v15;
	v15 =	vmul.f32 s29, v12  }
0x1f2: {  	s30 =	smul.f32 s6, s9;
	v55 =	vld [tilespmem:s2+$0x250];
	v54 =	vmul.f32 s29, v11;
	[tilespmem:s2+$0x1C0] =	vst v14;
	v14 =	vadd.f32 v47, v51  }
0x1f3: {  	v22 =	vmul.f32 s29, v10;
	[tilespmem:s2+$0x1D0] =	vst v13;
	v13 =	vadd.f32 v49, v15;
	v15 =	vld [tilespmem:s2+$0x260]  }
0x1f4: {  	v57 =	vld [tilespmem:s2+$0x280];
	v56 =	vmul.f32 s30, v12;
	[tilespmem:s2+$0x1E0] =	vst v14;
	v14 =	vadd.f32 v50, v54  }
0x1f5: {  	s31 =	smul.f32 s12, s9;
	v59 =	vld [tilespmem:s2+$0x290];
	v58 =	vmul.f32 s30, v11;
	[tilespmem:s2+$0x200] =	vst v13;
	v13 =	vadd.f32 v52, v22  }
0x1f6: {  	v61 =	vld [tilespmem:s2+$0x2A0];
	v60 =	vmul.f32 s30, v10;
	[tilespmem:s2+$0x210] =	vst v14;
	v14 =	vadd.f32 v53, v56  }
0x1f7: {  	v62 =	vmul.f32 s31, v12;
	[tilespmem:s2+$0x220] =	vst v13;
	v13 =	vadd.f32 v55, v58  }
0x1f8: {  	[tilespmem:s2+$0x240] =	vst v14;
	v14 =	vadd.f32 v15, v60;
	v15 =	vmul.f32 s31, v11  }
0x1f9: {  	v63 =	vmul.f32 s31, v10;
	[tilespmem:s2+$0x250] =	vst v13;
	v13 =	vadd.f32 v57, v62  }
0x1fa: {  	[tilespmem:s2+$0x260] =	vst v14;
	v14 =	vadd.f32 v59, v15  }
0x1fb: {  	[tilespmem:s2+$0x280] =	vst v13;
	v13 =	vadd.f32 v61, v63  }
0x1fc: {  	[tilespmem:s2+$0x290] =	vst v14  }
0x1fd: {  	[tilespmem:s2+$0x2A0] =	vst v13  }
.LBB2_12:
0x1fe: {  	s0 =	sld [smem:$0x7FB];
	_ =	sdelay $0x2  }
0x1ff: {  	p2 =	seq.s32 s0, $0x1  }
.Ltmp16:
0x200: {  	_ = 	snop;
	(pc) =	sbr.rel @p2 .LBB2_14-.Ltmp16, $1  }
0x201: {  	_ =	sdelay $0x3  }
0x202: {  	s1 =	rddreg [dreg:$0x1e]  }
0x203: {  	v13 =	vld [tilespmem:s1+$0x80]  }
0x204: {  	s0 =	smul.f32 s19, s23;
	v14 =	vld [tilespmem:s1+$0x90]  }
0x205: {  	v15 =	vld [tilespmem:s1+$0xA0]  }
0x206: {  	v17 =	vld [tilespmem:s1+$0xC0];
	v16 =	vmul.f32 s0, v12  }
0x207: {  	s3 =	smul.f32 s18, s23;
	v19 =	vld [tilespmem:s1+$0xD0];
	v18 =	vmul.f32 s0, v11  }
0x208: {  	v20 =	vld [tilespmem:s1+$0xE0];
	v30 =	vmul.f32 s0, v10;
	v13 =	vadd.f32 v13, v16  }
0x209: {  	v21 =	vld [tilespmem:s1+$0x100];
	v31 =	vmul.f32 s3, v12;
	v14 =	vadd.f32 v14, v18  }
0x20a: {  	s11 =	smul.f32 s17, s23;
	v32 =	vld [tilespmem:s1+$0x110];
	[tilespmem:s1+$0x80] =	vst v13;
	v13 =	vadd.f32 v15, v30;
	v15 =	vmul.f32 s3, v11  }
0x20b: {  	v34 =	vld [tilespmem:s1+$0x120];
	v33 =	vmul.f32 s3, v10;
	[tilespmem:s1+$0x90] =	vst v14;
	v14 =	vadd.f32 v17, v31  }
0x20c: {  	v35 =	vld [tilespmem:s1+$0x140];
	[tilespmem:s1+$0xA0] =	vst v13;
	v13 =	vadd.f32 v19, v15;
	v15 =	vmul.f32 s11, v12  }
0x20d: {  	s14 =	smul.f32 s28, s23;
	v37 =	vld [tilespmem:s1+$0x150];
	v36 =	vmul.f32 s11, v11;
	[tilespmem:s1+$0xC0] =	vst v14;
	v14 =	vadd.f32 v20, v33  }
0x20e: {  	v38 =	vld [tilespmem:s1+$0x160];
	[tilespmem:s1+$0xD0] =	vst v13;
	v13 =	vadd.f32 v21, v15;
	v15 =	vmul.f32 s11, v10  }
0x20f: {  	v40 =	vld [tilespmem:s1+$0x180];
	v39 =	vmul.f32 s14, v12;
	[tilespmem:s1+$0xE0] =	vst v14;
	v14 =	vadd.f32 v32, v36  }
0x210: {  	s15 =	smul.f32 s22, s23;
	v41 =	vld [tilespmem:s1+$0x190];
	[tilespmem:s1+$0x100] =	vst v13;
	v13 =	vadd.f32 v34, v15;
	v15 =	vmul.f32 s14, v11  }
0x211: {  	v43 =	vld [tilespmem:s1+$0x1A0];
	v42 =	vmul.f32 s14, v10;
	[tilespmem:s1+$0x110] =	vst v14;
	v14 =	vadd.f32 v35, v39  }
0x212: {  	v44 =	vld [tilespmem:s1+$0x1C0];
	[tilespmem:s1+$0x120] =	vst v13;
	v13 =	vadd.f32 v37, v15;
	v15 =	vmul.f32 s15, v12  }
0x213: {  	s16 =	smul.f32 s26, s23;
	v46 =	vld [tilespmem:s1+$0x1D0];
	v45 =	vmul.f32 s15, v11;
	[tilespmem:s1+$0x140] =	vst v14;
	v14 =	vadd.f32 v38, v42  }
0x214: {  	v47 =	vld [tilespmem:s1+$0x1E0];
	[tilespmem:s1+$0x150] =	vst v13;
	v13 =	vadd.f32 v40, v15;
	v15 =	vmul.f32 s15, v10  }
0x215: {  	v49 =	vld [tilespmem:s1+$0x200];
	v48 =	vmul.f32 s16, v12;
	[tilespmem:s1+$0x160] =	vst v14;
	v14 =	vadd.f32 v41, v45  }
0x216: {  	s29 =	smul.f32 s13, s23;
	v50 =	vld [tilespmem:s1+$0x210];
	[tilespmem:s1+$0x180] =	vst v13;
	v13 =	vadd.f32 v43, v15;
	v15 =	vmul.f32 s16, v11  }
0x217: {  	v52 =	vld [tilespmem:s1+$0x220];
	v51 =	vmul.f32 s16, v10;
	[tilespmem:s1+$0x190] =	vst v14;
	v14 =	vadd.f32 v44, v48  }
0x218: {  	v53 =	vld [tilespmem:s1+$0x240];
	[tilespmem:s1+$0x1A0] =	vst v13;
	v13 =	vadd.f32 v46, v15;
	v15 =	vmul.f32 s29, v12  }
0x219: {  	s30 =	smul.f32 s6, s23;
	v55 =	vld [tilespmem:s1+$0x250];
	v54 =	vmul.f32 s29, v11;
	[tilespmem:s1+$0x1C0] =	vst v14;
	v14 =	vadd.f32 v47, v51  }
0x21a: {  	v22 =	vmul.f32 s29, v10;
	[tilespmem:s1+$0x1D0] =	vst v13;
	v13 =	vadd.f32 v49, v15;
	v15 =	vld [tilespmem:s1+$0x260]  }
0x21b: {  	v57 =	vld [tilespmem:s1+$0x280];
	v56 =	vmul.f32 s30, v12;
	[tilespmem:s1+$0x1E0] =	vst v14;
	v14 =	vadd.f32 v50, v54  }
0x21c: {  	s31 =	smul.f32 s12, s23;
	v59 =	vld [tilespmem:s1+$0x290];
	v58 =	vmul.f32 s30, v11;
	[tilespmem:s1+$0x200] =	vst v13;
	v13 =	vadd.f32 v52, v22  }
0x21d: {  	v61 =	vld [tilespmem:s1+$0x2A0];
	v60 =	vmul.f32 s30, v10;
	[tilespmem:s1+$0x210] =	vst v14;
	v14 =	vadd.f32 v53, v56  }
0x21e: {  	v62 =	vmul.f32 s31, v12;
	[tilespmem:s1+$0x220] =	vst v13;
	v13 =	vadd.f32 v55, v58  }
0x21f: {  	[tilespmem:s1+$0x240] =	vst v14;
	v14 =	vadd.f32 v15, v60;
	v15 =	vmul.f32 s31, v11  }
0x220: {  	v63 =	vmul.f32 s31, v10;
	[tilespmem:s1+$0x250] =	vst v13;
	v13 =	vadd.f32 v57, v62  }
0x221: {  	[tilespmem:s1+$0x260] =	vst v14;
	v14 =	vadd.f32 v59, v15  }
0x222: {  	[tilespmem:s1+$0x280] =	vst v13;
	v13 =	vadd.f32 v61, v63  }
0x223: {  	[tilespmem:s1+$0x290] =	vst v14  }
0x224: {  	[tilespmem:s1+$0x2A0] =	vst v13  }
.LBB2_14:
0x225: {  	s0 =	sld [smem:$0x7FC];
	_ =	sdelay $0x2  }
0x226: {  	p2 =	seq.s32 s0, $0x1  }
.Ltmp17:
0x227: {  	_ = 	snop;
	(pc) =	sbr.rel @p2 .LBB2_16-.Ltmp17, $1  }
0x228: {  	_ =	sdelay $0x3  }
0x229: {  	s1 =	rddreg [dreg:$0x1f]  }
0x22a: {  	v13 =	vld [tilespmem:s1+$0x80]  }
0x22b: {  	s0 =	smul.f32 s19, s7;
	v14 =	vld [tilespmem:s1+$0x90]  }
0x22c: {  	v15 =	vld [tilespmem:s1+$0xA0]  }
0x22d: {  	v17 =	vld [tilespmem:s1+$0xC0];
	v16 =	vmul.f32 s0, v12  }
0x22e: {  	s3 =	smul.f32 s18, s7;
	v19 =	vld [tilespmem:s1+$0xD0];
	v18 =	vmul.f32 s0, v11  }
0x22f: {  	v20 =	vld [tilespmem:s1+$0xE0];
	v30 =	vmul.f32 s0, v10;
	v13 =	vadd.f32 v13, v16  }
0x230: {  	v21 =	vld [tilespmem:s1+$0x100];
	v31 =	vmul.f32 s3, v12;
	v14 =	vadd.f32 v14, v18  }
0x231: {  	s14 =	smul.f32 s17, s7;
	v32 =	vld [tilespmem:s1+$0x110];
	[tilespmem:s1+$0x80] =	vst v13;
	v13 =	vadd.f32 v15, v30;
	v15 =	vmul.f32 s3, v11  }
0x232: {  	v34 =	vld [tilespmem:s1+$0x120];
	v33 =	vmul.f32 s3, v10;
	[tilespmem:s1+$0x90] =	vst v14;
	v14 =	vadd.f32 v17, v31  }
0x233: {  	v35 =	vld [tilespmem:s1+$0x140];
	[tilespmem:s1+$0xA0] =	vst v13;
	v13 =	vadd.f32 v19, v15;
	v15 =	vmul.f32 s14, v12  }
0x234: {  	s15 =	smul.f32 s28, s7;
	v37 =	vld [tilespmem:s1+$0x150];
	v36 =	vmul.f32 s14, v11;
	[tilespmem:s1+$0xC0] =	vst v14;
	v14 =	vadd.f32 v20, v33  }
0x235: {  	v38 =	vld [tilespmem:s1+$0x160];
	[tilespmem:s1+$0xD0] =	vst v13;
	v13 =	vadd.f32 v21, v15;
	v15 =	vmul.f32 s14, v10  }
0x236: {  	v40 =	vld [tilespmem:s1+$0x180];
	v39 =	vmul.f32 s15, v12;
	[tilespmem:s1+$0xE0] =	vst v14;
	v14 =	vadd.f32 v32, v36  }
0x237: {  	s16 =	smul.f32 s22, s7;
	v41 =	vld [tilespmem:s1+$0x190];
	[tilespmem:s1+$0x100] =	vst v13;
	v13 =	vadd.f32 v34, v15;
	v15 =	vmul.f32 s15, v11  }
0x238: {  	v43 =	vld [tilespmem:s1+$0x1A0];
	v42 =	vmul.f32 s15, v10;
	[tilespmem:s1+$0x110] =	vst v14;
	v14 =	vadd.f32 v35, v39  }
0x239: {  	v44 =	vld [tilespmem:s1+$0x1C0];
	[tilespmem:s1+$0x120] =	vst v13;
	v13 =	vadd.f32 v37, v15;
	v15 =	vmul.f32 s16, v12  }
0x23a: {  	s23 =	smul.f32 s26, s7;
	v46 =	vld [tilespmem:s1+$0x1D0];
	v45 =	vmul.f32 s16, v11;
	[tilespmem:s1+$0x140] =	vst v14;
	v14 =	vadd.f32 v38, v42  }
0x23b: {  	v47 =	vld [tilespmem:s1+$0x1E0];
	[tilespmem:s1+$0x150] =	vst v13;
	v13 =	vadd.f32 v40, v15;
	v15 =	vmul.f32 s16, v10  }
0x23c: {  	v49 =	vld [tilespmem:s1+$0x200];
	v48 =	vmul.f32 s23, v12;
	[tilespmem:s1+$0x160] =	vst v14;
	v14 =	vadd.f32 v41, v45  }
0x23d: {  	s29 =	smul.f32 s13, s7;
	v50 =	vld [tilespmem:s1+$0x210];
	[tilespmem:s1+$0x180] =	vst v13;
	v13 =	vadd.f32 v43, v15;
	v15 =	vmul.f32 s23, v11  }
0x23e: {  	v52 =	vld [tilespmem:s1+$0x220];
	v51 =	vmul.f32 s23, v10;
	[tilespmem:s1+$0x190] =	vst v14;
	v14 =	vadd.f32 v44, v48  }
0x23f: {  	v53 =	vld [tilespmem:s1+$0x240];
	[tilespmem:s1+$0x1A0] =	vst v13;
	v13 =	vadd.f32 v46, v15;
	v15 =	vmul.f32 s29, v12  }
0x240: {  	s30 =	smul.f32 s6, s7;
	v55 =	vld [tilespmem:s1+$0x250];
	v54 =	vmul.f32 s29, v11;
	[tilespmem:s1+$0x1C0] =	vst v14;
	v14 =	vadd.f32 v47, v51  }
0x241: {  	v22 =	vmul.f32 s29, v10;
	[tilespmem:s1+$0x1D0] =	vst v13;
	v13 =	vadd.f32 v49, v15;
	v15 =	vld [tilespmem:s1+$0x260]  }
0x242: {  	v57 =	vld [tilespmem:s1+$0x280];
	v56 =	vmul.f32 s30, v12;
	[tilespmem:s1+$0x1E0] =	vst v14;
	v14 =	vadd.f32 v50, v54  }
0x243: {  	s31 =	smul.f32 s12, s7;
	v59 =	vld [tilespmem:s1+$0x290];
	v58 =	vmul.f32 s30, v11;
	[tilespmem:s1+$0x200] =	vst v13;
	v13 =	vadd.f32 v52, v22  }
0x244: {  	v61 =	vld [tilespmem:s1+$0x2A0];
	v60 =	vmul.f32 s30, v10;
	[tilespmem:s1+$0x210] =	vst v14;
	v14 =	vadd.f32 v53, v56  }
0x245: {  	v62 =	vmul.f32 s31, v12;
	[tilespmem:s1+$0x220] =	vst v13;
	v13 =	vadd.f32 v55, v58  }
0x246: {  	[tilespmem:s1+$0x240] =	vst v14;
	v14 =	vadd.f32 v15, v60;
	v15 =	vmul.f32 s31, v11  }
0x247: {  	v63 =	vmul.f32 s31, v10;
	[tilespmem:s1+$0x250] =	vst v13;
	v13 =	vadd.f32 v57, v62  }
0x248: {  	[tilespmem:s1+$0x260] =	vst v14;
	v14 =	vadd.f32 v59, v15  }
0x249: {  	[tilespmem:s1+$0x280] =	vst v13;
	v13 =	vadd.f32 v61, v63  }
0x24a: {  	[tilespmem:s1+$0x290] =	vst v14  }
0x24b: {  	[tilespmem:s1+$0x2A0] =	vst v13  }
.LBB2_16:
0x24c: {  	s0 =	sld [smem:$0x7FD];
	_ =	sdelay $0x2  }
0x24d: {  	p2 =	seq.s32 s0, $0x1  }
.Ltmp18:
0x24e: {  	_ = 	snop;
	(pc) =	sbr.rel @p2 .LBB2_18-.Ltmp18, $2  }
0x24f: {  	_ =	sdelay $0x2  }
0x250: {  	s3 =	rddreg [dreg:$0x1c]  }
0x251: {  	s1 =	sld [smem:$0x7F3];
	_ =	sdelay $0x2  }
0x252: {  	v13 =	vld [tilespmem:s1+$0x80]  }
0x253: {  	s0 =	smul.f32 s19, s25;
	v14 =	vld [tilespmem:s1+$0x90]  }
0x254: {  	v15 =	vld [tilespmem:s1+$0xA0]  }
0x255: {  	v16 =	vmul.f32 s0, v12;
	v17 =	vld [tilespmem:s1+$0xC0]  }
0x256: {  	s2 =	smul.f32 s18, s25;
	v18 =	vmul.f32 s0, v11;
	v19 =	vld [tilespmem:s1+$0xD0]  }
0x257: {  	v30 =	vmul.f32 s0, v10;
	v20 =	vld [tilespmem:s1+$0xE0];
	v13 =	vadd.f32 v13, v16  }
0x258: {  	v31 =	vmul.f32 s2, v12;
	v21 =	vld [tilespmem:s1+$0x100];
	v14 =	vadd.f32 v14, v18  }
0x259: {  	s14 =	smul.f32 s17, s25;
	v32 =	vld [tilespmem:s1+$0x110];
	[tilespmem:s1+$0x80] =	vst v13;
	v13 =	vadd.f32 v15, v30;
	v15 =	vmul.f32 s2, v11  }
0x25a: {  	v33 =	vmul.f32 s2, v10;
	v34 =	vld [tilespmem:s1+$0x120];
	[tilespmem:s1+$0x90] =	vst v14;
	v14 =	vadd.f32 v17, v31  }
0x25b: {  	v35 =	vld [tilespmem:s1+$0x140];
	[tilespmem:s1+$0xA0] =	vst v13;
	v13 =	vadd.f32 v19, v15;
	v15 =	vmul.f32 s14, v12  }
0x25c: {  	s15 =	smul.f32 s28, s25;
	v36 =	vmul.f32 s14, v11;
	v37 =	vld [tilespmem:s1+$0x150];
	[tilespmem:s1+$0xC0] =	vst v14;
	v14 =	vadd.f32 v20, v33  }
0x25d: {  	v38 =	vld [tilespmem:s1+$0x160];
	[tilespmem:s1+$0xD0] =	vst v13;
	v13 =	vadd.f32 v21, v15;
	v15 =	vmul.f32 s14, v10  }
0x25e: {  	v39 =	vmul.f32 s15, v12;
	v40 =	vld [tilespmem:s1+$0x180];
	[tilespmem:s1+$0xE0] =	vst v14;
	v14 =	vadd.f32 v32, v36  }
0x25f: {  	s16 =	smul.f32 s22, s25;
	v41 =	vld [tilespmem:s1+$0x190];
	[tilespmem:s1+$0x100] =	vst v13;
	v13 =	vadd.f32 v34, v15;
	v15 =	vmul.f32 s15, v11  }
0x260: {  	v42 =	vmul.f32 s15, v10;
	v43 =	vld [tilespmem:s1+$0x1A0];
	[tilespmem:s1+$0x110] =	vst v14;
	v14 =	vadd.f32 v35, v39  }
0x261: {  	v44 =	vld [tilespmem:s1+$0x1C0];
	[tilespmem:s1+$0x120] =	vst v13;
	v13 =	vadd.f32 v37, v15;
	v15 =	vmul.f32 s16, v12  }
0x262: {  	s23 =	smul.f32 s26, s25;
	v45 =	vmul.f32 s16, v11;
	v46 =	vld [tilespmem:s1+$0x1D0];
	[tilespmem:s1+$0x140] =	vst v14;
	v14 =	vadd.f32 v38, v42  }
0x263: {  	v47 =	vld [tilespmem:s1+$0x1E0];
	[tilespmem:s1+$0x150] =	vst v13;
	v13 =	vadd.f32 v40, v15;
	v15 =	vmul.f32 s16, v10  }
0x264: {  	v48 =	vmul.f32 s23, v12;
	v49 =	vld [tilespmem:s1+$0x200];
	[tilespmem:s1+$0x160] =	vst v14;
	v14 =	vadd.f32 v41, v45  }
0x265: {  	s29 =	smul.f32 s13, s25;
	v50 =	vld [tilespmem:s1+$0x210];
	[tilespmem:s1+$0x180] =	vst v13;
	v13 =	vadd.f32 v43, v15;
	v15 =	vmul.f32 s23, v11  }
0x266: {  	v51 =	vmul.f32 s23, v10;
	v52 =	vld [tilespmem:s1+$0x220];
	[tilespmem:s1+$0x190] =	vst v14;
	v14 =	vadd.f32 v44, v48  }
0x267: {  	v53 =	vld [tilespmem:s1+$0x240];
	[tilespmem:s1+$0x1A0] =	vst v13;
	v13 =	vadd.f32 v46, v15;
	v15 =	vmul.f32 s29, v12  }
0x268: {  	s30 =	smul.f32 s6, s25;
	v54 =	vmul.f32 s29, v11;
	v55 =	vld [tilespmem:s1+$0x250];
	[tilespmem:s1+$0x1C0] =	vst v14;
	v14 =	vadd.f32 v47, v51  }
0x269: {  	v22 =	vmul.f32 s29, v10;
	[tilespmem:s1+$0x1D0] =	vst v13;
	v13 =	vadd.f32 v49, v15;
	v15 =	vld [tilespmem:s1+$0x260]  }
0x26a: {  	v56 =	vmul.f32 s30, v12;
	v57 =	vld [tilespmem:s1+$0x280];
	[tilespmem:s1+$0x1E0] =	vst v14;
	v14 =	vadd.f32 v50, v54  }
0x26b: {  	s31 =	smul.f32 s12, s25;
	v58 =	vmul.f32 s30, v11;
	v59 =	vld [tilespmem:s1+$0x290];
	[tilespmem:s1+$0x200] =	vst v13;
	v13 =	vadd.f32 v52, v22  }
0x26c: {  	v60 =	vmul.f32 s30, v10;
	v61 =	vld [tilespmem:s1+$0x2A0];
	[tilespmem:s1+$0x210] =	vst v14;
	v14 =	vadd.f32 v53, v56  }
0x26d: {  	v62 =	vmul.f32 s31, v12;
	[tilespmem:s1+$0x220] =	vst v13;
	v13 =	vadd.f32 v55, v58  }
0x26e: {  	[tilespmem:s1+$0x240] =	vst v14;
	v14 =	vadd.f32 v15, v60;
	v15 =	vmul.f32 s31, v11  }
0x26f: {  	v63 =	vmul.f32 s31, v10;
	[tilespmem:s1+$0x250] =	vst v13;
	v13 =	vadd.f32 v57, v62  }
0x270: {  	[tilespmem:s1+$0x260] =	vst v14;
	v14 =	vadd.f32 v59, v15  }
0x271: {  	[tilespmem:s1+$0x280] =	vst v13;
	v13 =	vadd.f32 v61, v63  }
0x272: {  	[tilespmem:s1+$0x290] =	vst v14  }
0x273: {  	[tilespmem:s1+$0x2A0] =	vst v13  }
.LBB2_18:
.Ltmp19:
0x274: {  	(pc) =	sbr.rel @p4 .LBB2_20-.Ltmp19, $1  }
0x275: {  	_ =	sdelay $0x3  }
0x276: {  	s1 =	sld [smem:$0x7F4];
	_ =	sdelay $0x2  }
0x277: {  	v13 =	vld [tilespmem:s1+$0x80]  }
0x278: {  	s0 =	smul.f32 s19, s5;
	v14 =	vld [tilespmem:s1+$0x90]  }
0x279: {  	v15 =	vld [tilespmem:s1+$0xA0]  }
0x27a: {  	v16 =	vmul.f32 s0, v12;
	v17 =	vld [tilespmem:s1+$0xC0]  }
0x27b: {  	s2 =	smul.f32 s18, s5;
	v18 =	vmul.f32 s0, v11;
	v19 =	vld [tilespmem:s1+$0xD0]  }
0x27c: {  	v30 =	vmul.f32 s0, v10;
	v20 =	vld [tilespmem:s1+$0xE0];
	v13 =	vadd.f32 v13, v16  }
0x27d: {  	v31 =	vmul.f32 s2, v12;
	v21 =	vld [tilespmem:s1+$0x100];
	v14 =	vadd.f32 v14, v18  }
0x27e: {  	s15 =	smul.f32 s17, s5;
	v32 =	vld [tilespmem:s1+$0x110];
	[tilespmem:s1+$0x80] =	vst v13;
	v13 =	vadd.f32 v15, v30;
	v15 =	vmul.f32 s2, v11  }
0x27f: {  	v33 =	vmul.f32 s2, v10;
	v34 =	vld [tilespmem:s1+$0x120];
	[tilespmem:s1+$0x90] =	vst v14;
	v14 =	vadd.f32 v17, v31  }
0x280: {  	v35 =	vld [tilespmem:s1+$0x140];
	[tilespmem:s1+$0xA0] =	vst v13;
	v13 =	vadd.f32 v19, v15;
	v15 =	vmul.f32 s15, v12  }
0x281: {  	s16 =	smul.f32 s28, s5;
	v36 =	vmul.f32 s15, v11;
	v37 =	vld [tilespmem:s1+$0x150];
	[tilespmem:s1+$0xC0] =	vst v14;
	v14 =	vadd.f32 v20, v33  }
0x282: {  	v38 =	vld [tilespmem:s1+$0x160];
	[tilespmem:s1+$0xD0] =	vst v13;
	v13 =	vadd.f32 v21, v15;
	v15 =	vmul.f32 s15, v10  }
0x283: {  	v39 =	vmul.f32 s16, v12;
	v40 =	vld [tilespmem:s1+$0x180];
	[tilespmem:s1+$0xE0] =	vst v14;
	v14 =	vadd.f32 v32, v36  }
0x284: {  	s23 =	smul.f32 s22, s5;
	v41 =	vld [tilespmem:s1+$0x190];
	[tilespmem:s1+$0x100] =	vst v13;
	v13 =	vadd.f32 v34, v15;
	v15 =	vmul.f32 s16, v11  }
0x285: {  	v42 =	vmul.f32 s16, v10;
	v43 =	vld [tilespmem:s1+$0x1A0];
	[tilespmem:s1+$0x110] =	vst v14;
	v14 =	vadd.f32 v35, v39  }
0x286: {  	v44 =	vld [tilespmem:s1+$0x1C0];
	[tilespmem:s1+$0x120] =	vst v13;
	v13 =	vadd.f32 v37, v15;
	v15 =	vmul.f32 s23, v12  }
0x287: {  	s25 =	smul.f32 s26, s5;
	v45 =	vmul.f32 s23, v11;
	v46 =	vld [tilespmem:s1+$0x1D0];
	[tilespmem:s1+$0x140] =	vst v14;
	v14 =	vadd.f32 v38, v42  }
0x288: {  	v47 =	vld [tilespmem:s1+$0x1E0];
	[tilespmem:s1+$0x150] =	vst v13;
	v13 =	vadd.f32 v40, v15;
	v15 =	vmul.f32 s23, v10  }
0x289: {  	v48 =	vmul.f32 s25, v12;
	v49 =	vld [tilespmem:s1+$0x200];
	[tilespmem:s1+$0x160] =	vst v14;
	v14 =	vadd.f32 v41, v45  }
0x28a: {  	s29 =	smul.f32 s13, s5;
	v50 =	vld [tilespmem:s1+$0x210];
	[tilespmem:s1+$0x180] =	vst v13;
	v13 =	vadd.f32 v43, v15;
	v15 =	vmul.f32 s25, v11  }
0x28b: {  	v51 =	vmul.f32 s25, v10;
	v52 =	vld [tilespmem:s1+$0x220];
	[tilespmem:s1+$0x190] =	vst v14;
	v14 =	vadd.f32 v44, v48  }
0x28c: {  	v53 =	vld [tilespmem:s1+$0x240];
	[tilespmem:s1+$0x1A0] =	vst v13;
	v13 =	vadd.f32 v46, v15;
	v15 =	vmul.f32 s29, v12  }
0x28d: {  	s30 =	smul.f32 s6, s5;
	v54 =	vmul.f32 s29, v11;
	v55 =	vld [tilespmem:s1+$0x250];
	[tilespmem:s1+$0x1C0] =	vst v14;
	v14 =	vadd.f32 v47, v51  }
0x28e: {  	v22 =	vmul.f32 s29, v10;
	[tilespmem:s1+$0x1D0] =	vst v13;
	v13 =	vadd.f32 v49, v15;
	v15 =	vld [tilespmem:s1+$0x260]  }
0x28f: {  	v56 =	vmul.f32 s30, v12;
	v57 =	vld [tilespmem:s1+$0x280];
	[tilespmem:s1+$0x1E0] =	vst v14;
	v14 =	vadd.f32 v50, v54  }
0x290: {  	s31 =	smul.f32 s12, s5;
	v58 =	vmul.f32 s30, v11;
	v59 =	vld [tilespmem:s1+$0x290];
	[tilespmem:s1+$0x200] =	vst v13;
	v13 =	vadd.f32 v52, v22  }
0x291: {  	v60 =	vmul.f32 s30, v10;
	v61 =	vld [tilespmem:s1+$0x2A0];
	[tilespmem:s1+$0x210] =	vst v14;
	v14 =	vadd.f32 v53, v56  }
0x292: {  	v62 =	vmul.f32 s31, v12;
	[tilespmem:s1+$0x220] =	vst v13;
	v13 =	vadd.f32 v55, v58  }
0x293: {  	[tilespmem:s1+$0x240] =	vst v14;
	v14 =	vadd.f32 v15, v60;
	v15 =	vmul.f32 s31, v11  }
0x294: {  	v63 =	vmul.f32 s31, v10;
	[tilespmem:s1+$0x250] =	vst v13;
	v13 =	vadd.f32 v57, v62  }
0x295: {  	[tilespmem:s1+$0x260] =	vst v14;
	v14 =	vadd.f32 v59, v15  }
0x296: {  	[tilespmem:s1+$0x280] =	vst v13;
	v13 =	vadd.f32 v61, v63  }
0x297: {  	[tilespmem:s1+$0x290] =	vst v14  }
0x298: {  	[tilespmem:s1+$0x2A0] =	vst v13  }
.LBB2_20:
.Ltmp20:
0x299: {  	(pc) =	sbr.rel @p5 .LBB2_22-.Ltmp20, $1  }
0x29a: {  	_ =	sdelay $0x3  }
0x29b: {  	s1 =	sld [smem:$0x7F5];
	_ =	sdelay $0x2  }
0x29c: {  	v13 =	vld [tilespmem:s1+$0x80]  }
0x29d: {  	s0 =	smul.f32 s19, s4;
	v14 =	vld [tilespmem:s1+$0x90]  }
0x29e: {  	v15 =	vld [tilespmem:s1+$0xA0]  }
0x29f: {  	v16 =	vmul.f32 s0, v12;
	v17 =	vld [tilespmem:s1+$0xC0]  }
0x2a0: {  	s2 =	smul.f32 s18, s4;
	v18 =	vmul.f32 s0, v11;
	v19 =	vld [tilespmem:s1+$0xD0]  }
0x2a1: {  	v30 =	vmul.f32 s0, v10;
	v20 =	vld [tilespmem:s1+$0xE0];
	v13 =	vadd.f32 v13, v16  }
0x2a2: {  	v31 =	vmul.f32 s2, v12;
	v21 =	vld [tilespmem:s1+$0x100];
	v14 =	vadd.f32 v14, v18  }
0x2a3: {  	s15 =	smul.f32 s17, s4;
	v32 =	vld [tilespmem:s1+$0x110];
	[tilespmem:s1+$0x80] =	vst v13;
	v13 =	vadd.f32 v15, v30;
	v15 =	vmul.f32 s2, v11  }
0x2a4: {  	v33 =	vmul.f32 s2, v10;
	v34 =	vld [tilespmem:s1+$0x120];
	[tilespmem:s1+$0x90] =	vst v14;
	v14 =	vadd.f32 v17, v31  }
0x2a5: {  	v35 =	vld [tilespmem:s1+$0x140];
	[tilespmem:s1+$0xA0] =	vst v13;
	v13 =	vadd.f32 v19, v15;
	v15 =	vmul.f32 s15, v12  }
0x2a6: {  	s16 =	smul.f32 s28, s4;
	v36 =	vmul.f32 s15, v11;
	v37 =	vld [tilespmem:s1+$0x150];
	[tilespmem:s1+$0xC0] =	vst v14;
	v14 =	vadd.f32 v20, v33  }
0x2a7: {  	v38 =	vld [tilespmem:s1+$0x160];
	[tilespmem:s1+$0xD0] =	vst v13;
	v13 =	vadd.f32 v21, v15;
	v15 =	vmul.f32 s15, v10  }
0x2a8: {  	v39 =	vmul.f32 s16, v12;
	v40 =	vld [tilespmem:s1+$0x180];
	[tilespmem:s1+$0xE0] =	vst v14;
	v14 =	vadd.f32 v32, v36  }
0x2a9: {  	s23 =	smul.f32 s22, s4;
	v41 =	vld [tilespmem:s1+$0x190];
	[tilespmem:s1+$0x100] =	vst v13;
	v13 =	vadd.f32 v34, v15;
	v15 =	vmul.f32 s16, v11  }
0x2aa: {  	v42 =	vmul.f32 s16, v10;
	v43 =	vld [tilespmem:s1+$0x1A0];
	[tilespmem:s1+$0x110] =	vst v14;
	v14 =	vadd.f32 v35, v39  }
0x2ab: {  	v44 =	vld [tilespmem:s1+$0x1C0];
	[tilespmem:s1+$0x120] =	vst v13;
	v13 =	vadd.f32 v37, v15;
	v15 =	vmul.f32 s23, v12  }
0x2ac: {  	s25 =	smul.f32 s26, s4;
	v45 =	vmul.f32 s23, v11;
	v46 =	vld [tilespmem:s1+$0x1D0];
	[tilespmem:s1+$0x140] =	vst v14;
	v14 =	vadd.f32 v38, v42  }
0x2ad: {  	v47 =	vld [tilespmem:s1+$0x1E0];
	[tilespmem:s1+$0x150] =	vst v13;
	v13 =	vadd.f32 v40, v15;
	v15 =	vmul.f32 s23, v10  }
0x2ae: {  	v48 =	vmul.f32 s25, v12;
	v49 =	vld [tilespmem:s1+$0x200];
	[tilespmem:s1+$0x160] =	vst v14;
	v14 =	vadd.f32 v41, v45  }
0x2af: {  	s29 =	smul.f32 s13, s4;
	v50 =	vld [tilespmem:s1+$0x210];
	[tilespmem:s1+$0x180] =	vst v13;
	v13 =	vadd.f32 v43, v15;
	v15 =	vmul.f32 s25, v11  }
0x2b0: {  	v51 =	vmul.f32 s25, v10;
	v52 =	vld [tilespmem:s1+$0x220];
	[tilespmem:s1+$0x190] =	vst v14;
	v14 =	vadd.f32 v44, v48  }
0x2b1: {  	v53 =	vld [tilespmem:s1+$0x240];
	[tilespmem:s1+$0x1A0] =	vst v13;
	v13 =	vadd.f32 v46, v15;
	v15 =	vmul.f32 s29, v12  }
0x2b2: {  	s30 =	smul.f32 s6, s4;
	v54 =	vmul.f32 s29, v11;
	v55 =	vld [tilespmem:s1+$0x250];
	[tilespmem:s1+$0x1C0] =	vst v14;
	v14 =	vadd.f32 v47, v51  }
0x2b3: {  	v22 =	vmul.f32 s29, v10;
	[tilespmem:s1+$0x1D0] =	vst v13;
	v13 =	vadd.f32 v49, v15;
	v15 =	vld [tilespmem:s1+$0x260]  }
0x2b4: {  	v56 =	vmul.f32 s30, v12;
	v57 =	vld [tilespmem:s1+$0x280];
	[tilespmem:s1+$0x1E0] =	vst v14;
	v14 =	vadd.f32 v50, v54  }
0x2b5: {  	s31 =	smul.f32 s12, s4;
	v58 =	vmul.f32 s30, v11;
	v59 =	vld [tilespmem:s1+$0x290];
	[tilespmem:s1+$0x200] =	vst v13;
	v13 =	vadd.f32 v52, v22  }
0x2b6: {  	v60 =	vmul.f32 s30, v10;
	v61 =	vld [tilespmem:s1+$0x2A0];
	[tilespmem:s1+$0x210] =	vst v14;
	v14 =	vadd.f32 v53, v56  }
0x2b7: {  	v62 =	vmul.f32 s31, v12;
	[tilespmem:s1+$0x220] =	vst v13;
	v13 =	vadd.f32 v55, v58  }
0x2b8: {  	[tilespmem:s1+$0x240] =	vst v14;
	v14 =	vadd.f32 v15, v60;
	v15 =	vmul.f32 s31, v11  }
0x2b9: {  	v63 =	vmul.f32 s31, v10;
	[tilespmem:s1+$0x250] =	vst v13;
	v13 =	vadd.f32 v57, v62  }
0x2ba: {  	[tilespmem:s1+$0x260] =	vst v14;
	v14 =	vadd.f32 v59, v15  }
0x2bb: {  	[tilespmem:s1+$0x280] =	vst v13;
	v13 =	vadd.f32 v61, v63  }
0x2bc: {  	[tilespmem:s1+$0x290] =	vst v14  }
0x2bd: {  	[tilespmem:s1+$0x2A0] =	vst v13  }
.LBB2_22:
.Ltmp21:
0x2be: {  	(pc) =	sbr.rel @p6 .LBB2_24-.Ltmp21, $1  }
0x2bf: {  	_ =	sdelay $0x3  }
0x2c0: {  	s1 =	sld [smem:$0x7F6];
	_ =	sdelay $0x2  }
0x2c1: {  	v13 =	vld [tilespmem:s1+$0x80]  }
0x2c2: {  	s0 =	smul.f32 s19, s21;
	v14 =	vld [tilespmem:s1+$0x90]  }
0x2c3: {  	v15 =	vld [tilespmem:s1+$0xA0]  }
0x2c4: {  	v16 =	vmul.f32 s0, v12;
	v17 =	vld [tilespmem:s1+$0xC0]  }
0x2c5: {  	s2 =	smul.f32 s18, s21;
	v18 =	vmul.f32 s0, v11;
	v19 =	vld [tilespmem:s1+$0xD0]  }
0x2c6: {  	v30 =	vmul.f32 s0, v10;
	v20 =	vld [tilespmem:s1+$0xE0];
	v13 =	vadd.f32 v13, v16  }
0x2c7: {  	v31 =	vmul.f32 s2, v12;
	v21 =	vld [tilespmem:s1+$0x100];
	v14 =	vadd.f32 v14, v18  }
0x2c8: {  	s15 =	smul.f32 s17, s21;
	v32 =	vld [tilespmem:s1+$0x110];
	[tilespmem:s1+$0x80] =	vst v13;
	v13 =	vadd.f32 v15, v30;
	v15 =	vmul.f32 s2, v11  }
0x2c9: {  	v33 =	vmul.f32 s2, v10;
	v34 =	vld [tilespmem:s1+$0x120];
	[tilespmem:s1+$0x90] =	vst v14;
	v14 =	vadd.f32 v17, v31  }
0x2ca: {  	v35 =	vld [tilespmem:s1+$0x140];
	[tilespmem:s1+$0xA0] =	vst v13;
	v13 =	vadd.f32 v19, v15;
	v15 =	vmul.f32 s15, v12  }
0x2cb: {  	s16 =	smul.f32 s28, s21;
	v36 =	vmul.f32 s15, v11;
	v37 =	vld [tilespmem:s1+$0x150];
	[tilespmem:s1+$0xC0] =	vst v14;
	v14 =	vadd.f32 v20, v33  }
0x2cc: {  	v38 =	vld [tilespmem:s1+$0x160];
	[tilespmem:s1+$0xD0] =	vst v13;
	v13 =	vadd.f32 v21, v15;
	v15 =	vmul.f32 s15, v10  }
0x2cd: {  	v39 =	vmul.f32 s16, v12;
	v40 =	vld [tilespmem:s1+$0x180];
	[tilespmem:s1+$0xE0] =	vst v14;
	v14 =	vadd.f32 v32, v36  }
0x2ce: {  	s23 =	smul.f32 s22, s21;
	v41 =	vld [tilespmem:s1+$0x190];
	[tilespmem:s1+$0x100] =	vst v13;
	v13 =	vadd.f32 v34, v15;
	v15 =	vmul.f32 s16, v11  }
0x2cf: {  	v42 =	vmul.f32 s16, v10;
	v43 =	vld [tilespmem:s1+$0x1A0];
	[tilespmem:s1+$0x110] =	vst v14;
	v14 =	vadd.f32 v35, v39  }
0x2d0: {  	v44 =	vld [tilespmem:s1+$0x1C0];
	[tilespmem:s1+$0x120] =	vst v13;
	v13 =	vadd.f32 v37, v15;
	v15 =	vmul.f32 s23, v12  }
0x2d1: {  	s25 =	smul.f32 s26, s21;
	v45 =	vmul.f32 s23, v11;
	v46 =	vld [tilespmem:s1+$0x1D0];
	[tilespmem:s1+$0x140] =	vst v14;
	v14 =	vadd.f32 v38, v42  }
0x2d2: {  	v47 =	vld [tilespmem:s1+$0x1E0];
	[tilespmem:s1+$0x150] =	vst v13;
	v13 =	vadd.f32 v40, v15;
	v15 =	vmul.f32 s23, v10  }
0x2d3: {  	v48 =	vmul.f32 s25, v12;
	v49 =	vld [tilespmem:s1+$0x200];
	[tilespmem:s1+$0x160] =	vst v14;
	v14 =	vadd.f32 v41, v45  }
0x2d4: {  	s29 =	smul.f32 s13, s21;
	v50 =	vld [tilespmem:s1+$0x210];
	[tilespmem:s1+$0x180] =	vst v13;
	v13 =	vadd.f32 v43, v15;
	v15 =	vmul.f32 s25, v11  }
0x2d5: {  	v51 =	vmul.f32 s25, v10;
	v52 =	vld [tilespmem:s1+$0x220];
	[tilespmem:s1+$0x190] =	vst v14;
	v14 =	vadd.f32 v44, v48  }
0x2d6: {  	v53 =	vld [tilespmem:s1+$0x240];
	[tilespmem:s1+$0x1A0] =	vst v13;
	v13 =	vadd.f32 v46, v15;
	v15 =	vmul.f32 s29, v12  }
0x2d7: {  	s30 =	smul.f32 s6, s21;
	v54 =	vmul.f32 s29, v11;
	v55 =	vld [tilespmem:s1+$0x250];
	[tilespmem:s1+$0x1C0] =	vst v14;
	v14 =	vadd.f32 v47, v51  }
0x2d8: {  	v22 =	vmul.f32 s29, v10;
	[tilespmem:s1+$0x1D0] =	vst v13;
	v13 =	vadd.f32 v49, v15;
	v15 =	vld [tilespmem:s1+$0x260]  }
0x2d9: {  	v56 =	vmul.f32 s30, v12;
	v57 =	vld [tilespmem:s1+$0x280];
	[tilespmem:s1+$0x1E0] =	vst v14;
	v14 =	vadd.f32 v50, v54  }
0x2da: {  	s31 =	smul.f32 s12, s21;
	v58 =	vmul.f32 s30, v11;
	v59 =	vld [tilespmem:s1+$0x290];
	[tilespmem:s1+$0x200] =	vst v13;
	v13 =	vadd.f32 v52, v22  }
0x2db: {  	v60 =	vmul.f32 s30, v10;
	v61 =	vld [tilespmem:s1+$0x2A0];
	[tilespmem:s1+$0x210] =	vst v14;
	v14 =	vadd.f32 v53, v56  }
0x2dc: {  	v62 =	vmul.f32 s31, v12;
	[tilespmem:s1+$0x220] =	vst v13;
	v13 =	vadd.f32 v55, v58  }
0x2dd: {  	[tilespmem:s1+$0x240] =	vst v14;
	v14 =	vadd.f32 v15, v60;
	v15 =	vmul.f32 s31, v11  }
0x2de: {  	v63 =	vmul.f32 s31, v10;
	[tilespmem:s1+$0x250] =	vst v13;
	v13 =	vadd.f32 v57, v62  }
0x2df: {  	[tilespmem:s1+$0x260] =	vst v14;
	v14 =	vadd.f32 v59, v15  }
0x2e0: {  	[tilespmem:s1+$0x280] =	vst v13;
	v13 =	vadd.f32 v61, v63  }
0x2e1: {  	[tilespmem:s1+$0x290] =	vst v14  }
0x2e2: {  	[tilespmem:s1+$0x2A0] =	vst v13  }
.LBB2_24:
.Ltmp22:
0x2e3: {  	(pc) =	sbr.rel @p0 .LBB2_26-.Ltmp22, $1  }
0x2e4: {  	_ =	sdelay $0x3  }
0x2e5: {  	s1 =	sld [smem:$0x7F7];
	_ =	sdelay $0x2  }
0x2e6: {  	v13 =	vld [tilespmem:s1+$0x80]  }
0x2e7: {  	s0 =	smul.f32 s19, s20;
	v14 =	vld [tilespmem:s1+$0x90]  }
0x2e8: {  	v15 =	vld [tilespmem:s1+$0xA0]  }
0x2e9: {  	v16 =	vmul.f32 s0, v12;
	v17 =	vld [tilespmem:s1+$0xC0]  }
0x2ea: {  	s2 =	smul.f32 s18, s20;
	v18 =	vmul.f32 s0, v11;
	v19 =	vld [tilespmem:s1+$0xD0]  }
0x2eb: {  	v30 =	vmul.f32 s0, v10;
	v20 =	vld [tilespmem:s1+$0xE0];
	v13 =	vadd.f32 v13, v16  }
0x2ec: {  	v31 =	vmul.f32 s2, v12;
	v21 =	vld [tilespmem:s1+$0x100];
	v14 =	vadd.f32 v14, v18  }
0x2ed: {  	s16 =	smul.f32 s17, s20;
	v32 =	vld [tilespmem:s1+$0x110];
	[tilespmem:s1+$0x80] =	vst v13;
	v13 =	vadd.f32 v15, v30;
	v15 =	vmul.f32 s2, v11  }
0x2ee: {  	v33 =	vmul.f32 s2, v10;
	v34 =	vld [tilespmem:s1+$0x120];
	[tilespmem:s1+$0x90] =	vst v14;
	v14 =	vadd.f32 v17, v31  }
0x2ef: {  	v35 =	vld [tilespmem:s1+$0x140];
	[tilespmem:s1+$0xA0] =	vst v13;
	v13 =	vadd.f32 v19, v15;
	v15 =	vmul.f32 s16, v12  }
0x2f0: {  	s21 =	smul.f32 s28, s20;
	v36 =	vmul.f32 s16, v11;
	v37 =	vld [tilespmem:s1+$0x150];
	[tilespmem:s1+$0xC0] =	vst v14;
	v14 =	vadd.f32 v20, v33  }
0x2f1: {  	v38 =	vld [tilespmem:s1+$0x160];
	[tilespmem:s1+$0xD0] =	vst v13;
	v13 =	vadd.f32 v21, v15;
	v15 =	vmul.f32 s16, v10  }
0x2f2: {  	v39 =	vmul.f32 s21, v12;
	v40 =	vld [tilespmem:s1+$0x180];
	[tilespmem:s1+$0xE0] =	vst v14;
	v14 =	vadd.f32 v32, v36  }
0x2f3: {  	s23 =	smul.f32 s22, s20;
	v41 =	vld [tilespmem:s1+$0x190];
	[tilespmem:s1+$0x100] =	vst v13;
	v13 =	vadd.f32 v34, v15;
	v15 =	vmul.f32 s21, v11  }
0x2f4: {  	v42 =	vmul.f32 s21, v10;
	v43 =	vld [tilespmem:s1+$0x1A0];
	[tilespmem:s1+$0x110] =	vst v14;
	v14 =	vadd.f32 v35, v39  }
0x2f5: {  	v44 =	vld [tilespmem:s1+$0x1C0];
	[tilespmem:s1+$0x120] =	vst v13;
	v13 =	vadd.f32 v37, v15;
	v15 =	vmul.f32 s23, v12  }
0x2f6: {  	s25 =	smul.f32 s26, s20;
	v45 =	vmul.f32 s23, v11;
	v46 =	vld [tilespmem:s1+$0x1D0];
	[tilespmem:s1+$0x140] =	vst v14;
	v14 =	vadd.f32 v38, v42  }
0x2f7: {  	v47 =	vld [tilespmem:s1+$0x1E0];
	[tilespmem:s1+$0x150] =	vst v13;
	v13 =	vadd.f32 v40, v15;
	v15 =	vmul.f32 s23, v10  }
0x2f8: {  	v48 =	vmul.f32 s25, v12;
	v49 =	vld [tilespmem:s1+$0x200];
	[tilespmem:s1+$0x160] =	vst v14;
	v14 =	vadd.f32 v41, v45  }
0x2f9: {  	s29 =	smul.f32 s13, s20;
	v50 =	vld [tilespmem:s1+$0x210];
	[tilespmem:s1+$0x180] =	vst v13;
	v13 =	vadd.f32 v43, v15;
	v15 =	vmul.f32 s25, v11  }
0x2fa: {  	v51 =	vmul.f32 s25, v10;
	v52 =	vld [tilespmem:s1+$0x220];
	[tilespmem:s1+$0x190] =	vst v14;
	v14 =	vadd.f32 v44, v48  }
0x2fb: {  	v53 =	vld [tilespmem:s1+$0x240];
	[tilespmem:s1+$0x1A0] =	vst v13;
	v13 =	vadd.f32 v46, v15;
	v15 =	vmul.f32 s29, v12  }
0x2fc: {  	s30 =	smul.f32 s6, s20;
	v54 =	vmul.f32 s29, v11;
	v55 =	vld [tilespmem:s1+$0x250];
	[tilespmem:s1+$0x1C0] =	vst v14;
	v14 =	vadd.f32 v47, v51  }
0x2fd: {  	v22 =	vmul.f32 s29, v10;
	[tilespmem:s1+$0x1D0] =	vst v13;
	v13 =	vadd.f32 v49, v15;
	v15 =	vld [tilespmem:s1+$0x260]  }
0x2fe: {  	v56 =	vmul.f32 s30, v12;
	v57 =	vld [tilespmem:s1+$0x280];
	[tilespmem:s1+$0x1E0] =	vst v14;
	v14 =	vadd.f32 v50, v54  }
0x2ff: {  	s31 =	smul.f32 s12, s20;
	v58 =	vmul.f32 s30, v11;
	v59 =	vld [tilespmem:s1+$0x290];
	[tilespmem:s1+$0x200] =	vst v13;
	v13 =	vadd.f32 v52, v22  }
0x300: {  	v60 =	vmul.f32 s30, v10;
	v61 =	vld [tilespmem:s1+$0x2A0];
	[tilespmem:s1+$0x210] =	vst v14;
	v14 =	vadd.f32 v53, v56  }
0x301: {  	v62 =	vmul.f32 s31, v12;
	[tilespmem:s1+$0x220] =	vst v13;
	v13 =	vadd.f32 v55, v58  }
0x302: {  	[tilespmem:s1+$0x240] =	vst v14;
	v14 =	vadd.f32 v15, v60;
	v15 =	vmul.f32 s31, v11  }
0x303: {  	v63 =	vmul.f32 s31, v10;
	[tilespmem:s1+$0x250] =	vst v13;
	v13 =	vadd.f32 v57, v62  }
0x304: {  	[tilespmem:s1+$0x260] =	vst v14;
	v14 =	vadd.f32 v59, v15  }
0x305: {  	[tilespmem:s1+$0x280] =	vst v13;
	v13 =	vadd.f32 v61, v63  }
0x306: {  	[tilespmem:s1+$0x290] =	vst v14  }
0x307: {  	[tilespmem:s1+$0x2A0] =	vst v13  }
.LBB2_26:
.Ltmp23:
0x308: {  	(pc) =	sbr.rel @p1 .LBB2_28-.Ltmp23, $1  }
0x309: {  	_ =	sdelay $0x3  }
0x30a: {  	s1 =	sld [smem:$0x7F8];
	_ =	sdelay $0x2  }
0x30b: {  	v13 =	vld [tilespmem:s1+$0x80]  }
0x30c: {  	s0 =	smul.f32 s19, s24;
	v14 =	vld [tilespmem:s1+$0x90]  }
0x30d: {  	v15 =	vld [tilespmem:s1+$0xA0]  }
0x30e: {  	v16 =	vmul.f32 s0, v12;
	v17 =	vld [tilespmem:s1+$0xC0]  }
0x30f: {  	s2 =	smul.f32 s18, s24;
	v18 =	vmul.f32 s0, v11;
	v19 =	vld [tilespmem:s1+$0xD0]  }
0x310: {  	v39 =	vmul.f32 s0, v10;
	v20 =	vld [tilespmem:s1+$0xE0];
	v13 =	vadd.f32 v13, v16  }
0x311: {  	v40 =	vmul.f32 s2, v12;
	v21 =	vld [tilespmem:s1+$0x100];
	v14 =	vadd.f32 v14, v18  }
0x312: {  	s21 =	smul.f32 s17, s24;
	v42 =	vmul.f32 s2, v11;
	v43 =	vld [tilespmem:s1+$0x110];
	v41 =	vadd.f32 v15, v39;
	[tilespmem:s1+$0x80] =	vst v13  }
0x313: {  	v45 =	vmul.f32 s2, v10;
	v46 =	vld [tilespmem:s1+$0x120];
	v44 =	vadd.f32 v17, v40;
	[tilespmem:s1+$0x90] =	vst v14  }
0x314: {  	v48 =	vmul.f32 s21, v12;
	v49 =	vld [tilespmem:s1+$0x140];
	v47 =	vadd.f32 v19, v42;
	[tilespmem:s1+$0xA0] =	vst v41  }
0x315: {  	s23 =	smul.f32 s28, s24;
	v51 =	vmul.f32 s21, v11;
	v52 =	vld [tilespmem:s1+$0x150];
	v50 =	vadd.f32 v20, v45;
	[tilespmem:s1+$0xC0] =	vst v44  }
0x316: {  	v54 =	vmul.f32 s21, v10;
	v55 =	vld [tilespmem:s1+$0x160];
	v53 =	vadd.f32 v21, v48;
	[tilespmem:s1+$0xD0] =	vst v47  }
0x317: {  	v57 =	vmul.f32 s23, v12;
	v58 =	vld [tilespmem:s1+$0x180];
	v56 =	vadd.f32 v43, v51;
	[tilespmem:s1+$0xE0] =	vst v50  }
0x318: {  	s25 =	smul.f32 s22, s24;
	v60 =	vmul.f32 s23, v11;
	v61 =	vld [tilespmem:s1+$0x190];
	v59 =	vadd.f32 v46, v54;
	[tilespmem:s1+$0x100] =	vst v53  }
0x319: {  	v63 =	vmul.f32 s23, v10;
	v24 =	vld [tilespmem:s1+$0x1A0];
	v62 =	vadd.f32 v49, v57;
	[tilespmem:s1+$0x110] =	vst v56  }
0x31a: {  	v26 =	vmul.f32 s25, v12;
	v27 =	vld [tilespmem:s1+$0x1C0];
	v25 =	vadd.f32 v52, v60;
	[tilespmem:s1+$0x120] =	vst v59  }
0x31b: {  	s28 =	smul.f32 s26, s24;
	v29 =	vmul.f32 s25, v11;
	v30 =	vld [tilespmem:s1+$0x1D0];
	v28 =	vadd.f32 v55, v63;
	[tilespmem:s1+$0x140] =	vst v62  }
0x31c: {  	v32 =	vmul.f32 s25, v10;
	v33 =	vld [tilespmem:s1+$0x1E0];
	v31 =	vadd.f32 v58, v26;
	[tilespmem:s1+$0x150] =	vst v25  }
0x31d: {  	v35 =	vmul.f32 s28, v12;
	v36 =	vld [tilespmem:s1+$0x200];
	v34 =	vadd.f32 v61, v29;
	[tilespmem:s1+$0x160] =	vst v28  }
0x31e: {  	s29 =	smul.f32 s13, s24;
	v38 =	vmul.f32 s28, v11;
	v37 =	vadd.f32 v24, v32;
	v39 =	vld [tilespmem:s1+$0x210];
	[tilespmem:s1+$0x180] =	vst v31  }
0x31f: {  	v40 =	vadd.f32 v27, v35;
	v42 =	vld [tilespmem:s1+$0x220];
	[tilespmem:s1+$0x190] =	vst v34;
	v41 =	vmul.f32 s28, v10  }
0x320: {  	v43 =	vadd.f32 v30, v38;
	v45 =	vld [tilespmem:s1+$0x240];
	[tilespmem:s1+$0x1A0] =	vst v37;
	v44 =	vmul.f32 s29, v12  }
0x321: {  	s30 =	smul.f32 s6, s24;
	v48 =	vld [tilespmem:s1+$0x250];
	[tilespmem:s1+$0x1C0] =	vst v40;
	v47 =	vmul.f32 s29, v11;
	v46 =	vadd.f32 v33, v41  }
0x322: {  	v51 =	vld [tilespmem:s1+$0x260];
	[tilespmem:s1+$0x1D0] =	vst v43;
	v50 =	vmul.f32 s29, v10;
	v49 =	vadd.f32 v36, v44  }
0x323: {  	v54 =	vld [tilespmem:s1+$0x280];
	v53 =	vmul.f32 s30, v12;
	v52 =	vadd.f32 v39, v47;
	[tilespmem:s1+$0x1E0] =	vst v46  }
0x324: {  	s31 =	smul.f32 s12, s24;
	v57 =	vld [tilespmem:s1+$0x290];
	v56 =	vmul.f32 s30, v11;
	v55 =	vadd.f32 v42, v50;
	[tilespmem:s1+$0x200] =	vst v49  }
0x325: {  	v60 =	vld [tilespmem:s1+$0x2A0];
	v59 =	vmul.f32 s30, v10;
	v58 =	vadd.f32 v45, v53;
	[tilespmem:s1+$0x210] =	vst v52  }
0x326: {  	v62 =	vmul.f32 s31, v12;
	v61 =	vadd.f32 v48, v56;
	[tilespmem:s1+$0x220] =	vst v55  }
0x327: {  	v11 =	vmul.f32 s31, v11;
	v63 =	vadd.f32 v51, v59;
	[tilespmem:s1+$0x240] =	vst v58  }
.Ltmp24:
0x328: {  	v10 =	vmul.f32 s31, v10;
	v12 =	vadd.f32 v54, v62;
	[tilespmem:s1+$0x250] =	vst v61;
	(pc) =	sbr.rel .LBB2_28-.Ltmp24, $4  }
0x329: {  	v11 =	vadd.f32 v57, v11;
	[tilespmem:s1+$0x260] =	vst v63  }
0x32a: {  	v10 =	vadd.f32 v60, v10;
	[tilespmem:s1+$0x280] =	vst v12  }
0x32b: {  	[tilespmem:s1+$0x290] =	vst v11  }
0x32c: {  	[tilespmem:s1+$0x2A0] =	vst v10  }
.LBB2_33:
0x32d: {  	_ =	sfence.sel $0x180000  }
0x32e: {  	[bflag:$0x0] =	sbarrier.arrive $0xFFFF  }
0x32f: {  	_ =	strace $0x90000047  }
0x330: {  	s0 =	stileid.u32;
	[bflag:$0x2] =	sbarrier.arrive $0xFFFF  }
0x331: {  	p0 =	sne.s32 s0, $0x0;
	s0 =	rddreg [dreg:$0x2]  }
0x332: {  	s0 =	sadd.s32 @!p0 $0x100000, s0  }
0x333: {  	[sflag:s0] =	ssyncadd.tile.s32 @!p0 $0x1;
	_ =	shalt  }
.Lfunc_end2:
_tile_overlayer_lowered:
.L_overlay_start_2:
0x334: {  	(tag) =	ssettag $0x2  }
0x335: {  	s0 =	rddreg [dreg:$0x0];
	s2 =	stileid.u32  }
0x336: {  	s1 =	rddreg [dreg:$0x1];
	p0 =	sne.s32 s2, $0x0  }
0x337: {  	s3 =	rddreg [dreg:$0x2];
	[bflag:$0x3] =	sbarrier.arrive $0xFFFF;
	s2 =	simm.s32 @!p0 $0x1C01  }
0x338: {  	[timem:s3], [sflag:s2] =	dma.local @!p0 [hbm:s0], s1  }
0x339: {  	s0 =	simm.s32 @!p0 $0x1  }
0x33a: {  	_ =	swait.ge @!p0 [sflag:s0], s1  }
0x33b: {  	s1 =	ssub.s32 @!p0 $0x0, s1;
	[sflag:s0] =	ssyncset.done @!p0 $0x0  }
0x33c: {  	[sflag:s0] =	ssyncadd.s32 @!p0 s1  }
0x33d: {  	[bflag:$0x3] =	sbarrier.arrive $0xFFFF  }
0x33e: {  	_ =	shalt  }

</sc_bundles>
